<compile_context>
chip_gen: v7x
topology: tpu7x:2x2x1
jax: 0.10.2.dev20260603
libtpu: 0.0.44.dev20260713+nightly
codegen_flags: <defaults>
</compile_context>

<pallas_src>
import jax
import jax.numpy as jnp
from jax import lax
from jax.experimental import pallas as pl
from jax.experimental.pallas import tpu as pltpu
from jax.experimental.pallas import tpu_sc as plsc

N = 10000
E = 320000
F_IN = 128
HEADS = 8
NHID = 8
NCLS = 16

NP_ = 10240
RB = 512
GRID = NP_ // RB
CH = 128
NTILES = 32
CHUNKS_PAD = 2560
EP = CHUNKS_PAD * CH
CHPT = CHUNKS_PAD // NTILES
NBUF = 4
NROUND = CHPT // NBUF

SRCW1 = 72
DSTW = 8
SRCW2 = 32


def _prep1_body(x_ref, w1_ref, a1s_ref, a1d_ref, src_ref, ad_ref, es_ref):
    h = jnp.dot(x_ref[...], w1_ref[...], preferred_element_type=jnp.float32)
    a_s = jnp.dot(h, a1s_ref[...], preferred_element_type=jnp.float32)
    a_d = jnp.dot(h, a1d_ref[...], preferred_element_type=jnp.float32)
    src_ref[...] = jnp.concatenate([h, a_s], axis=1)
    ad_ref[...] = a_d
    v = a_s + a_d
    es_ref[...] = jnp.exp(jnp.where(v >= 0, v, 0.2 * v))


def _prep1(xp, W1, A1s, A1d):
    return pl.pallas_call(
        _prep1_body,
        grid=(GRID,),
        in_specs=[
            pl.BlockSpec((RB, F_IN), lambda i: (i, 0)),
            pl.BlockSpec((F_IN, HEADS * NHID), lambda i: (0, 0)),
            pl.BlockSpec((HEADS * NHID, HEADS), lambda i: (0, 0)),
            pl.BlockSpec((HEADS * NHID, HEADS), lambda i: (0, 0)),
        ],
        out_specs=[
            pl.BlockSpec((RB, SRCW1), lambda i: (i, 0)),
            pl.BlockSpec((RB, DSTW), lambda i: (i, 0)),
            pl.BlockSpec((RB, HEADS), lambda i: (i, 0)),
        ],
        out_shape=[
            jax.ShapeDtypeStruct((NP_, SRCW1), jnp.float32),
            jax.ShapeDtypeStruct((NP_, DSTW), jnp.float32),
            jax.ShapeDtypeStruct((NP_, HEADS), jnp.float32),
        ],
    )(xp, W1, A1s, A1d)


def _iota16():
    return lax.iota(jnp.int32, 16)


def _splat(v):
    return jnp.full((16,), v, jnp.int32)


def _make_edge_body(srcw, accw, compute):

    def body(src_tab, ad_tab, sidx_hbm, didx_hbm, zacc_hbm, zs_hbm,
             accp_out, sp_out, *scr):
        cid = lax.axis_index("c")
        sid = lax.axis_index("s")
        wid = sid * 2 + cid
        c0 = wid * CHPT

        bufsets = []
        for k in range(NBUF):
            b = list(scr[6 * k:6 * k + 6]) + list(scr[6 * NBUF + 4 * k:
                                                      6 * NBUF + 4 * k + 4])
            bufsets.append(tuple(b))
        acc_sp, s_sp = scr[10 * NBUF], scr[10 * NBUF + 1]

        def gstart(c, bufs):
            sidx_v, didx_v, srcbuf, adbuf = bufs[0], bufs[1], bufs[2], bufs[3]
            base = c * CH
            pltpu.sync_copy(sidx_hbm.at[pl.ds(base, CH)], sidx_v)
            pltpu.sync_copy(didx_hbm.at[pl.ds(base, CH)], didx_v)
            pltpu.async_copy(src_tab.at[sidx_v], srcbuf, bufs[6])
            pltpu.async_copy(ad_tab.at[didx_v], adbuf, bufs[7])

        def gwait(bufs):
            pltpu.make_async_copy(src_tab.at[bufs[0]], bufs[2], bufs[6]).wait()
            pltpu.make_async_copy(ad_tab.at[bufs[1]], bufs[3], bufs[7]).wait()

        def sstart(bufs):
            didx_v, wbuf, msgbuf = bufs[1], bufs[4], bufs[5]
            pltpu.async_copy(msgbuf, acc_sp.at[didx_v], bufs[8], add=True)
            pltpu.async_copy(wbuf, s_sp.at[didx_v], bufs[9], add=True)

        def swait(bufs):
            pltpu.make_async_copy(bufs[5], acc_sp.at[bufs[1]], bufs[8]).wait()
            pltpu.make_async_copy(bufs[4], s_sp.at[bufs[1]], bufs[9]).wait()

        rows0 = sid * (NP_ // 16)
        nrows = NP_ // 16
        pltpu.sync_copy(zacc_hbm.at[pl.ds(rows0, nrows)],
                        acc_sp.at[pl.ds(rows0, nrows)])
        pltpu.sync_copy(zs_hbm.at[pl.ds(rows0, nrows)],
                        s_sp.at[pl.ds(rows0, nrows)])
        plsc.subcore_barrier()

        for k in range(NBUF):
            gstart(c0 + k, bufsets[k])

        def rnd(q, _):
            for k in range(NBUF):
                gwait(bufsets[k])
                compute(bufsets[k][2], bufsets[k][3], bufsets[k][4],
                        bufsets[k][5])
                sstart(bufsets[k])

            @pl.when(q < NROUND - 1)
            def _():
                for k in range(NBUF):
                    swait(bufsets[k])
                    gstart(c0 + NBUF * q + NBUF + k, bufsets[k])

            return 0

        lax.fori_loop(0, NROUND, rnd, 0)
        for k in range(NBUF):
            swait(bufsets[k])
        plsc.subcore_barrier()

        cp1 = pltpu.async_copy(acc_sp.at[pl.ds(rows0, nrows)],
                               accp_out.at[cid, pl.ds(rows0, nrows)],
                               bufsets[0][6])
        cp2 = pltpu.async_copy(s_sp.at[pl.ds(rows0, nrows)],
                               sp_out.at[cid, pl.ds(rows0, nrows)],
                               bufsets[0][7])
        cp1.wait()
        cp2.wait()

    return body


def _edge_call(body, srcw, accw, args):
    mesh = plsc.VectorSubcoreMesh(core_axis_name="c", subcore_axis_name="s")
    f = pl.kernel(
        body,
        out_type=[
            jax.ShapeDtypeStruct((2, NP_, accw), jnp.float32),
            jax.ShapeDtypeStruct((2, NP_, 8), jnp.float32),
        ],
        mesh=mesh,
        compiler_params=pltpu.CompilerParams(
            needs_layout_passes=False, use_tc_tiling_on_sc=False),
        scratch_types=(
            [pltpu.VMEM((CH,), jnp.int32),
             pltpu.VMEM((CH,), jnp.int32),
             pltpu.VMEM((CH, srcw), jnp.float32),
             pltpu.VMEM((CH, DSTW), jnp.float32),
             pltpu.VMEM((CH, 8), jnp.float32),
             pltpu.VMEM((CH, accw), jnp.float32)] * NBUF
            + [pltpu.SemaphoreType.DMA] * (4 * NBUF)
            + [pltpu.VMEM_SHARED((NP_, accw), jnp.float32),
               pltpu.VMEM_SHARED((NP_, 8), jnp.float32)]),
    )
    return f(*args)


def _compute1(srcbuf, adbuf, wbuf, msgbuf):
    it = _iota16()

    @plsc.parallel_loop(0, CH // 2, unroll=4)
    def _w(i):
        rows = 2 * i + (it >> 3)
        cols = it & 7
        a_s = plsc.load_gather(srcbuf, [rows, 64 + cols])
        a_d = plsc.load_gather(adbuf, [rows, cols])
        v = a_s + a_d
        v = jnp.where(v >= 0, v, 0.2 * v)
        plsc.store_scatter(wbuf, [rows, cols], jnp.exp(v))

    @plsc.parallel_loop(0, CH, unroll=2)
    def _m(j):
        rj = _splat(j)
        for k in range(4):
            h = plsc.load_gather(srcbuf, [rj, 16 * k + it])
            wv = plsc.load_gather(wbuf, [rj, 2 * k + (it >> 3)])
            plsc.store_scatter(msgbuf, [rj, 16 * k + it], h * wv)


def _compute2(srcbuf, adbuf, wbuf, msgbuf):
    it = _iota16()

    @plsc.parallel_loop(0, CH // 16, unroll=2)
    def _w2(i):
        rows = 16 * i + it
        a_s = plsc.load_gather(srcbuf, [rows, _splat(16)])
        a_d = plsc.load_gather(adbuf, [rows, _splat(0)])
        v = a_s + a_d
        v = jnp.where(v >= 0, v, 0.2 * v)
        plsc.store_scatter(wbuf, [rows, _splat(0)], jnp.exp(v))

    @plsc.parallel_loop(0, CH, unroll=4)
    def _m2(j):
        rj = _splat(j)
        h = plsc.load_gather(srcbuf, [rj, it])
        wv = plsc.load_gather(wbuf, [rj, _splat(0)])
        plsc.store_scatter(msgbuf, [rj, it], h * wv)


def _edge1_body_inner(*refs):
    _make_edge_body(SRCW1, 64, _compute1)(*refs)


def _edge2_body_inner(*refs):
    it = _iota16()
    zv = jnp.zeros((16,), jnp.float32)

    for k in range(NBUF):
        wbuf = refs[8 + 6 * k + 4]

        @plsc.parallel_loop(0, CH // 2, unroll=4)
        def _zw(r):
            plsc.store_scatter(wbuf, [2 * r + (it >> 3), it & 7], zv)

    _make_edge_body(SRCW2, 16, _compute2)(*refs)


def _edge1(srcTab1, aD1, sidx, didx, z64, z8):
    return _edge_call(_edge1_body_inner, SRCW1, 64,
                      (srcTab1, aD1, sidx, didx, z64, z8))


def _edge2(srcTab2, dstTab2, sidx, didx, z16, z8):
    return _edge_call(_edge2_body_inner, SRCW2, 16,
                      (srcTab2, dstTab2, sidx, didx, z16, z8))


def _mid_body(accp_ref, sp_ref, src1_ref, es1_ref, w2_ref, a2s_ref, a2d_ref,
              e8_ref, b1_ref, src2_ref, ad2_ref, es2_ref):
    h1 = src1_ref[:, 0:64]
    es1 = es1_ref[...]
    e8 = e8_ref[...]
    acc = accp_ref[0] + accp_ref[1] + h1 * jnp.dot(
        es1, e8, preferred_element_type=jnp.float32)
    s = sp_ref[0] + sp_ref[1] + es1
    out1 = acc / (jnp.dot(s, e8, preferred_element_type=jnp.float32) + 1e-16)
    out1 = out1 + b1_ref[...]
    h1o = jnp.where(out1 > 0, out1, jnp.exp(jnp.minimum(out1, 0.0)) - 1.0)
    h2 = jnp.dot(h1o, w2_ref[...], preferred_element_type=jnp.float32)
    a_s2 = jnp.sum(h2 * a2s_ref[...], axis=1, keepdims=True)
    a_d2 = jnp.sum(h2 * a2d_ref[...], axis=1, keepdims=True)
    z15 = jnp.zeros((RB, 15), jnp.float32)
    src2_ref[...] = jnp.concatenate([h2, a_s2, z15], axis=1)
    ad2_ref[...] = jnp.concatenate([a_d2, z15[:, 0:7]], axis=1)
    v = a_s2 + a_d2
    es2_ref[...] = jnp.broadcast_to(
        jnp.exp(jnp.where(v >= 0, v, 0.2 * v)), (RB, 8))


def _mid(accp, sp, srcTab1, exps1, W2, att_src2, att_dst2, E8, b1):
    return pl.pallas_call(
        _mid_body,
        grid=(GRID,),
        in_specs=[
            pl.BlockSpec((2, RB, 64), lambda i: (0, i, 0)),
            pl.BlockSpec((2, RB, 8), lambda i: (0, i, 0)),
            pl.BlockSpec((RB, SRCW1), lambda i: (i, 0)),
            pl.BlockSpec((RB, HEADS), lambda i: (i, 0)),
            pl.BlockSpec((64, NCLS), lambda i: (0, 0)),
            pl.BlockSpec((1, NCLS), lambda i: (0, 0)),
            pl.BlockSpec((1, NCLS), lambda i: (0, 0)),
            pl.BlockSpec((HEADS, 64), lambda i: (0, 0)),
            pl.BlockSpec((1, 64), lambda i: (0, 0)),
        ],
        out_specs=[
            pl.BlockSpec((RB, SRCW2), lambda i: (i, 0)),
            pl.BlockSpec((RB, DSTW), lambda i: (i, 0)),
            pl.BlockSpec((RB, 8), lambda i: (i, 0)),
        ],
        out_shape=[
            jax.ShapeDtypeStruct((NP_, SRCW2), jnp.float32),
            jax.ShapeDtypeStruct((NP_, DSTW), jnp.float32),
            jax.ShapeDtypeStruct((NP_, 8), jnp.float32),
        ],
    )(accp, sp, srcTab1, exps1, W2, att_src2, att_dst2, E8, b1)


def _final_body(accp_ref, sp_ref, src2_ref, es2_ref, b2_ref, out_ref):
    h2 = src2_ref[:, 0:16]
    es2 = es2_ref[:, 0:1]
    acc = accp_ref[0] + accp_ref[1] + h2 * es2
    s = sp_ref[0, :, 0:1] + sp_ref[1, :, 0:1] + es2
    out = acc / (s + 1e-16) + b2_ref[...]
    m = jnp.max(out, axis=1, keepdims=True)
    z = out - m
    out_ref[...] = z - jnp.log(jnp.sum(jnp.exp(z), axis=1, keepdims=True))


def _final(accp2, sp2, srcTab2, exps2, b2):
    return pl.pallas_call(
        _final_body,
        grid=(GRID,),
        in_specs=[
            pl.BlockSpec((2, RB, 16), lambda i: (0, i, 0)),
            pl.BlockSpec((2, RB, 8), lambda i: (0, i, 0)),
            pl.BlockSpec((RB, SRCW2), lambda i: (i, 0)),
            pl.BlockSpec((RB, 8), lambda i: (i, 0)),
            pl.BlockSpec((1, NCLS), lambda i: (0, 0)),
        ],
        out_specs=pl.BlockSpec((RB, NCLS), lambda i: (i, 0)),
        out_shape=jax.ShapeDtypeStruct((NP_, NCLS), jnp.float32),
    )(accp2, sp2, srcTab2, exps2, b2)


def kernel(x, edge_index, W1, att_src1, att_dst1, b1, W2, att_src2, att_dst2,
           b2):
    xp = jnp.zeros((NP_, F_IN), jnp.float32).at[:N].set(x)
    pad = EP - E
    sidx = jnp.concatenate([edge_index[0], jnp.zeros((pad,), jnp.int32)])
    didx = jnp.concatenate(
        [edge_index[1], jnp.full((pad,), N, jnp.int32)])

    hh = jnp.arange(HEADS * NHID) // NHID
    mask = (hh[:, None] == jnp.arange(HEADS)[None, :])
    A1s = jnp.where(mask, att_src1.reshape(-1, 1), 0.0)
    A1d = jnp.where(mask, att_dst1.reshape(-1, 1), 0.0)
    E8 = mask.astype(jnp.float32).T

    z64 = jnp.zeros((NP_, 64), jnp.float32)
    z16 = jnp.zeros((NP_, 16), jnp.float32)
    z8 = jnp.zeros((NP_, 8), jnp.float32)

    srcTab1, aD1, exps1 = _prep1(xp, W1, A1s, A1d)
    accp1, sp1 = _edge1(srcTab1, aD1, sidx, didx, z64, z8)
    srcTab2, dstTab2, exps2 = _mid(accp1, sp1, srcTab1, exps1, W2,
                                   att_src2, att_dst2, E8,
                                   b1.reshape(1, -1))
    accp2, sp2 = _edge2(srcTab2, dstTab2, sidx, didx, z16, z8)
    out = _final(accp2, sp2, srcTab2, exps2, b2.reshape(1, -1))
    return out[:N]

# --- scband reference (transcript-rebuilt; emitter-appended) ---
"""Pipeline reference for scband-gat-61194694034152 (READ-ONLY COPY).

The authoritative reference and input builder live on the scoring server;
editing this copy changes nothing except your own understanding.
"""

import jax, jax.numpy as jnp
import numpy as np

N = 10000
E = 320000
F_IN = 128
NHID = 8
HEADS = 8
NCLS = 16


def setup_inputs(seed: int = 0) -> dict:
    key = jax.random.key(seed)
    ks = jax.random.split(key, 10)
    x = jax.random.normal(ks[0], (N, F_IN), dtype=jnp.float32)
    edge_index = jax.random.randint(ks[1], (2, E), 0, N, dtype=jnp.int32)
    W1 = jax.random.normal(ks[2], (F_IN, HEADS * NHID), dtype=jnp.float32) * (1.0 / np.sqrt(F_IN))
    att_src1 = jax.random.normal(ks[3], (HEADS, NHID), dtype=jnp.float32) * 0.1
    att_dst1 = jax.random.normal(ks[4], (HEADS, NHID), dtype=jnp.float32) * 0.1
    b1 = jnp.zeros((HEADS * NHID,), dtype=jnp.float32)
    W2 = jax.random.normal(ks[5], (HEADS * NHID, NCLS), dtype=jnp.float32) * (1.0 / np.sqrt(HEADS * NHID))
    att_src2 = jax.random.normal(ks[6], (1, NCLS), dtype=jnp.float32) * 0.1
    att_dst2 = jax.random.normal(ks[7], (1, NCLS), dtype=jnp.float32) * 0.1
    b2 = jnp.zeros((NCLS,), dtype=jnp.float32)
    return {"x": x, "edge_index": edge_index, "W1": W1, "att_src1": att_src1,
            "att_dst1": att_dst1, "b1": b1, "W2": W2, "att_src2": att_src2,
            "att_dst2": att_dst2, "b2": b2}


def _gat_conv(x, edge_index, W, a_src, a_dst, b, heads, out_ch, concat):
    n = x.shape[0]
    loop = jnp.arange(n, dtype=edge_index.dtype)
    src = jnp.concatenate([edge_index[0], loop])
    dst = jnp.concatenate([edge_index[1], loop])
    h = (x @ W).reshape(n, heads, out_ch)
    a_s = jnp.sum(h * a_src[None, :, :], axis=-1)
    a_d = jnp.sum(h * a_dst[None, :, :], axis=-1)
    alpha = jax.nn.leaky_relu(a_s[src] + a_d[dst], 0.2)
    m = jax.ops.segment_max(alpha, dst, num_segments=n)
    e = jnp.exp(alpha - m[dst])
    s = jax.ops.segment_sum(e, dst, num_segments=n)
    coef = e / (s[dst] + 1e-16)
    msg = h[src] * coef[:, :, None]
    out = jax.ops.segment_sum(msg, dst, num_segments=n)
    if concat:
        out = out.reshape(n, heads * out_ch)
    else:
        out = out.mean(axis=1)
    return out + b


def reference(x, edge_index, W1, att_src1, att_dst1, b1, W2, att_src2, att_dst2, b2):
    # eval mode: dropout is identity
    h = _gat_conv(x, edge_index, W1, att_src1, att_dst1, b1, HEADS, NHID, True)
    h = jax.nn.elu(h)
    out = _gat_conv(h, edge_index, W2, att_src2, att_dst2, b2, 1, NCLS, True)
    return jax.nn.log_softmax(out, axis=1)

if __name__ == "__main__":
    import jax
    _d = setup_inputs()
    print(jax.jit(kernel)(*tuple(_d.values())))

</pallas_src>

<mosaic_0001>
#map = affine_map<(d0, d1) -> (0, 0)>
#map1 = affine_map<(d0, d1) -> (0)>
#map2 = affine_map<(d0, d1) -> (0, 0, 0)>
module attributes {stable_mosaic.version = 14 : i64} {
  func.func @_edge1_body_inner(%arg0: i32, %arg1: i32, %arg2: memref<10240x72xf32, #tpu.memory_space<hbm>>, %arg3: memref<10240x8xf32, #tpu.memory_space<hbm>>, %arg4: memref<327680xi32, #tpu.memory_space<hbm>>, %arg5: memref<327680xi32, #tpu.memory_space<hbm>>, %arg6: memref<10240x64xf32, #tpu.memory_space<hbm>>, %arg7: memref<10240x8xf32, #tpu.memory_space<hbm>>, %arg8: memref<2x10240x64xf32, #tpu.memory_space<hbm>>, %arg9: memref<2x10240x8xf32, #tpu.memory_space<hbm>>, %arg10: memref<128xi32, #tpu.memory_space<vmem>>, %arg11: memref<128xi32, #tpu.memory_space<vmem>>, %arg12: memref<128x72xf32, #tpu.memory_space<vmem>>, %arg13: memref<128x8xf32, #tpu.memory_space<vmem>>, %arg14: memref<128x8xf32, #tpu.memory_space<vmem>>, %arg15: memref<128x64xf32, #tpu.memory_space<vmem>>, %arg16: memref<128xi32, #tpu.memory_space<vmem>>, %arg17: memref<128xi32, #tpu.memory_space<vmem>>, %arg18: memref<128x72xf32, #tpu.memory_space<vmem>>, %arg19: memref<128x8xf32, #tpu.memory_space<vmem>>, %arg20: memref<128x8xf32, #tpu.memory_space<vmem>>, %arg21: memref<128x64xf32, #tpu.memory_space<vmem>>, %arg22: memref<128xi32, #tpu.memory_space<vmem>>, %arg23: memref<128xi32, #tpu.memory_space<vmem>>, %arg24: memref<128x72xf32, #tpu.memory_space<vmem>>, %arg25: memref<128x8xf32, #tpu.memory_space<vmem>>, %arg26: memref<128x8xf32, #tpu.memory_space<vmem>>, %arg27: memref<128x64xf32, #tpu.memory_space<vmem>>, %arg28: memref<128xi32, #tpu.memory_space<vmem>>, %arg29: memref<128xi32, #tpu.memory_space<vmem>>, %arg30: memref<128x72xf32, #tpu.memory_space<vmem>>, %arg31: memref<128x8xf32, #tpu.memory_space<vmem>>, %arg32: memref<128x8xf32, #tpu.memory_space<vmem>>, %arg33: memref<128x64xf32, #tpu.memory_space<vmem>>, %arg34: memref<!tpu.dma_semaphore, #tpu.memory_space<semaphore_mem>>, %arg35: memref<!tpu.dma_semaphore, #tpu.memory_space<semaphore_mem>>, %arg36: memref<!tpu.dma_semaphore, #tpu.memory_space<semaphore_mem>>, %arg37: memref<!tpu.dma_semaphore, #tpu.memory_space<semaphore_mem>>, %arg38: memref<!tpu.dma_semaphore, #tpu.memory_space<semaphore_mem>>, %arg39: memref<!tpu.dma_semaphore, #tpu.memory_space<semaphore_mem>>, %arg40: memref<!tpu.dma_semaphore, #tpu.memory_space<semaphore_mem>>, %arg41: memref<!tpu.dma_semaphore, #tpu.memory_space<semaphore_mem>>, %arg42: memref<!tpu.dma_semaphore, #tpu.memory_space<semaphore_mem>>, %arg43: memref<!tpu.dma_semaphore, #tpu.memory_space<semaphore_mem>>, %arg44: memref<!tpu.dma_semaphore, #tpu.memory_space<semaphore_mem>>, %arg45: memref<!tpu.dma_semaphore, #tpu.memory_space<semaphore_mem>>, %arg46: memref<!tpu.dma_semaphore, #tpu.memory_space<semaphore_mem>>, %arg47: memref<!tpu.dma_semaphore, #tpu.memory_space<semaphore_mem>>, %arg48: memref<!tpu.dma_semaphore, #tpu.memory_space<semaphore_mem>>, %arg49: memref<!tpu.dma_semaphore, #tpu.memory_space<semaphore_mem>>, %arg50: memref<10240x64xf32, #tpu.memory_space<vmem_shared>>, %arg51: memref<10240x8xf32, #tpu.memory_space<vmem_shared>>) attributes {dimension_semantics = [#tpu.dimension_semantics<core_parallel>, #tpu.dimension_semantics<subcore_parallel>], iteration_bounds = array<i64: 2, 16>, scalar_prefetch = 0 : i64, scratch_operands = 42 : i64, tpu.core_type = #tpu.core_type<sc_vector_subcore>, window_params = [{transform_indices = #map}, {transform_indices = #map}, {transform_indices = #map1}, {transform_indices = #map1}, {transform_indices = #map}, {transform_indices = #map}, {transform_indices = #map2}, {transform_indices = #map2}]} {
    %mul3A = arith.constant 2 : i32
    %mul3A_0 = arith.muli %arg1, %mul3A : i32
    %add3A = arith.addi %mul3A_0, %arg0 : i32
    %mul3A_1 = arith.constant 80 : i32
    %mul3A_2 = arith.muli %add3A, %mul3A_1 : i32
    %mul3A_3 = arith.constant 640 : i32
    %mul3A_4 = arith.muli %arg1, %mul3A_3 : i32
    "tpu.region"() ({
      %run_scoped3A = tpu.sem_alloc : memref<!tpu.dma_semaphore, #tpu.memory_space<semaphore_mem>>
      %dma_start3A_94 = arith.constant 0 : i32
      %dma_start3A_95 = tpu.memref_slice %arg50[%mul3A_4, %dma_start3A_94] : memref<10240x64xf32, #tpu.memory_space<vmem_shared>> -> memref<640x64xf32, #tpu.memory_space<vmem_shared>>
      %dma_start3A_96 = arith.constant 0 : i32
      %dma_start3A_97 = tpu.memref_slice %arg6[%mul3A_4, %dma_start3A_96] : memref<10240x64xf32, #tpu.memory_space<hbm>> -> memref<640x64xf32, #tpu.memory_space<hbm>>
      tpu.enqueue_dma source(%dma_start3A_97 : memref<640x64xf32, #tpu.memory_space<hbm>>) target(%dma_start3A_95 : memref<640x64xf32, #tpu.memory_space<vmem_shared>>) target_semaphore(%run_scoped3A : memref<!tpu.dma_semaphore, #tpu.memory_space<semaphore_mem>>)
      %dma_wait3A_98 = arith.constant 0 : i32
      %dma_wait3A_99 = tpu.memref_slice %arg50[%mul3A_4, %dma_wait3A_98] : memref<10240x64xf32, #tpu.memory_space<vmem_shared>> -> memref<640x64xf32, #tpu.memory_space<vmem_shared>>
      %dma_wait3A_100 = arith.constant 0 : i32
      %dma_wait3A_101 = tpu.memref_slice %arg6[%mul3A_4, %dma_wait3A_100] : memref<10240x64xf32, #tpu.memory_space<hbm>> -> memref<640x64xf32, #tpu.memory_space<hbm>>
      tpu.wait_dma2 semaphore(%run_scoped3A : memref<!tpu.dma_semaphore, #tpu.memory_space<semaphore_mem>>) src(%dma_wait3A_101 : memref<640x64xf32, #tpu.memory_space<hbm>>) dst(%dma_wait3A_99 : memref<640x64xf32, #tpu.memory_space<vmem_shared>>)
      tpu.yield
    }) : () -> ()
    "tpu.region"() ({
      %run_scoped3A = tpu.sem_alloc : memref<!tpu.dma_semaphore, #tpu.memory_space<semaphore_mem>>
      %dma_start3A_94 = arith.constant 0 : i32
      %dma_start3A_95 = tpu.memref_slice %arg51[%mul3A_4, %dma_start3A_94] : memref<10240x8xf32, #tpu.memory_space<vmem_shared>> -> memref<640x8xf32, #tpu.memory_space<vmem_shared>>
      %dma_start3A_96 = arith.constant 0 : i32
      %dma_start3A_97 = tpu.memref_slice %arg7[%mul3A_4, %dma_start3A_96] : memref<10240x8xf32, #tpu.memory_space<hbm>> -> memref<640x8xf32, #tpu.memory_space<hbm>>
      tpu.enqueue_dma source(%dma_start3A_97 : memref<640x8xf32, #tpu.memory_space<hbm>>) target(%dma_start3A_95 : memref<640x8xf32, #tpu.memory_space<vmem_shared>>) target_semaphore(%run_scoped3A : memref<!tpu.dma_semaphore, #tpu.memory_space<semaphore_mem>>)
      %dma_wait3A_98 = arith.constant 0 : i32
      %dma_wait3A_99 = tpu.memref_slice %arg51[%mul3A_4, %dma_wait3A_98] : memref<10240x8xf32, #tpu.memory_space<vmem_shared>> -> memref<640x8xf32, #tpu.memory_space<vmem_shared>>
      %dma_wait3A_100 = arith.constant 0 : i32
      %dma_wait3A_101 = tpu.memref_slice %arg7[%mul3A_4, %dma_wait3A_100] : memref<10240x8xf32, #tpu.memory_space<hbm>> -> memref<640x8xf32, #tpu.memory_space<hbm>>
      tpu.wait_dma2 semaphore(%run_scoped3A : memref<!tpu.dma_semaphore, #tpu.memory_space<semaphore_mem>>) src(%dma_wait3A_101 : memref<640x8xf32, #tpu.memory_space<hbm>>) dst(%dma_wait3A_99 : memref<640x8xf32, #tpu.memory_space<vmem_shared>>)
      tpu.yield
    }) : () -> ()
    %barrier3A = arith.constant 0 : index
    tpu.barrier barrier_id(%barrier3A)
    %add3A_5 = arith.constant 0 : i32
    %add3A_6 = arith.addi %mul3A_2, %add3A_5 : i32
    %mul3A_7 = arith.constant 128 : i32
    %mul3A_8 = arith.muli %add3A_6, %mul3A_7 : i32
    "tpu.region"() ({
      %run_scoped3A = tpu.sem_alloc : memref<!tpu.dma_semaphore, #tpu.memory_space<semaphore_mem>>
      %dma_start3A_94 = tpu.memref_slice %arg4[%mul3A_8] : memref<327680xi32, #tpu.memory_space<hbm>> -> memref<128xi32, #tpu.memory_space<hbm>>
      %dma_start3A_95 = tpu.memref_slice %arg4[%mul3A_8] : memref<327680xi32, #tpu.memory_space<hbm>> -> memref<128xi32, #tpu.memory_space<hbm>>
      tpu.enqueue_dma source(%dma_start3A_95 : memref<128xi32, #tpu.memory_space<hbm>>) target(%arg10 : memref<128xi32, #tpu.memory_space<vmem>>) target_semaphore(%run_scoped3A : memref<!tpu.dma_semaphore, #tpu.memory_space<semaphore_mem>>)
      %dma_wait3A_96 = tpu.memref_slice %arg4[%mul3A_8] : memref<327680xi32, #tpu.memory_space<hbm>> -> memref<128xi32, #tpu.memory_space<hbm>>
      %dma_wait3A_97 = tpu.memref_slice %arg4[%mul3A_8] : memref<327680xi32, #tpu.memory_space<hbm>> -> memref<128xi32, #tpu.memory_space<hbm>>
      tpu.wait_dma2 semaphore(%run_scoped3A : memref<!tpu.dma_semaphore, #tpu.memory_space<semaphore_mem>>) src(%dma_wait3A_97 : memref<128xi32, #tpu.memory_space<hbm>>) dst(%arg10 : memref<128xi32, #tpu.memory_space<vmem>>)
      tpu.yield
    }) : () -> ()
    "tpu.region"() ({
      %run_scoped3A = tpu.sem_alloc : memref<!tpu.dma_semaphore, #tpu.memory_space<semaphore_mem>>
      %dma_start3A_94 = tpu.memref_slice %arg5[%mul3A_8] : memref<327680xi32, #tpu.memory_space<hbm>> -> memref<128xi32, #tpu.memory_space<hbm>>
      %dma_start3A_95 = tpu.memref_slice %arg5[%mul3A_8] : memref<327680xi32, #tpu.memory_space<hbm>> -> memref<128xi32, #tpu.memory_space<hbm>>
      tpu.enqueue_dma source(%dma_start3A_95 : memref<128xi32, #tpu.memory_space<hbm>>) target(%arg11 : memref<128xi32, #tpu.memory_space<vmem>>) target_semaphore(%run_scoped3A : memref<!tpu.dma_semaphore, #tpu.memory_space<semaphore_mem>>)
      %dma_wait3A_96 = tpu.memref_slice %arg5[%mul3A_8] : memref<327680xi32, #tpu.memory_space<hbm>> -> memref<128xi32, #tpu.memory_space<hbm>>
      %dma_wait3A_97 = tpu.memref_slice %arg5[%mul3A_8] : memref<327680xi32, #tpu.memory_space<hbm>> -> memref<128xi32, #tpu.memory_space<hbm>>
      tpu.wait_dma2 semaphore(%run_scoped3A : memref<!tpu.dma_semaphore, #tpu.memory_space<semaphore_mem>>) src(%dma_wait3A_97 : memref<128xi32, #tpu.memory_space<hbm>>) dst(%arg11 : memref<128xi32, #tpu.memory_space<vmem>>)
      tpu.yield
    }) : () -> ()
    %dma_start3A = arith.constant 0 : i32
    %dma_start3A_9 = arith.constant 0 : i32
    %dma_start3A_10 = tpu.memref_slice %arg2[%dma_start3A, %dma_start3A_9] : memref<10240x72xf32, #tpu.memory_space<hbm>> -> memref<10240x72xf32, #tpu.memory_space<hbm>>
    tpu.enqueue_indirect_dma source(%dma_start3A_10 : memref<10240x72xf32, #tpu.memory_space<hbm>>) target(%arg12 : memref<128x72xf32, #tpu.memory_space<vmem>>) offsets(%arg10 : memref<128xi32, #tpu.memory_space<vmem>>) semaphore(%arg34 : memref<!tpu.dma_semaphore, #tpu.memory_space<semaphore_mem>>)
    %dma_start3A_11 = arith.constant 0 : i32
    %dma_start3A_12 = arith.constant 0 : i32
    %dma_start3A_13 = tpu.memref_slice %arg3[%dma_start3A_11, %dma_start3A_12] : memref<10240x8xf32, #tpu.memory_space<hbm>> -> memref<10240x8xf32, #tpu.memory_space<hbm>>
    tpu.enqueue_indirect_dma source(%dma_start3A_13 : memref<10240x8xf32, #tpu.memory_space<hbm>>) target(%arg13 : memref<128x8xf32, #tpu.memory_space<vmem>>) offsets(%arg11 : memref<128xi32, #tpu.memory_space<vmem>>) semaphore(%arg35 : memref<!tpu.dma_semaphore, #tpu.memory_space<semaphore_mem>>)
    %add3A_14 = arith.constant 1 : i32
    %add3A_15 = arith.addi %mul3A_2, %add3A_14 : i32
    %mul3A_16 = arith.constant 128 : i32
    %mul3A_17 = arith.muli %add3A_15, %mul3A_16 : i32
    "tpu.region"() ({
      %run_scoped3A = tpu.sem_alloc : memref<!tpu.dma_semaphore, #tpu.memory_space<semaphore_mem>>
      %dma_start3A_94 = tpu.memref_slice %arg4[%mul3A_17] : memref<327680xi32, #tpu.memory_space<hbm>> -> memref<128xi32, #tpu.memory_space<hbm>>
      %dma_start3A_95 = tpu.memref_slice %arg4[%mul3A_17] : memref<327680xi32, #tpu.memory_space<hbm>> -> memref<128xi32, #tpu.memory_space<hbm>>
      tpu.enqueue_dma source(%dma_start3A_95 : memref<128xi32, #tpu.memory_space<hbm>>) target(%arg16 : memref<128xi32, #tpu.memory_space<vmem>>) target_semaphore(%run_scoped3A : memref<!tpu.dma_semaphore, #tpu.memory_space<semaphore_mem>>)
      %dma_wait3A_96 = tpu.memref_slice %arg4[%mul3A_17] : memref<327680xi32, #tpu.memory_space<hbm>> -> memref<128xi32, #tpu.memory_space<hbm>>
      %dma_wait3A_97 = tpu.memref_slice %arg4[%mul3A_17] : memref<327680xi32, #tpu.memory_space<hbm>> -> memref<128xi32, #tpu.memory_space<hbm>>
      tpu.wait_dma2 semaphore(%run_scoped3A : memref<!tpu.dma_semaphore, #tpu.memory_space<semaphore_mem>>) src(%dma_wait3A_97 : memref<128xi32, #tpu.memory_space<hbm>>) dst(%arg16 : memref<128xi32, #tpu.memory_space<vmem>>)
      tpu.yield
    }) : () -> ()
    "tpu.region"() ({
      %run_scoped3A = tpu.sem_alloc : memref<!tpu.dma_semaphore, #tpu.memory_space<semaphore_mem>>
      %dma_start3A_94 = tpu.memref_slice %arg5[%mul3A_17] : memref<327680xi32, #tpu.memory_space<hbm>> -> memref<128xi32, #tpu.memory_space<hbm>>
      %dma_start3A_95 = tpu.memref_slice %arg5[%mul3A_17] : memref<327680xi32, #tpu.memory_space<hbm>> -> memref<128xi32, #tpu.memory_space<hbm>>
      tpu.enqueue_dma source(%dma_start3A_95 : memref<128xi32, #tpu.memory_space<hbm>>) target(%arg17 : memref<128xi32, #tpu.memory_space<vmem>>) target_semaphore(%run_scoped3A : memref<!tpu.dma_semaphore, #tpu.memory_space<semaphore_mem>>)
      %dma_wait3A_96 = tpu.memref_slice %arg5[%mul3A_17] : memref<327680xi32, #tpu.memory_space<hbm>> -> memref<128xi32, #tpu.memory_space<hbm>>
      %dma_wait3A_97 = tpu.memref_slice %arg5[%mul3A_17] : memref<327680xi32, #tpu.memory_space<hbm>> -> memref<128xi32, #tpu.memory_space<hbm>>
      tpu.wait_dma2 semaphore(%run_scoped3A : memref<!tpu.dma_semaphore, #tpu.memory_space<semaphore_mem>>) src(%dma_wait3A_97 : memref<128xi32, #tpu.memory_space<hbm>>) dst(%arg17 : memref<128xi32, #tpu.memory_space<vmem>>)
      tpu.yield
    }) : () -> ()
    %dma_start3A_18 = arith.constant 0 : i32
    %dma_start3A_19 = arith.constant 0 : i32
    %dma_start3A_20 = tpu.memref_slice %arg2[%dma_start3A_18, %dma_start3A_19] : memref<10240x72xf32, #tpu.memory_space<hbm>> -> memref<10240x72xf32, #tpu.memory_space<hbm>>
    tpu.enqueue_indirect_dma source(%dma_start3A_20 : memref<10240x72xf32, #tpu.memory_space<hbm>>) target(%arg18 : memref<128x72xf32, #tpu.memory_space<vmem>>) offsets(%arg16 : memref<128xi32, #tpu.memory_space<vmem>>) semaphore(%arg38 : memref<!tpu.dma_semaphore, #tpu.memory_space<semaphore_mem>>)
    %dma_start3A_21 = arith.constant 0 : i32
    %dma_start3A_22 = arith.constant 0 : i32
    %dma_start3A_23 = tpu.memref_slice %arg3[%dma_start3A_21, %dma_start3A_22] : memref<10240x8xf32, #tpu.memory_space<hbm>> -> memref<10240x8xf32, #tpu.memory_space<hbm>>
    tpu.enqueue_indirect_dma source(%dma_start3A_23 : memref<10240x8xf32, #tpu.memory_space<hbm>>) target(%arg19 : memref<128x8xf32, #tpu.memory_space<vmem>>) offsets(%arg17 : memref<128xi32, #tpu.memory_space<vmem>>) semaphore(%arg39 : memref<!tpu.dma_semaphore, #tpu.memory_space<semaphore_mem>>)
    %add3A_24 = arith.constant 2 : i32
    %add3A_25 = arith.addi %mul3A_2, %add3A_24 : i32
    %mul3A_26 = arith.constant 128 : i32
    %mul3A_27 = arith.muli %add3A_25, %mul3A_26 : i32
    "tpu.region"() ({
      %run_scoped3A = tpu.sem_alloc : memref<!tpu.dma_semaphore, #tpu.memory_space<semaphore_mem>>
      %dma_start3A_94 = tpu.memref_slice %arg4[%mul3A_27] : memref<327680xi32, #tpu.memory_space<hbm>> -> memref<128xi32, #tpu.memory_space<hbm>>
      %dma_start3A_95 = tpu.memref_slice %arg4[%mul3A_27] : memref<327680xi32, #tpu.memory_space<hbm>> -> memref<128xi32, #tpu.memory_space<hbm>>
      tpu.enqueue_dma source(%dma_start3A_95 : memref<128xi32, #tpu.memory_space<hbm>>) target(%arg22 : memref<128xi32, #tpu.memory_space<vmem>>) target_semaphore(%run_scoped3A : memref<!tpu.dma_semaphore, #tpu.memory_space<semaphore_mem>>)
      %dma_wait3A_96 = tpu.memref_slice %arg4[%mul3A_27] : memref<327680xi32, #tpu.memory_space<hbm>> -> memref<128xi32, #tpu.memory_space<hbm>>
      %dma_wait3A_97 = tpu.memref_slice %arg4[%mul3A_27] : memref<327680xi32, #tpu.memory_space<hbm>> -> memref<128xi32, #tpu.memory_space<hbm>>
      tpu.wait_dma2 semaphore(%run_scoped3A : memref<!tpu.dma_semaphore, #tpu.memory_space<semaphore_mem>>) src(%dma_wait3A_97 : memref<128xi32, #tpu.memory_space<hbm>>) dst(%arg22 : memref<128xi32, #tpu.memory_space<vmem>>)
      tpu.yield
    }) : () -> ()
    "tpu.region"() ({
      %run_scoped3A = tpu.sem_alloc : memref<!tpu.dma_semaphore, #tpu.memory_space<semaphore_mem>>
      %dma_start3A_94 = tpu.memref_slice %arg5[%mul3A_27] : memref<327680xi32, #tpu.memory_space<hbm>> -> memref<128xi32, #tpu.memory_space<hbm>>
      %dma_start3A_95 = tpu.memref_slice %arg5[%mul3A_27] : memref<327680xi32, #tpu.memory_space<hbm>> -> memref<128xi32, #tpu.memory_space<hbm>>
      tpu.enqueue_dma source(%dma_start3A_95 : memref<128xi32, #tpu.memory_space<hbm>>) target(%arg23 : memref<128xi32, #tpu.memory_space<vmem>>) target_semaphore(%run_scoped3A : memref<!tpu.dma_semaphore, #tpu.memory_space<semaphore_mem>>)
      %dma_wait3A_96 = tpu.memref_slice %arg5[%mul3A_27] : memref<327680xi32, #tpu.memory_space<hbm>> -> memref<128xi32, #tpu.memory_space<hbm>>
      %dma_wait3A_97 = tpu.memref_slice %arg5[%mul3A_27] : memref<327680xi32, #tpu.memory_space<hbm>> -> memref<128xi32, #tpu.memory_space<hbm>>
      tpu.wait_dma2 semaphore(%run_scoped3A : memref<!tpu.dma_semaphore, #tpu.memory_space<semaphore_mem>>) src(%dma_wait3A_97 : memref<128xi32, #tpu.memory_space<hbm>>) dst(%arg23 : memref<128xi32, #tpu.memory_space<vmem>>)
      tpu.yield
    }) : () -> ()
    %dma_start3A_28 = arith.constant 0 : i32
    %dma_start3A_29 = arith.constant 0 : i32
    %dma_start3A_30 = tpu.memref_slice %arg2[%dma_start3A_28, %dma_start3A_29] : memref<10240x72xf32, #tpu.memory_space<hbm>> -> memref<10240x72xf32, #tpu.memory_space<hbm>>
    tpu.enqueue_indirect_dma source(%dma_start3A_30 : memref<10240x72xf32, #tpu.memory_space<hbm>>) target(%arg24 : memref<128x72xf32, #tpu.memory_space<vmem>>) offsets(%arg22 : memref<128xi32, #tpu.memory_space<vmem>>) semaphore(%arg42 : memref<!tpu.dma_semaphore, #tpu.memory_space<semaphore_mem>>)
    %dma_start3A_31 = arith.constant 0 : i32
    %dma_start3A_32 = arith.constant 0 : i32
    %dma_start3A_33 = tpu.memref_slice %arg3[%dma_start3A_31, %dma_start3A_32] : memref<10240x8xf32, #tpu.memory_space<hbm>> -> memref<10240x8xf32, #tpu.memory_space<hbm>>
    tpu.enqueue_indirect_dma source(%dma_start3A_33 : memref<10240x8xf32, #tpu.memory_space<hbm>>) target(%arg25 : memref<128x8xf32, #tpu.memory_space<vmem>>) offsets(%arg23 : memref<128xi32, #tpu.memory_space<vmem>>) semaphore(%arg43 : memref<!tpu.dma_semaphore, #tpu.memory_space<semaphore_mem>>)
    %add3A_34 = arith.constant 3 : i32
    %add3A_35 = arith.addi %mul3A_2, %add3A_34 : i32
    %mul3A_36 = arith.constant 128 : i32
    %mul3A_37 = arith.muli %add3A_35, %mul3A_36 : i32
    "tpu.region"() ({
      %run_scoped3A = tpu.sem_alloc : memref<!tpu.dma_semaphore, #tpu.memory_space<semaphore_mem>>
      %dma_start3A_94 = tpu.memref_slice %arg4[%mul3A_37] : memref<327680xi32, #tpu.memory_space<hbm>> -> memref<128xi32, #tpu.memory_space<hbm>>
      %dma_start3A_95 = tpu.memref_slice %arg4[%mul3A_37] : memref<327680xi32, #tpu.memory_space<hbm>> -> memref<128xi32, #tpu.memory_space<hbm>>
      tpu.enqueue_dma source(%dma_start3A_95 : memref<128xi32, #tpu.memory_space<hbm>>) target(%arg28 : memref<128xi32, #tpu.memory_space<vmem>>) target_semaphore(%run_scoped3A : memref<!tpu.dma_semaphore, #tpu.memory_space<semaphore_mem>>)
      %dma_wait3A_96 = tpu.memref_slice %arg4[%mul3A_37] : memref<327680xi32, #tpu.memory_space<hbm>> -> memref<128xi32, #tpu.memory_space<hbm>>
      %dma_wait3A_97 = tpu.memref_slice %arg4[%mul3A_37] : memref<327680xi32, #tpu.memory_space<hbm>> -> memref<128xi32, #tpu.memory_space<hbm>>
      tpu.wait_dma2 semaphore(%run_scoped3A : memref<!tpu.dma_semaphore, #tpu.memory_space<semaphore_mem>>) src(%dma_wait3A_97 : memref<128xi32, #tpu.memory_space<hbm>>) dst(%arg28 : memref<128xi32, #tpu.memory_space<vmem>>)
      tpu.yield
    }) : () -> ()
    "tpu.region"() ({
      %run_scoped3A = tpu.sem_alloc : memref<!tpu.dma_semaphore, #tpu.memory_space<semaphore_mem>>
      %dma_start3A_94 = tpu.memref_slice %arg5[%mul3A_37] : memref<327680xi32, #tpu.memory_space<hbm>> -> memref<128xi32, #tpu.memory_space<hbm>>
      %dma_start3A_95 = tpu.memref_slice %arg5[%mul3A_37] : memref<327680xi32, #tpu.memory_space<hbm>> -> memref<128xi32, #tpu.memory_space<hbm>>
      tpu.enqueue_dma source(%dma_start3A_95 : memref<128xi32, #tpu.memory_space<hbm>>) target(%arg29 : memref<128xi32, #tpu.memory_space<vmem>>) target_semaphore(%run_scoped3A : memref<!tpu.dma_semaphore, #tpu.memory_space<semaphore_mem>>)
      %dma_wait3A_96 = tpu.memref_slice %arg5[%mul3A_37] : memref<327680xi32, #tpu.memory_space<hbm>> -> memref<128xi32, #tpu.memory_space<hbm>>
      %dma_wait3A_97 = tpu.memref_slice %arg5[%mul3A_37] : memref<327680xi32, #tpu.memory_space<hbm>> -> memref<128xi32, #tpu.memory_space<hbm>>
      tpu.wait_dma2 semaphore(%run_scoped3A : memref<!tpu.dma_semaphore, #tpu.memory_space<semaphore_mem>>) src(%dma_wait3A_97 : memref<128xi32, #tpu.memory_space<hbm>>) dst(%arg29 : memref<128xi32, #tpu.memory_space<vmem>>)
      tpu.yield
    }) : () -> ()
    %dma_start3A_38 = arith.constant 0 : i32
    %dma_start3A_39 = arith.constant 0 : i32
    %dma_start3A_40 = tpu.memref_slice %arg2[%dma_start3A_38, %dma_start3A_39] : memref<10240x72xf32, #tpu.memory_space<hbm>> -> memref<10240x72xf32, #tpu.memory_space<hbm>>
    tpu.enqueue_indirect_dma source(%dma_start3A_40 : memref<10240x72xf32, #tpu.memory_space<hbm>>) target(%arg30 : memref<128x72xf32, #tpu.memory_space<vmem>>) offsets(%arg28 : memref<128xi32, #tpu.memory_space<vmem>>) semaphore(%arg46 : memref<!tpu.dma_semaphore, #tpu.memory_space<semaphore_mem>>)
    %dma_start3A_41 = arith.constant 0 : i32
    %dma_start3A_42 = arith.constant 0 : i32
    %dma_start3A_43 = tpu.memref_slice %arg3[%dma_start3A_41, %dma_start3A_42] : memref<10240x8xf32, #tpu.memory_space<hbm>> -> memref<10240x8xf32, #tpu.memory_space<hbm>>
    tpu.enqueue_indirect_dma source(%dma_start3A_43 : memref<10240x8xf32, #tpu.memory_space<hbm>>) target(%arg31 : memref<128x8xf32, #tpu.memory_space<vmem>>) offsets(%arg29 : memref<128xi32, #tpu.memory_space<vmem>>) semaphore(%arg47 : memref<!tpu.dma_semaphore, #tpu.memory_space<semaphore_mem>>)
    %scan3A = arith.constant 0 : i32
    %scan3A_44 = arith.constant 0 : i32
    %scan3A_45 = arith.constant 20 : i32
    %scan3A_46 = arith.addi %scan3A_44, %scan3A_45 : i32
    %scan3A_47 = arith.constant 1 : i32
    %scan3A_48 = scf.for %scan3A_94 = %scan3A_44 to %scan3A_46 step %scan3A_47 iter_args(%scan3A_95 = %scan3A) -> (i32)  : i32 {
      %dma_wait3A_96 = arith.constant 0 : i32
      %dma_wait3A_97 = arith.constant 0 : i32
      %dma_wait3A_98 = tpu.memref_slice %arg2[%dma_wait3A_96, %dma_wait3A_97] : memref<10240x72xf32, #tpu.memory_space<hbm>> -> memref<10240x72xf32, #tpu.memory_space<hbm>>
      tpu.wait_indirect_dma semaphore(%arg34 : memref<!tpu.dma_semaphore, #tpu.memory_space<semaphore_mem>>) src(%dma_wait3A_98 : memref<10240x72xf32, #tpu.memory_space<hbm>>) dst(%arg12 : memref<128x72xf32, #tpu.memory_space<vmem>>)
      %dma_wait3A_99 = arith.constant 0 : i32
      %dma_wait3A_100 = arith.constant 0 : i32
      %dma_wait3A_101 = tpu.memref_slice %arg3[%dma_wait3A_99, %dma_wait3A_100] : memref<10240x8xf32, #tpu.memory_space<hbm>> -> memref<10240x8xf32, #tpu.memory_space<hbm>>
      tpu.wait_indirect_dma semaphore(%arg35 : memref<!tpu.dma_semaphore, #tpu.memory_space<semaphore_mem>>) src(%dma_wait3A_101 : memref<10240x8xf32, #tpu.memory_space<hbm>>) dst(%arg13 : memref<128x8xf32, #tpu.memory_space<vmem>>)
      %iota3A = tpu.iota {dimensions = array<i32: 0>} : vector<16xi32>
      %parallel_loop3A = arith.constant 0 : i32
      %parallel_loop3A_102 = arith.constant 64 : i32
      %parallel_loop3A_103 = arith.constant 1 : i32
      scf.for %parallel_loop3A_173 = %parallel_loop3A to %parallel_loop3A_102 step %parallel_loop3A_103  : i32 {
        %parallel_loop3A_174 = arith.constant 2 : i32
        %parallel_loop3A_175 = arith.muli %parallel_loop3A_174, %parallel_loop3A_173 : i32
        %parallel_loop3A_176 = arith.constant 3 : i32
        %parallel_loop3A_177 = vector.broadcast %parallel_loop3A_176 : i32 to vector<16xi32>
        %parallel_loop3A_178 = arith.shrsi %iota3A, %parallel_loop3A_177 : vector<16xi32>
        %parallel_loop3A_179 = vector.broadcast %parallel_loop3A_175 : i32 to vector<16xi32>
        %parallel_loop3A_180 = arith.addi %parallel_loop3A_179, %parallel_loop3A_178 : vector<16xi32>
        %parallel_loop3A_181 = arith.constant 7 : i32
        %parallel_loop3A_182 = vector.broadcast %parallel_loop3A_181 : i32 to vector<16xi32>
        %parallel_loop3A_183 = arith.andi %iota3A, %parallel_loop3A_182 : vector<16xi32>
        %parallel_loop3A_184 = arith.constant 64 : i32
        %parallel_loop3A_185 = vector.broadcast %parallel_loop3A_184 : i32 to vector<16xi32>
        %parallel_loop3A_186 = arith.addi %parallel_loop3A_185, %parallel_loop3A_183 : vector<16xi32>
        %parallel_loop3A_187 = tpu.vector_load_idx %arg12[%parallel_loop3A_180, %parallel_loop3A_186] : memref<128x72xf32, #tpu.memory_space<vmem>>[vector<16xi32>, vector<16xi32>], vector<16xf32>,
        %parallel_loop3A_188 = tpu.vector_load_idx %arg13[%parallel_loop3A_180, %parallel_loop3A_183] : memref<128x8xf32, #tpu.memory_space<vmem>>[vector<16xi32>, vector<16xi32>], vector<16xf32>,
        %parallel_loop3A_189 = arith.addf %parallel_loop3A_187, %parallel_loop3A_188 : vector<16xf32>
        %parallel_loop3A_190 = arith.constant 0.000000e+00 : f32
        %parallel_loop3A_191 = vector.broadcast %parallel_loop3A_190 : f32 to vector<16xf32>
        %parallel_loop3A_192 = arith.cmpf oge, %parallel_loop3A_189, %parallel_loop3A_191 : vector<16xf32>
        %parallel_loop3A_193 = arith.constant 2.000000e-01 : f32
        %parallel_loop3A_194 = vector.broadcast %parallel_loop3A_193 : f32 to vector<16xf32>
        %parallel_loop3A_195 = arith.mulf %parallel_loop3A_194, %parallel_loop3A_189 : vector<16xf32>
        %parallel_loop3A_196 = arith.select %parallel_loop3A_192, %parallel_loop3A_189, %parallel_loop3A_195 : vector<16xi1>, vector<16xf32>
        %parallel_loop3A_197 = math.exp %parallel_loop3A_196 : vector<16xf32>
        tpu.vector_store_idx %arg14[%parallel_loop3A_180, %parallel_loop3A_183], %parallel_loop3A_197 : memref<128x8xf32, #tpu.memory_space<vmem>>[vector<16xi32>, vector<16xi32>], vector<16xf32>,
      } {sc.loop_unroll_factor = 4 : i64, sc.parallel_access}
      %parallel_loop3A_104 = arith.constant 0 : i32
      %parallel_loop3A_105 = arith.constant 128 : i32
      %parallel_loop3A_106 = arith.constant 1 : i32
      scf.for %parallel_loop3A_173 = %parallel_loop3A_104 to %parallel_loop3A_105 step %parallel_loop3A_106  : i32 {
        %parallel_loop3A_174 = vector.broadcast %parallel_loop3A_173 : i32 to vector<16xi32>
        %parallel_loop3A_175 = arith.constant 0 : i32
        %parallel_loop3A_176 = vector.broadcast %parallel_loop3A_175 : i32 to vector<16xi32>
        %parallel_loop3A_177 = arith.addi %parallel_loop3A_176, %iota3A : vector<16xi32>
        %parallel_loop3A_178 = tpu.vector_load_idx %arg12[%parallel_loop3A_174, %parallel_loop3A_177] : memref<128x72xf32, #tpu.memory_space<vmem>>[vector<16xi32>, vector<16xi32>], vector<16xf32>,
        %parallel_loop3A_179 = arith.constant 3 : i32
        %parallel_loop3A_180 = vector.broadcast %parallel_loop3A_179 : i32 to vector<16xi32>
        %parallel_loop3A_181 = arith.shrsi %iota3A, %parallel_loop3A_180 : vector<16xi32>
        %parallel_loop3A_182 = arith.constant 0 : i32
        %parallel_loop3A_183 = vector.broadcast %parallel_loop3A_182 : i32 to vector<16xi32>
        %parallel_loop3A_184 = arith.addi %parallel_loop3A_183, %parallel_loop3A_181 : vector<16xi32>
        %parallel_loop3A_185 = tpu.vector_load_idx %arg14[%parallel_loop3A_174, %parallel_loop3A_184] : memref<128x8xf32, #tpu.memory_space<vmem>>[vector<16xi32>, vector<16xi32>], vector<16xf32>,
        %parallel_loop3A_186 = arith.constant 0 : i32
        %parallel_loop3A_187 = vector.broadcast %parallel_loop3A_186 : i32 to vector<16xi32>
        %parallel_loop3A_188 = arith.addi %parallel_loop3A_187, %iota3A : vector<16xi32>
        %parallel_loop3A_189 = arith.mulf %parallel_loop3A_178, %parallel_loop3A_185 : vector<16xf32>
        tpu.vector_store_idx %arg15[%parallel_loop3A_174, %parallel_loop3A_188], %parallel_loop3A_189 : memref<128x64xf32, #tpu.memory_space<vmem>>[vector<16xi32>, vector<16xi32>], vector<16xf32>,
        %parallel_loop3A_190 = arith.constant 16 : i32
        %parallel_loop3A_191 = vector.broadcast %parallel_loop3A_190 : i32 to vector<16xi32>
        %parallel_loop3A_192 = arith.addi %parallel_loop3A_191, %iota3A : vector<16xi32>
        %parallel_loop3A_193 = tpu.vector_load_idx %arg12[%parallel_loop3A_174, %parallel_loop3A_192] : memref<128x72xf32, #tpu.memory_space<vmem>>[vector<16xi32>, vector<16xi32>], vector<16xf32>,
        %parallel_loop3A_194 = arith.constant 3 : i32
        %parallel_loop3A_195 = vector.broadcast %parallel_loop3A_194 : i32 to vector<16xi32>
        %parallel_loop3A_196 = arith.shrsi %iota3A, %parallel_loop3A_195 : vector<16xi32>
        %parallel_loop3A_197 = arith.constant 2 : i32
        %parallel_loop3A_198 = vector.broadcast %parallel_loop3A_197 : i32 to vector<16xi32>
        %parallel_loop3A_199 = arith.addi %parallel_loop3A_198, %parallel_loop3A_196 : vector<16xi32>
        %parallel_loop3A_200 = tpu.vector_load_idx %arg14[%parallel_loop3A_174, %parallel_loop3A_199] : memref<128x8xf32, #tpu.memory_space<vmem>>[vector<16xi32>, vector<16xi32>], vector<16xf32>,
        %parallel_loop3A_201 = arith.constant 16 : i32
        %parallel_loop3A_202 = vector.broadcast %parallel_loop3A_201 : i32 to vector<16xi32>
        %parallel_loop3A_203 = arith.addi %parallel_loop3A_202, %iota3A : vector<16xi32>
        %parallel_loop3A_204 = arith.mulf %parallel_loop3A_193, %parallel_loop3A_200 : vector<16xf32>
        tpu.vector_store_idx %arg15[%parallel_loop3A_174, %parallel_loop3A_203], %parallel_loop3A_204 : memref<128x64xf32, #tpu.memory_space<vmem>>[vector<16xi32>, vector<16xi32>], vector<16xf32>,
        %parallel_loop3A_205 = arith.constant 32 : i32
        %parallel_loop3A_206 = vector.broadcast %parallel_loop3A_205 : i32 to vector<16xi32>
        %parallel_loop3A_207 = arith.addi %parallel_loop3A_206, %iota3A : vector<16xi32>
        %parallel_loop3A_208 = tpu.vector_load_idx %arg12[%parallel_loop3A_174, %parallel_loop3A_207] : memref<128x72xf32, #tpu.memory_space<vmem>>[vector<16xi32>, vector<16xi32>], vector<16xf32>,
        %parallel_loop3A_209 = arith.constant 3 : i32
        %parallel_loop3A_210 = vector.broadcast %parallel_loop3A_209 : i32 to vector<16xi32>
        %parallel_loop3A_211 = arith.shrsi %iota3A, %parallel_loop3A_210 : vector<16xi32>
        %parallel_loop3A_212 = arith.constant 4 : i32
        %parallel_loop3A_213 = vector.broadcast %parallel_loop3A_212 : i32 to vector<16xi32>
        %parallel_loop3A_214 = arith.addi %parallel_loop3A_213, %parallel_loop3A_211 : vector<16xi32>
        %parallel_loop3A_215 = tpu.vector_load_idx %arg14[%parallel_loop3A_174, %parallel_loop3A_214] : memref<128x8xf32, #tpu.memory_space<vmem>>[vector<16xi32>, vector<16xi32>], vector<16xf32>,
        %parallel_loop3A_216 = arith.constant 32 : i32
        %parallel_loop3A_217 = vector.broadcast %parallel_loop3A_216 : i32 to vector<16xi32>
        %parallel_loop3A_218 = arith.addi %parallel_loop3A_217, %iota3A : vector<16xi32>
        %parallel_loop3A_219 = arith.mulf %parallel_loop3A_208, %parallel_loop3A_215 : vector<16xf32>
        tpu.vector_store_idx %arg15[%parallel_loop3A_174, %parallel_loop3A_218], %parallel_loop3A_219 : memref<128x64xf32, #tpu.memory_space<vmem>>[vector<16xi32>, vector<16xi32>], vector<16xf32>,
        %parallel_loop3A_220 = arith.constant 48 : i32
        %parallel_loop3A_221 = vector.broadcast %parallel_loop3A_220 : i32 to vector<16xi32>
        %parallel_loop3A_222 = arith.addi %parallel_loop3A_221, %iota3A : vector<16xi32>
        %parallel_loop3A_223 = tpu.vector_load_idx %arg12[%parallel_loop3A_174, %parallel_loop3A_222] : memref<128x72xf32, #tpu.memory_space<vmem>>[vector<16xi32>, vector<16xi32>], vector<16xf32>,
        %parallel_loop3A_224 = arith.constant 3 : i32
        %parallel_loop3A_225 = vector.broadcast %parallel_loop3A_224 : i32 to vector<16xi32>
        %parallel_loop3A_226 = arith.shrsi %iota3A, %parallel_loop3A_225 : vector<16xi32>
        %parallel_loop3A_227 = arith.constant 6 : i32
        %parallel_loop3A_228 = vector.broadcast %parallel_loop3A_227 : i32 to vector<16xi32>
        %parallel_loop3A_229 = arith.addi %parallel_loop3A_228, %parallel_loop3A_226 : vector<16xi32>
        %parallel_loop3A_230 = tpu.vector_load_idx %arg14[%parallel_loop3A_174, %parallel_loop3A_229] : memref<128x8xf32, #tpu.memory_space<vmem>>[vector<16xi32>, vector<16xi32>], vector<16xf32>,
        %parallel_loop3A_231 = arith.constant 48 : i32
        %parallel_loop3A_232 = vector.broadcast %parallel_loop3A_231 : i32 to vector<16xi32>
        %parallel_loop3A_233 = arith.addi %parallel_loop3A_232, %iota3A : vector<16xi32>
        %parallel_loop3A_234 = arith.mulf %parallel_loop3A_223, %parallel_loop3A_230 : vector<16xf32>
        tpu.vector_store_idx %arg15[%parallel_loop3A_174, %parallel_loop3A_233], %parallel_loop3A_234 : memref<128x64xf32, #tpu.memory_space<vmem>>[vector<16xi32>, vector<16xi32>], vector<16xf32>,
      } {sc.loop_unroll_factor = 2 : i64, sc.parallel_access}
      %dma_start3A_107 = arith.constant 0 : i32
      %dma_start3A_108 = arith.constant 0 : i32
      %dma_start3A_109 = tpu.memref_slice %arg50[%dma_start3A_107, %dma_start3A_108] : memref<10240x64xf32, #tpu.memory_space<vmem_shared>> -> memref<10240x64xf32, #tpu.memory_space<vmem_shared>>
      tpu.enqueue_indirect_dma source(%arg15 : memref<128x64xf32, #tpu.memory_space<vmem>>) target(%dma_start3A_109 : memref<10240x64xf32, #tpu.memory_space<vmem_shared>>) offsets(%arg11 : memref<128xi32, #tpu.memory_space<vmem>>) semaphore(%arg36 : memref<!tpu.dma_semaphore, #tpu.memory_space<semaphore_mem>>) {add = true}
      %dma_start3A_110 = arith.constant 0 : i32
      %dma_start3A_111 = arith.constant 0 : i32
      %dma_start3A_112 = tpu.memref_slice %arg51[%dma_start3A_110, %dma_start3A_111] : memref<10240x8xf32, #tpu.memory_space<vmem_shared>> -> memref<10240x8xf32, #tpu.memory_space<vmem_shared>>
      tpu.enqueue_indirect_dma source(%arg14 : memref<128x8xf32, #tpu.memory_space<vmem>>) target(%dma_start3A_112 : memref<10240x8xf32, #tpu.memory_space<vmem_shared>>) offsets(%arg11 : memref<128xi32, #tpu.memory_space<vmem>>) semaphore(%arg37 : memref<!tpu.dma_semaphore, #tpu.memory_space<semaphore_mem>>) {add = true}
      %dma_wait3A_113 = arith.constant 0 : i32
      %dma_wait3A_114 = arith.constant 0 : i32
      %dma_wait3A_115 = tpu.memref_slice %arg2[%dma_wait3A_113, %dma_wait3A_114] : memref<10240x72xf32, #tpu.memory_space<hbm>> -> memref<10240x72xf32, #tpu.memory_space<hbm>>
      tpu.wait_indirect_dma semaphore(%arg38 : memref<!tpu.dma_semaphore, #tpu.memory_space<semaphore_mem>>) src(%dma_wait3A_115 : memref<10240x72xf32, #tpu.memory_space<hbm>>) dst(%arg18 : memref<128x72xf32, #tpu.memory_space<vmem>>)
      %dma_wait3A_116 = arith.constant 0 : i32
      %dma_wait3A_117 = arith.constant 0 : i32
      %dma_wait3A_118 = tpu.memref_slice %arg3[%dma_wait3A_116, %dma_wait3A_117] : memref<10240x8xf32, #tpu.memory_space<hbm>> -> memref<10240x8xf32, #tpu.memory_space<hbm>>
      tpu.wait_indirect_dma semaphore(%arg39 : memref<!tpu.dma_semaphore, #tpu.memory_space<semaphore_mem>>) src(%dma_wait3A_118 : memref<10240x8xf32, #tpu.memory_space<hbm>>) dst(%arg19 : memref<128x8xf32, #tpu.memory_space<vmem>>)
      %iota3A_119 = tpu.iota {dimensions = array<i32: 0>} : vector<16xi32>
      %parallel_loop3A_120 = arith.constant 0 : i32
      %parallel_loop3A_121 = arith.constant 64 : i32
      %parallel_loop3A_122 = arith.constant 1 : i32
      scf.for %parallel_loop3A_173 = %parallel_loop3A_120 to %parallel_loop3A_121 step %parallel_loop3A_122  : i32 {
        %parallel_loop3A_174 = arith.constant 2 : i32
        %parallel_loop3A_175 = arith.muli %parallel_loop3A_174, %parallel_loop3A_173 : i32
        %parallel_loop3A_176 = arith.constant 3 : i32
        %parallel_loop3A_177 = vector.broadcast %parallel_loop3A_176 : i32 to vector<16xi32>
        %parallel_loop3A_178 = arith.shrsi %iota3A_119, %parallel_loop3A_177 : vector<16xi32>
        %parallel_loop3A_179 = vector.broadcast %parallel_loop3A_175 : i32 to vector<16xi32>
        %parallel_loop3A_180 = arith.addi %parallel_loop3A_179, %parallel_loop3A_178 : vector<16xi32>
        %parallel_loop3A_181 = arith.constant 7 : i32
        %parallel_loop3A_182 = vector.broadcast %parallel_loop3A_181 : i32 to vector<16xi32>
        %parallel_loop3A_183 = arith.andi %iota3A_119, %parallel_loop3A_182 : vector<16xi32>
        %parallel_loop3A_184 = arith.constant 64 : i32
        %parallel_loop3A_185 = vector.broadcast %parallel_loop3A_184 : i32 to vector<16xi32>
        %parallel_loop3A_186 = arith.addi %parallel_loop3A_185, %parallel_loop3A_183 : vector<16xi32>
        %parallel_loop3A_187 = tpu.vector_load_idx %arg18[%parallel_loop3A_180, %parallel_loop3A_186] : memref<128x72xf32, #tpu.memory_space<vmem>>[vector<16xi32>, vector<16xi32>], vector<16xf32>,
        %parallel_loop3A_188 = tpu.vector_load_idx %arg19[%parallel_loop3A_180, %parallel_loop3A_183] : memref<128x8xf32, #tpu.memory_space<vmem>>[vector<16xi32>, vector<16xi32>], vector<16xf32>,
        %parallel_loop3A_189 = arith.addf %parallel_loop3A_187, %parallel_loop3A_188 : vector<16xf32>
        %parallel_loop3A_190 = arith.constant 0.000000e+00 : f32
        %parallel_loop3A_191 = vector.broadcast %parallel_loop3A_190 : f32 to vector<16xf32>
        %parallel_loop3A_192 = arith.cmpf oge, %parallel_loop3A_189, %parallel_loop3A_191 : vector<16xf32>
        %parallel_loop3A_193 = arith.constant 2.000000e-01 : f32
        %parallel_loop3A_194 = vector.broadcast %parallel_loop3A_193 : f32 to vector<16xf32>
        %parallel_loop3A_195 = arith.mulf %parallel_loop3A_194, %parallel_loop3A_189 : vector<16xf32>
        %parallel_loop3A_196 = arith.select %parallel_loop3A_192, %parallel_loop3A_189, %parallel_loop3A_195 : vector<16xi1>, vector<16xf32>
        %parallel_loop3A_197 = math.exp %parallel_loop3A_196 : vector<16xf32>
        tpu.vector_store_idx %arg20[%parallel_loop3A_180, %parallel_loop3A_183], %parallel_loop3A_197 : memref<128x8xf32, #tpu.memory_space<vmem>>[vector<16xi32>, vector<16xi32>], vector<16xf32>,
      } {sc.loop_unroll_factor = 4 : i64, sc.parallel_access}
      %parallel_loop3A_123 = arith.constant 0 : i32
      %parallel_loop3A_124 = arith.constant 128 : i32
      %parallel_loop3A_125 = arith.constant 1 : i32
      scf.for %parallel_loop3A_173 = %parallel_loop3A_123 to %parallel_loop3A_124 step %parallel_loop3A_125  : i32 {
        %parallel_loop3A_174 = vector.broadcast %parallel_loop3A_173 : i32 to vector<16xi32>
        %parallel_loop3A_175 = arith.constant 0 : i32
        %parallel_loop3A_176 = vector.broadcast %parallel_loop3A_175 : i32 to vector<16xi32>
        %parallel_loop3A_177 = arith.addi %parallel_loop3A_176, %iota3A_119 : vector<16xi32>
        %parallel_loop3A_178 = tpu.vector_load_idx %arg18[%parallel_loop3A_174, %parallel_loop3A_177] : memref<128x72xf32, #tpu.memory_space<vmem>>[vector<16xi32>, vector<16xi32>], vector<16xf32>,
        %parallel_loop3A_179 = arith.constant 3 : i32
        %parallel_loop3A_180 = vector.broadcast %parallel_loop3A_179 : i32 to vector<16xi32>
        %parallel_loop3A_181 = arith.shrsi %iota3A_119, %parallel_loop3A_180 : vector<16xi32>
        %parallel_loop3A_182 = arith.constant 0 : i32
        %parallel_loop3A_183 = vector.broadcast %parallel_loop3A_182 : i32 to vector<16xi32>
        %parallel_loop3A_184 = arith.addi %parallel_loop3A_183, %parallel_loop3A_181 : vector<16xi32>
        %parallel_loop3A_185 = tpu.vector_load_idx %arg20[%parallel_loop3A_174, %parallel_loop3A_184] : memref<128x8xf32, #tpu.memory_space<vmem>>[vector<16xi32>, vector<16xi32>], vector<16xf32>,
        %parallel_loop3A_186 = arith.constant 0 : i32
        %parallel_loop3A_187 = vector.broadcast %parallel_loop3A_186 : i32 to vector<16xi32>
        %parallel_loop3A_188 = arith.addi %parallel_loop3A_187, %iota3A_119 : vector<16xi32>
        %parallel_loop3A_189 = arith.mulf %parallel_loop3A_178, %parallel_loop3A_185 : vector<16xf32>
        tpu.vector_store_idx %arg21[%parallel_loop3A_174, %parallel_loop3A_188], %parallel_loop3A_189 : memref<128x64xf32, #tpu.memory_space<vmem>>[vector<16xi32>, vector<16xi32>], vector<16xf32>,
        %parallel_loop3A_190 = arith.constant 16 : i32
        %parallel_loop3A_191 = vector.broadcast %parallel_loop3A_190 : i32 to vector<16xi32>
        %parallel_loop3A_192 = arith.addi %parallel_loop3A_191, %iota3A_119 : vector<16xi32>
        %parallel_loop3A_193 = tpu.vector_load_idx %arg18[%parallel_loop3A_174, %parallel_loop3A_192] : memref<128x72xf32, #tpu.memory_space<vmem>>[vector<16xi32>, vector<16xi32>], vector<16xf32>,
        %parallel_loop3A_194 = arith.constant 3 : i32
        %parallel_loop3A_195 = vector.broadcast %parallel_loop3A_194 : i32 to vector<16xi32>
        %parallel_loop3A_196 = arith.shrsi %iota3A_119, %parallel_loop3A_195 : vector<16xi32>
        %parallel_loop3A_197 = arith.constant 2 : i32
        %parallel_loop3A_198 = vector.broadcast %parallel_loop3A_197 : i32 to vector<16xi32>
        %parallel_loop3A_199 = arith.addi %parallel_loop3A_198, %parallel_loop3A_196 : vector<16xi32>
        %parallel_loop3A_200 = tpu.vector_load_idx %arg20[%parallel_loop3A_174, %parallel_loop3A_199] : memref<128x8xf32, #tpu.memory_space<vmem>>[vector<16xi32>, vector<16xi32>], vector<16xf32>,
        %parallel_loop3A_201 = arith.constant 16 : i32
        %parallel_loop3A_202 = vector.broadcast %parallel_loop3A_201 : i32 to vector<16xi32>
        %parallel_loop3A_203 = arith.addi %parallel_loop3A_202, %iota3A_119 : vector<16xi32>
        %parallel_loop3A_204 = arith.mulf %parallel_loop3A_193, %parallel_loop3A_200 : vector<16xf32>
        tpu.vector_store_idx %arg21[%parallel_loop3A_174, %parallel_loop3A_203], %parallel_loop3A_204 : memref<128x64xf32, #tpu.memory_space<vmem>>[vector<16xi32>, vector<16xi32>], vector<16xf32>,
        %parallel_loop3A_205 = arith.constant 32 : i32
        %parallel_loop3A_206 = vector.broadcast %parallel_loop3A_205 : i32 to vector<16xi32>
        %parallel_loop3A_207 = arith.addi %parallel_loop3A_206, %iota3A_119 : vector<16xi32>
        %parallel_loop3A_208 = tpu.vector_load_idx %arg18[%parallel_loop3A_174, %parallel_loop3A_207] : memref<128x72xf32, #tpu.memory_space<vmem>>[vector<16xi32>, vector<16xi32>], vector<16xf32>,
        %parallel_loop3A_209 = arith.constant 3 : i32
        %parallel_loop3A_210 = vector.broadcast %parallel_loop3A_209 : i32 to vector<16xi32>
        %parallel_loop3A_211 = arith.shrsi %iota3A_119, %parallel_loop3A_210 : vector<16xi32>
        %parallel_loop3A_212 = arith.constant 4 : i32
        %parallel_loop3A_213 = vector.broadcast %parallel_loop3A_212 : i32 to vector<16xi32>
        %parallel_loop3A_214 = arith.addi %parallel_loop3A_213, %parallel_loop3A_211 : vector<16xi32>
        %parallel_loop3A_215 = tpu.vector_load_idx %arg20[%parallel_loop3A_174, %parallel_loop3A_214] : memref<128x8xf32, #tpu.memory_space<vmem>>[vector<16xi32>, vector<16xi32>], vector<16xf32>,
        %parallel_loop3A_216 = arith.constant 32 : i32
        %parallel_loop3A_217 = vector.broadcast %parallel_loop3A_216 : i32 to vector<16xi32>
        %parallel_loop3A_218 = arith.addi %parallel_loop3A_217, %iota3A_119 : vector<16xi32>
        %parallel_loop3A_219 = arith.mulf %parallel_loop3A_208, %parallel_loop3A_215 : vector<16xf32>
        tpu.vector_store_idx %arg21[%parallel_loop3A_174, %parallel_loop3A_218], %parallel_loop3A_219 : memref<128x64xf32, #tpu.memory_space<vmem>>[vector<16xi32>, vector<16xi32>], vector<16xf32>,
        %parallel_loop3A_220 = arith.constant 48 : i32
        %parallel_loop3A_221 = vector.broadcast %parallel_loop3A_220 : i32 to vector<16xi32>
        %parallel_loop3A_222 = arith.addi %parallel_loop3A_221, %iota3A_119 : vector<16xi32>
        %parallel_loop3A_223 = tpu.vector_load_idx %arg18[%parallel_loop3A_174, %parallel_loop3A_222] : memref<128x72xf32, #tpu.memory_space<vmem>>[vector<16xi32>, vector<16xi32>], vector<16xf32>,
        %parallel_loop3A_224 = arith.constant 3 : i32
        %parallel_loop3A_225 = vector.broadcast %parallel_loop3A_224 : i32 to vector<16xi32>
        %parallel_loop3A_226 = arith.shrsi %iota3A_119, %parallel_loop3A_225 : vector<16xi32>
        %parallel_loop3A_227 = arith.constant 6 : i32
        %parallel_loop3A_228 = vector.broadcast %parallel_loop3A_227 : i32 to vector<16xi32>
        %parallel_loop3A_229 = arith.addi %parallel_loop3A_228, %parallel_loop3A_226 : vector<16xi32>
        %parallel_loop3A_230 = tpu.vector_load_idx %arg20[%parallel_loop3A_174, %parallel_loop3A_229] : memref<128x8xf32, #tpu.memory_space<vmem>>[vector<16xi32>, vector<16xi32>], vector<16xf32>,
        %parallel_loop3A_231 = arith.constant 48 : i32
        %parallel_loop3A_232 = vector.broadcast %parallel_loop3A_231 : i32 to vector<16xi32>
        %parallel_loop3A_233 = arith.addi %parallel_loop3A_232, %iota3A_119 : vector<16xi32>
        %parallel_loop3A_234 = arith.mulf %parallel_loop3A_223, %parallel_loop3A_230 : vector<16xf32>
        tpu.vector_store_idx %arg21[%parallel_loop3A_174, %parallel_loop3A_233], %parallel_loop3A_234 : memref<128x64xf32, #tpu.memory_space<vmem>>[vector<16xi32>, vector<16xi32>], vector<16xf32>,
      } {sc.loop_unroll_factor = 2 : i64, sc.parallel_access}
      %dma_start3A_126 = arith.constant 0 : i32
      %dma_start3A_127 = arith.constant 0 : i32
      %dma_start3A_128 = tpu.memref_slice %arg50[%dma_start3A_126, %dma_start3A_127] : memref<10240x64xf32, #tpu.memory_space<vmem_shared>> -> memref<10240x64xf32, #tpu.memory_space<vmem_shared>>
      tpu.enqueue_indirect_dma source(%arg21 : memref<128x64xf32, #tpu.memory_space<vmem>>) target(%dma_start3A_128 : memref<10240x64xf32, #tpu.memory_space<vmem_shared>>) offsets(%arg17 : memref<128xi32, #tpu.memory_space<vmem>>) semaphore(%arg40 : memref<!tpu.dma_semaphore, #tpu.memory_space<semaphore_mem>>) {add = true}
      %dma_start3A_129 = arith.constant 0 : i32
      %dma_start3A_130 = arith.constant 0 : i32
      %dma_start3A_131 = tpu.memref_slice %arg51[%dma_start3A_129, %dma_start3A_130] : memref<10240x8xf32, #tpu.memory_space<vmem_shared>> -> memref<10240x8xf32, #tpu.memory_space<vmem_shared>>
      tpu.enqueue_indirect_dma source(%arg20 : memref<128x8xf32, #tpu.memory_space<vmem>>) target(%dma_start3A_131 : memref<10240x8xf32, #tpu.memory_space<vmem_shared>>) offsets(%arg17 : memref<128xi32, #tpu.memory_space<vmem>>) semaphore(%arg41 : memref<!tpu.dma_semaphore, #tpu.memory_space<semaphore_mem>>) {add = true}
      %dma_wait3A_132 = arith.constant 0 : i32
      %dma_wait3A_133 = arith.constant 0 : i32
      %dma_wait3A_134 = tpu.memref_slice %arg2[%dma_wait3A_132, %dma_wait3A_133] : memref<10240x72xf32, #tpu.memory_space<hbm>> -> memref<10240x72xf32, #tpu.memory_space<hbm>>
      tpu.wait_indirect_dma semaphore(%arg42 : memref<!tpu.dma_semaphore, #tpu.memory_space<semaphore_mem>>) src(%dma_wait3A_134 : memref<10240x72xf32, #tpu.memory_space<hbm>>) dst(%arg24 : memref<128x72xf32, #tpu.memory_space<vmem>>)
      %dma_wait3A_135 = arith.constant 0 : i32
      %dma_wait3A_136 = arith.constant 0 : i32
      %dma_wait3A_137 = tpu.memref_slice %arg3[%dma_wait3A_135, %dma_wait3A_136] : memref<10240x8xf32, #tpu.memory_space<hbm>> -> memref<10240x8xf32, #tpu.memory_space<hbm>>
      tpu.wait_indirect_dma semaphore(%arg43 : memref<!tpu.dma_semaphore, #tpu.memory_space<semaphore_mem>>) src(%dma_wait3A_137 : memref<10240x8xf32, #tpu.memory_space<hbm>>) dst(%arg25 : memref<128x8xf32, #tpu.memory_space<vmem>>)
      %iota3A_138 = tpu.iota {dimensions = array<i32: 0>} : vector<16xi32>
      %parallel_loop3A_139 = arith.constant 0 : i32
      %parallel_loop3A_140 = arith.constant 64 : i32
      %parallel_loop3A_141 = arith.constant 1 : i32
      scf.for %parallel_loop3A_173 = %parallel_loop3A_139 to %parallel_loop3A_140 step %parallel_loop3A_141  : i32 {
        %parallel_loop3A_174 = arith.constant 2 : i32
        %parallel_loop3A_175 = arith.muli %parallel_loop3A_174, %parallel_loop3A_173 : i32
        %parallel_loop3A_176 = arith.constant 3 : i32
        %parallel_loop3A_177 = vector.broadcast %parallel_loop3A_176 : i32 to vector<16xi32>
        %parallel_loop3A_178 = arith.shrsi %iota3A_138, %parallel_loop3A_177 : vector<16xi32>
        %parallel_loop3A_179 = vector.broadcast %parallel_loop3A_175 : i32 to vector<16xi32>
        %parallel_loop3A_180 = arith.addi %parallel_loop3A_179, %parallel_loop3A_178 : vector<16xi32>
        %parallel_loop3A_181 = arith.constant 7 : i32
        %parallel_loop3A_182 = vector.broadcast %parallel_loop3A_181 : i32 to vector<16xi32>
        %parallel_loop3A_183 = arith.andi %iota3A_138, %parallel_loop3A_182 : vector<16xi32>
        %parallel_loop3A_184 = arith.constant 64 : i32
        %parallel_loop3A_185 = vector.broadcast %parallel_loop3A_184 : i32 to vector<16xi32>
        %parallel_loop3A_186 = arith.addi %parallel_loop3A_185, %parallel_loop3A_183 : vector<16xi32>
        %parallel_loop3A_187 = tpu.vector_load_idx %arg24[%parallel_loop3A_180, %parallel_loop3A_186] : memref<128x72xf32, #tpu.memory_space<vmem>>[vector<16xi32>, vector<16xi32>], vector<16xf32>,
        %parallel_loop3A_188 = tpu.vector_load_idx %arg25[%parallel_loop3A_180, %parallel_loop3A_183] : memref<128x8xf32, #tpu.memory_space<vmem>>[vector<16xi32>, vector<16xi32>], vector<16xf32>,
        %parallel_loop3A_189 = arith.addf %parallel_loop3A_187, %parallel_loop3A_188 : vector<16xf32>
        %parallel_loop3A_190 = arith.constant 0.000000e+00 : f32
        %parallel_loop3A_191 = vector.broadcast %parallel_loop3A_190 : f32 to vector<16xf32>
        %parallel_loop3A_192 = arith.cmpf oge, %parallel_loop3A_189, %parallel_loop3A_191 : vector<16xf32>
        %parallel_loop3A_193 = arith.constant 2.000000e-01 : f32
        %parallel_loop3A_194 = vector.broadcast %parallel_loop3A_193 : f32 to vector<16xf32>
        %parallel_loop3A_195 = arith.mulf %parallel_loop3A_194, %parallel_loop3A_189 : vector<16xf32>
        %parallel_loop3A_196 = arith.select %parallel_loop3A_192, %parallel_loop3A_189, %parallel_loop3A_195 : vector<16xi1>, vector<16xf32>
        %parallel_loop3A_197 = math.exp %parallel_loop3A_196 : vector<16xf32>
        tpu.vector_store_idx %arg26[%parallel_loop3A_180, %parallel_loop3A_183], %parallel_loop3A_197 : memref<128x8xf32, #tpu.memory_space<vmem>>[vector<16xi32>, vector<16xi32>], vector<16xf32>,
      } {sc.loop_unroll_factor = 4 : i64, sc.parallel_access}
      %parallel_loop3A_142 = arith.constant 0 : i32
      %parallel_loop3A_143 = arith.constant 128 : i32
      %parallel_loop3A_144 = arith.constant 1 : i32
      scf.for %parallel_loop3A_173 = %parallel_loop3A_142 to %parallel_loop3A_143 step %parallel_loop3A_144  : i32 {
        %parallel_loop3A_174 = vector.broadcast %parallel_loop3A_173 : i32 to vector<16xi32>
        %parallel_loop3A_175 = arith.constant 0 : i32
        %parallel_loop3A_176 = vector.broadcast %parallel_loop3A_175 : i32 to vector<16xi32>
        %parallel_loop3A_177 = arith.addi %parallel_loop3A_176, %iota3A_138 : vector<16xi32>
        %parallel_loop3A_178 = tpu.vector_load_idx %arg24[%parallel_loop3A_174, %parallel_loop3A_177] : memref<128x72xf32, #tpu.memory_space<vmem>>[vector<16xi32>, vector<16xi32>], vector<16xf32>,
        %parallel_loop3A_179 = arith.constant 3 : i32
        %parallel_loop3A_180 = vector.broadcast %parallel_loop3A_179 : i32 to vector<16xi32>
        %parallel_loop3A_181 = arith.shrsi %iota3A_138, %parallel_loop3A_180 : vector<16xi32>
        %parallel_loop3A_182 = arith.constant 0 : i32
        %parallel_loop3A_183 = vector.broadcast %parallel_loop3A_182 : i32 to vector<16xi32>
        %parallel_loop3A_184 = arith.addi %parallel_loop3A_183, %parallel_loop3A_181 : vector<16xi32>
        %parallel_loop3A_185 = tpu.vector_load_idx %arg26[%parallel_loop3A_174, %parallel_loop3A_184] : memref<128x8xf32, #tpu.memory_space<vmem>>[vector<16xi32>, vector<16xi32>], vector<16xf32>,
        %parallel_loop3A_186 = arith.constant 0 : i32
        %parallel_loop3A_187 = vector.broadcast %parallel_loop3A_186 : i32 to vector<16xi32>
        %parallel_loop3A_188 = arith.addi %parallel_loop3A_187, %iota3A_138 : vector<16xi32>
        %parallel_loop3A_189 = arith.mulf %parallel_loop3A_178, %parallel_loop3A_185 : vector<16xf32>
        tpu.vector_store_idx %arg27[%parallel_loop3A_174, %parallel_loop3A_188], %parallel_loop3A_189 : memref<128x64xf32, #tpu.memory_space<vmem>>[vector<16xi32>, vector<16xi32>], vector<16xf32>,
        %parallel_loop3A_190 = arith.constant 16 : i32
        %parallel_loop3A_191 = vector.broadcast %parallel_loop3A_190 : i32 to vector<16xi32>
        %parallel_loop3A_192 = arith.addi %parallel_loop3A_191, %iota3A_138 : vector<16xi32>
        %parallel_loop3A_193 = tpu.vector_load_idx %arg24[%parallel_loop3A_174, %parallel_loop3A_192] : memref<128x72xf32, #tpu.memory_space<vmem>>[vector<16xi32>, vector<16xi32>], vector<16xf32>,
        %parallel_loop3A_194 = arith.constant 3 : i32
        %parallel_loop3A_195 = vector.broadcast %parallel_loop3A_194 : i32 to vector<16xi32>
        %parallel_loop3A_196 = arith.shrsi %iota3A_138, %parallel_loop3A_195 : vector<16xi32>
        %parallel_loop3A_197 = arith.constant 2 : i32
        %parallel_loop3A_198 = vector.broadcast %parallel_loop3A_197 : i32 to vector<16xi32>
        %parallel_loop3A_199 = arith.addi %parallel_loop3A_198, %parallel_loop3A_196 : vector<16xi32>
        %parallel_loop3A_200 = tpu.vector_load_idx %arg26[%parallel_loop3A_174, %parallel_loop3A_199] : memref<128x8xf32, #tpu.memory_space<vmem>>[vector<16xi32>, vector<16xi32>], vector<16xf32>,
        %parallel_loop3A_201 = arith.constant 16 : i32
        %parallel_loop3A_202 = vector.broadcast %parallel_loop3A_201 : i32 to vector<16xi32>
        %parallel_loop3A_203 = arith.addi %parallel_loop3A_202, %iota3A_138 : vector<16xi32>
        %parallel_loop3A_204 = arith.mulf %parallel_loop3A_193, %parallel_loop3A_200 : vector<16xf32>
        tpu.vector_store_idx %arg27[%parallel_loop3A_174, %parallel_loop3A_203], %parallel_loop3A_204 : memref<128x64xf32, #tpu.memory_space<vmem>>[vector<16xi32>, vector<16xi32>], vector<16xf32>,
        %parallel_loop3A_205 = arith.constant 32 : i32
        %parallel_loop3A_206 = vector.broadcast %parallel_loop3A_205 : i32 to vector<16xi32>
        %parallel_loop3A_207 = arith.addi %parallel_loop3A_206, %iota3A_138 : vector<16xi32>
        %parallel_loop3A_208 = tpu.vector_load_idx %arg24[%parallel_loop3A_174, %parallel_loop3A_207] : memref<128x72xf32, #tpu.memory_space<vmem>>[vector<16xi32>, vector<16xi32>], vector<16xf32>,
        %parallel_loop3A_209 = arith.constant 3 : i32
        %parallel_loop3A_210 = vector.broadcast %parallel_loop3A_209 : i32 to vector<16xi32>
        %parallel_loop3A_211 = arith.shrsi %iota3A_138, %parallel_loop3A_210 : vector<16xi32>
        %parallel_loop3A_212 = arith.constant 4 : i32
        %parallel_loop3A_213 = vector.broadcast %parallel_loop3A_212 : i32 to vector<16xi32>
        %parallel_loop3A_214 = arith.addi %parallel_loop3A_213, %parallel_loop3A_211 : vector<16xi32>
        %parallel_loop3A_215 = tpu.vector_load_idx %arg26[%parallel_loop3A_174, %parallel_loop3A_214] : memref<128x8xf32, #tpu.memory_space<vmem>>[vector<16xi32>, vector<16xi32>], vector<16xf32>,
        %parallel_loop3A_216 = arith.constant 32 : i32
        %parallel_loop3A_217 = vector.broadcast %parallel_loop3A_216 : i32 to vector<16xi32>
        %parallel_loop3A_218 = arith.addi %parallel_loop3A_217, %iota3A_138 : vector<16xi32>
        %parallel_loop3A_219 = arith.mulf %parallel_loop3A_208, %parallel_loop3A_215 : vector<16xf32>
        tpu.vector_store_idx %arg27[%parallel_loop3A_174, %parallel_loop3A_218], %parallel_loop3A_219 : memref<128x64xf32, #tpu.memory_space<vmem>>[vector<16xi32>, vector<16xi32>], vector<16xf32>,
        %parallel_loop3A_220 = arith.constant 48 : i32
        %parallel_loop3A_221 = vector.broadcast %parallel_loop3A_220 : i32 to vector<16xi32>
        %parallel_loop3A_222 = arith.addi %parallel_loop3A_221, %iota3A_138 : vector<16xi32>
        %parallel_loop3A_223 = tpu.vector_load_idx %arg24[%parallel_loop3A_174, %parallel_loop3A_222] : memref<128x72xf32, #tpu.memory_space<vmem>>[vector<16xi32>, vector<16xi32>], vector<16xf32>,
        %parallel_loop3A_224 = arith.constant 3 : i32
        %parallel_loop3A_225 = vector.broadcast %parallel_loop3A_224 : i32 to vector<16xi32>
        %parallel_loop3A_226 = arith.shrsi %iota3A_138, %parallel_loop3A_225 : vector<16xi32>
        %parallel_loop3A_227 = arith.constant 6 : i32
        %parallel_loop3A_228 = vector.broadcast %parallel_loop3A_227 : i32 to vector<16xi32>
        %parallel_loop3A_229 = arith.addi %parallel_loop3A_228, %parallel_loop3A_226 : vector<16xi32>
        %parallel_loop3A_230 = tpu.vector_load_idx %arg26[%parallel_loop3A_174, %parallel_loop3A_229] : memref<128x8xf32, #tpu.memory_space<vmem>>[vector<16xi32>, vector<16xi32>], vector<16xf32>,
        %parallel_loop3A_231 = arith.constant 48 : i32
        %parallel_loop3A_232 = vector.broadcast %parallel_loop3A_231 : i32 to vector<16xi32>
        %parallel_loop3A_233 = arith.addi %parallel_loop3A_232, %iota3A_138 : vector<16xi32>
        %parallel_loop3A_234 = arith.mulf %parallel_loop3A_223, %parallel_loop3A_230 : vector<16xf32>
        tpu.vector_store_idx %arg27[%parallel_loop3A_174, %parallel_loop3A_233], %parallel_loop3A_234 : memref<128x64xf32, #tpu.memory_space<vmem>>[vector<16xi32>, vector<16xi32>], vector<16xf32>,
      } {sc.loop_unroll_factor = 2 : i64, sc.parallel_access}
      %dma_start3A_145 = arith.constant 0 : i32
      %dma_start3A_146 = arith.constant 0 : i32
      %dma_start3A_147 = tpu.memref_slice %arg50[%dma_start3A_145, %dma_start3A_146] : memref<10240x64xf32, #tpu.memory_space<vmem_shared>> -> memref<10240x64xf32, #tpu.memory_space<vmem_shared>>
      tpu.enqueue_indirect_dma source(%arg27 : memref<128x64xf32, #tpu.memory_space<vmem>>) target(%dma_start3A_147 : memref<10240x64xf32, #tpu.memory_space<vmem_shared>>) offsets(%arg23 : memref<128xi32, #tpu.memory_space<vmem>>) semaphore(%arg44 : memref<!tpu.dma_semaphore, #tpu.memory_space<semaphore_mem>>) {add = true}
      %dma_start3A_148 = arith.constant 0 : i32
      %dma_start3A_149 = arith.constant 0 : i32
      %dma_start3A_150 = tpu.memref_slice %arg51[%dma_start3A_148, %dma_start3A_149] : memref<10240x8xf32, #tpu.memory_space<vmem_shared>> -> memref<10240x8xf32, #tpu.memory_space<vmem_shared>>
      tpu.enqueue_indirect_dma source(%arg26 : memref<128x8xf32, #tpu.memory_space<vmem>>) target(%dma_start3A_150 : memref<10240x8xf32, #tpu.memory_space<vmem_shared>>) offsets(%arg23 : memref<128xi32, #tpu.memory_space<vmem>>) semaphore(%arg45 : memref<!tpu.dma_semaphore, #tpu.memory_space<semaphore_mem>>) {add = true}
      %dma_wait3A_151 = arith.constant 0 : i32
      %dma_wait3A_152 = arith.constant 0 : i32
      %dma_wait3A_153 = tpu.memref_slice %arg2[%dma_wait3A_151, %dma_wait3A_152] : memref<10240x72xf32, #tpu.memory_space<hbm>> -> memref<10240x72xf32, #tpu.memory_space<hbm>>
      tpu.wait_indirect_dma semaphore(%arg46 : memref<!tpu.dma_semaphore, #tpu.memory_space<semaphore_mem>>) src(%dma_wait3A_153 : memref<10240x72xf32, #tpu.memory_space<hbm>>) dst(%arg30 : memref<128x72xf32, #tpu.memory_space<vmem>>)
      %dma_wait3A_154 = arith.constant 0 : i32
      %dma_wait3A_155 = arith.constant 0 : i32
      %dma_wait3A_156 = tpu.memref_slice %arg3[%dma_wait3A_154, %dma_wait3A_155] : memref<10240x8xf32, #tpu.memory_space<hbm>> -> memref<10240x8xf32, #tpu.memory_space<hbm>>
      tpu.wait_indirect_dma semaphore(%arg47 : memref<!tpu.dma_semaphore, #tpu.memory_space<semaphore_mem>>) src(%dma_wait3A_156 : memref<10240x8xf32, #tpu.memory_space<hbm>>) dst(%arg31 : memref<128x8xf32, #tpu.memory_space<vmem>>)
      %iota3A_157 = tpu.iota {dimensions = array<i32: 0>} : vector<16xi32>
      %parallel_loop3A_158 = arith.constant 0 : i32
      %parallel_loop3A_159 = arith.constant 64 : i32
      %parallel_loop3A_160 = arith.constant 1 : i32
      scf.for %parallel_loop3A_173 = %parallel_loop3A_158 to %parallel_loop3A_159 step %parallel_loop3A_160  : i32 {
        %parallel_loop3A_174 = arith.constant 2 : i32
        %parallel_loop3A_175 = arith.muli %parallel_loop3A_174, %parallel_loop3A_173 : i32
        %parallel_loop3A_176 = arith.constant 3 : i32
        %parallel_loop3A_177 = vector.broadcast %parallel_loop3A_176 : i32 to vector<16xi32>
        %parallel_loop3A_178 = arith.shrsi %iota3A_157, %parallel_loop3A_177 : vector<16xi32>
        %parallel_loop3A_179 = vector.broadcast %parallel_loop3A_175 : i32 to vector<16xi32>
        %parallel_loop3A_180 = arith.addi %parallel_loop3A_179, %parallel_loop3A_178 : vector<16xi32>
        %parallel_loop3A_181 = arith.constant 7 : i32
        %parallel_loop3A_182 = vector.broadcast %parallel_loop3A_181 : i32 to vector<16xi32>
        %parallel_loop3A_183 = arith.andi %iota3A_157, %parallel_loop3A_182 : vector<16xi32>
        %parallel_loop3A_184 = arith.constant 64 : i32
        %parallel_loop3A_185 = vector.broadcast %parallel_loop3A_184 : i32 to vector<16xi32>
        %parallel_loop3A_186 = arith.addi %parallel_loop3A_185, %parallel_loop3A_183 : vector<16xi32>
        %parallel_loop3A_187 = tpu.vector_load_idx %arg30[%parallel_loop3A_180, %parallel_loop3A_186] : memref<128x72xf32, #tpu.memory_space<vmem>>[vector<16xi32>, vector<16xi32>], vector<16xf32>,
        %parallel_loop3A_188 = tpu.vector_load_idx %arg31[%parallel_loop3A_180, %parallel_loop3A_183] : memref<128x8xf32, #tpu.memory_space<vmem>>[vector<16xi32>, vector<16xi32>], vector<16xf32>,
        %parallel_loop3A_189 = arith.addf %parallel_loop3A_187, %parallel_loop3A_188 : vector<16xf32>
        %parallel_loop3A_190 = arith.constant 0.000000e+00 : f32
        %parallel_loop3A_191 = vector.broadcast %parallel_loop3A_190 : f32 to vector<16xf32>
        %parallel_loop3A_192 = arith.cmpf oge, %parallel_loop3A_189, %parallel_loop3A_191 : vector<16xf32>
        %parallel_loop3A_193 = arith.constant 2.000000e-01 : f32
        %parallel_loop3A_194 = vector.broadcast %parallel_loop3A_193 : f32 to vector<16xf32>
        %parallel_loop3A_195 = arith.mulf %parallel_loop3A_194, %parallel_loop3A_189 : vector<16xf32>
        %parallel_loop3A_196 = arith.select %parallel_loop3A_192, %parallel_loop3A_189, %parallel_loop3A_195 : vector<16xi1>, vector<16xf32>
        %parallel_loop3A_197 = math.exp %parallel_loop3A_196 : vector<16xf32>
        tpu.vector_store_idx %arg32[%parallel_loop3A_180, %parallel_loop3A_183], %parallel_loop3A_197 : memref<128x8xf32, #tpu.memory_space<vmem>>[vector<16xi32>, vector<16xi32>], vector<16xf32>,
      } {sc.loop_unroll_factor = 4 : i64, sc.parallel_access}
      %parallel_loop3A_161 = arith.constant 0 : i32
      %parallel_loop3A_162 = arith.constant 128 : i32
      %parallel_loop3A_163 = arith.constant 1 : i32
      scf.for %parallel_loop3A_173 = %parallel_loop3A_161 to %parallel_loop3A_162 step %parallel_loop3A_163  : i32 {
        %parallel_loop3A_174 = vector.broadcast %parallel_loop3A_173 : i32 to vector<16xi32>
        %parallel_loop3A_175 = arith.constant 0 : i32
        %parallel_loop3A_176 = vector.broadcast %parallel_loop3A_175 : i32 to vector<16xi32>
        %parallel_loop3A_177 = arith.addi %parallel_loop3A_176, %iota3A_157 : vector<16xi32>
        %parallel_loop3A_178 = tpu.vector_load_idx %arg30[%parallel_loop3A_174, %parallel_loop3A_177] : memref<128x72xf32, #tpu.memory_space<vmem>>[vector<16xi32>, vector<16xi32>], vector<16xf32>,
        %parallel_loop3A_179 = arith.constant 3 : i32
        %parallel_loop3A_180 = vector.broadcast %parallel_loop3A_179 : i32 to vector<16xi32>
        %parallel_loop3A_181 = arith.shrsi %iota3A_157, %parallel_loop3A_180 : vector<16xi32>
        %parallel_loop3A_182 = arith.constant 0 : i32
        %parallel_loop3A_183 = vector.broadcast %parallel_loop3A_182 : i32 to vector<16xi32>
        %parallel_loop3A_184 = arith.addi %parallel_loop3A_183, %parallel_loop3A_181 : vector<16xi32>
        %parallel_loop3A_185 = tpu.vector_load_idx %arg32[%parallel_loop3A_174, %parallel_loop3A_184] : memref<128x8xf32, #tpu.memory_space<vmem>>[vector<16xi32>, vector<16xi32>], vector<16xf32>,
        %parallel_loop3A_186 = arith.constant 0 : i32
        %parallel_loop3A_187 = vector.broadcast %parallel_loop3A_186 : i32 to vector<16xi32>
        %parallel_loop3A_188 = arith.addi %parallel_loop3A_187, %iota3A_157 : vector<16xi32>
        %parallel_loop3A_189 = arith.mulf %parallel_loop3A_178, %parallel_loop3A_185 : vector<16xf32>
        tpu.vector_store_idx %arg33[%parallel_loop3A_174, %parallel_loop3A_188], %parallel_loop3A_189 : memref<128x64xf32, #tpu.memory_space<vmem>>[vector<16xi32>, vector<16xi32>], vector<16xf32>,
        %parallel_loop3A_190 = arith.constant 16 : i32
        %parallel_loop3A_191 = vector.broadcast %parallel_loop3A_190 : i32 to vector<16xi32>
        %parallel_loop3A_192 = arith.addi %parallel_loop3A_191, %iota3A_157 : vector<16xi32>
        %parallel_loop3A_193 = tpu.vector_load_idx %arg30[%parallel_loop3A_174, %parallel_loop3A_192] : memref<128x72xf32, #tpu.memory_space<vmem>>[vector<16xi32>, vector<16xi32>], vector<16xf32>,
        %parallel_loop3A_194 = arith.constant 3 : i32
        %parallel_loop3A_195 = vector.broadcast %parallel_loop3A_194 : i32 to vector<16xi32>
        %parallel_loop3A_196 = arith.shrsi %iota3A_157, %parallel_loop3A_195 : vector<16xi32>
        %parallel_loop3A_197 = arith.constant 2 : i32
        %parallel_loop3A_198 = vector.broadcast %parallel_loop3A_197 : i32 to vector<16xi32>
        %parallel_loop3A_199 = arith.addi %parallel_loop3A_198, %parallel_loop3A_196 : vector<16xi32>
        %parallel_loop3A_200 = tpu.vector_load_idx %arg32[%parallel_loop3A_174, %parallel_loop3A_199] : memref<128x8xf32, #tpu.memory_space<vmem>>[vector<16xi32>, vector<16xi32>], vector<16xf32>,
        %parallel_loop3A_201 = arith.constant 16 : i32
        %parallel_loop3A_202 = vector.broadcast %parallel_loop3A_201 : i32 to vector<16xi32>
        %parallel_loop3A_203 = arith.addi %parallel_loop3A_202, %iota3A_157 : vector<16xi32>
        %parallel_loop3A_204 = arith.mulf %parallel_loop3A_193, %parallel_loop3A_200 : vector<16xf32>
        tpu.vector_store_idx %arg33[%parallel_loop3A_174, %parallel_loop3A_203], %parallel_loop3A_204 : memref<128x64xf32, #tpu.memory_space<vmem>>[vector<16xi32>, vector<16xi32>], vector<16xf32>,
        %parallel_loop3A_205 = arith.constant 32 : i32
        %parallel_loop3A_206 = vector.broadcast %parallel_loop3A_205 : i32 to vector<16xi32>
        %parallel_loop3A_207 = arith.addi %parallel_loop3A_206, %iota3A_157 : vector<16xi32>
        %parallel_loop3A_208 = tpu.vector_load_idx %arg30[%parallel_loop3A_174, %parallel_loop3A_207] : memref<128x72xf32, #tpu.memory_space<vmem>>[vector<16xi32>, vector<16xi32>], vector<16xf32>,
        %parallel_loop3A_209 = arith.constant 3 : i32
        %parallel_loop3A_210 = vector.broadcast %parallel_loop3A_209 : i32 to vector<16xi32>
        %parallel_loop3A_211 = arith.shrsi %iota3A_157, %parallel_loop3A_210 : vector<16xi32>
        %parallel_loop3A_212 = arith.constant 4 : i32
        %parallel_loop3A_213 = vector.broadcast %parallel_loop3A_212 : i32 to vector<16xi32>
        %parallel_loop3A_214 = arith.addi %parallel_loop3A_213, %parallel_loop3A_211 : vector<16xi32>
        %parallel_loop3A_215 = tpu.vector_load_idx %arg32[%parallel_loop3A_174, %parallel_loop3A_214] : memref<128x8xf32, #tpu.memory_space<vmem>>[vector<16xi32>, vector<16xi32>], vector<16xf32>,
        %parallel_loop3A_216 = arith.constant 32 : i32
        %parallel_loop3A_217 = vector.broadcast %parallel_loop3A_216 : i32 to vector<16xi32>
        %parallel_loop3A_218 = arith.addi %parallel_loop3A_217, %iota3A_157 : vector<16xi32>
        %parallel_loop3A_219 = arith.mulf %parallel_loop3A_208, %parallel_loop3A_215 : vector<16xf32>
        tpu.vector_store_idx %arg33[%parallel_loop3A_174, %parallel_loop3A_218], %parallel_loop3A_219 : memref<128x64xf32, #tpu.memory_space<vmem>>[vector<16xi32>, vector<16xi32>], vector<16xf32>,
        %parallel_loop3A_220 = arith.constant 48 : i32
        %parallel_loop3A_221 = vector.broadcast %parallel_loop3A_220 : i32 to vector<16xi32>
        %parallel_loop3A_222 = arith.addi %parallel_loop3A_221, %iota3A_157 : vector<16xi32>
        %parallel_loop3A_223 = tpu.vector_load_idx %arg30[%parallel_loop3A_174, %parallel_loop3A_222] : memref<128x72xf32, #tpu.memory_space<vmem>>[vector<16xi32>, vector<16xi32>], vector<16xf32>,
        %parallel_loop3A_224 = arith.constant 3 : i32
        %parallel_loop3A_225 = vector.broadcast %parallel_loop3A_224 : i32 to vector<16xi32>
        %parallel_loop3A_226 = arith.shrsi %iota3A_157, %parallel_loop3A_225 : vector<16xi32>
        %parallel_loop3A_227 = arith.constant 6 : i32
        %parallel_loop3A_228 = vector.broadcast %parallel_loop3A_227 : i32 to vector<16xi32>
        %parallel_loop3A_229 = arith.addi %parallel_loop3A_228, %parallel_loop3A_226 : vector<16xi32>
        %parallel_loop3A_230 = tpu.vector_load_idx %arg32[%parallel_loop3A_174, %parallel_loop3A_229] : memref<128x8xf32, #tpu.memory_space<vmem>>[vector<16xi32>, vector<16xi32>], vector<16xf32>,
        %parallel_loop3A_231 = arith.constant 48 : i32
        %parallel_loop3A_232 = vector.broadcast %parallel_loop3A_231 : i32 to vector<16xi32>
        %parallel_loop3A_233 = arith.addi %parallel_loop3A_232, %iota3A_157 : vector<16xi32>
        %parallel_loop3A_234 = arith.mulf %parallel_loop3A_223, %parallel_loop3A_230 : vector<16xf32>
        tpu.vector_store_idx %arg33[%parallel_loop3A_174, %parallel_loop3A_233], %parallel_loop3A_234 : memref<128x64xf32, #tpu.memory_space<vmem>>[vector<16xi32>, vector<16xi32>], vector<16xf32>,
      } {sc.loop_unroll_factor = 2 : i64, sc.parallel_access}
      %dma_start3A_164 = arith.constant 0 : i32
      %dma_start3A_165 = arith.constant 0 : i32
      %dma_start3A_166 = tpu.memref_slice %arg50[%dma_start3A_164, %dma_start3A_165] : memref<10240x64xf32, #tpu.memory_space<vmem_shared>> -> memref<10240x64xf32, #tpu.memory_space<vmem_shared>>
      tpu.enqueue_indirect_dma source(%arg33 : memref<128x64xf32, #tpu.memory_space<vmem>>) target(%dma_start3A_166 : memref<10240x64xf32, #tpu.memory_space<vmem_shared>>) offsets(%arg29 : memref<128xi32, #tpu.memory_space<vmem>>) semaphore(%arg48 : memref<!tpu.dma_semaphore, #tpu.memory_space<semaphore_mem>>) {add = true}
      %dma_start3A_167 = arith.constant 0 : i32
      %dma_start3A_168 = arith.constant 0 : i32
      %dma_start3A_169 = tpu.memref_slice %arg51[%dma_start3A_167, %dma_start3A_168] : memref<10240x8xf32, #tpu.memory_space<vmem_shared>> -> memref<10240x8xf32, #tpu.memory_space<vmem_shared>>
      tpu.enqueue_indirect_dma source(%arg32 : memref<128x8xf32, #tpu.memory_space<vmem>>) target(%dma_start3A_169 : memref<10240x8xf32, #tpu.memory_space<vmem_shared>>) offsets(%arg29 : memref<128xi32, #tpu.memory_space<vmem>>) semaphore(%arg49 : memref<!tpu.dma_semaphore, #tpu.memory_space<semaphore_mem>>) {add = true}
      %lt3A = arith.constant 19 : i32
      %lt3A_170 = arith.cmpi slt, %scan3A_94, %lt3A : i32
      %convert_element_type3A = arith.extui %lt3A_170 : i1 to i32
      %cond3A = arith.constant 0 : i32
      %cond3A_171 = arith.cmpi ne, %convert_element_type3A, %cond3A : i32
      scf.if %cond3A_171 {
        %dma_wait3A_173 = arith.constant 0 : i32
        %dma_wait3A_174 = arith.constant 0 : i32
        %dma_wait3A_175 = tpu.memref_slice %arg50[%dma_wait3A_173, %dma_wait3A_174] : memref<10240x64xf32, #tpu.memory_space<vmem_shared>> -> memref<10240x64xf32, #tpu.memory_space<vmem_shared>>
        tpu.wait_indirect_dma semaphore(%arg36 : memref<!tpu.dma_semaphore, #tpu.memory_space<semaphore_mem>>) src(%arg15 : memref<128x64xf32, #tpu.memory_space<vmem>>) dst(%dma_wait3A_175 : memref<10240x64xf32, #tpu.memory_space<vmem_shared>>)
        %dma_wait3A_176 = arith.constant 0 : i32
        %dma_wait3A_177 = arith.constant 0 : i32
        %dma_wait3A_178 = tpu.memref_slice %arg51[%dma_wait3A_176, %dma_wait3A_177] : memref<10240x8xf32, #tpu.memory_space<vmem_shared>> -> memref<10240x8xf32, #tpu.memory_space<vmem_shared>>
        tpu.wait_indirect_dma semaphore(%arg37 : memref<!tpu.dma_semaphore, #tpu.memory_space<semaphore_mem>>) src(%arg14 : memref<128x8xf32, #tpu.memory_space<vmem>>) dst(%dma_wait3A_178 : memref<10240x8xf32, #tpu.memory_space<vmem_shared>>)
        %mul3A_179 = arith.constant 4 : i32
        %mul3A_180 = arith.muli %mul3A_179, %scan3A_94 : i32
        %add3A_181 = arith.addi %mul3A_2, %mul3A_180 : i32
        %add3A_182 = arith.constant 4 : i32
        %add3A_183 = arith.addi %add3A_181, %add3A_182 : i32
        %add3A_184 = arith.constant 0 : i32
        %add3A_185 = arith.addi %add3A_183, %add3A_184 : i32
        %mul3A_186 = arith.constant 128 : i32
        %mul3A_187 = arith.muli %add3A_185, %mul3A_186 : i32
        "tpu.region"() ({
          %run_scoped3A = tpu.sem_alloc : memref<!tpu.dma_semaphore, #tpu.memory_space<semaphore_mem>>
          %dma_start3A_257 = tpu.memref_slice %arg4[%mul3A_187] : memref<327680xi32, #tpu.memory_space<hbm>> -> memref<128xi32, #tpu.memory_space<hbm>>
          %dma_start3A_258 = tpu.memref_slice %arg4[%mul3A_187] : memref<327680xi32, #tpu.memory_space<hbm>> -> memref<128xi32, #tpu.memory_space<hbm>>
          tpu.enqueue_dma source(%dma_start3A_258 : memref<128xi32, #tpu.memory_space<hbm>>) target(%arg10 : memref<128xi32, #tpu.memory_space<vmem>>) target_semaphore(%run_scoped3A : memref<!tpu.dma_semaphore, #tpu.memory_space<semaphore_mem>>)
          %dma_wait3A_259 = tpu.memref_slice %arg4[%mul3A_187] : memref<327680xi32, #tpu.memory_space<hbm>> -> memref<128xi32, #tpu.memory_space<hbm>>
          %dma_wait3A_260 = tpu.memref_slice %arg4[%mul3A_187] : memref<327680xi32, #tpu.memory_space<hbm>> -> memref<128xi32, #tpu.memory_space<hbm>>
          tpu.wait_dma2 semaphore(%run_scoped3A : memref<!tpu.dma_semaphore, #tpu.memory_space<semaphore_mem>>) src(%dma_wait3A_260 : memref<128xi32, #tpu.memory_space<hbm>>) dst(%arg10 : memref<128xi32, #tpu.memory_space<vmem>>)
          tpu.yield
        }) : () -> ()
        "tpu.region"() ({
          %run_scoped3A = tpu.sem_alloc : memref<!tpu.dma_semaphore, #tpu.memory_space<semaphore_mem>>
          %dma_start3A_257 = tpu.memref_slice %arg5[%mul3A_187] : memref<327680xi32, #tpu.memory_space<hbm>> -> memref<128xi32, #tpu.memory_space<hbm>>
          %dma_start3A_258 = tpu.memref_slice %arg5[%mul3A_187] : memref<327680xi32, #tpu.memory_space<hbm>> -> memref<128xi32, #tpu.memory_space<hbm>>
          tpu.enqueue_dma source(%dma_start3A_258 : memref<128xi32, #tpu.memory_space<hbm>>) target(%arg11 : memref<128xi32, #tpu.memory_space<vmem>>) target_semaphore(%run_scoped3A : memref<!tpu.dma_semaphore, #tpu.memory_space<semaphore_mem>>)
          %dma_wait3A_259 = tpu.memref_slice %arg5[%mul3A_187] : memref<327680xi32, #tpu.memory_space<hbm>> -> memref<128xi32, #tpu.memory_space<hbm>>
          %dma_wait3A_260 = tpu.memref_slice %arg5[%mul3A_187] : memref<327680xi32, #tpu.memory_space<hbm>> -> memref<128xi32, #tpu.memory_space<hbm>>
          tpu.wait_dma2 semaphore(%run_scoped3A : memref<!tpu.dma_semaphore, #tpu.memory_space<semaphore_mem>>) src(%dma_wait3A_260 : memref<128xi32, #tpu.memory_space<hbm>>) dst(%arg11 : memref<128xi32, #tpu.memory_space<vmem>>)
          tpu.yield
        }) : () -> ()
        %dma_start3A_188 = arith.constant 0 : i32
        %dma_start3A_189 = arith.constant 0 : i32
        %dma_start3A_190 = tpu.memref_slice %arg2[%dma_start3A_188, %dma_start3A_189] : memref<10240x72xf32, #tpu.memory_space<hbm>> -> memref<10240x72xf32, #tpu.memory_space<hbm>>
        tpu.enqueue_indirect_dma source(%dma_start3A_190 : memref<10240x72xf32, #tpu.memory_space<hbm>>) target(%arg12 : memref<128x72xf32, #tpu.memory_space<vmem>>) offsets(%arg10 : memref<128xi32, #tpu.memory_space<vmem>>) semaphore(%arg34 : memref<!tpu.dma_semaphore, #tpu.memory_space<semaphore_mem>>)
        %dma_start3A_191 = arith.constant 0 : i32
        %dma_start3A_192 = arith.constant 0 : i32
        %dma_start3A_193 = tpu.memref_slice %arg3[%dma_start3A_191, %dma_start3A_192] : memref<10240x8xf32, #tpu.memory_space<hbm>> -> memref<10240x8xf32, #tpu.memory_space<hbm>>
        tpu.enqueue_indirect_dma source(%dma_start3A_193 : memref<10240x8xf32, #tpu.memory_space<hbm>>) target(%arg13 : memref<128x8xf32, #tpu.memory_space<vmem>>) offsets(%arg11 : memref<128xi32, #tpu.memory_space<vmem>>) semaphore(%arg35 : memref<!tpu.dma_semaphore, #tpu.memory_space<semaphore_mem>>)
        %dma_wait3A_194 = arith.constant 0 : i32
        %dma_wait3A_195 = arith.constant 0 : i32
        %dma_wait3A_196 = tpu.memref_slice %arg50[%dma_wait3A_194, %dma_wait3A_195] : memref<10240x64xf32, #tpu.memory_space<vmem_shared>> -> memref<10240x64xf32, #tpu.memory_space<vmem_shared>>
        tpu.wait_indirect_dma semaphore(%arg40 : memref<!tpu.dma_semaphore, #tpu.memory_space<semaphore_mem>>) src(%arg21 : memref<128x64xf32, #tpu.memory_space<vmem>>) dst(%dma_wait3A_196 : memref<10240x64xf32, #tpu.memory_space<vmem_shared>>)
        %dma_wait3A_197 = arith.constant 0 : i32
        %dma_wait3A_198 = arith.constant 0 : i32
        %dma_wait3A_199 = tpu.memref_slice %arg51[%dma_wait3A_197, %dma_wait3A_198] : memref<10240x8xf32, #tpu.memory_space<vmem_shared>> -> memref<10240x8xf32, #tpu.memory_space<vmem_shared>>
        tpu.wait_indirect_dma semaphore(%arg41 : memref<!tpu.dma_semaphore, #tpu.memory_space<semaphore_mem>>) src(%arg20 : memref<128x8xf32, #tpu.memory_space<vmem>>) dst(%dma_wait3A_199 : memref<10240x8xf32, #tpu.memory_space<vmem_shared>>)
        %mul3A_200 = arith.constant 4 : i32
        %mul3A_201 = arith.muli %mul3A_200, %scan3A_94 : i32
        %add3A_202 = arith.addi %mul3A_2, %mul3A_201 : i32
        %add3A_203 = arith.constant 4 : i32
        %add3A_204 = arith.addi %add3A_202, %add3A_203 : i32
        %add3A_205 = arith.constant 1 : i32
        %add3A_206 = arith.addi %add3A_204, %add3A_205 : i32
        %mul3A_207 = arith.constant 128 : i32
        %mul3A_208 = arith.muli %add3A_206, %mul3A_207 : i32
        "tpu.region"() ({
          %run_scoped3A = tpu.sem_alloc : memref<!tpu.dma_semaphore, #tpu.memory_space<semaphore_mem>>
          %dma_start3A_257 = tpu.memref_slice %arg4[%mul3A_208] : memref<327680xi32, #tpu.memory_space<hbm>> -> memref<128xi32, #tpu.memory_space<hbm>>
          %dma_start3A_258 = tpu.memref_slice %arg4[%mul3A_208] : memref<327680xi32, #tpu.memory_space<hbm>> -> memref<128xi32, #tpu.memory_space<hbm>>
          tpu.enqueue_dma source(%dma_start3A_258 : memref<128xi32, #tpu.memory_space<hbm>>) target(%arg16 : memref<128xi32, #tpu.memory_space<vmem>>) target_semaphore(%run_scoped3A : memref<!tpu.dma_semaphore, #tpu.memory_space<semaphore_mem>>)
          %dma_wait3A_259 = tpu.memref_slice %arg4[%mul3A_208] : memref<327680xi32, #tpu.memory_space<hbm>> -> memref<128xi32, #tpu.memory_space<hbm>>
          %dma_wait3A_260 = tpu.memref_slice %arg4[%mul3A_208] : memref<327680xi32, #tpu.memory_space<hbm>> -> memref<128xi32, #tpu.memory_space<hbm>>
          tpu.wait_dma2 semaphore(%run_scoped3A : memref<!tpu.dma_semaphore, #tpu.memory_space<semaphore_mem>>) src(%dma_wait3A_260 : memref<128xi32, #tpu.memory_space<hbm>>) dst(%arg16 : memref<128xi32, #tpu.memory_space<vmem>>)
          tpu.yield
        }) : () -> ()
        "tpu.region"() ({
          %run_scoped3A = tpu.sem_alloc : memref<!tpu.dma_semaphore, #tpu.memory_space<semaphore_mem>>
          %dma_start3A_257 = tpu.memref_slice %arg5[%mul3A_208] : memref<327680xi32, #tpu.memory_space<hbm>> -> memref<128xi32, #tpu.memory_space<hbm>>
          %dma_start3A_258 = tpu.memref_slice %arg5[%mul3A_208] : memref<327680xi32, #tpu.memory_space<hbm>> -> memref<128xi32, #tpu.memory_space<hbm>>
          tpu.enqueue_dma source(%dma_start3A_258 : memref<128xi32, #tpu.memory_space<hbm>>) target(%arg17 : memref<128xi32, #tpu.memory_space<vmem>>) target_semaphore(%run_scoped3A : memref<!tpu.dma_semaphore, #tpu.memory_space<semaphore_mem>>)
          %dma_wait3A_259 = tpu.memref_slice %arg5[%mul3A_208] : memref<327680xi32, #tpu.memory_space<hbm>> -> memref<128xi32, #tpu.memory_space<hbm>>
          %dma_wait3A_260 = tpu.memref_slice %arg5[%mul3A_208] : memref<327680xi32, #tpu.memory_space<hbm>> -> memref<128xi32, #tpu.memory_space<hbm>>
          tpu.wait_dma2 semaphore(%run_scoped3A : memref<!tpu.dma_semaphore, #tpu.memory_space<semaphore_mem>>) src(%dma_wait3A_260 : memref<128xi32, #tpu.memory_space<hbm>>) dst(%arg17 : memref<128xi32, #tpu.memory_space<vmem>>)
          tpu.yield
        }) : () -> ()
        %dma_start3A_209 = arith.constant 0 : i32
        %dma_start3A_210 = arith.constant 0 : i32
        %dma_start3A_211 = tpu.memref_slice %arg2[%dma_start3A_209, %dma_start3A_210] : memref<10240x72xf32, #tpu.memory_space<hbm>> -> memref<10240x72xf32, #tpu.memory_space<hbm>>
        tpu.enqueue_indirect_dma source(%dma_start3A_211 : memref<10240x72xf32, #tpu.memory_space<hbm>>) target(%arg18 : memref<128x72xf32, #tpu.memory_space<vmem>>) offsets(%arg16 : memref<128xi32, #tpu.memory_space<vmem>>) semaphore(%arg38 : memref<!tpu.dma_semaphore, #tpu.memory_space<semaphore_mem>>)
        %dma_start3A_212 = arith.constant 0 : i32
        %dma_start3A_213 = arith.constant 0 : i32
        %dma_start3A_214 = tpu.memref_slice %arg3[%dma_start3A_212, %dma_start3A_213] : memref<10240x8xf32, #tpu.memory_space<hbm>> -> memref<10240x8xf32, #tpu.memory_space<hbm>>
        tpu.enqueue_indirect_dma source(%dma_start3A_214 : memref<10240x8xf32, #tpu.memory_space<hbm>>) target(%arg19 : memref<128x8xf32, #tpu.memory_space<vmem>>) offsets(%arg17 : memref<128xi32, #tpu.memory_space<vmem>>) semaphore(%arg39 : memref<!tpu.dma_semaphore, #tpu.memory_space<semaphore_mem>>)
        %dma_wait3A_215 = arith.constant 0 : i32
        %dma_wait3A_216 = arith.constant 0 : i32
        %dma_wait3A_217 = tpu.memref_slice %arg50[%dma_wait3A_215, %dma_wait3A_216] : memref<10240x64xf32, #tpu.memory_space<vmem_shared>> -> memref<10240x64xf32, #tpu.memory_space<vmem_shared>>
        tpu.wait_indirect_dma semaphore(%arg44 : memref<!tpu.dma_semaphore, #tpu.memory_space<semaphore_mem>>) src(%arg27 : memref<128x64xf32, #tpu.memory_space<vmem>>) dst(%dma_wait3A_217 : memref<10240x64xf32, #tpu.memory_space<vmem_shared>>)
        %dma_wait3A_218 = arith.constant 0 : i32
        %dma_wait3A_219 = arith.constant 0 : i32
        %dma_wait3A_220 = tpu.memref_slice %arg51[%dma_wait3A_218, %dma_wait3A_219] : memref<10240x8xf32, #tpu.memory_space<vmem_shared>> -> memref<10240x8xf32, #tpu.memory_space<vmem_shared>>
        tpu.wait_indirect_dma semaphore(%arg45 : memref<!tpu.dma_semaphore, #tpu.memory_space<semaphore_mem>>) src(%arg26 : memref<128x8xf32, #tpu.memory_space<vmem>>) dst(%dma_wait3A_220 : memref<10240x8xf32, #tpu.memory_space<vmem_shared>>)
        %mul3A_221 = arith.constant 4 : i32
        %mul3A_222 = arith.muli %mul3A_221, %scan3A_94 : i32
        %add3A_223 = arith.addi %mul3A_2, %mul3A_222 : i32
        %add3A_224 = arith.constant 4 : i32
        %add3A_225 = arith.addi %add3A_223, %add3A_224 : i32
        %add3A_226 = arith.constant 2 : i32
        %add3A_227 = arith.addi %add3A_225, %add3A_226 : i32
        %mul3A_228 = arith.constant 128 : i32
        %mul3A_229 = arith.muli %add3A_227, %mul3A_228 : i32
        "tpu.region"() ({
          %run_scoped3A = tpu.sem_alloc : memref<!tpu.dma_semaphore, #tpu.memory_space<semaphore_mem>>
          %dma_start3A_257 = tpu.memref_slice %arg4[%mul3A_229] : memref<327680xi32, #tpu.memory_space<hbm>> -> memref<128xi32, #tpu.memory_space<hbm>>
          %dma_start3A_258 = tpu.memref_slice %arg4[%mul3A_229] : memref<327680xi32, #tpu.memory_space<hbm>> -> memref<128xi32, #tpu.memory_space<hbm>>
          tpu.enqueue_dma source(%dma_start3A_258 : memref<128xi32, #tpu.memory_space<hbm>>) target(%arg22 : memref<128xi32, #tpu.memory_space<vmem>>) target_semaphore(%run_scoped3A : memref<!tpu.dma_semaphore, #tpu.memory_space<semaphore_mem>>)
          %dma_wait3A_259 = tpu.memref_slice %arg4[%mul3A_229] : memref<327680xi32, #tpu.memory_space<hbm>> -> memref<128xi32, #tpu.memory_space<hbm>>
          %dma_wait3A_260 = tpu.memref_slice %arg4[%mul3A_229] : memref<327680xi32, #tpu.memory_space<hbm>> -> memref<128xi32, #tpu.memory_space<hbm>>
          tpu.wait_dma2 semaphore(%run_scoped3A : memref<!tpu.dma_semaphore, #tpu.memory_space<semaphore_mem>>) src(%dma_wait3A_260 : memref<128xi32, #tpu.memory_space<hbm>>) dst(%arg22 : memref<128xi32, #tpu.memory_space<vmem>>)
          tpu.yield
        }) : () -> ()
        "tpu.region"() ({
          %run_scoped3A = tpu.sem_alloc : memref<!tpu.dma_semaphore, #tpu.memory_space<semaphore_mem>>
          %dma_start3A_257 = tpu.memref_slice %arg5[%mul3A_229] : memref<327680xi32, #tpu.memory_space<hbm>> -> memref<128xi32, #tpu.memory_space<hbm>>
          %dma_start3A_258 = tpu.memref_slice %arg5[%mul3A_229] : memref<327680xi32, #tpu.memory_space<hbm>> -> memref<128xi32, #tpu.memory_space<hbm>>
          tpu.enqueue_dma source(%dma_start3A_258 : memref<128xi32, #tpu.memory_space<hbm>>) target(%arg23 : memref<128xi32, #tpu.memory_space<vmem>>) target_semaphore(%run_scoped3A : memref<!tpu.dma_semaphore, #tpu.memory_space<semaphore_mem>>)
          %dma_wait3A_259 = tpu.memref_slice %arg5[%mul3A_229] : memref<327680xi32, #tpu.memory_space<hbm>> -> memref<128xi32, #tpu.memory_space<hbm>>
          %dma_wait3A_260 = tpu.memref_slice %arg5[%mul3A_229] : memref<327680xi32, #tpu.memory_space<hbm>> -> memref<128xi32, #tpu.memory_space<hbm>>
          tpu.wait_dma2 semaphore(%run_scoped3A : memref<!tpu.dma_semaphore, #tpu.memory_space<semaphore_mem>>) src(%dma_wait3A_260 : memref<128xi32, #tpu.memory_space<hbm>>) dst(%arg23 : memref<128xi32, #tpu.memory_space<vmem>>)
          tpu.yield
        }) : () -> ()
        %dma_start3A_230 = arith.constant 0 : i32
        %dma_start3A_231 = arith.constant 0 : i32
        %dma_start3A_232 = tpu.memref_slice %arg2[%dma_start3A_230, %dma_start3A_231] : memref<10240x72xf32, #tpu.memory_space<hbm>> -> memref<10240x72xf32, #tpu.memory_space<hbm>>
        tpu.enqueue_indirect_dma source(%dma_start3A_232 : memref<10240x72xf32, #tpu.memory_space<hbm>>) target(%arg24 : memref<128x72xf32, #tpu.memory_space<vmem>>) offsets(%arg22 : memref<128xi32, #tpu.memory_space<vmem>>) semaphore(%arg42 : memref<!tpu.dma_semaphore, #tpu.memory_space<semaphore_mem>>)
        %dma_start3A_233 = arith.constant 0 : i32
        %dma_start3A_234 = arith.constant 0 : i32
        %dma_start3A_235 = tpu.memref_slice %arg3[%dma_start3A_233, %dma_start3A_234] : memref<10240x8xf32, #tpu.memory_space<hbm>> -> memref<10240x8xf32, #tpu.memory_space<hbm>>
        tpu.enqueue_indirect_dma source(%dma_start3A_235 : memref<10240x8xf32, #tpu.memory_space<hbm>>) target(%arg25 : memref<128x8xf32, #tpu.memory_space<vmem>>) offsets(%arg23 : memref<128xi32, #tpu.memory_space<vmem>>) semaphore(%arg43 : memref<!tpu.dma_semaphore, #tpu.memory_space<semaphore_mem>>)
        %dma_wait3A_236 = arith.constant 0 : i32
        %dma_wait3A_237 = arith.constant 0 : i32
        %dma_wait3A_238 = tpu.memref_slice %arg50[%dma_wait3A_236, %dma_wait3A_237] : memref<10240x64xf32, #tpu.memory_space<vmem_shared>> -> memref<10240x64xf32, #tpu.memory_space<vmem_shared>>
        tpu.wait_indirect_dma semaphore(%arg48 : memref<!tpu.dma_semaphore, #tpu.memory_space<semaphore_mem>>) src(%arg33 : memref<128x64xf32, #tpu.memory_space<vmem>>) dst(%dma_wait3A_238 : memref<10240x64xf32, #tpu.memory_space<vmem_shared>>)
        %dma_wait3A_239 = arith.constant 0 : i32
        %dma_wait3A_240 = arith.constant 0 : i32
        %dma_wait3A_241 = tpu.memref_slice %arg51[%dma_wait3A_239, %dma_wait3A_240] : memref<10240x8xf32, #tpu.memory_space<vmem_shared>> -> memref<10240x8xf32, #tpu.memory_space<vmem_shared>>
        tpu.wait_indirect_dma semaphore(%arg49 : memref<!tpu.dma_semaphore, #tpu.memory_space<semaphore_mem>>) src(%arg32 : memref<128x8xf32, #tpu.memory_space<vmem>>) dst(%dma_wait3A_241 : memref<10240x8xf32, #tpu.memory_space<vmem_shared>>)
        %mul3A_242 = arith.constant 4 : i32
        %mul3A_243 = arith.muli %mul3A_242, %scan3A_94 : i32
        %add3A_244 = arith.addi %mul3A_2, %mul3A_243 : i32
        %add3A_245 = arith.constant 4 : i32
        %add3A_246 = arith.addi %add3A_244, %add3A_245 : i32
        %add3A_247 = arith.constant 3 : i32
        %add3A_248 = arith.addi %add3A_246, %add3A_247 : i32
        %mul3A_249 = arith.constant 128 : i32
        %mul3A_250 = arith.muli %add3A_248, %mul3A_249 : i32
        "tpu.region"() ({
          %run_scoped3A = tpu.sem_alloc : memref<!tpu.dma_semaphore, #tpu.memory_space<semaphore_mem>>
          %dma_start3A_257 = tpu.memref_slice %arg4[%mul3A_250] : memref<327680xi32, #tpu.memory_space<hbm>> -> memref<128xi32, #tpu.memory_space<hbm>>
          %dma_start3A_258 = tpu.memref_slice %arg4[%mul3A_250] : memref<327680xi32, #tpu.memory_space<hbm>> -> memref<128xi32, #tpu.memory_space<hbm>>
          tpu.enqueue_dma source(%dma_start3A_258 : memref<128xi32, #tpu.memory_space<hbm>>) target(%arg28 : memref<128xi32, #tpu.memory_space<vmem>>) target_semaphore(%run_scoped3A : memref<!tpu.dma_semaphore, #tpu.memory_space<semaphore_mem>>)
          %dma_wait3A_259 = tpu.memref_slice %arg4[%mul3A_250] : memref<327680xi32, #tpu.memory_space<hbm>> -> memref<128xi32, #tpu.memory_space<hbm>>
          %dma_wait3A_260 = tpu.memref_slice %arg4[%mul3A_250] : memref<327680xi32, #tpu.memory_space<hbm>> -> memref<128xi32, #tpu.memory_space<hbm>>
          tpu.wait_dma2 semaphore(%run_scoped3A : memref<!tpu.dma_semaphore, #tpu.memory_space<semaphore_mem>>) src(%dma_wait3A_260 : memref<128xi32, #tpu.memory_space<hbm>>) dst(%arg28 : memref<128xi32, #tpu.memory_space<vmem>>)
          tpu.yield
        }) : () -> ()
        "tpu.region"() ({
          %run_scoped3A = tpu.sem_alloc : memref<!tpu.dma_semaphore, #tpu.memory_space<semaphore_mem>>
          %dma_start3A_257 = tpu.memref_slice %arg5[%mul3A_250] : memref<327680xi32, #tpu.memory_space<hbm>> -> memref<128xi32, #tpu.memory_space<hbm>>
          %dma_start3A_258 = tpu.memref_slice %arg5[%mul3A_250] : memref<327680xi32, #tpu.memory_space<hbm>> -> memref<128xi32, #tpu.memory_space<hbm>>
          tpu.enqueue_dma source(%dma_start3A_258 : memref<128xi32, #tpu.memory_space<hbm>>) target(%arg29 : memref<128xi32, #tpu.memory_space<vmem>>) target_semaphore(%run_scoped3A : memref<!tpu.dma_semaphore, #tpu.memory_space<semaphore_mem>>)
          %dma_wait3A_259 = tpu.memref_slice %arg5[%mul3A_250] : memref<327680xi32, #tpu.memory_space<hbm>> -> memref<128xi32, #tpu.memory_space<hbm>>
          %dma_wait3A_260 = tpu.memref_slice %arg5[%mul3A_250] : memref<327680xi32, #tpu.memory_space<hbm>> -> memref<128xi32, #tpu.memory_space<hbm>>
          tpu.wait_dma2 semaphore(%run_scoped3A : memref<!tpu.dma_semaphore, #tpu.memory_space<semaphore_mem>>) src(%dma_wait3A_260 : memref<128xi32, #tpu.memory_space<hbm>>) dst(%arg29 : memref<128xi32, #tpu.memory_space<vmem>>)
          tpu.yield
        }) : () -> ()
        %dma_start3A_251 = arith.constant 0 : i32
        %dma_start3A_252 = arith.constant 0 : i32
        %dma_start3A_253 = tpu.memref_slice %arg2[%dma_start3A_251, %dma_start3A_252] : memref<10240x72xf32, #tpu.memory_space<hbm>> -> memref<10240x72xf32, #tpu.memory_space<hbm>>
        tpu.enqueue_indirect_dma source(%dma_start3A_253 : memref<10240x72xf32, #tpu.memory_space<hbm>>) target(%arg30 : memref<128x72xf32, #tpu.memory_space<vmem>>) offsets(%arg28 : memref<128xi32, #tpu.memory_space<vmem>>) semaphore(%arg46 : memref<!tpu.dma_semaphore, #tpu.memory_space<semaphore_mem>>)
        %dma_start3A_254 = arith.constant 0 : i32
        %dma_start3A_255 = arith.constant 0 : i32
        %dma_start3A_256 = tpu.memref_slice %arg3[%dma_start3A_254, %dma_start3A_255] : memref<10240x8xf32, #tpu.memory_space<hbm>> -> memref<10240x8xf32, #tpu.memory_space<hbm>>
        tpu.enqueue_indirect_dma source(%dma_start3A_256 : memref<10240x8xf32, #tpu.memory_space<hbm>>) target(%arg31 : memref<128x8xf32, #tpu.memory_space<vmem>>) offsets(%arg29 : memref<128xi32, #tpu.memory_space<vmem>>) semaphore(%arg47 : memref<!tpu.dma_semaphore, #tpu.memory_space<semaphore_mem>>)
      } else {
      }
      %scan3A_172 = arith.constant 0 : i32
      scf.yield %scan3A_172 : i32
    }
    %scan3A_49 = arith.constant 20 : i32
    %dma_wait3A = arith.constant 0 : i32
    %dma_wait3A_50 = arith.constant 0 : i32
    %dma_wait3A_51 = tpu.memref_slice %arg50[%dma_wait3A, %dma_wait3A_50] : memref<10240x64xf32, #tpu.memory_space<vmem_shared>> -> memref<10240x64xf32, #tpu.memory_space<vmem_shared>>
    tpu.wait_indirect_dma semaphore(%arg36 : memref<!tpu.dma_semaphore, #tpu.memory_space<semaphore_mem>>) src(%arg15 : memref<128x64xf32, #tpu.memory_space<vmem>>) dst(%dma_wait3A_51 : memref<10240x64xf32, #tpu.memory_space<vmem_shared>>)
    %dma_wait3A_52 = arith.constant 0 : i32
    %dma_wait3A_53 = arith.constant 0 : i32
    %dma_wait3A_54 = tpu.memref_slice %arg51[%dma_wait3A_52, %dma_wait3A_53] : memref<10240x8xf32, #tpu.memory_space<vmem_shared>> -> memref<10240x8xf32, #tpu.memory_space<vmem_shared>>
    tpu.wait_indirect_dma semaphore(%arg37 : memref<!tpu.dma_semaphore, #tpu.memory_space<semaphore_mem>>) src(%arg14 : memref<128x8xf32, #tpu.memory_space<vmem>>) dst(%dma_wait3A_54 : memref<10240x8xf32, #tpu.memory_space<vmem_shared>>)
    %dma_wait3A_55 = arith.constant 0 : i32
    %dma_wait3A_56 = arith.constant 0 : i32
    %dma_wait3A_57 = tpu.memref_slice %arg50[%dma_wait3A_55, %dma_wait3A_56] : memref<10240x64xf32, #tpu.memory_space<vmem_shared>> -> memref<10240x64xf32, #tpu.memory_space<vmem_shared>>
    tpu.wait_indirect_dma semaphore(%arg40 : memref<!tpu.dma_semaphore, #tpu.memory_space<semaphore_mem>>) src(%arg21 : memref<128x64xf32, #tpu.memory_space<vmem>>) dst(%dma_wait3A_57 : memref<10240x64xf32, #tpu.memory_space<vmem_shared>>)
    %dma_wait3A_58 = arith.constant 0 : i32
    %dma_wait3A_59 = arith.constant 0 : i32
    %dma_wait3A_60 = tpu.memref_slice %arg51[%dma_wait3A_58, %dma_wait3A_59] : memref<10240x8xf32, #tpu.memory_space<vmem_shared>> -> memref<10240x8xf32, #tpu.memory_space<vmem_shared>>
    tpu.wait_indirect_dma semaphore(%arg41 : memref<!tpu.dma_semaphore, #tpu.memory_space<semaphore_mem>>) src(%arg20 : memref<128x8xf32, #tpu.memory_space<vmem>>) dst(%dma_wait3A_60 : memref<10240x8xf32, #tpu.memory_space<vmem_shared>>)
    %dma_wait3A_61 = arith.constant 0 : i32
    %dma_wait3A_62 = arith.constant 0 : i32
    %dma_wait3A_63 = tpu.memref_slice %arg50[%dma_wait3A_61, %dma_wait3A_62] : memref<10240x64xf32, #tpu.memory_space<vmem_shared>> -> memref<10240x64xf32, #tpu.memory_space<vmem_shared>>
    tpu.wait_indirect_dma semaphore(%arg44 : memref<!tpu.dma_semaphore, #tpu.memory_space<semaphore_mem>>) src(%arg27 : memref<128x64xf32, #tpu.memory_space<vmem>>) dst(%dma_wait3A_63 : memref<10240x64xf32, #tpu.memory_space<vmem_shared>>)
    %dma_wait3A_64 = arith.constant 0 : i32
    %dma_wait3A_65 = arith.constant 0 : i32
    %dma_wait3A_66 = tpu.memref_slice %arg51[%dma_wait3A_64, %dma_wait3A_65] : memref<10240x8xf32, #tpu.memory_space<vmem_shared>> -> memref<10240x8xf32, #tpu.memory_space<vmem_shared>>
    tpu.wait_indirect_dma semaphore(%arg45 : memref<!tpu.dma_semaphore, #tpu.memory_space<semaphore_mem>>) src(%arg26 : memref<128x8xf32, #tpu.memory_space<vmem>>) dst(%dma_wait3A_66 : memref<10240x8xf32, #tpu.memory_space<vmem_shared>>)
    %dma_wait3A_67 = arith.constant 0 : i32
    %dma_wait3A_68 = arith.constant 0 : i32
    %dma_wait3A_69 = tpu.memref_slice %arg50[%dma_wait3A_67, %dma_wait3A_68] : memref<10240x64xf32, #tpu.memory_space<vmem_shared>> -> memref<10240x64xf32, #tpu.memory_space<vmem_shared>>
    tpu.wait_indirect_dma semaphore(%arg48 : memref<!tpu.dma_semaphore, #tpu.memory_space<semaphore_mem>>) src(%arg33 : memref<128x64xf32, #tpu.memory_space<vmem>>) dst(%dma_wait3A_69 : memref<10240x64xf32, #tpu.memory_space<vmem_shared>>)
    %dma_wait3A_70 = arith.constant 0 : i32
    %dma_wait3A_71 = arith.constant 0 : i32
    %dma_wait3A_72 = tpu.memref_slice %arg51[%dma_wait3A_70, %dma_wait3A_71] : memref<10240x8xf32, #tpu.memory_space<vmem_shared>> -> memref<10240x8xf32, #tpu.memory_space<vmem_shared>>
    tpu.wait_indirect_dma semaphore(%arg49 : memref<!tpu.dma_semaphore, #tpu.memory_space<semaphore_mem>>) src(%arg32 : memref<128x8xf32, #tpu.memory_space<vmem>>) dst(%dma_wait3A_72 : memref<10240x8xf32, #tpu.memory_space<vmem_shared>>)
    %barrier3A_73 = arith.constant 0 : index
    tpu.barrier barrier_id(%barrier3A_73)
    %dma_start3A_74 = arith.constant 0 : i32
    %dma_start3A_75 = tpu.memref_slice %arg8[%arg0, %mul3A_4, %dma_start3A_74] : memref<2x10240x64xf32, #tpu.memory_space<hbm>> -> memref<1x640x64xf32, #tpu.memory_space<hbm>>
    %dma_start3A_76 = tpu.memref_squeeze %dma_start3A_75 : memref<1x640x64xf32, #tpu.memory_space<hbm>> -> memref<640x64xf32, #tpu.memory_space<hbm>>
    %dma_start3A_77 = arith.constant 0 : i32
    %dma_start3A_78 = tpu.memref_slice %arg50[%mul3A_4, %dma_start3A_77] : memref<10240x64xf32, #tpu.memory_space<vmem_shared>> -> memref<640x64xf32, #tpu.memory_space<vmem_shared>>
    tpu.enqueue_dma source(%dma_start3A_78 : memref<640x64xf32, #tpu.memory_space<vmem_shared>>) target(%dma_start3A_76 : memref<640x64xf32, #tpu.memory_space<hbm>>) target_semaphore(%arg34 : memref<!tpu.dma_semaphore, #tpu.memory_space<semaphore_mem>>)
    %dma_start3A_79 = arith.constant 0 : i32
    %dma_start3A_80 = tpu.memref_slice %arg9[%arg0, %mul3A_4, %dma_start3A_79] : memref<2x10240x8xf32, #tpu.memory_space<hbm>> -> memref<1x640x8xf32, #tpu.memory_space<hbm>>
    %dma_start3A_81 = tpu.memref_squeeze %dma_start3A_80 : memref<1x640x8xf32, #tpu.memory_space<hbm>> -> memref<640x8xf32, #tpu.memory_space<hbm>>
    %dma_start3A_82 = arith.constant 0 : i32
    %dma_start3A_83 = tpu.memref_slice %arg51[%mul3A_4, %dma_start3A_82] : memref<10240x8xf32, #tpu.memory_space<vmem_shared>> -> memref<640x8xf32, #tpu.memory_space<vmem_shared>>
    tpu.enqueue_dma source(%dma_start3A_83 : memref<640x8xf32, #tpu.memory_space<vmem_shared>>) target(%dma_start3A_81 : memref<640x8xf32, #tpu.memory_space<hbm>>) target_semaphore(%arg35 : memref<!tpu.dma_semaphore, #tpu.memory_space<semaphore_mem>>)
    %dma_wait3A_84 = arith.constant 0 : i32
    %dma_wait3A_85 = tpu.memref_slice %arg8[%arg0, %mul3A_4, %dma_wait3A_84] : memref<2x10240x64xf32, #tpu.memory_space<hbm>> -> memref<1x640x64xf32, #tpu.memory_space<hbm>>
    %dma_wait3A_86 = tpu.memref_squeeze %dma_wait3A_85 : memref<1x640x64xf32, #tpu.memory_space<hbm>> -> memref<640x64xf32, #tpu.memory_space<hbm>>
    %dma_wait3A_87 = arith.constant 0 : i32
    %dma_wait3A_88 = tpu.memref_slice %arg50[%mul3A_4, %dma_wait3A_87] : memref<10240x64xf32, #tpu.memory_space<vmem_shared>> -> memref<640x64xf32, #tpu.memory_space<vmem_shared>>
    tpu.wait_dma2 semaphore(%arg34 : memref<!tpu.dma_semaphore, #tpu.memory_space<semaphore_mem>>) src(%dma_wait3A_88 : memref<640x64xf32, #tpu.memory_space<vmem_shared>>) dst(%dma_wait3A_86 : memref<640x64xf32, #tpu.memory_space<hbm>>)
    %dma_wait3A_89 = arith.constant 0 : i32
    %dma_wait3A_90 = tpu.memref_slice %arg9[%arg0, %mul3A_4, %dma_wait3A_89] : memref<2x10240x8xf32, #tpu.memory_space<hbm>> -> memref<1x640x8xf32, #tpu.memory_space<hbm>>
    %dma_wait3A_91 = tpu.memref_squeeze %dma_wait3A_90 : memref<1x640x8xf32, #tpu.memory_space<hbm>> -> memref<640x8xf32, #tpu.memory_space<hbm>>
    %dma_wait3A_92 = arith.constant 0 : i32
    %dma_wait3A_93 = tpu.memref_slice %arg51[%mul3A_4, %dma_wait3A_92] : memref<10240x8xf32, #tpu.memory_space<vmem_shared>> -> memref<640x8xf32, #tpu.memory_space<vmem_shared>>
    tpu.wait_dma2 semaphore(%arg35 : memref<!tpu.dma_semaphore, #tpu.memory_space<semaphore_mem>>) src(%dma_wait3A_93 : memref<640x8xf32, #tpu.memory_space<vmem_shared>>) dst(%dma_wait3A_91 : memref<640x8xf32, #tpu.memory_space<hbm>>)
    return
  }
}

#map = affine_map<(d0, d1) -> (0, 0)>
#map1 = affine_map<(d0, d1) -> (0)>
#map2 = affine_map<(d0, d1) -> (0, 0, 0)>
module attributes {stable_mosaic.version = 14 : i64} {
  func.func @_edge2_body_inner(%arg0: i32, %arg1: i32, %arg2: memref<10240x32xf32, #tpu.memory_space<hbm>>, %arg3: memref<10240x8xf32, #tpu.memory_space<hbm>>, %arg4: memref<327680xi32, #tpu.memory_space<hbm>>, %arg5: memref<327680xi32, #tpu.memory_space<hbm>>, %arg6: memref<10240x16xf32, #tpu.memory_space<hbm>>, %arg7: memref<10240x8xf32, #tpu.memory_space<hbm>>, %arg8: memref<2x10240x16xf32, #tpu.memory_space<hbm>>, %arg9: memref<2x10240x8xf32, #tpu.memory_space<hbm>>, %arg10: memref<128xi32, #tpu.memory_space<vmem>>, %arg11: memref<128xi32, #tpu.memory_space<vmem>>, %arg12: memref<128x32xf32, #tpu.memory_space<vmem>>, %arg13: memref<128x8xf32, #tpu.memory_space<vmem>>, %arg14: memref<128x8xf32, #tpu.memory_space<vmem>>, %arg15: memref<128x16xf32, #tpu.memory_space<vmem>>, %arg16: memref<128xi32, #tpu.memory_space<vmem>>, %arg17: memref<128xi32, #tpu.memory_space<vmem>>, %arg18: memref<128x32xf32, #tpu.memory_space<vmem>>, %arg19: memref<128x8xf32, #tpu.memory_space<vmem>>, %arg20: memref<128x8xf32, #tpu.memory_space<vmem>>, %arg21: memref<128x16xf32, #tpu.memory_space<vmem>>, %arg22: memref<128xi32, #tpu.memory_space<vmem>>, %arg23: memref<128xi32, #tpu.memory_space<vmem>>, %arg24: memref<128x32xf32, #tpu.memory_space<vmem>>, %arg25: memref<128x8xf32, #tpu.memory_space<vmem>>, %arg26: memref<128x8xf32, #tpu.memory_space<vmem>>, %arg27: memref<128x16xf32, #tpu.memory_space<vmem>>, %arg28: memref<128xi32, #tpu.memory_space<vmem>>, %arg29: memref<128xi32, #tpu.memory_space<vmem>>, %arg30: memref<128x32xf32, #tpu.memory_space<vmem>>, %arg31: memref<128x8xf32, #tpu.memory_space<vmem>>, %arg32: memref<128x8xf32, #tpu.memory_space<vmem>>, %arg33: memref<128x16xf32, #tpu.memory_space<vmem>>, %arg34: memref<!tpu.dma_semaphore, #tpu.memory_space<semaphore_mem>>, %arg35: memref<!tpu.dma_semaphore, #tpu.memory_space<semaphore_mem>>, %arg36: memref<!tpu.dma_semaphore, #tpu.memory_space<semaphore_mem>>, %arg37: memref<!tpu.dma_semaphore, #tpu.memory_space<semaphore_mem>>, %arg38: memref<!tpu.dma_semaphore, #tpu.memory_space<semaphore_mem>>, %arg39: memref<!tpu.dma_semaphore, #tpu.memory_space<semaphore_mem>>, %arg40: memref<!tpu.dma_semaphore, #tpu.memory_space<semaphore_mem>>, %arg41: memref<!tpu.dma_semaphore, #tpu.memory_space<semaphore_mem>>, %arg42: memref<!tpu.dma_semaphore, #tpu.memory_space<semaphore_mem>>, %arg43: memref<!tpu.dma_semaphore, #tpu.memory_space<semaphore_mem>>, %arg44: memref<!tpu.dma_semaphore, #tpu.memory_space<semaphore_mem>>, %arg45: memref<!tpu.dma_semaphore, #tpu.memory_space<semaphore_mem>>, %arg46: memref<!tpu.dma_semaphore, #tpu.memory_space<semaphore_mem>>, %arg47: memref<!tpu.dma_semaphore, #tpu.memory_space<semaphore_mem>>, %arg48: memref<!tpu.dma_semaphore, #tpu.memory_space<semaphore_mem>>, %arg49: memref<!tpu.dma_semaphore, #tpu.memory_space<semaphore_mem>>, %arg50: memref<10240x16xf32, #tpu.memory_space<vmem_shared>>, %arg51: memref<10240x8xf32, #tpu.memory_space<vmem_shared>>) attributes {dimension_semantics = [#tpu.dimension_semantics<core_parallel>, #tpu.dimension_semantics<subcore_parallel>], iteration_bounds = array<i64: 2, 16>, scalar_prefetch = 0 : i64, scratch_operands = 42 : i64, tpu.core_type = #tpu.core_type<sc_vector_subcore>, window_params = [{transform_indices = #map}, {transform_indices = #map}, {transform_indices = #map1}, {transform_indices = #map1}, {transform_indices = #map}, {transform_indices = #map}, {transform_indices = #map2}, {transform_indices = #map2}]} {
    %iota3A = tpu.iota {dimensions = array<i32: 0>} : vector<16xi32>
    %broadcast_in_dim3A = arith.constant 0.000000e+00 : f32
    %broadcast_in_dim3A_0 = vector.broadcast %broadcast_in_dim3A : f32 to vector<16xf32>
    %parallel_loop3A = arith.constant 0 : i32
    %parallel_loop3A_1 = arith.constant 64 : i32
    %parallel_loop3A_2 = arith.constant 1 : i32
    scf.for %parallel_loop3A_106 = %parallel_loop3A to %parallel_loop3A_1 step %parallel_loop3A_2  : i32 {
      %parallel_loop3A_107 = arith.constant 2 : i32
      %parallel_loop3A_108 = arith.muli %parallel_loop3A_107, %parallel_loop3A_106 : i32
      %parallel_loop3A_109 = arith.constant 3 : i32
      %parallel_loop3A_110 = vector.broadcast %parallel_loop3A_109 : i32 to vector<16xi32>
      %parallel_loop3A_111 = arith.shrsi %iota3A, %parallel_loop3A_110 : vector<16xi32>
      %parallel_loop3A_112 = vector.broadcast %parallel_loop3A_108 : i32 to vector<16xi32>
      %parallel_loop3A_113 = arith.addi %parallel_loop3A_112, %parallel_loop3A_111 : vector<16xi32>
      %parallel_loop3A_114 = arith.constant 7 : i32
      %parallel_loop3A_115 = vector.broadcast %parallel_loop3A_114 : i32 to vector<16xi32>
      %parallel_loop3A_116 = arith.andi %iota3A, %parallel_loop3A_115 : vector<16xi32>
      tpu.vector_store_idx %arg14[%parallel_loop3A_113, %parallel_loop3A_116], %broadcast_in_dim3A_0 : memref<128x8xf32, #tpu.memory_space<vmem>>[vector<16xi32>, vector<16xi32>], vector<16xf32>,
    } {sc.loop_unroll_factor = 4 : i64, sc.parallel_access}
    %parallel_loop3A_3 = arith.constant 0 : i32
    %parallel_loop3A_4 = arith.constant 64 : i32
    %parallel_loop3A_5 = arith.constant 1 : i32
    scf.for %parallel_loop3A_106 = %parallel_loop3A_3 to %parallel_loop3A_4 step %parallel_loop3A_5  : i32 {
      %parallel_loop3A_107 = arith.constant 2 : i32
      %parallel_loop3A_108 = arith.muli %parallel_loop3A_107, %parallel_loop3A_106 : i32
      %parallel_loop3A_109 = arith.constant 3 : i32
      %parallel_loop3A_110 = vector.broadcast %parallel_loop3A_109 : i32 to vector<16xi32>
      %parallel_loop3A_111 = arith.shrsi %iota3A, %parallel_loop3A_110 : vector<16xi32>
      %parallel_loop3A_112 = vector.broadcast %parallel_loop3A_108 : i32 to vector<16xi32>
      %parallel_loop3A_113 = arith.addi %parallel_loop3A_112, %parallel_loop3A_111 : vector<16xi32>
      %parallel_loop3A_114 = arith.constant 7 : i32
      %parallel_loop3A_115 = vector.broadcast %parallel_loop3A_114 : i32 to vector<16xi32>
      %parallel_loop3A_116 = arith.andi %iota3A, %parallel_loop3A_115 : vector<16xi32>
      tpu.vector_store_idx %arg20[%parallel_loop3A_113, %parallel_loop3A_116], %broadcast_in_dim3A_0 : memref<128x8xf32, #tpu.memory_space<vmem>>[vector<16xi32>, vector<16xi32>], vector<16xf32>,
    } {sc.loop_unroll_factor = 4 : i64, sc.parallel_access}
    %parallel_loop3A_6 = arith.constant 0 : i32
    %parallel_loop3A_7 = arith.constant 64 : i32
    %parallel_loop3A_8 = arith.constant 1 : i32
    scf.for %parallel_loop3A_106 = %parallel_loop3A_6 to %parallel_loop3A_7 step %parallel_loop3A_8  : i32 {
      %parallel_loop3A_107 = arith.constant 2 : i32
      %parallel_loop3A_108 = arith.muli %parallel_loop3A_107, %parallel_loop3A_106 : i32
      %parallel_loop3A_109 = arith.constant 3 : i32
      %parallel_loop3A_110 = vector.broadcast %parallel_loop3A_109 : i32 to vector<16xi32>
      %parallel_loop3A_111 = arith.shrsi %iota3A, %parallel_loop3A_110 : vector<16xi32>
      %parallel_loop3A_112 = vector.broadcast %parallel_loop3A_108 : i32 to vector<16xi32>
      %parallel_loop3A_113 = arith.addi %parallel_loop3A_112, %parallel_loop3A_111 : vector<16xi32>
      %parallel_loop3A_114 = arith.constant 7 : i32
      %parallel_loop3A_115 = vector.broadcast %parallel_loop3A_114 : i32 to vector<16xi32>
      %parallel_loop3A_116 = arith.andi %iota3A, %parallel_loop3A_115 : vector<16xi32>
      tpu.vector_store_idx %arg26[%parallel_loop3A_113, %parallel_loop3A_116], %broadcast_in_dim3A_0 : memref<128x8xf32, #tpu.memory_space<vmem>>[vector<16xi32>, vector<16xi32>], vector<16xf32>,
    } {sc.loop_unroll_factor = 4 : i64, sc.parallel_access}
    %parallel_loop3A_9 = arith.constant 0 : i32
    %parallel_loop3A_10 = arith.constant 64 : i32
    %parallel_loop3A_11 = arith.constant 1 : i32
    scf.for %parallel_loop3A_106 = %parallel_loop3A_9 to %parallel_loop3A_10 step %parallel_loop3A_11  : i32 {
      %parallel_loop3A_107 = arith.constant 2 : i32
      %parallel_loop3A_108 = arith.muli %parallel_loop3A_107, %parallel_loop3A_106 : i32
      %parallel_loop3A_109 = arith.constant 3 : i32
      %parallel_loop3A_110 = vector.broadcast %parallel_loop3A_109 : i32 to vector<16xi32>
      %parallel_loop3A_111 = arith.shrsi %iota3A, %parallel_loop3A_110 : vector<16xi32>
      %parallel_loop3A_112 = vector.broadcast %parallel_loop3A_108 : i32 to vector<16xi32>
      %parallel_loop3A_113 = arith.addi %parallel_loop3A_112, %parallel_loop3A_111 : vector<16xi32>
      %parallel_loop3A_114 = arith.constant 7 : i32
      %parallel_loop3A_115 = vector.broadcast %parallel_loop3A_114 : i32 to vector<16xi32>
      %parallel_loop3A_116 = arith.andi %iota3A, %parallel_loop3A_115 : vector<16xi32>
      tpu.vector_store_idx %arg32[%parallel_loop3A_113, %parallel_loop3A_116], %broadcast_in_dim3A_0 : memref<128x8xf32, #tpu.memory_space<vmem>>[vector<16xi32>, vector<16xi32>], vector<16xf32>,
    } {sc.loop_unroll_factor = 4 : i64, sc.parallel_access}
    %mul3A = arith.constant 2 : i32
    %mul3A_12 = arith.muli %arg1, %mul3A : i32
    %add3A = arith.addi %mul3A_12, %arg0 : i32
    %mul3A_13 = arith.constant 80 : i32
    %mul3A_14 = arith.muli %add3A, %mul3A_13 : i32
    %mul3A_15 = arith.constant 640 : i32
    %mul3A_16 = arith.muli %arg1, %mul3A_15 : i32
    "tpu.region"() ({
      %run_scoped3A = tpu.sem_alloc : memref<!tpu.dma_semaphore, #tpu.memory_space<semaphore_mem>>
      %dma_start3A_106 = arith.constant 0 : i32
      %dma_start3A_107 = tpu.memref_slice %arg50[%mul3A_16, %dma_start3A_106] : memref<10240x16xf32, #tpu.memory_space<vmem_shared>> -> memref<640x16xf32, #tpu.memory_space<vmem_shared>>
      %dma_start3A_108 = arith.constant 0 : i32
      %dma_start3A_109 = tpu.memref_slice %arg6[%mul3A_16, %dma_start3A_108] : memref<10240x16xf32, #tpu.memory_space<hbm>> -> memref<640x16xf32, #tpu.memory_space<hbm>>
      tpu.enqueue_dma source(%dma_start3A_109 : memref<640x16xf32, #tpu.memory_space<hbm>>) target(%dma_start3A_107 : memref<640x16xf32, #tpu.memory_space<vmem_shared>>) target_semaphore(%run_scoped3A : memref<!tpu.dma_semaphore, #tpu.memory_space<semaphore_mem>>)
      %dma_wait3A_110 = arith.constant 0 : i32
      %dma_wait3A_111 = tpu.memref_slice %arg50[%mul3A_16, %dma_wait3A_110] : memref<10240x16xf32, #tpu.memory_space<vmem_shared>> -> memref<640x16xf32, #tpu.memory_space<vmem_shared>>
      %dma_wait3A_112 = arith.constant 0 : i32
      %dma_wait3A_113 = tpu.memref_slice %arg6[%mul3A_16, %dma_wait3A_112] : memref<10240x16xf32, #tpu.memory_space<hbm>> -> memref<640x16xf32, #tpu.memory_space<hbm>>
      tpu.wait_dma2 semaphore(%run_scoped3A : memref<!tpu.dma_semaphore, #tpu.memory_space<semaphore_mem>>) src(%dma_wait3A_113 : memref<640x16xf32, #tpu.memory_space<hbm>>) dst(%dma_wait3A_111 : memref<640x16xf32, #tpu.memory_space<vmem_shared>>)
      tpu.yield
    }) : () -> ()
    "tpu.region"() ({
      %run_scoped3A = tpu.sem_alloc : memref<!tpu.dma_semaphore, #tpu.memory_space<semaphore_mem>>
      %dma_start3A_106 = arith.constant 0 : i32
      %dma_start3A_107 = tpu.memref_slice %arg51[%mul3A_16, %dma_start3A_106] : memref<10240x8xf32, #tpu.memory_space<vmem_shared>> -> memref<640x8xf32, #tpu.memory_space<vmem_shared>>
      %dma_start3A_108 = arith.constant 0 : i32
      %dma_start3A_109 = tpu.memref_slice %arg7[%mul3A_16, %dma_start3A_108] : memref<10240x8xf32, #tpu.memory_space<hbm>> -> memref<640x8xf32, #tpu.memory_space<hbm>>
      tpu.enqueue_dma source(%dma_start3A_109 : memref<640x8xf32, #tpu.memory_space<hbm>>) target(%dma_start3A_107 : memref<640x8xf32, #tpu.memory_space<vmem_shared>>) target_semaphore(%run_scoped3A : memref<!tpu.dma_semaphore, #tpu.memory_space<semaphore_mem>>)
      %dma_wait3A_110 = arith.constant 0 : i32
      %dma_wait3A_111 = tpu.memref_slice %arg51[%mul3A_16, %dma_wait3A_110] : memref<10240x8xf32, #tpu.memory_space<vmem_shared>> -> memref<640x8xf32, #tpu.memory_space<vmem_shared>>
      %dma_wait3A_112 = arith.constant 0 : i32
      %dma_wait3A_113 = tpu.memref_slice %arg7[%mul3A_16, %dma_wait3A_112] : memref<10240x8xf32, #tpu.memory_space<hbm>> -> memref<640x8xf32, #tpu.memory_space<hbm>>
      tpu.wait_dma2 semaphore(%run_scoped3A : memref<!tpu.dma_semaphore, #tpu.memory_space<semaphore_mem>>) src(%dma_wait3A_113 : memref<640x8xf32, #tpu.memory_space<hbm>>) dst(%dma_wait3A_111 : memref<640x8xf32, #tpu.memory_space<vmem_shared>>)
      tpu.yield
    }) : () -> ()
    %barrier3A = arith.constant 0 : index
    tpu.barrier barrier_id(%barrier3A)
    %add3A_17 = arith.constant 0 : i32
    %add3A_18 = arith.addi %mul3A_14, %add3A_17 : i32
    %mul3A_19 = arith.constant 128 : i32
    %mul3A_20 = arith.muli %add3A_18, %mul3A_19 : i32
    "tpu.region"() ({
      %run_scoped3A = tpu.sem_alloc : memref<!tpu.dma_semaphore, #tpu.memory_space<semaphore_mem>>
      %dma_start3A_106 = tpu.memref_slice %arg4[%mul3A_20] : memref<327680xi32, #tpu.memory_space<hbm>> -> memref<128xi32, #tpu.memory_space<hbm>>
      %dma_start3A_107 = tpu.memref_slice %arg4[%mul3A_20] : memref<327680xi32, #tpu.memory_space<hbm>> -> memref<128xi32, #tpu.memory_space<hbm>>
      tpu.enqueue_dma source(%dma_start3A_107 : memref<128xi32, #tpu.memory_space<hbm>>) target(%arg10 : memref<128xi32, #tpu.memory_space<vmem>>) target_semaphore(%run_scoped3A : memref<!tpu.dma_semaphore, #tpu.memory_space<semaphore_mem>>)
      %dma_wait3A_108 = tpu.memref_slice %arg4[%mul3A_20] : memref<327680xi32, #tpu.memory_space<hbm>> -> memref<128xi32, #tpu.memory_space<hbm>>
      %dma_wait3A_109 = tpu.memref_slice %arg4[%mul3A_20] : memref<327680xi32, #tpu.memory_space<hbm>> -> memref<128xi32, #tpu.memory_space<hbm>>
      tpu.wait_dma2 semaphore(%run_scoped3A : memref<!tpu.dma_semaphore, #tpu.memory_space<semaphore_mem>>) src(%dma_wait3A_109 : memref<128xi32, #tpu.memory_space<hbm>>) dst(%arg10 : memref<128xi32, #tpu.memory_space<vmem>>)
      tpu.yield
    }) : () -> ()
    "tpu.region"() ({
      %run_scoped3A = tpu.sem_alloc : memref<!tpu.dma_semaphore, #tpu.memory_space<semaphore_mem>>
      %dma_start3A_106 = tpu.memref_slice %arg5[%mul3A_20] : memref<327680xi32, #tpu.memory_space<hbm>> -> memref<128xi32, #tpu.memory_space<hbm>>
      %dma_start3A_107 = tpu.memref_slice %arg5[%mul3A_20] : memref<327680xi32, #tpu.memory_space<hbm>> -> memref<128xi32, #tpu.memory_space<hbm>>
      tpu.enqueue_dma source(%dma_start3A_107 : memref<128xi32, #tpu.memory_space<hbm>>) target(%arg11 : memref<128xi32, #tpu.memory_space<vmem>>) target_semaphore(%run_scoped3A : memref<!tpu.dma_semaphore, #tpu.memory_space<semaphore_mem>>)
      %dma_wait3A_108 = tpu.memref_slice %arg5[%mul3A_20] : memref<327680xi32, #tpu.memory_space<hbm>> -> memref<128xi32, #tpu.memory_space<hbm>>
      %dma_wait3A_109 = tpu.memref_slice %arg5[%mul3A_20] : memref<327680xi32, #tpu.memory_space<hbm>> -> memref<128xi32, #tpu.memory_space<hbm>>
      tpu.wait_dma2 semaphore(%run_scoped3A : memref<!tpu.dma_semaphore, #tpu.memory_space<semaphore_mem>>) src(%dma_wait3A_109 : memref<128xi32, #tpu.memory_space<hbm>>) dst(%arg11 : memref<128xi32, #tpu.memory_space<vmem>>)
      tpu.yield
    }) : () -> ()
    %dma_start3A = arith.constant 0 : i32
    %dma_start3A_21 = arith.constant 0 : i32
    %dma_start3A_22 = tpu.memref_slice %arg2[%dma_start3A, %dma_start3A_21] : memref<10240x32xf32, #tpu.memory_space<hbm>> -> memref<10240x32xf32, #tpu.memory_space<hbm>>
    tpu.enqueue_indirect_dma source(%dma_start3A_22 : memref<10240x32xf32, #tpu.memory_space<hbm>>) target(%arg12 : memref<128x32xf32, #tpu.memory_space<vmem>>) offsets(%arg10 : memref<128xi32, #tpu.memory_space<vmem>>) semaphore(%arg34 : memref<!tpu.dma_semaphore, #tpu.memory_space<semaphore_mem>>)
    %dma_start3A_23 = arith.constant 0 : i32
    %dma_start3A_24 = arith.constant 0 : i32
    %dma_start3A_25 = tpu.memref_slice %arg3[%dma_start3A_23, %dma_start3A_24] : memref<10240x8xf32, #tpu.memory_space<hbm>> -> memref<10240x8xf32, #tpu.memory_space<hbm>>
    tpu.enqueue_indirect_dma source(%dma_start3A_25 : memref<10240x8xf32, #tpu.memory_space<hbm>>) target(%arg13 : memref<128x8xf32, #tpu.memory_space<vmem>>) offsets(%arg11 : memref<128xi32, #tpu.memory_space<vmem>>) semaphore(%arg35 : memref<!tpu.dma_semaphore, #tpu.memory_space<semaphore_mem>>)
    %add3A_26 = arith.constant 1 : i32
    %add3A_27 = arith.addi %mul3A_14, %add3A_26 : i32
    %mul3A_28 = arith.constant 128 : i32
    %mul3A_29 = arith.muli %add3A_27, %mul3A_28 : i32
    "tpu.region"() ({
      %run_scoped3A = tpu.sem_alloc : memref<!tpu.dma_semaphore, #tpu.memory_space<semaphore_mem>>
      %dma_start3A_106 = tpu.memref_slice %arg4[%mul3A_29] : memref<327680xi32, #tpu.memory_space<hbm>> -> memref<128xi32, #tpu.memory_space<hbm>>
      %dma_start3A_107 = tpu.memref_slice %arg4[%mul3A_29] : memref<327680xi32, #tpu.memory_space<hbm>> -> memref<128xi32, #tpu.memory_space<hbm>>
      tpu.enqueue_dma source(%dma_start3A_107 : memref<128xi32, #tpu.memory_space<hbm>>) target(%arg16 : memref<128xi32, #tpu.memory_space<vmem>>) target_semaphore(%run_scoped3A : memref<!tpu.dma_semaphore, #tpu.memory_space<semaphore_mem>>)
      %dma_wait3A_108 = tpu.memref_slice %arg4[%mul3A_29] : memref<327680xi32, #tpu.memory_space<hbm>> -> memref<128xi32, #tpu.memory_space<hbm>>
      %dma_wait3A_109 = tpu.memref_slice %arg4[%mul3A_29] : memref<327680xi32, #tpu.memory_space<hbm>> -> memref<128xi32, #tpu.memory_space<hbm>>
      tpu.wait_dma2 semaphore(%run_scoped3A : memref<!tpu.dma_semaphore, #tpu.memory_space<semaphore_mem>>) src(%dma_wait3A_109 : memref<128xi32, #tpu.memory_space<hbm>>) dst(%arg16 : memref<128xi32, #tpu.memory_space<vmem>>)
      tpu.yield
    }) : () -> ()
    "tpu.region"() ({
      %run_scoped3A = tpu.sem_alloc : memref<!tpu.dma_semaphore, #tpu.memory_space<semaphore_mem>>
      %dma_start3A_106 = tpu.memref_slice %arg5[%mul3A_29] : memref<327680xi32, #tpu.memory_space<hbm>> -> memref<128xi32, #tpu.memory_space<hbm>>
      %dma_start3A_107 = tpu.memref_slice %arg5[%mul3A_29] : memref<327680xi32, #tpu.memory_space<hbm>> -> memref<128xi32, #tpu.memory_space<hbm>>
      tpu.enqueue_dma source(%dma_start3A_107 : memref<128xi32, #tpu.memory_space<hbm>>) target(%arg17 : memref<128xi32, #tpu.memory_space<vmem>>) target_semaphore(%run_scoped3A : memref<!tpu.dma_semaphore, #tpu.memory_space<semaphore_mem>>)
      %dma_wait3A_108 = tpu.memref_slice %arg5[%mul3A_29] : memref<327680xi32, #tpu.memory_space<hbm>> -> memref<128xi32, #tpu.memory_space<hbm>>
      %dma_wait3A_109 = tpu.memref_slice %arg5[%mul3A_29] : memref<327680xi32, #tpu.memory_space<hbm>> -> memref<128xi32, #tpu.memory_space<hbm>>
      tpu.wait_dma2 semaphore(%run_scoped3A : memref<!tpu.dma_semaphore, #tpu.memory_space<semaphore_mem>>) src(%dma_wait3A_109 : memref<128xi32, #tpu.memory_space<hbm>>) dst(%arg17 : memref<128xi32, #tpu.memory_space<vmem>>)
      tpu.yield
    }) : () -> ()
    %dma_start3A_30 = arith.constant 0 : i32
    %dma_start3A_31 = arith.constant 0 : i32
    %dma_start3A_32 = tpu.memref_slice %arg2[%dma_start3A_30, %dma_start3A_31] : memref<10240x32xf32, #tpu.memory_space<hbm>> -> memref<10240x32xf32, #tpu.memory_space<hbm>>
    tpu.enqueue_indirect_dma source(%dma_start3A_32 : memref<10240x32xf32, #tpu.memory_space<hbm>>) target(%arg18 : memref<128x32xf32, #tpu.memory_space<vmem>>) offsets(%arg16 : memref<128xi32, #tpu.memory_space<vmem>>) semaphore(%arg38 : memref<!tpu.dma_semaphore, #tpu.memory_space<semaphore_mem>>)
    %dma_start3A_33 = arith.constant 0 : i32
    %dma_start3A_34 = arith.constant 0 : i32
    %dma_start3A_35 = tpu.memref_slice %arg3[%dma_start3A_33, %dma_start3A_34] : memref<10240x8xf32, #tpu.memory_space<hbm>> -> memref<10240x8xf32, #tpu.memory_space<hbm>>
    tpu.enqueue_indirect_dma source(%dma_start3A_35 : memref<10240x8xf32, #tpu.memory_space<hbm>>) target(%arg19 : memref<128x8xf32, #tpu.memory_space<vmem>>) offsets(%arg17 : memref<128xi32, #tpu.memory_space<vmem>>) semaphore(%arg39 : memref<!tpu.dma_semaphore, #tpu.memory_space<semaphore_mem>>)
    %add3A_36 = arith.constant 2 : i32
    %add3A_37 = arith.addi %mul3A_14, %add3A_36 : i32
    %mul3A_38 = arith.constant 128 : i32
    %mul3A_39 = arith.muli %add3A_37, %mul3A_38 : i32
    "tpu.region"() ({
      %run_scoped3A = tpu.sem_alloc : memref<!tpu.dma_semaphore, #tpu.memory_space<semaphore_mem>>
      %dma_start3A_106 = tpu.memref_slice %arg4[%mul3A_39] : memref<327680xi32, #tpu.memory_space<hbm>> -> memref<128xi32, #tpu.memory_space<hbm>>
      %dma_start3A_107 = tpu.memref_slice %arg4[%mul3A_39] : memref<327680xi32, #tpu.memory_space<hbm>> -> memref<128xi32, #tpu.memory_space<hbm>>
      tpu.enqueue_dma source(%dma_start3A_107 : memref<128xi32, #tpu.memory_space<hbm>>) target(%arg22 : memref<128xi32, #tpu.memory_space<vmem>>) target_semaphore(%run_scoped3A : memref<!tpu.dma_semaphore, #tpu.memory_space<semaphore_mem>>)
      %dma_wait3A_108 = tpu.memref_slice %arg4[%mul3A_39] : memref<327680xi32, #tpu.memory_space<hbm>> -> memref<128xi32, #tpu.memory_space<hbm>>
      %dma_wait3A_109 = tpu.memref_slice %arg4[%mul3A_39] : memref<327680xi32, #tpu.memory_space<hbm>> -> memref<128xi32, #tpu.memory_space<hbm>>
      tpu.wait_dma2 semaphore(%run_scoped3A : memref<!tpu.dma_semaphore, #tpu.memory_space<semaphore_mem>>) src(%dma_wait3A_109 : memref<128xi32, #tpu.memory_space<hbm>>) dst(%arg22 : memref<128xi32, #tpu.memory_space<vmem>>)
      tpu.yield
    }) : () -> ()
    "tpu.region"() ({
      %run_scoped3A = tpu.sem_alloc : memref<!tpu.dma_semaphore, #tpu.memory_space<semaphore_mem>>
      %dma_start3A_106 = tpu.memref_slice %arg5[%mul3A_39] : memref<327680xi32, #tpu.memory_space<hbm>> -> memref<128xi32, #tpu.memory_space<hbm>>
      %dma_start3A_107 = tpu.memref_slice %arg5[%mul3A_39] : memref<327680xi32, #tpu.memory_space<hbm>> -> memref<128xi32, #tpu.memory_space<hbm>>
      tpu.enqueue_dma source(%dma_start3A_107 : memref<128xi32, #tpu.memory_space<hbm>>) target(%arg23 : memref<128xi32, #tpu.memory_space<vmem>>) target_semaphore(%run_scoped3A : memref<!tpu.dma_semaphore, #tpu.memory_space<semaphore_mem>>)
      %dma_wait3A_108 = tpu.memref_slice %arg5[%mul3A_39] : memref<327680xi32, #tpu.memory_space<hbm>> -> memref<128xi32, #tpu.memory_space<hbm>>
      %dma_wait3A_109 = tpu.memref_slice %arg5[%mul3A_39] : memref<327680xi32, #tpu.memory_space<hbm>> -> memref<128xi32, #tpu.memory_space<hbm>>
      tpu.wait_dma2 semaphore(%run_scoped3A : memref<!tpu.dma_semaphore, #tpu.memory_space<semaphore_mem>>) src(%dma_wait3A_109 : memref<128xi32, #tpu.memory_space<hbm>>) dst(%arg23 : memref<128xi32, #tpu.memory_space<vmem>>)
      tpu.yield
    }) : () -> ()
    %dma_start3A_40 = arith.constant 0 : i32
    %dma_start3A_41 = arith.constant 0 : i32
    %dma_start3A_42 = tpu.memref_slice %arg2[%dma_start3A_40, %dma_start3A_41] : memref<10240x32xf32, #tpu.memory_space<hbm>> -> memref<10240x32xf32, #tpu.memory_space<hbm>>
    tpu.enqueue_indirect_dma source(%dma_start3A_42 : memref<10240x32xf32, #tpu.memory_space<hbm>>) target(%arg24 : memref<128x32xf32, #tpu.memory_space<vmem>>) offsets(%arg22 : memref<128xi32, #tpu.memory_space<vmem>>) semaphore(%arg42 : memref<!tpu.dma_semaphore, #tpu.memory_space<semaphore_mem>>)
    %dma_start3A_43 = arith.constant 0 : i32
    %dma_start3A_44 = arith.constant 0 : i32
    %dma_start3A_45 = tpu.memref_slice %arg3[%dma_start3A_43, %dma_start3A_44] : memref<10240x8xf32, #tpu.memory_space<hbm>> -> memref<10240x8xf32, #tpu.memory_space<hbm>>
    tpu.enqueue_indirect_dma source(%dma_start3A_45 : memref<10240x8xf32, #tpu.memory_space<hbm>>) target(%arg25 : memref<128x8xf32, #tpu.memory_space<vmem>>) offsets(%arg23 : memref<128xi32, #tpu.memory_space<vmem>>) semaphore(%arg43 : memref<!tpu.dma_semaphore, #tpu.memory_space<semaphore_mem>>)
    %add3A_46 = arith.constant 3 : i32
    %add3A_47 = arith.addi %mul3A_14, %add3A_46 : i32
    %mul3A_48 = arith.constant 128 : i32
    %mul3A_49 = arith.muli %add3A_47, %mul3A_48 : i32
    "tpu.region"() ({
      %run_scoped3A = tpu.sem_alloc : memref<!tpu.dma_semaphore, #tpu.memory_space<semaphore_mem>>
      %dma_start3A_106 = tpu.memref_slice %arg4[%mul3A_49] : memref<327680xi32, #tpu.memory_space<hbm>> -> memref<128xi32, #tpu.memory_space<hbm>>
      %dma_start3A_107 = tpu.memref_slice %arg4[%mul3A_49] : memref<327680xi32, #tpu.memory_space<hbm>> -> memref<128xi32, #tpu.memory_space<hbm>>
      tpu.enqueue_dma source(%dma_start3A_107 : memref<128xi32, #tpu.memory_space<hbm>>) target(%arg28 : memref<128xi32, #tpu.memory_space<vmem>>) target_semaphore(%run_scoped3A : memref<!tpu.dma_semaphore, #tpu.memory_space<semaphore_mem>>)
      %dma_wait3A_108 = tpu.memref_slice %arg4[%mul3A_49] : memref<327680xi32, #tpu.memory_space<hbm>> -> memref<128xi32, #tpu.memory_space<hbm>>
      %dma_wait3A_109 = tpu.memref_slice %arg4[%mul3A_49] : memref<327680xi32, #tpu.memory_space<hbm>> -> memref<128xi32, #tpu.memory_space<hbm>>
      tpu.wait_dma2 semaphore(%run_scoped3A : memref<!tpu.dma_semaphore, #tpu.memory_space<semaphore_mem>>) src(%dma_wait3A_109 : memref<128xi32, #tpu.memory_space<hbm>>) dst(%arg28 : memref<128xi32, #tpu.memory_space<vmem>>)
      tpu.yield
    }) : () -> ()
    "tpu.region"() ({
      %run_scoped3A = tpu.sem_alloc : memref<!tpu.dma_semaphore, #tpu.memory_space<semaphore_mem>>
      %dma_start3A_106 = tpu.memref_slice %arg5[%mul3A_49] : memref<327680xi32, #tpu.memory_space<hbm>> -> memref<128xi32, #tpu.memory_space<hbm>>
      %dma_start3A_107 = tpu.memref_slice %arg5[%mul3A_49] : memref<327680xi32, #tpu.memory_space<hbm>> -> memref<128xi32, #tpu.memory_space<hbm>>
      tpu.enqueue_dma source(%dma_start3A_107 : memref<128xi32, #tpu.memory_space<hbm>>) target(%arg29 : memref<128xi32, #tpu.memory_space<vmem>>) target_semaphore(%run_scoped3A : memref<!tpu.dma_semaphore, #tpu.memory_space<semaphore_mem>>)
      %dma_wait3A_108 = tpu.memref_slice %arg5[%mul3A_49] : memref<327680xi32, #tpu.memory_space<hbm>> -> memref<128xi32, #tpu.memory_space<hbm>>
      %dma_wait3A_109 = tpu.memref_slice %arg5[%mul3A_49] : memref<327680xi32, #tpu.memory_space<hbm>> -> memref<128xi32, #tpu.memory_space<hbm>>
      tpu.wait_dma2 semaphore(%run_scoped3A : memref<!tpu.dma_semaphore, #tpu.memory_space<semaphore_mem>>) src(%dma_wait3A_109 : memref<128xi32, #tpu.memory_space<hbm>>) dst(%arg29 : memref<128xi32, #tpu.memory_space<vmem>>)
      tpu.yield
    }) : () -> ()
    %dma_start3A_50 = arith.constant 0 : i32
    %dma_start3A_51 = arith.constant 0 : i32
    %dma_start3A_52 = tpu.memref_slice %arg2[%dma_start3A_50, %dma_start3A_51] : memref<10240x32xf32, #tpu.memory_space<hbm>> -> memref<10240x32xf32, #tpu.memory_space<hbm>>
    tpu.enqueue_indirect_dma source(%dma_start3A_52 : memref<10240x32xf32, #tpu.memory_space<hbm>>) target(%arg30 : memref<128x32xf32, #tpu.memory_space<vmem>>) offsets(%arg28 : memref<128xi32, #tpu.memory_space<vmem>>) semaphore(%arg46 : memref<!tpu.dma_semaphore, #tpu.memory_space<semaphore_mem>>)
    %dma_start3A_53 = arith.constant 0 : i32
    %dma_start3A_54 = arith.constant 0 : i32
    %dma_start3A_55 = tpu.memref_slice %arg3[%dma_start3A_53, %dma_start3A_54] : memref<10240x8xf32, #tpu.memory_space<hbm>> -> memref<10240x8xf32, #tpu.memory_space<hbm>>
    tpu.enqueue_indirect_dma source(%dma_start3A_55 : memref<10240x8xf32, #tpu.memory_space<hbm>>) target(%arg31 : memref<128x8xf32, #tpu.memory_space<vmem>>) offsets(%arg29 : memref<128xi32, #tpu.memory_space<vmem>>) semaphore(%arg47 : memref<!tpu.dma_semaphore, #tpu.memory_space<semaphore_mem>>)
    %scan3A = arith.constant 0 : i32
    %scan3A_56 = arith.constant 0 : i32
    %scan3A_57 = arith.constant 20 : i32
    %scan3A_58 = arith.addi %scan3A_56, %scan3A_57 : i32
    %scan3A_59 = arith.constant 1 : i32
    %scan3A_60 = scf.for %scan3A_106 = %scan3A_56 to %scan3A_58 step %scan3A_59 iter_args(%scan3A_107 = %scan3A) -> (i32)  : i32 {
      %dma_wait3A_108 = arith.constant 0 : i32
      %dma_wait3A_109 = arith.constant 0 : i32
      %dma_wait3A_110 = tpu.memref_slice %arg2[%dma_wait3A_108, %dma_wait3A_109] : memref<10240x32xf32, #tpu.memory_space<hbm>> -> memref<10240x32xf32, #tpu.memory_space<hbm>>
      tpu.wait_indirect_dma semaphore(%arg34 : memref<!tpu.dma_semaphore, #tpu.memory_space<semaphore_mem>>) src(%dma_wait3A_110 : memref<10240x32xf32, #tpu.memory_space<hbm>>) dst(%arg12 : memref<128x32xf32, #tpu.memory_space<vmem>>)
      %dma_wait3A_111 = arith.constant 0 : i32
      %dma_wait3A_112 = arith.constant 0 : i32
      %dma_wait3A_113 = tpu.memref_slice %arg3[%dma_wait3A_111, %dma_wait3A_112] : memref<10240x8xf32, #tpu.memory_space<hbm>> -> memref<10240x8xf32, #tpu.memory_space<hbm>>
      tpu.wait_indirect_dma semaphore(%arg35 : memref<!tpu.dma_semaphore, #tpu.memory_space<semaphore_mem>>) src(%dma_wait3A_113 : memref<10240x8xf32, #tpu.memory_space<hbm>>) dst(%arg13 : memref<128x8xf32, #tpu.memory_space<vmem>>)
      %iota3A_114 = tpu.iota {dimensions = array<i32: 0>} : vector<16xi32>
      %parallel_loop3A_115 = arith.constant 0 : i32
      %parallel_loop3A_116 = arith.constant 8 : i32
      %parallel_loop3A_117 = arith.constant 1 : i32
      scf.for %parallel_loop3A_187 = %parallel_loop3A_115 to %parallel_loop3A_116 step %parallel_loop3A_117  : i32 {
        %parallel_loop3A_188 = arith.constant 16 : i32
        %parallel_loop3A_189 = arith.muli %parallel_loop3A_188, %parallel_loop3A_187 : i32
        %parallel_loop3A_190 = vector.broadcast %parallel_loop3A_189 : i32 to vector<16xi32>
        %parallel_loop3A_191 = arith.addi %parallel_loop3A_190, %iota3A_114 : vector<16xi32>
        %parallel_loop3A_192 = arith.constant 16 : i32
        %parallel_loop3A_193 = vector.broadcast %parallel_loop3A_192 : i32 to vector<16xi32>
        %parallel_loop3A_194 = tpu.vector_load_idx %arg12[%parallel_loop3A_191, %parallel_loop3A_193] : memref<128x32xf32, #tpu.memory_space<vmem>>[vector<16xi32>, vector<16xi32>], vector<16xf32>,
        %parallel_loop3A_195 = arith.constant 0 : i32
        %parallel_loop3A_196 = vector.broadcast %parallel_loop3A_195 : i32 to vector<16xi32>
        %parallel_loop3A_197 = tpu.vector_load_idx %arg13[%parallel_loop3A_191, %parallel_loop3A_196] : memref<128x8xf32, #tpu.memory_space<vmem>>[vector<16xi32>, vector<16xi32>], vector<16xf32>,
        %parallel_loop3A_198 = arith.addf %parallel_loop3A_194, %parallel_loop3A_197 : vector<16xf32>
        %parallel_loop3A_199 = arith.constant 0.000000e+00 : f32
        %parallel_loop3A_200 = vector.broadcast %parallel_loop3A_199 : f32 to vector<16xf32>
        %parallel_loop3A_201 = arith.cmpf oge, %parallel_loop3A_198, %parallel_loop3A_200 : vector<16xf32>
        %parallel_loop3A_202 = arith.constant 2.000000e-01 : f32
        %parallel_loop3A_203 = vector.broadcast %parallel_loop3A_202 : f32 to vector<16xf32>
        %parallel_loop3A_204 = arith.mulf %parallel_loop3A_203, %parallel_loop3A_198 : vector<16xf32>
        %parallel_loop3A_205 = arith.select %parallel_loop3A_201, %parallel_loop3A_198, %parallel_loop3A_204 : vector<16xi1>, vector<16xf32>
        %parallel_loop3A_206 = arith.constant 0 : i32
        %parallel_loop3A_207 = vector.broadcast %parallel_loop3A_206 : i32 to vector<16xi32>
        %parallel_loop3A_208 = math.exp %parallel_loop3A_205 : vector<16xf32>
        tpu.vector_store_idx %arg14[%parallel_loop3A_191, %parallel_loop3A_207], %parallel_loop3A_208 : memref<128x8xf32, #tpu.memory_space<vmem>>[vector<16xi32>, vector<16xi32>], vector<16xf32>,
      } {sc.loop_unroll_factor = 2 : i64, sc.parallel_access}
      %parallel_loop3A_118 = arith.constant 0 : i32
      %parallel_loop3A_119 = arith.constant 128 : i32
      %parallel_loop3A_120 = arith.constant 1 : i32
      scf.for %parallel_loop3A_187 = %parallel_loop3A_118 to %parallel_loop3A_119 step %parallel_loop3A_120  : i32 {
        %parallel_loop3A_188 = vector.broadcast %parallel_loop3A_187 : i32 to vector<16xi32>
        %parallel_loop3A_189 = tpu.vector_load_idx %arg12[%parallel_loop3A_188, %iota3A_114] : memref<128x32xf32, #tpu.memory_space<vmem>>[vector<16xi32>, vector<16xi32>], vector<16xf32>,
        %parallel_loop3A_190 = arith.constant 0 : i32
        %parallel_loop3A_191 = vector.broadcast %parallel_loop3A_190 : i32 to vector<16xi32>
        %parallel_loop3A_192 = tpu.vector_load_idx %arg14[%parallel_loop3A_188, %parallel_loop3A_191] : memref<128x8xf32, #tpu.memory_space<vmem>>[vector<16xi32>, vector<16xi32>], vector<16xf32>,
        %parallel_loop3A_193 = arith.mulf %parallel_loop3A_189, %parallel_loop3A_192 : vector<16xf32>
        tpu.vector_store_idx %arg15[%parallel_loop3A_188, %iota3A_114], %parallel_loop3A_193 : memref<128x16xf32, #tpu.memory_space<vmem>>[vector<16xi32>, vector<16xi32>], vector<16xf32>,
      } {sc.loop_unroll_factor = 4 : i64, sc.parallel_access}
      %dma_start3A_121 = arith.constant 0 : i32
      %dma_start3A_122 = arith.constant 0 : i32
      %dma_start3A_123 = tpu.memref_slice %arg50[%dma_start3A_121, %dma_start3A_122] : memref<10240x16xf32, #tpu.memory_space<vmem_shared>> -> memref<10240x16xf32, #tpu.memory_space<vmem_shared>>
      tpu.enqueue_indirect_dma source(%arg15 : memref<128x16xf32, #tpu.memory_space<vmem>>) target(%dma_start3A_123 : memref<10240x16xf32, #tpu.memory_space<vmem_shared>>) offsets(%arg11 : memref<128xi32, #tpu.memory_space<vmem>>) semaphore(%arg36 : memref<!tpu.dma_semaphore, #tpu.memory_space<semaphore_mem>>) {add = true}
      %dma_start3A_124 = arith.constant 0 : i32
      %dma_start3A_125 = arith.constant 0 : i32
      %dma_start3A_126 = tpu.memref_slice %arg51[%dma_start3A_124, %dma_start3A_125] : memref<10240x8xf32, #tpu.memory_space<vmem_shared>> -> memref<10240x8xf32, #tpu.memory_space<vmem_shared>>
      tpu.enqueue_indirect_dma source(%arg14 : memref<128x8xf32, #tpu.memory_space<vmem>>) target(%dma_start3A_126 : memref<10240x8xf32, #tpu.memory_space<vmem_shared>>) offsets(%arg11 : memref<128xi32, #tpu.memory_space<vmem>>) semaphore(%arg37 : memref<!tpu.dma_semaphore, #tpu.memory_space<semaphore_mem>>) {add = true}
      %dma_wait3A_127 = arith.constant 0 : i32
      %dma_wait3A_128 = arith.constant 0 : i32
      %dma_wait3A_129 = tpu.memref_slice %arg2[%dma_wait3A_127, %dma_wait3A_128] : memref<10240x32xf32, #tpu.memory_space<hbm>> -> memref<10240x32xf32, #tpu.memory_space<hbm>>
      tpu.wait_indirect_dma semaphore(%arg38 : memref<!tpu.dma_semaphore, #tpu.memory_space<semaphore_mem>>) src(%dma_wait3A_129 : memref<10240x32xf32, #tpu.memory_space<hbm>>) dst(%arg18 : memref<128x32xf32, #tpu.memory_space<vmem>>)
      %dma_wait3A_130 = arith.constant 0 : i32
      %dma_wait3A_131 = arith.constant 0 : i32
      %dma_wait3A_132 = tpu.memref_slice %arg3[%dma_wait3A_130, %dma_wait3A_131] : memref<10240x8xf32, #tpu.memory_space<hbm>> -> memref<10240x8xf32, #tpu.memory_space<hbm>>
      tpu.wait_indirect_dma semaphore(%arg39 : memref<!tpu.dma_semaphore, #tpu.memory_space<semaphore_mem>>) src(%dma_wait3A_132 : memref<10240x8xf32, #tpu.memory_space<hbm>>) dst(%arg19 : memref<128x8xf32, #tpu.memory_space<vmem>>)
      %iota3A_133 = tpu.iota {dimensions = array<i32: 0>} : vector<16xi32>
      %parallel_loop3A_134 = arith.constant 0 : i32
      %parallel_loop3A_135 = arith.constant 8 : i32
      %parallel_loop3A_136 = arith.constant 1 : i32
      scf.for %parallel_loop3A_187 = %parallel_loop3A_134 to %parallel_loop3A_135 step %parallel_loop3A_136  : i32 {
        %parallel_loop3A_188 = arith.constant 16 : i32
        %parallel_loop3A_189 = arith.muli %parallel_loop3A_188, %parallel_loop3A_187 : i32
        %parallel_loop3A_190 = vector.broadcast %parallel_loop3A_189 : i32 to vector<16xi32>
        %parallel_loop3A_191 = arith.addi %parallel_loop3A_190, %iota3A_133 : vector<16xi32>
        %parallel_loop3A_192 = arith.constant 16 : i32
        %parallel_loop3A_193 = vector.broadcast %parallel_loop3A_192 : i32 to vector<16xi32>
        %parallel_loop3A_194 = tpu.vector_load_idx %arg18[%parallel_loop3A_191, %parallel_loop3A_193] : memref<128x32xf32, #tpu.memory_space<vmem>>[vector<16xi32>, vector<16xi32>], vector<16xf32>,
        %parallel_loop3A_195 = arith.constant 0 : i32
        %parallel_loop3A_196 = vector.broadcast %parallel_loop3A_195 : i32 to vector<16xi32>
        %parallel_loop3A_197 = tpu.vector_load_idx %arg19[%parallel_loop3A_191, %parallel_loop3A_196] : memref<128x8xf32, #tpu.memory_space<vmem>>[vector<16xi32>, vector<16xi32>], vector<16xf32>,
        %parallel_loop3A_198 = arith.addf %parallel_loop3A_194, %parallel_loop3A_197 : vector<16xf32>
        %parallel_loop3A_199 = arith.constant 0.000000e+00 : f32
        %parallel_loop3A_200 = vector.broadcast %parallel_loop3A_199 : f32 to vector<16xf32>
        %parallel_loop3A_201 = arith.cmpf oge, %parallel_loop3A_198, %parallel_loop3A_200 : vector<16xf32>
        %parallel_loop3A_202 = arith.constant 2.000000e-01 : f32
        %parallel_loop3A_203 = vector.broadcast %parallel_loop3A_202 : f32 to vector<16xf32>
        %parallel_loop3A_204 = arith.mulf %parallel_loop3A_203, %parallel_loop3A_198 : vector<16xf32>
        %parallel_loop3A_205 = arith.select %parallel_loop3A_201, %parallel_loop3A_198, %parallel_loop3A_204 : vector<16xi1>, vector<16xf32>
        %parallel_loop3A_206 = arith.constant 0 : i32
        %parallel_loop3A_207 = vector.broadcast %parallel_loop3A_206 : i32 to vector<16xi32>
        %parallel_loop3A_208 = math.exp %parallel_loop3A_205 : vector<16xf32>
        tpu.vector_store_idx %arg20[%parallel_loop3A_191, %parallel_loop3A_207], %parallel_loop3A_208 : memref<128x8xf32, #tpu.memory_space<vmem>>[vector<16xi32>, vector<16xi32>], vector<16xf32>,
      } {sc.loop_unroll_factor = 2 : i64, sc.parallel_access}
      %parallel_loop3A_137 = arith.constant 0 : i32
      %parallel_loop3A_138 = arith.constant 128 : i32
      %parallel_loop3A_139 = arith.constant 1 : i32
      scf.for %parallel_loop3A_187 = %parallel_loop3A_137 to %parallel_loop3A_138 step %parallel_loop3A_139  : i32 {
        %parallel_loop3A_188 = vector.broadcast %parallel_loop3A_187 : i32 to vector<16xi32>
        %parallel_loop3A_189 = tpu.vector_load_idx %arg18[%parallel_loop3A_188, %iota3A_133] : memref<128x32xf32, #tpu.memory_space<vmem>>[vector<16xi32>, vector<16xi32>], vector<16xf32>,
        %parallel_loop3A_190 = arith.constant 0 : i32
        %parallel_loop3A_191 = vector.broadcast %parallel_loop3A_190 : i32 to vector<16xi32>
        %parallel_loop3A_192 = tpu.vector_load_idx %arg20[%parallel_loop3A_188, %parallel_loop3A_191] : memref<128x8xf32, #tpu.memory_space<vmem>>[vector<16xi32>, vector<16xi32>], vector<16xf32>,
        %parallel_loop3A_193 = arith.mulf %parallel_loop3A_189, %parallel_loop3A_192 : vector<16xf32>
        tpu.vector_store_idx %arg21[%parallel_loop3A_188, %iota3A_133], %parallel_loop3A_193 : memref<128x16xf32, #tpu.memory_space<vmem>>[vector<16xi32>, vector<16xi32>], vector<16xf32>,
      } {sc.loop_unroll_factor = 4 : i64, sc.parallel_access}
      %dma_start3A_140 = arith.constant 0 : i32
      %dma_start3A_141 = arith.constant 0 : i32
      %dma_start3A_142 = tpu.memref_slice %arg50[%dma_start3A_140, %dma_start3A_141] : memref<10240x16xf32, #tpu.memory_space<vmem_shared>> -> memref<10240x16xf32, #tpu.memory_space<vmem_shared>>
      tpu.enqueue_indirect_dma source(%arg21 : memref<128x16xf32, #tpu.memory_space<vmem>>) target(%dma_start3A_142 : memref<10240x16xf32, #tpu.memory_space<vmem_shared>>) offsets(%arg17 : memref<128xi32, #tpu.memory_space<vmem>>) semaphore(%arg40 : memref<!tpu.dma_semaphore, #tpu.memory_space<semaphore_mem>>) {add = true}
      %dma_start3A_143 = arith.constant 0 : i32
      %dma_start3A_144 = arith.constant 0 : i32
      %dma_start3A_145 = tpu.memref_slice %arg51[%dma_start3A_143, %dma_start3A_144] : memref<10240x8xf32, #tpu.memory_space<vmem_shared>> -> memref<10240x8xf32, #tpu.memory_space<vmem_shared>>
      tpu.enqueue_indirect_dma source(%arg20 : memref<128x8xf32, #tpu.memory_space<vmem>>) target(%dma_start3A_145 : memref<10240x8xf32, #tpu.memory_space<vmem_shared>>) offsets(%arg17 : memref<128xi32, #tpu.memory_space<vmem>>) semaphore(%arg41 : memref<!tpu.dma_semaphore, #tpu.memory_space<semaphore_mem>>) {add = true}
      %dma_wait3A_146 = arith.constant 0 : i32
      %dma_wait3A_147 = arith.constant 0 : i32
      %dma_wait3A_148 = tpu.memref_slice %arg2[%dma_wait3A_146, %dma_wait3A_147] : memref<10240x32xf32, #tpu.memory_space<hbm>> -> memref<10240x32xf32, #tpu.memory_space<hbm>>
      tpu.wait_indirect_dma semaphore(%arg42 : memref<!tpu.dma_semaphore, #tpu.memory_space<semaphore_mem>>) src(%dma_wait3A_148 : memref<10240x32xf32, #tpu.memory_space<hbm>>) dst(%arg24 : memref<128x32xf32, #tpu.memory_space<vmem>>)
      %dma_wait3A_149 = arith.constant 0 : i32
      %dma_wait3A_150 = arith.constant 0 : i32
      %dma_wait3A_151 = tpu.memref_slice %arg3[%dma_wait3A_149, %dma_wait3A_150] : memref<10240x8xf32, #tpu.memory_space<hbm>> -> memref<10240x8xf32, #tpu.memory_space<hbm>>
      tpu.wait_indirect_dma semaphore(%arg43 : memref<!tpu.dma_semaphore, #tpu.memory_space<semaphore_mem>>) src(%dma_wait3A_151 : memref<10240x8xf32, #tpu.memory_space<hbm>>) dst(%arg25 : memref<128x8xf32, #tpu.memory_space<vmem>>)
      %iota3A_152 = tpu.iota {dimensions = array<i32: 0>} : vector<16xi32>
      %parallel_loop3A_153 = arith.constant 0 : i32
      %parallel_loop3A_154 = arith.constant 8 : i32
      %parallel_loop3A_155 = arith.constant 1 : i32
      scf.for %parallel_loop3A_187 = %parallel_loop3A_153 to %parallel_loop3A_154 step %parallel_loop3A_155  : i32 {
        %parallel_loop3A_188 = arith.constant 16 : i32
        %parallel_loop3A_189 = arith.muli %parallel_loop3A_188, %parallel_loop3A_187 : i32
        %parallel_loop3A_190 = vector.broadcast %parallel_loop3A_189 : i32 to vector<16xi32>
        %parallel_loop3A_191 = arith.addi %parallel_loop3A_190, %iota3A_152 : vector<16xi32>
        %parallel_loop3A_192 = arith.constant 16 : i32
        %parallel_loop3A_193 = vector.broadcast %parallel_loop3A_192 : i32 to vector<16xi32>
        %parallel_loop3A_194 = tpu.vector_load_idx %arg24[%parallel_loop3A_191, %parallel_loop3A_193] : memref<128x32xf32, #tpu.memory_space<vmem>>[vector<16xi32>, vector<16xi32>], vector<16xf32>,
        %parallel_loop3A_195 = arith.constant 0 : i32
        %parallel_loop3A_196 = vector.broadcast %parallel_loop3A_195 : i32 to vector<16xi32>
        %parallel_loop3A_197 = tpu.vector_load_idx %arg25[%parallel_loop3A_191, %parallel_loop3A_196] : memref<128x8xf32, #tpu.memory_space<vmem>>[vector<16xi32>, vector<16xi32>], vector<16xf32>,
        %parallel_loop3A_198 = arith.addf %parallel_loop3A_194, %parallel_loop3A_197 : vector<16xf32>
        %parallel_loop3A_199 = arith.constant 0.000000e+00 : f32
        %parallel_loop3A_200 = vector.broadcast %parallel_loop3A_199 : f32 to vector<16xf32>
        %parallel_loop3A_201 = arith.cmpf oge, %parallel_loop3A_198, %parallel_loop3A_200 : vector<16xf32>
        %parallel_loop3A_202 = arith.constant 2.000000e-01 : f32
        %parallel_loop3A_203 = vector.broadcast %parallel_loop3A_202 : f32 to vector<16xf32>
        %parallel_loop3A_204 = arith.mulf %parallel_loop3A_203, %parallel_loop3A_198 : vector<16xf32>
        %parallel_loop3A_205 = arith.select %parallel_loop3A_201, %parallel_loop3A_198, %parallel_loop3A_204 : vector<16xi1>, vector<16xf32>
        %parallel_loop3A_206 = arith.constant 0 : i32
        %parallel_loop3A_207 = vector.broadcast %parallel_loop3A_206 : i32 to vector<16xi32>
        %parallel_loop3A_208 = math.exp %parallel_loop3A_205 : vector<16xf32>
        tpu.vector_store_idx %arg26[%parallel_loop3A_191, %parallel_loop3A_207], %parallel_loop3A_208 : memref<128x8xf32, #tpu.memory_space<vmem>>[vector<16xi32>, vector<16xi32>], vector<16xf32>,
      } {sc.loop_unroll_factor = 2 : i64, sc.parallel_access}
      %parallel_loop3A_156 = arith.constant 0 : i32
      %parallel_loop3A_157 = arith.constant 128 : i32
      %parallel_loop3A_158 = arith.constant 1 : i32
      scf.for %parallel_loop3A_187 = %parallel_loop3A_156 to %parallel_loop3A_157 step %parallel_loop3A_158  : i32 {
        %parallel_loop3A_188 = vector.broadcast %parallel_loop3A_187 : i32 to vector<16xi32>
        %parallel_loop3A_189 = tpu.vector_load_idx %arg24[%parallel_loop3A_188, %iota3A_152] : memref<128x32xf32, #tpu.memory_space<vmem>>[vector<16xi32>, vector<16xi32>], vector<16xf32>,
        %parallel_loop3A_190 = arith.constant 0 : i32
        %parallel_loop3A_191 = vector.broadcast %parallel_loop3A_190 : i32 to vector<16xi32>
        %parallel_loop3A_192 = tpu.vector_load_idx %arg26[%parallel_loop3A_188, %parallel_loop3A_191] : memref<128x8xf32, #tpu.memory_space<vmem>>[vector<16xi32>, vector<16xi32>], vector<16xf32>,
        %parallel_loop3A_193 = arith.mulf %parallel_loop3A_189, %parallel_loop3A_192 : vector<16xf32>
        tpu.vector_store_idx %arg27[%parallel_loop3A_188, %iota3A_152], %parallel_loop3A_193 : memref<128x16xf32, #tpu.memory_space<vmem>>[vector<16xi32>, vector<16xi32>], vector<16xf32>,
      } {sc.loop_unroll_factor = 4 : i64, sc.parallel_access}
      %dma_start3A_159 = arith.constant 0 : i32
      %dma_start3A_160 = arith.constant 0 : i32
      %dma_start3A_161 = tpu.memref_slice %arg50[%dma_start3A_159, %dma_start3A_160] : memref<10240x16xf32, #tpu.memory_space<vmem_shared>> -> memref<10240x16xf32, #tpu.memory_space<vmem_shared>>
      tpu.enqueue_indirect_dma source(%arg27 : memref<128x16xf32, #tpu.memory_space<vmem>>) target(%dma_start3A_161 : memref<10240x16xf32, #tpu.memory_space<vmem_shared>>) offsets(%arg23 : memref<128xi32, #tpu.memory_space<vmem>>) semaphore(%arg44 : memref<!tpu.dma_semaphore, #tpu.memory_space<semaphore_mem>>) {add = true}
      %dma_start3A_162 = arith.constant 0 : i32
      %dma_start3A_163 = arith.constant 0 : i32
      %dma_start3A_164 = tpu.memref_slice %arg51[%dma_start3A_162, %dma_start3A_163] : memref<10240x8xf32, #tpu.memory_space<vmem_shared>> -> memref<10240x8xf32, #tpu.memory_space<vmem_shared>>
      tpu.enqueue_indirect_dma source(%arg26 : memref<128x8xf32, #tpu.memory_space<vmem>>) target(%dma_start3A_164 : memref<10240x8xf32, #tpu.memory_space<vmem_shared>>) offsets(%arg23 : memref<128xi32, #tpu.memory_space<vmem>>) semaphore(%arg45 : memref<!tpu.dma_semaphore, #tpu.memory_space<semaphore_mem>>) {add = true}
      %dma_wait3A_165 = arith.constant 0 : i32
      %dma_wait3A_166 = arith.constant 0 : i32
      %dma_wait3A_167 = tpu.memref_slice %arg2[%dma_wait3A_165, %dma_wait3A_166] : memref<10240x32xf32, #tpu.memory_space<hbm>> -> memref<10240x32xf32, #tpu.memory_space<hbm>>
      tpu.wait_indirect_dma semaphore(%arg46 : memref<!tpu.dma_semaphore, #tpu.memory_space<semaphore_mem>>) src(%dma_wait3A_167 : memref<10240x32xf32, #tpu.memory_space<hbm>>) dst(%arg30 : memref<128x32xf32, #tpu.memory_space<vmem>>)
      %dma_wait3A_168 = arith.constant 0 : i32
      %dma_wait3A_169 = arith.constant 0 : i32
      %dma_wait3A_170 = tpu.memref_slice %arg3[%dma_wait3A_168, %dma_wait3A_169] : memref<10240x8xf32, #tpu.memory_space<hbm>> -> memref<10240x8xf32, #tpu.memory_space<hbm>>
      tpu.wait_indirect_dma semaphore(%arg47 : memref<!tpu.dma_semaphore, #tpu.memory_space<semaphore_mem>>) src(%dma_wait3A_170 : memref<10240x8xf32, #tpu.memory_space<hbm>>) dst(%arg31 : memref<128x8xf32, #tpu.memory_space<vmem>>)
      %iota3A_171 = tpu.iota {dimensions = array<i32: 0>} : vector<16xi32>
      %parallel_loop3A_172 = arith.constant 0 : i32
      %parallel_loop3A_173 = arith.constant 8 : i32
      %parallel_loop3A_174 = arith.constant 1 : i32
      scf.for %parallel_loop3A_187 = %parallel_loop3A_172 to %parallel_loop3A_173 step %parallel_loop3A_174  : i32 {
        %parallel_loop3A_188 = arith.constant 16 : i32
        %parallel_loop3A_189 = arith.muli %parallel_loop3A_188, %parallel_loop3A_187 : i32
        %parallel_loop3A_190 = vector.broadcast %parallel_loop3A_189 : i32 to vector<16xi32>
        %parallel_loop3A_191 = arith.addi %parallel_loop3A_190, %iota3A_171 : vector<16xi32>
        %parallel_loop3A_192 = arith.constant 16 : i32
        %parallel_loop3A_193 = vector.broadcast %parallel_loop3A_192 : i32 to vector<16xi32>
        %parallel_loop3A_194 = tpu.vector_load_idx %arg30[%parallel_loop3A_191, %parallel_loop3A_193] : memref<128x32xf32, #tpu.memory_space<vmem>>[vector<16xi32>, vector<16xi32>], vector<16xf32>,
        %parallel_loop3A_195 = arith.constant 0 : i32
        %parallel_loop3A_196 = vector.broadcast %parallel_loop3A_195 : i32 to vector<16xi32>
        %parallel_loop3A_197 = tpu.vector_load_idx %arg31[%parallel_loop3A_191, %parallel_loop3A_196] : memref<128x8xf32, #tpu.memory_space<vmem>>[vector<16xi32>, vector<16xi32>], vector<16xf32>,
        %parallel_loop3A_198 = arith.addf %parallel_loop3A_194, %parallel_loop3A_197 : vector<16xf32>
        %parallel_loop3A_199 = arith.constant 0.000000e+00 : f32
        %parallel_loop3A_200 = vector.broadcast %parallel_loop3A_199 : f32 to vector<16xf32>
        %parallel_loop3A_201 = arith.cmpf oge, %parallel_loop3A_198, %parallel_loop3A_200 : vector<16xf32>
        %parallel_loop3A_202 = arith.constant 2.000000e-01 : f32
        %parallel_loop3A_203 = vector.broadcast %parallel_loop3A_202 : f32 to vector<16xf32>
        %parallel_loop3A_204 = arith.mulf %parallel_loop3A_203, %parallel_loop3A_198 : vector<16xf32>
        %parallel_loop3A_205 = arith.select %parallel_loop3A_201, %parallel_loop3A_198, %parallel_loop3A_204 : vector<16xi1>, vector<16xf32>
        %parallel_loop3A_206 = arith.constant 0 : i32
        %parallel_loop3A_207 = vector.broadcast %parallel_loop3A_206 : i32 to vector<16xi32>
        %parallel_loop3A_208 = math.exp %parallel_loop3A_205 : vector<16xf32>
        tpu.vector_store_idx %arg32[%parallel_loop3A_191, %parallel_loop3A_207], %parallel_loop3A_208 : memref<128x8xf32, #tpu.memory_space<vmem>>[vector<16xi32>, vector<16xi32>], vector<16xf32>,
      } {sc.loop_unroll_factor = 2 : i64, sc.parallel_access}
      %parallel_loop3A_175 = arith.constant 0 : i32
      %parallel_loop3A_176 = arith.constant 128 : i32
      %parallel_loop3A_177 = arith.constant 1 : i32
      scf.for %parallel_loop3A_187 = %parallel_loop3A_175 to %parallel_loop3A_176 step %parallel_loop3A_177  : i32 {
        %parallel_loop3A_188 = vector.broadcast %parallel_loop3A_187 : i32 to vector<16xi32>
        %parallel_loop3A_189 = tpu.vector_load_idx %arg30[%parallel_loop3A_188, %iota3A_171] : memref<128x32xf32, #tpu.memory_space<vmem>>[vector<16xi32>, vector<16xi32>], vector<16xf32>,
        %parallel_loop3A_190 = arith.constant 0 : i32
        %parallel_loop3A_191 = vector.broadcast %parallel_loop3A_190 : i32 to vector<16xi32>
        %parallel_loop3A_192 = tpu.vector_load_idx %arg32[%parallel_loop3A_188, %parallel_loop3A_191] : memref<128x8xf32, #tpu.memory_space<vmem>>[vector<16xi32>, vector<16xi32>], vector<16xf32>,
        %parallel_loop3A_193 = arith.mulf %parallel_loop3A_189, %parallel_loop3A_192 : vector<16xf32>
        tpu.vector_store_idx %arg33[%parallel_loop3A_188, %iota3A_171], %parallel_loop3A_193 : memref<128x16xf32, #tpu.memory_space<vmem>>[vector<16xi32>, vector<16xi32>], vector<16xf32>,
      } {sc.loop_unroll_factor = 4 : i64, sc.parallel_access}
      %dma_start3A_178 = arith.constant 0 : i32
      %dma_start3A_179 = arith.constant 0 : i32
      %dma_start3A_180 = tpu.memref_slice %arg50[%dma_start3A_178, %dma_start3A_179] : memref<10240x16xf32, #tpu.memory_space<vmem_shared>> -> memref<10240x16xf32, #tpu.memory_space<vmem_shared>>
      tpu.enqueue_indirect_dma source(%arg33 : memref<128x16xf32, #tpu.memory_space<vmem>>) target(%dma_start3A_180 : memref<10240x16xf32, #tpu.memory_space<vmem_shared>>) offsets(%arg29 : memref<128xi32, #tpu.memory_space<vmem>>) semaphore(%arg48 : memref<!tpu.dma_semaphore, #tpu.memory_space<semaphore_mem>>) {add = true}
      %dma_start3A_181 = arith.constant 0 : i32
      %dma_start3A_182 = arith.constant 0 : i32
      %dma_start3A_183 = tpu.memref_slice %arg51[%dma_start3A_181, %dma_start3A_182] : memref<10240x8xf32, #tpu.memory_space<vmem_shared>> -> memref<10240x8xf32, #tpu.memory_space<vmem_shared>>
      tpu.enqueue_indirect_dma source(%arg32 : memref<128x8xf32, #tpu.memory_space<vmem>>) target(%dma_start3A_183 : memref<10240x8xf32, #tpu.memory_space<vmem_shared>>) offsets(%arg29 : memref<128xi32, #tpu.memory_space<vmem>>) semaphore(%arg49 : memref<!tpu.dma_semaphore, #tpu.memory_space<semaphore_mem>>) {add = true}
      %lt3A = arith.constant 19 : i32
      %lt3A_184 = arith.cmpi slt, %scan3A_106, %lt3A : i32
      %convert_element_type3A = arith.extui %lt3A_184 : i1 to i32
      %cond3A = arith.constant 0 : i32
      %cond3A_185 = arith.cmpi ne, %convert_element_type3A, %cond3A : i32
      scf.if %cond3A_185 {
        %dma_wait3A_187 = arith.constant 0 : i32
        %dma_wait3A_188 = arith.constant 0 : i32
        %dma_wait3A_189 = tpu.memref_slice %arg50[%dma_wait3A_187, %dma_wait3A_188] : memref<10240x16xf32, #tpu.memory_space<vmem_shared>> -> memref<10240x16xf32, #tpu.memory_space<vmem_shared>>
        tpu.wait_indirect_dma semaphore(%arg36 : memref<!tpu.dma_semaphore, #tpu.memory_space<semaphore_mem>>) src(%arg15 : memref<128x16xf32, #tpu.memory_space<vmem>>) dst(%dma_wait3A_189 : memref<10240x16xf32, #tpu.memory_space<vmem_shared>>)
        %dma_wait3A_190 = arith.constant 0 : i32
        %dma_wait3A_191 = arith.constant 0 : i32
        %dma_wait3A_192 = tpu.memref_slice %arg51[%dma_wait3A_190, %dma_wait3A_191] : memref<10240x8xf32, #tpu.memory_space<vmem_shared>> -> memref<10240x8xf32, #tpu.memory_space<vmem_shared>>
        tpu.wait_indirect_dma semaphore(%arg37 : memref<!tpu.dma_semaphore, #tpu.memory_space<semaphore_mem>>) src(%arg14 : memref<128x8xf32, #tpu.memory_space<vmem>>) dst(%dma_wait3A_192 : memref<10240x8xf32, #tpu.memory_space<vmem_shared>>)
        %mul3A_193 = arith.constant 4 : i32
        %mul3A_194 = arith.muli %mul3A_193, %scan3A_106 : i32
        %add3A_195 = arith.addi %mul3A_14, %mul3A_194 : i32
        %add3A_196 = arith.constant 4 : i32
        %add3A_197 = arith.addi %add3A_195, %add3A_196 : i32
        %add3A_198 = arith.constant 0 : i32
        %add3A_199 = arith.addi %add3A_197, %add3A_198 : i32
        %mul3A_200 = arith.constant 128 : i32
        %mul3A_201 = arith.muli %add3A_199, %mul3A_200 : i32
        "tpu.region"() ({
          %run_scoped3A = tpu.sem_alloc : memref<!tpu.dma_semaphore, #tpu.memory_space<semaphore_mem>>
          %dma_start3A_271 = tpu.memref_slice %arg4[%mul3A_201] : memref<327680xi32, #tpu.memory_space<hbm>> -> memref<128xi32, #tpu.memory_space<hbm>>
          %dma_start3A_272 = tpu.memref_slice %arg4[%mul3A_201] : memref<327680xi32, #tpu.memory_space<hbm>> -> memref<128xi32, #tpu.memory_space<hbm>>
          tpu.enqueue_dma source(%dma_start3A_272 : memref<128xi32, #tpu.memory_space<hbm>>) target(%arg10 : memref<128xi32, #tpu.memory_space<vmem>>) target_semaphore(%run_scoped3A : memref<!tpu.dma_semaphore, #tpu.memory_space<semaphore_mem>>)
          %dma_wait3A_273 = tpu.memref_slice %arg4[%mul3A_201] : memref<327680xi32, #tpu.memory_space<hbm>> -> memref<128xi32, #tpu.memory_space<hbm>>
          %dma_wait3A_274 = tpu.memref_slice %arg4[%mul3A_201] : memref<327680xi32, #tpu.memory_space<hbm>> -> memref<128xi32, #tpu.memory_space<hbm>>
          tpu.wait_dma2 semaphore(%run_scoped3A : memref<!tpu.dma_semaphore, #tpu.memory_space<semaphore_mem>>) src(%dma_wait3A_274 : memref<128xi32, #tpu.memory_space<hbm>>) dst(%arg10 : memref<128xi32, #tpu.memory_space<vmem>>)
          tpu.yield
        }) : () -> ()
        "tpu.region"() ({
          %run_scoped3A = tpu.sem_alloc : memref<!tpu.dma_semaphore, #tpu.memory_space<semaphore_mem>>
          %dma_start3A_271 = tpu.memref_slice %arg5[%mul3A_201] : memref<327680xi32, #tpu.memory_space<hbm>> -> memref<128xi32, #tpu.memory_space<hbm>>
          %dma_start3A_272 = tpu.memref_slice %arg5[%mul3A_201] : memref<327680xi32, #tpu.memory_space<hbm>> -> memref<128xi32, #tpu.memory_space<hbm>>
          tpu.enqueue_dma source(%dma_start3A_272 : memref<128xi32, #tpu.memory_space<hbm>>) target(%arg11 : memref<128xi32, #tpu.memory_space<vmem>>) target_semaphore(%run_scoped3A : memref<!tpu.dma_semaphore, #tpu.memory_space<semaphore_mem>>)
          %dma_wait3A_273 = tpu.memref_slice %arg5[%mul3A_201] : memref<327680xi32, #tpu.memory_space<hbm>> -> memref<128xi32, #tpu.memory_space<hbm>>
          %dma_wait3A_274 = tpu.memref_slice %arg5[%mul3A_201] : memref<327680xi32, #tpu.memory_space<hbm>> -> memref<128xi32, #tpu.memory_space<hbm>>
          tpu.wait_dma2 semaphore(%run_scoped3A : memref<!tpu.dma_semaphore, #tpu.memory_space<semaphore_mem>>) src(%dma_wait3A_274 : memref<128xi32, #tpu.memory_space<hbm>>) dst(%arg11 : memref<128xi32, #tpu.memory_space<vmem>>)
          tpu.yield
        }) : () -> ()
        %dma_start3A_202 = arith.constant 0 : i32
        %dma_start3A_203 = arith.constant 0 : i32
        %dma_start3A_204 = tpu.memref_slice %arg2[%dma_start3A_202, %dma_start3A_203] : memref<10240x32xf32, #tpu.memory_space<hbm>> -> memref<10240x32xf32, #tpu.memory_space<hbm>>
        tpu.enqueue_indirect_dma source(%dma_start3A_204 : memref<10240x32xf32, #tpu.memory_space<hbm>>) target(%arg12 : memref<128x32xf32, #tpu.memory_space<vmem>>) offsets(%arg10 : memref<128xi32, #tpu.memory_space<vmem>>) semaphore(%arg34 : memref<!tpu.dma_semaphore, #tpu.memory_space<semaphore_mem>>)
        %dma_start3A_205 = arith.constant 0 : i32
        %dma_start3A_206 = arith.constant 0 : i32
        %dma_start3A_207 = tpu.memref_slice %arg3[%dma_start3A_205, %dma_start3A_206] : memref<10240x8xf32, #tpu.memory_space<hbm>> -> memref<10240x8xf32, #tpu.memory_space<hbm>>
        tpu.enqueue_indirect_dma source(%dma_start3A_207 : memref<10240x8xf32, #tpu.memory_space<hbm>>) target(%arg13 : memref<128x8xf32, #tpu.memory_space<vmem>>) offsets(%arg11 : memref<128xi32, #tpu.memory_space<vmem>>) semaphore(%arg35 : memref<!tpu.dma_semaphore, #tpu.memory_space<semaphore_mem>>)
        %dma_wait3A_208 = arith.constant 0 : i32
        %dma_wait3A_209 = arith.constant 0 : i32
        %dma_wait3A_210 = tpu.memref_slice %arg50[%dma_wait3A_208, %dma_wait3A_209] : memref<10240x16xf32, #tpu.memory_space<vmem_shared>> -> memref<10240x16xf32, #tpu.memory_space<vmem_shared>>
        tpu.wait_indirect_dma semaphore(%arg40 : memref<!tpu.dma_semaphore, #tpu.memory_space<semaphore_mem>>) src(%arg21 : memref<128x16xf32, #tpu.memory_space<vmem>>) dst(%dma_wait3A_210 : memref<10240x16xf32, #tpu.memory_space<vmem_shared>>)
        %dma_wait3A_211 = arith.constant 0 : i32
        %dma_wait3A_212 = arith.constant 0 : i32
        %dma_wait3A_213 = tpu.memref_slice %arg51[%dma_wait3A_211, %dma_wait3A_212] : memref<10240x8xf32, #tpu.memory_space<vmem_shared>> -> memref<10240x8xf32, #tpu.memory_space<vmem_shared>>
        tpu.wait_indirect_dma semaphore(%arg41 : memref<!tpu.dma_semaphore, #tpu.memory_space<semaphore_mem>>) src(%arg20 : memref<128x8xf32, #tpu.memory_space<vmem>>) dst(%dma_wait3A_213 : memref<10240x8xf32, #tpu.memory_space<vmem_shared>>)
        %mul3A_214 = arith.constant 4 : i32
        %mul3A_215 = arith.muli %mul3A_214, %scan3A_106 : i32
        %add3A_216 = arith.addi %mul3A_14, %mul3A_215 : i32
        %add3A_217 = arith.constant 4 : i32
        %add3A_218 = arith.addi %add3A_216, %add3A_217 : i32
        %add3A_219 = arith.constant 1 : i32
        %add3A_220 = arith.addi %add3A_218, %add3A_219 : i32
        %mul3A_221 = arith.constant 128 : i32
        %mul3A_222 = arith.muli %add3A_220, %mul3A_221 : i32
        "tpu.region"() ({
          %run_scoped3A = tpu.sem_alloc : memref<!tpu.dma_semaphore, #tpu.memory_space<semaphore_mem>>
          %dma_start3A_271 = tpu.memref_slice %arg4[%mul3A_222] : memref<327680xi32, #tpu.memory_space<hbm>> -> memref<128xi32, #tpu.memory_space<hbm>>
          %dma_start3A_272 = tpu.memref_slice %arg4[%mul3A_222] : memref<327680xi32, #tpu.memory_space<hbm>> -> memref<128xi32, #tpu.memory_space<hbm>>
          tpu.enqueue_dma source(%dma_start3A_272 : memref<128xi32, #tpu.memory_space<hbm>>) target(%arg16 : memref<128xi32, #tpu.memory_space<vmem>>) target_semaphore(%run_scoped3A : memref<!tpu.dma_semaphore, #tpu.memory_space<semaphore_mem>>)
          %dma_wait3A_273 = tpu.memref_slice %arg4[%mul3A_222] : memref<327680xi32, #tpu.memory_space<hbm>> -> memref<128xi32, #tpu.memory_space<hbm>>
          %dma_wait3A_274 = tpu.memref_slice %arg4[%mul3A_222] : memref<327680xi32, #tpu.memory_space<hbm>> -> memref<128xi32, #tpu.memory_space<hbm>>
          tpu.wait_dma2 semaphore(%run_scoped3A : memref<!tpu.dma_semaphore, #tpu.memory_space<semaphore_mem>>) src(%dma_wait3A_274 : memref<128xi32, #tpu.memory_space<hbm>>) dst(%arg16 : memref<128xi32, #tpu.memory_space<vmem>>)
          tpu.yield
        }) : () -> ()
        "tpu.region"() ({
          %run_scoped3A = tpu.sem_alloc : memref<!tpu.dma_semaphore, #tpu.memory_space<semaphore_mem>>
          %dma_start3A_271 = tpu.memref_slice %arg5[%mul3A_222] : memref<327680xi32, #tpu.memory_space<hbm>> -> memref<128xi32, #tpu.memory_space<hbm>>
          %dma_start3A_272 = tpu.memref_slice %arg5[%mul3A_222] : memref<327680xi32, #tpu.memory_space<hbm>> -> memref<128xi32, #tpu.memory_space<hbm>>
          tpu.enqueue_dma source(%dma_start3A_272 : memref<128xi32, #tpu.memory_space<hbm>>) target(%arg17 : memref<128xi32, #tpu.memory_space<vmem>>) target_semaphore(%run_scoped3A : memref<!tpu.dma_semaphore, #tpu.memory_space<semaphore_mem>>)
          %dma_wait3A_273 = tpu.memref_slice %arg5[%mul3A_222] : memref<327680xi32, #tpu.memory_space<hbm>> -> memref<128xi32, #tpu.memory_space<hbm>>
          %dma_wait3A_274 = tpu.memref_slice %arg5[%mul3A_222] : memref<327680xi32, #tpu.memory_space<hbm>> -> memref<128xi32, #tpu.memory_space<hbm>>
          tpu.wait_dma2 semaphore(%run_scoped3A : memref<!tpu.dma_semaphore, #tpu.memory_space<semaphore_mem>>) src(%dma_wait3A_274 : memref<128xi32, #tpu.memory_space<hbm>>) dst(%arg17 : memref<128xi32, #tpu.memory_space<vmem>>)
          tpu.yield
        }) : () -> ()
        %dma_start3A_223 = arith.constant 0 : i32
        %dma_start3A_224 = arith.constant 0 : i32
        %dma_start3A_225 = tpu.memref_slice %arg2[%dma_start3A_223, %dma_start3A_224] : memref<10240x32xf32, #tpu.memory_space<hbm>> -> memref<10240x32xf32, #tpu.memory_space<hbm>>
        tpu.enqueue_indirect_dma source(%dma_start3A_225 : memref<10240x32xf32, #tpu.memory_space<hbm>>) target(%arg18 : memref<128x32xf32, #tpu.memory_space<vmem>>) offsets(%arg16 : memref<128xi32, #tpu.memory_space<vmem>>) semaphore(%arg38 : memref<!tpu.dma_semaphore, #tpu.memory_space<semaphore_mem>>)
        %dma_start3A_226 = arith.constant 0 : i32
        %dma_start3A_227 = arith.constant 0 : i32
        %dma_start3A_228 = tpu.memref_slice %arg3[%dma_start3A_226, %dma_start3A_227] : memref<10240x8xf32, #tpu.memory_space<hbm>> -> memref<10240x8xf32, #tpu.memory_space<hbm>>
        tpu.enqueue_indirect_dma source(%dma_start3A_228 : memref<10240x8xf32, #tpu.memory_space<hbm>>) target(%arg19 : memref<128x8xf32, #tpu.memory_space<vmem>>) offsets(%arg17 : memref<128xi32, #tpu.memory_space<vmem>>) semaphore(%arg39 : memref<!tpu.dma_semaphore, #tpu.memory_space<semaphore_mem>>)
        %dma_wait3A_229 = arith.constant 0 : i32
        %dma_wait3A_230 = arith.constant 0 : i32
        %dma_wait3A_231 = tpu.memref_slice %arg50[%dma_wait3A_229, %dma_wait3A_230] : memref<10240x16xf32, #tpu.memory_space<vmem_shared>> -> memref<10240x16xf32, #tpu.memory_space<vmem_shared>>
        tpu.wait_indirect_dma semaphore(%arg44 : memref<!tpu.dma_semaphore, #tpu.memory_space<semaphore_mem>>) src(%arg27 : memref<128x16xf32, #tpu.memory_space<vmem>>) dst(%dma_wait3A_231 : memref<10240x16xf32, #tpu.memory_space<vmem_shared>>)
        %dma_wait3A_232 = arith.constant 0 : i32
        %dma_wait3A_233 = arith.constant 0 : i32
        %dma_wait3A_234 = tpu.memref_slice %arg51[%dma_wait3A_232, %dma_wait3A_233] : memref<10240x8xf32, #tpu.memory_space<vmem_shared>> -> memref<10240x8xf32, #tpu.memory_space<vmem_shared>>
        tpu.wait_indirect_dma semaphore(%arg45 : memref<!tpu.dma_semaphore, #tpu.memory_space<semaphore_mem>>) src(%arg26 : memref<128x8xf32, #tpu.memory_space<vmem>>) dst(%dma_wait3A_234 : memref<10240x8xf32, #tpu.memory_space<vmem_shared>>)
        %mul3A_235 = arith.constant 4 : i32
        %mul3A_236 = arith.muli %mul3A_235, %scan3A_106 : i32
        %add3A_237 = arith.addi %mul3A_14, %mul3A_236 : i32
        %add3A_238 = arith.constant 4 : i32
        %add3A_239 = arith.addi %add3A_237, %add3A_238 : i32
        %add3A_240 = arith.constant 2 : i32
        %add3A_241 = arith.addi %add3A_239, %add3A_240 : i32
        %mul3A_242 = arith.constant 128 : i32
        %mul3A_243 = arith.muli %add3A_241, %mul3A_242 : i32
        "tpu.region"() ({
          %run_scoped3A = tpu.sem_alloc : memref<!tpu.dma_semaphore, #tpu.memory_space<semaphore_mem>>
          %dma_start3A_271 = tpu.memref_slice %arg4[%mul3A_243] : memref<327680xi32, #tpu.memory_space<hbm>> -> memref<128xi32, #tpu.memory_space<hbm>>
          %dma_start3A_272 = tpu.memref_slice %arg4[%mul3A_243] : memref<327680xi32, #tpu.memory_space<hbm>> -> memref<128xi32, #tpu.memory_space<hbm>>
          tpu.enqueue_dma source(%dma_start3A_272 : memref<128xi32, #tpu.memory_space<hbm>>) target(%arg22 : memref<128xi32, #tpu.memory_space<vmem>>) target_semaphore(%run_scoped3A : memref<!tpu.dma_semaphore, #tpu.memory_space<semaphore_mem>>)
          %dma_wait3A_273 = tpu.memref_slice %arg4[%mul3A_243] : memref<327680xi32, #tpu.memory_space<hbm>> -> memref<128xi32, #tpu.memory_space<hbm>>
          %dma_wait3A_274 = tpu.memref_slice %arg4[%mul3A_243] : memref<327680xi32, #tpu.memory_space<hbm>> -> memref<128xi32, #tpu.memory_space<hbm>>
          tpu.wait_dma2 semaphore(%run_scoped3A : memref<!tpu.dma_semaphore, #tpu.memory_space<semaphore_mem>>) src(%dma_wait3A_274 : memref<128xi32, #tpu.memory_space<hbm>>) dst(%arg22 : memref<128xi32, #tpu.memory_space<vmem>>)
          tpu.yield
        }) : () -> ()
        "tpu.region"() ({
          %run_scoped3A = tpu.sem_alloc : memref<!tpu.dma_semaphore, #tpu.memory_space<semaphore_mem>>
          %dma_start3A_271 = tpu.memref_slice %arg5[%mul3A_243] : memref<327680xi32, #tpu.memory_space<hbm>> -> memref<128xi32, #tpu.memory_space<hbm>>
          %dma_start3A_272 = tpu.memref_slice %arg5[%mul3A_243] : memref<327680xi32, #tpu.memory_space<hbm>> -> memref<128xi32, #tpu.memory_space<hbm>>
          tpu.enqueue_dma source(%dma_start3A_272 : memref<128xi32, #tpu.memory_space<hbm>>) target(%arg23 : memref<128xi32, #tpu.memory_space<vmem>>) target_semaphore(%run_scoped3A : memref<!tpu.dma_semaphore, #tpu.memory_space<semaphore_mem>>)
          %dma_wait3A_273 = tpu.memref_slice %arg5[%mul3A_243] : memref<327680xi32, #tpu.memory_space<hbm>> -> memref<128xi32, #tpu.memory_space<hbm>>
          %dma_wait3A_274 = tpu.memref_slice %arg5[%mul3A_243] : memref<327680xi32, #tpu.memory_space<hbm>> -> memref<128xi32, #tpu.memory_space<hbm>>
          tpu.wait_dma2 semaphore(%run_scoped3A : memref<!tpu.dma_semaphore, #tpu.memory_space<semaphore_mem>>) src(%dma_wait3A_274 : memref<128xi32, #tpu.memory_space<hbm>>) dst(%arg23 : memref<128xi32, #tpu.memory_space<vmem>>)
          tpu.yield
        }) : () -> ()
        %dma_start3A_244 = arith.constant 0 : i32
        %dma_start3A_245 = arith.constant 0 : i32
        %dma_start3A_246 = tpu.memref_slice %arg2[%dma_start3A_244, %dma_start3A_245] : memref<10240x32xf32, #tpu.memory_space<hbm>> -> memref<10240x32xf32, #tpu.memory_space<hbm>>
        tpu.enqueue_indirect_dma source(%dma_start3A_246 : memref<10240x32xf32, #tpu.memory_space<hbm>>) target(%arg24 : memref<128x32xf32, #tpu.memory_space<vmem>>) offsets(%arg22 : memref<128xi32, #tpu.memory_space<vmem>>) semaphore(%arg42 : memref<!tpu.dma_semaphore, #tpu.memory_space<semaphore_mem>>)
        %dma_start3A_247 = arith.constant 0 : i32
        %dma_start3A_248 = arith.constant 0 : i32
        %dma_start3A_249 = tpu.memref_slice %arg3[%dma_start3A_247, %dma_start3A_248] : memref<10240x8xf32, #tpu.memory_space<hbm>> -> memref<10240x8xf32, #tpu.memory_space<hbm>>
        tpu.enqueue_indirect_dma source(%dma_start3A_249 : memref<10240x8xf32, #tpu.memory_space<hbm>>) target(%arg25 : memref<128x8xf32, #tpu.memory_space<vmem>>) offsets(%arg23 : memref<128xi32, #tpu.memory_space<vmem>>) semaphore(%arg43 : memref<!tpu.dma_semaphore, #tpu.memory_space<semaphore_mem>>)
        %dma_wait3A_250 = arith.constant 0 : i32
        %dma_wait3A_251 = arith.constant 0 : i32
        %dma_wait3A_252 = tpu.memref_slice %arg50[%dma_wait3A_250, %dma_wait3A_251] : memref<10240x16xf32, #tpu.memory_space<vmem_shared>> -> memref<10240x16xf32, #tpu.memory_space<vmem_shared>>
        tpu.wait_indirect_dma semaphore(%arg48 : memref<!tpu.dma_semaphore, #tpu.memory_space<semaphore_mem>>) src(%arg33 : memref<128x16xf32, #tpu.memory_space<vmem>>) dst(%dma_wait3A_252 : memref<10240x16xf32, #tpu.memory_space<vmem_shared>>)
        %dma_wait3A_253 = arith.constant 0 : i32
        %dma_wait3A_254 = arith.constant 0 : i32
        %dma_wait3A_255 = tpu.memref_slice %arg51[%dma_wait3A_253, %dma_wait3A_254] : memref<10240x8xf32, #tpu.memory_space<vmem_shared>> -> memref<10240x8xf32, #tpu.memory_space<vmem_shared>>
        tpu.wait_indirect_dma semaphore(%arg49 : memref<!tpu.dma_semaphore, #tpu.memory_space<semaphore_mem>>) src(%arg32 : memref<128x8xf32, #tpu.memory_space<vmem>>) dst(%dma_wait3A_255 : memref<10240x8xf32, #tpu.memory_space<vmem_shared>>)
        %mul3A_256 = arith.constant 4 : i32
        %mul3A_257 = arith.muli %mul3A_256, %scan3A_106 : i32
        %add3A_258 = arith.addi %mul3A_14, %mul3A_257 : i32
        %add3A_259 = arith.constant 4 : i32
        %add3A_260 = arith.addi %add3A_258, %add3A_259 : i32
        %add3A_261 = arith.constant 3 : i32
        %add3A_262 = arith.addi %add3A_260, %add3A_261 : i32
        %mul3A_263 = arith.constant 128 : i32
        %mul3A_264 = arith.muli %add3A_262, %mul3A_263 : i32
        "tpu.region"() ({
          %run_scoped3A = tpu.sem_alloc : memref<!tpu.dma_semaphore, #tpu.memory_space<semaphore_mem>>
          %dma_start3A_271 = tpu.memref_slice %arg4[%mul3A_264] : memref<327680xi32, #tpu.memory_space<hbm>> -> memref<128xi32, #tpu.memory_space<hbm>>
          %dma_start3A_272 = tpu.memref_slice %arg4[%mul3A_264] : memref<327680xi32, #tpu.memory_space<hbm>> -> memref<128xi32, #tpu.memory_space<hbm>>
          tpu.enqueue_dma source(%dma_start3A_272 : memref<128xi32, #tpu.memory_space<hbm>>) target(%arg28 : memref<128xi32, #tpu.memory_space<vmem>>) target_semaphore(%run_scoped3A : memref<!tpu.dma_semaphore, #tpu.memory_space<semaphore_mem>>)
          %dma_wait3A_273 = tpu.memref_slice %arg4[%mul3A_264] : memref<327680xi32, #tpu.memory_space<hbm>> -> memref<128xi32, #tpu.memory_space<hbm>>
          %dma_wait3A_274 = tpu.memref_slice %arg4[%mul3A_264] : memref<327680xi32, #tpu.memory_space<hbm>> -> memref<128xi32, #tpu.memory_space<hbm>>
          tpu.wait_dma2 semaphore(%run_scoped3A : memref<!tpu.dma_semaphore, #tpu.memory_space<semaphore_mem>>) src(%dma_wait3A_274 : memref<128xi32, #tpu.memory_space<hbm>>) dst(%arg28 : memref<128xi32, #tpu.memory_space<vmem>>)
          tpu.yield
        }) : () -> ()
        "tpu.region"() ({
          %run_scoped3A = tpu.sem_alloc : memref<!tpu.dma_semaphore, #tpu.memory_space<semaphore_mem>>
          %dma_start3A_271 = tpu.memref_slice %arg5[%mul3A_264] : memref<327680xi32, #tpu.memory_space<hbm>> -> memref<128xi32, #tpu.memory_space<hbm>>
          %dma_start3A_272 = tpu.memref_slice %arg5[%mul3A_264] : memref<327680xi32, #tpu.memory_space<hbm>> -> memref<128xi32, #tpu.memory_space<hbm>>
          tpu.enqueue_dma source(%dma_start3A_272 : memref<128xi32, #tpu.memory_space<hbm>>) target(%arg29 : memref<128xi32, #tpu.memory_space<vmem>>) target_semaphore(%run_scoped3A : memref<!tpu.dma_semaphore, #tpu.memory_space<semaphore_mem>>)
          %dma_wait3A_273 = tpu.memref_slice %arg5[%mul3A_264] : memref<327680xi32, #tpu.memory_space<hbm>> -> memref<128xi32, #tpu.memory_space<hbm>>
          %dma_wait3A_274 = tpu.memref_slice %arg5[%mul3A_264] : memref<327680xi32, #tpu.memory_space<hbm>> -> memref<128xi32, #tpu.memory_space<hbm>>
          tpu.wait_dma2 semaphore(%run_scoped3A : memref<!tpu.dma_semaphore, #tpu.memory_space<semaphore_mem>>) src(%dma_wait3A_274 : memref<128xi32, #tpu.memory_space<hbm>>) dst(%arg29 : memref<128xi32, #tpu.memory_space<vmem>>)
          tpu.yield
        }) : () -> ()
        %dma_start3A_265 = arith.constant 0 : i32
        %dma_start3A_266 = arith.constant 0 : i32
        %dma_start3A_267 = tpu.memref_slice %arg2[%dma_start3A_265, %dma_start3A_266] : memref<10240x32xf32, #tpu.memory_space<hbm>> -> memref<10240x32xf32, #tpu.memory_space<hbm>>
        tpu.enqueue_indirect_dma source(%dma_start3A_267 : memref<10240x32xf32, #tpu.memory_space<hbm>>) target(%arg30 : memref<128x32xf32, #tpu.memory_space<vmem>>) offsets(%arg28 : memref<128xi32, #tpu.memory_space<vmem>>) semaphore(%arg46 : memref<!tpu.dma_semaphore, #tpu.memory_space<semaphore_mem>>)
        %dma_start3A_268 = arith.constant 0 : i32
        %dma_start3A_269 = arith.constant 0 : i32
        %dma_start3A_270 = tpu.memref_slice %arg3[%dma_start3A_268, %dma_start3A_269] : memref<10240x8xf32, #tpu.memory_space<hbm>> -> memref<10240x8xf32, #tpu.memory_space<hbm>>
        tpu.enqueue_indirect_dma source(%dma_start3A_270 : memref<10240x8xf32, #tpu.memory_space<hbm>>) target(%arg31 : memref<128x8xf32, #tpu.memory_space<vmem>>) offsets(%arg29 : memref<128xi32, #tpu.memory_space<vmem>>) semaphore(%arg47 : memref<!tpu.dma_semaphore, #tpu.memory_space<semaphore_mem>>)
      } else {
      }
      %scan3A_186 = arith.constant 0 : i32
      scf.yield %scan3A_186 : i32
    }
    %scan3A_61 = arith.constant 20 : i32
    %dma_wait3A = arith.constant 0 : i32
    %dma_wait3A_62 = arith.constant 0 : i32
    %dma_wait3A_63 = tpu.memref_slice %arg50[%dma_wait3A, %dma_wait3A_62] : memref<10240x16xf32, #tpu.memory_space<vmem_shared>> -> memref<10240x16xf32, #tpu.memory_space<vmem_shared>>
    tpu.wait_indirect_dma semaphore(%arg36 : memref<!tpu.dma_semaphore, #tpu.memory_space<semaphore_mem>>) src(%arg15 : memref<128x16xf32, #tpu.memory_space<vmem>>) dst(%dma_wait3A_63 : memref<10240x16xf32, #tpu.memory_space<vmem_shared>>)
    %dma_wait3A_64 = arith.constant 0 : i32
    %dma_wait3A_65 = arith.constant 0 : i32
    %dma_wait3A_66 = tpu.memref_slice %arg51[%dma_wait3A_64, %dma_wait3A_65] : memref<10240x8xf32, #tpu.memory_space<vmem_shared>> -> memref<10240x8xf32, #tpu.memory_space<vmem_shared>>
    tpu.wait_indirect_dma semaphore(%arg37 : memref<!tpu.dma_semaphore, #tpu.memory_space<semaphore_mem>>) src(%arg14 : memref<128x8xf32, #tpu.memory_space<vmem>>) dst(%dma_wait3A_66 : memref<10240x8xf32, #tpu.memory_space<vmem_shared>>)
    %dma_wait3A_67 = arith.constant 0 : i32
    %dma_wait3A_68 = arith.constant 0 : i32
    %dma_wait3A_69 = tpu.memref_slice %arg50[%dma_wait3A_67, %dma_wait3A_68] : memref<10240x16xf32, #tpu.memory_space<vmem_shared>> -> memref<10240x16xf32, #tpu.memory_space<vmem_shared>>
    tpu.wait_indirect_dma semaphore(%arg40 : memref<!tpu.dma_semaphore, #tpu.memory_space<semaphore_mem>>) src(%arg21 : memref<128x16xf32, #tpu.memory_space<vmem>>) dst(%dma_wait3A_69 : memref<10240x16xf32, #tpu.memory_space<vmem_shared>>)
    %dma_wait3A_70 = arith.constant 0 : i32
    %dma_wait3A_71 = arith.constant 0 : i32
    %dma_wait3A_72 = tpu.memref_slice %arg51[%dma_wait3A_70, %dma_wait3A_71] : memref<10240x8xf32, #tpu.memory_space<vmem_shared>> -> memref<10240x8xf32, #tpu.memory_space<vmem_shared>>
    tpu.wait_indirect_dma semaphore(%arg41 : memref<!tpu.dma_semaphore, #tpu.memory_space<semaphore_mem>>) src(%arg20 : memref<128x8xf32, #tpu.memory_space<vmem>>) dst(%dma_wait3A_72 : memref<10240x8xf32, #tpu.memory_space<vmem_shared>>)
    %dma_wait3A_73 = arith.constant 0 : i32
    %dma_wait3A_74 = arith.constant 0 : i32
    %dma_wait3A_75 = tpu.memref_slice %arg50[%dma_wait3A_73, %dma_wait3A_74] : memref<10240x16xf32, #tpu.memory_space<vmem_shared>> -> memref<10240x16xf32, #tpu.memory_space<vmem_shared>>
    tpu.wait_indirect_dma semaphore(%arg44 : memref<!tpu.dma_semaphore, #tpu.memory_space<semaphore_mem>>) src(%arg27 : memref<128x16xf32, #tpu.memory_space<vmem>>) dst(%dma_wait3A_75 : memref<10240x16xf32, #tpu.memory_space<vmem_shared>>)
    %dma_wait3A_76 = arith.constant 0 : i32
    %dma_wait3A_77 = arith.constant 0 : i32
    %dma_wait3A_78 = tpu.memref_slice %arg51[%dma_wait3A_76, %dma_wait3A_77] : memref<10240x8xf32, #tpu.memory_space<vmem_shared>> -> memref<10240x8xf32, #tpu.memory_space<vmem_shared>>
    tpu.wait_indirect_dma semaphore(%arg45 : memref<!tpu.dma_semaphore, #tpu.memory_space<semaphore_mem>>) src(%arg26 : memref<128x8xf32, #tpu.memory_space<vmem>>) dst(%dma_wait3A_78 : memref<10240x8xf32, #tpu.memory_space<vmem_shared>>)
    %dma_wait3A_79 = arith.constant 0 : i32
    %dma_wait3A_80 = arith.constant 0 : i32
    %dma_wait3A_81 = tpu.memref_slice %arg50[%dma_wait3A_79, %dma_wait3A_80] : memref<10240x16xf32, #tpu.memory_space<vmem_shared>> -> memref<10240x16xf32, #tpu.memory_space<vmem_shared>>
    tpu.wait_indirect_dma semaphore(%arg48 : memref<!tpu.dma_semaphore, #tpu.memory_space<semaphore_mem>>) src(%arg33 : memref<128x16xf32, #tpu.memory_space<vmem>>) dst(%dma_wait3A_81 : memref<10240x16xf32, #tpu.memory_space<vmem_shared>>)
    %dma_wait3A_82 = arith.constant 0 : i32
    %dma_wait3A_83 = arith.constant 0 : i32
    %dma_wait3A_84 = tpu.memref_slice %arg51[%dma_wait3A_82, %dma_wait3A_83] : memref<10240x8xf32, #tpu.memory_space<vmem_shared>> -> memref<10240x8xf32, #tpu.memory_space<vmem_shared>>
    tpu.wait_indirect_dma semaphore(%arg49 : memref<!tpu.dma_semaphore, #tpu.memory_space<semaphore_mem>>) src(%arg32 : memref<128x8xf32, #tpu.memory_space<vmem>>) dst(%dma_wait3A_84 : memref<10240x8xf32, #tpu.memory_space<vmem_shared>>)
    %barrier3A_85 = arith.constant 0 : index
    tpu.barrier barrier_id(%barrier3A_85)
    %dma_start3A_86 = arith.constant 0 : i32
    %dma_start3A_87 = tpu.memref_slice %arg8[%arg0, %mul3A_16, %dma_start3A_86] : memref<2x10240x16xf32, #tpu.memory_space<hbm>> -> memref<1x640x16xf32, #tpu.memory_space<hbm>>
    %dma_start3A_88 = tpu.memref_squeeze %dma_start3A_87 : memref<1x640x16xf32, #tpu.memory_space<hbm>> -> memref<640x16xf32, #tpu.memory_space<hbm>>
    %dma_start3A_89 = arith.constant 0 : i32
    %dma_start3A_90 = tpu.memref_slice %arg50[%mul3A_16, %dma_start3A_89] : memref<10240x16xf32, #tpu.memory_space<vmem_shared>> -> memref<640x16xf32, #tpu.memory_space<vmem_shared>>
    tpu.enqueue_dma source(%dma_start3A_90 : memref<640x16xf32, #tpu.memory_space<vmem_shared>>) target(%dma_start3A_88 : memref<640x16xf32, #tpu.memory_space<hbm>>) target_semaphore(%arg34 : memref<!tpu.dma_semaphore, #tpu.memory_space<semaphore_mem>>)
    %dma_start3A_91 = arith.constant 0 : i32
    %dma_start3A_92 = tpu.memref_slice %arg9[%arg0, %mul3A_16, %dma_start3A_91] : memref<2x10240x8xf32, #tpu.memory_space<hbm>> -> memref<1x640x8xf32, #tpu.memory_space<hbm>>
    %dma_start3A_93 = tpu.memref_squeeze %dma_start3A_92 : memref<1x640x8xf32, #tpu.memory_space<hbm>> -> memref<640x8xf32, #tpu.memory_space<hbm>>
    %dma_start3A_94 = arith.constant 0 : i32
    %dma_start3A_95 = tpu.memref_slice %arg51[%mul3A_16, %dma_start3A_94] : memref<10240x8xf32, #tpu.memory_space<vmem_shared>> -> memref<640x8xf32, #tpu.memory_space<vmem_shared>>
    tpu.enqueue_dma source(%dma_start3A_95 : memref<640x8xf32, #tpu.memory_space<vmem_shared>>) target(%dma_start3A_93 : memref<640x8xf32, #tpu.memory_space<hbm>>) target_semaphore(%arg35 : memref<!tpu.dma_semaphore, #tpu.memory_space<semaphore_mem>>)
    %dma_wait3A_96 = arith.constant 0 : i32
    %dma_wait3A_97 = tpu.memref_slice %arg8[%arg0, %mul3A_16, %dma_wait3A_96] : memref<2x10240x16xf32, #tpu.memory_space<hbm>> -> memref<1x640x16xf32, #tpu.memory_space<hbm>>
    %dma_wait3A_98 = tpu.memref_squeeze %dma_wait3A_97 : memref<1x640x16xf32, #tpu.memory_space<hbm>> -> memref<640x16xf32, #tpu.memory_space<hbm>>
    %dma_wait3A_99 = arith.constant 0 : i32
    %dma_wait3A_100 = tpu.memref_slice %arg50[%mul3A_16, %dma_wait3A_99] : memref<10240x16xf32, #tpu.memory_space<vmem_shared>> -> memref<640x16xf32, #tpu.memory_space<vmem_shared>>
    tpu.wait_dma2 semaphore(%arg34 : memref<!tpu.dma_semaphore, #tpu.memory_space<semaphore_mem>>) src(%dma_wait3A_100 : memref<640x16xf32, #tpu.memory_space<vmem_shared>>) dst(%dma_wait3A_98 : memref<640x16xf32, #tpu.memory_space<hbm>>)
    %dma_wait3A_101 = arith.constant 0 : i32
    %dma_wait3A_102 = tpu.memref_slice %arg9[%arg0, %mul3A_16, %dma_wait3A_101] : memref<2x10240x8xf32, #tpu.memory_space<hbm>> -> memref<1x640x8xf32, #tpu.memory_space<hbm>>
    %dma_wait3A_103 = tpu.memref_squeeze %dma_wait3A_102 : memref<1x640x8xf32, #tpu.memory_space<hbm>> -> memref<640x8xf32, #tpu.memory_space<hbm>>
    %dma_wait3A_104 = arith.constant 0 : i32
    %dma_wait3A_105 = tpu.memref_slice %arg51[%mul3A_16, %dma_wait3A_104] : memref<10240x8xf32, #tpu.memory_space<vmem_shared>> -> memref<640x8xf32, #tpu.memory_space<vmem_shared>>
    tpu.wait_dma2 semaphore(%arg35 : memref<!tpu.dma_semaphore, #tpu.memory_space<semaphore_mem>>) src(%dma_wait3A_105 : memref<640x8xf32, #tpu.memory_space<vmem_shared>>) dst(%dma_wait3A_103 : memref<640x8xf32, #tpu.memory_space<hbm>>)
    return
  }
}

module attributes {stable_mosaic.version = 14 : i64} {
  func.func @_prep1_body(%arg0: i32, %arg1: memref<512x128xf32, #tpu.memory_space<vmem>>, %arg2: memref<128x64xf32, #tpu.memory_space<vmem>>, %arg3: memref<64x8xf32, #tpu.memory_space<vmem>>, %arg4: memref<64x8xf32, #tpu.memory_space<vmem>>, %arg5: memref<512x72xf32, #tpu.memory_space<vmem>>, %arg6: memref<512x8xf32, #tpu.memory_space<vmem>>, %arg7: memref<512x8xf32, #tpu.memory_space<vmem>>) attributes {dimension_semantics = [#tpu.dimension_semantics<arbitrary>], iteration_bounds = array<i64: 20>, scalar_prefetch = 0 : i64, scratch_operands = 0 : i64, tpu.core_type = #tpu.core_type<tc>, window_params = [{transform_indices = @transform_0, window_bounds = array<i64: 512, 128>}, {pipeline_mode = #tpu.pipeline_mode<synchronous>, transform_indices = @transform_1, window_bounds = array<i64: 128, 64>}, {pipeline_mode = #tpu.pipeline_mode<synchronous>, transform_indices = @transform_2, window_bounds = array<i64: 64, 8>}, {pipeline_mode = #tpu.pipeline_mode<synchronous>, transform_indices = @transform_3, window_bounds = array<i64: 64, 8>}, {transform_indices = @transform_4, window_bounds = array<i64: 512, 72>}, {transform_indices = @transform_5, window_bounds = array<i64: 512, 8>}, {transform_indices = @transform_6, window_bounds = array<i64: 512, 8>}]} {
    %get3A = arith.constant 0 : index
    %get3A_0 = arith.constant 0 : index
    %get3A_1 = vector.load %arg1[%get3A, %get3A_0] : memref<512x128xf32, #tpu.memory_space<vmem>>, vector<512x128xf32>
    %get3A_2 = arith.constant 0 : index
    %get3A_3 = arith.constant 0 : index
    %get3A_4 = vector.load %arg2[%get3A_2, %get3A_3] : memref<128x64xf32, #tpu.memory_space<vmem>>, vector<128x64xf32>
    %dot_general3A = arith.constant dense<0.000000e+00> : vector<512x64xf32>
    %dot_general3A_5 = tpu.matmul %get3A_1, %get3A_4, %dot_general3A {dimension_numbers = #tpu.dot_dimension_numbers<[1], [0], [0], [1], [0, 0, 1, 1], [], []>, transpose_lhs_hint = false} : vector<512x128xf32>, vector<128x64xf32>, vector<512x64xf32> -> vector<512x64xf32>
    %get3A_6 = arith.constant 0 : index
    %get3A_7 = arith.constant 0 : index
    %get3A_8 = vector.load %arg3[%get3A_6, %get3A_7] : memref<64x8xf32, #tpu.memory_space<vmem>>, vector<64x8xf32>
    %dot_general3A_9 = arith.constant dense<0.000000e+00> : vector<512x8xf32>
    %dot_general3A_10 = tpu.matmul %dot_general3A_5, %get3A_8, %dot_general3A_9 {dimension_numbers = #tpu.dot_dimension_numbers<[1], [0], [0], [1], [0, 0, 1, 1], [], []>, transpose_lhs_hint = false} : vector<512x64xf32>, vector<64x8xf32>, vector<512x8xf32> -> vector<512x8xf32>
    %get3A_11 = arith.constant 0 : index
    %get3A_12 = arith.constant 0 : index
    %get3A_13 = vector.load %arg4[%get3A_11, %get3A_12] : memref<64x8xf32, #tpu.memory_space<vmem>>, vector<64x8xf32>
    %dot_general3A_14 = arith.constant dense<0.000000e+00> : vector<512x8xf32>
    %dot_general3A_15 = tpu.matmul %dot_general3A_5, %get3A_13, %dot_general3A_14 {dimension_numbers = #tpu.dot_dimension_numbers<[1], [0], [0], [1], [0, 0, 1, 1], [], []>, transpose_lhs_hint = false} : vector<512x64xf32>, vector<64x8xf32>, vector<512x8xf32> -> vector<512x8xf32>
    %concatenate3A = tpu.concatenate %dot_general3A_5, %dot_general3A_10 in 1 : vector<512x64xf32>, vector<512x8xf32> -> vector<512x72xf32>
    %swap3A = arith.constant 0 : index
    %swap3A_16 = arith.constant 0 : index
    %swap3A_17 = vector.load %arg5[%swap3A, %swap3A_16] : memref<512x72xf32, #tpu.memory_space<vmem>>, vector<512x72xf32>
    tpu.vector_store %arg5[%swap3A, %swap3A_16], %concatenate3A {strides = array<i32>} : memref<512x72xf32, #tpu.memory_space<vmem>>, vector<512x72xf32>,
    %swap3A_18 = arith.constant 0 : index
    %swap3A_19 = arith.constant 0 : index
    %swap3A_20 = vector.load %arg6[%swap3A_18, %swap3A_19] : memref<512x8xf32, #tpu.memory_space<vmem>>, vector<512x8xf32>
    tpu.vector_store %arg6[%swap3A_18, %swap3A_19], %dot_general3A_15 {strides = array<i32>} : memref<512x8xf32, #tpu.memory_space<vmem>>, vector<512x8xf32>,
    %add3A = arith.addf %dot_general3A_10, %dot_general3A_15 : vector<512x8xf32>
    %ge3A = arith.constant 0.000000e+00 : f32
    %ge3A_21 = vector.broadcast %ge3A : f32 to vector<512x8xf32>
    %ge3A_22 = arith.cmpf oge, %add3A, %ge3A_21 : vector<512x8xf32>
    %mul3A = arith.constant 2.000000e-01 : f32
    %mul3A_23 = vector.broadcast %mul3A : f32 to vector<512x8xf32>
    %mul3A_24 = arith.mulf %mul3A_23, %add3A : vector<512x8xf32>
    %select_n3A = arith.select %ge3A_22, %add3A, %mul3A_24 : vector<512x8xi1>, vector<512x8xf32>
    %exp3A = math.exp %select_n3A : vector<512x8xf32>
    %swap3A_25 = arith.constant 0 : index
    %swap3A_26 = arith.constant 0 : index
    %swap3A_27 = vector.load %arg7[%swap3A_25, %swap3A_26] : memref<512x8xf32, #tpu.memory_space<vmem>>, vector<512x8xf32>
    tpu.vector_store %arg7[%swap3A_25, %swap3A_26], %exp3A {strides = array<i32>} : memref<512x8xf32, #tpu.memory_space<vmem>>, vector<512x8xf32>,
    return
  }
  func.func @transform_0(%arg0: i32) -> (i32, i32) {
    %c0_i32 = arith.constant 0 : i32
    %c0_i32_0 = arith.constant 0 : i32
    return %arg0, %c0_i32 : i32, i32
  }
  func.func @transform_1(%arg0: i32) -> (i32, i32) {
    %c0_i32 = arith.constant 0 : i32
    %c0_i32_0 = arith.constant 0 : i32
    %c0_i32_1 = arith.constant 0 : i32
    return %c0_i32, %c0_i32_0 : i32, i32
  }
  func.func @transform_2(%arg0: i32) -> (i32, i32) {
    %c0_i32 = arith.constant 0 : i32
    %c0_i32_0 = arith.constant 0 : i32
    %c0_i32_1 = arith.constant 0 : i32
    return %c0_i32, %c0_i32_0 : i32, i32
  }
  func.func @transform_3(%arg0: i32) -> (i32, i32) {
    %c0_i32 = arith.constant 0 : i32
    %c0_i32_0 = arith.constant 0 : i32
    %c0_i32_1 = arith.constant 0 : i32
    return %c0_i32, %c0_i32_0 : i32, i32
  }
  func.func @transform_4(%arg0: i32) -> (i32, i32) {
    %c0_i32 = arith.constant 0 : i32
    %c0_i32_0 = arith.constant 0 : i32
    return %arg0, %c0_i32 : i32, i32
  }
  func.func @transform_5(%arg0: i32) -> (i32, i32) {
    %c0_i32 = arith.constant 0 : i32
    %c0_i32_0 = arith.constant 0 : i32
    return %arg0, %c0_i32 : i32, i32
  }
  func.func @transform_6(%arg0: i32) -> (i32, i32) {
    %c0_i32 = arith.constant 0 : i32
    %c0_i32_0 = arith.constant 0 : i32
    return %arg0, %c0_i32 : i32, i32
  }
}

module attributes {stable_mosaic.version = 14 : i64} {
  func.func @_mid_body(%arg0: i32, %arg1: memref<2x512x64xf32, #tpu.memory_space<vmem>>, %arg2: memref<2x512x8xf32, #tpu.memory_space<vmem>>, %arg3: memref<512x72xf32, #tpu.memory_space<vmem>>, %arg4: memref<512x8xf32, #tpu.memory_space<vmem>>, %arg5: memref<64x16xf32, #tpu.memory_space<vmem>>, %arg6: memref<1x16xf32, #tpu.memory_space<vmem>>, %arg7: memref<1x16xf32, #tpu.memory_space<vmem>>, %arg8: memref<8x64xf32, #tpu.memory_space<vmem>>, %arg9: memref<1x64xf32, #tpu.memory_space<vmem>>, %arg10: memref<512x32xf32, #tpu.memory_space<vmem>>, %arg11: memref<512x8xf32, #tpu.memory_space<vmem>>, %arg12: memref<512x8xf32, #tpu.memory_space<vmem>>) attributes {dimension_semantics = [#tpu.dimension_semantics<arbitrary>], iteration_bounds = array<i64: 20>, scalar_prefetch = 0 : i64, scratch_operands = 0 : i64, tpu.core_type = #tpu.core_type<tc>, window_params = [{transform_indices = @transform_0, window_bounds = array<i64: 2, 512, 64>}, {transform_indices = @transform_1, window_bounds = array<i64: 2, 512, 8>}, {transform_indices = @transform_2, window_bounds = array<i64: 512, 72>}, {transform_indices = @transform_3, window_bounds = array<i64: 512, 8>}, {pipeline_mode = #tpu.pipeline_mode<synchronous>, transform_indices = @transform_4, window_bounds = array<i64: 64, 16>}, {pipeline_mode = #tpu.pipeline_mode<synchronous>, transform_indices = @transform_5, window_bounds = array<i64: 1, 16>}, {pipeline_mode = #tpu.pipeline_mode<synchronous>, transform_indices = @transform_6, window_bounds = array<i64: 1, 16>}, {pipeline_mode = #tpu.pipeline_mode<synchronous>, transform_indices = @transform_7, window_bounds = array<i64: 8, 64>}, {pipeline_mode = #tpu.pipeline_mode<synchronous>, transform_indices = @transform_8, window_bounds = array<i64: 1, 64>}, {transform_indices = @transform_9, window_bounds = array<i64: 512, 32>}, {transform_indices = @transform_10, window_bounds = array<i64: 512, 8>}, {transform_indices = @transform_11, window_bounds = array<i64: 512, 8>}]} {
    %get3A = arith.constant 0 : index
    %get3A_0 = arith.constant 0 : index
    %get3A_1 = vector.load %arg3[%get3A, %get3A_0] : memref<512x72xf32, #tpu.memory_space<vmem>>, vector<512x64xf32>
    %get3A_2 = arith.constant 0 : index
    %get3A_3 = arith.constant 0 : index
    %get3A_4 = vector.load %arg4[%get3A_2, %get3A_3] : memref<512x8xf32, #tpu.memory_space<vmem>>, vector<512x8xf32>
    %get3A_5 = arith.constant 0 : index
    %get3A_6 = arith.constant 0 : index
    %get3A_7 = vector.load %arg8[%get3A_5, %get3A_6] : memref<8x64xf32, #tpu.memory_space<vmem>>, vector<8x64xf32>
    %get3A_8 = arith.constant 0 : index
    %get3A_9 = arith.constant 0 : index
    %get3A_10 = arith.constant 0 : index
    %get3A_11 = vector.load %arg1[%get3A_8, %get3A_9, %get3A_10] : memref<2x512x64xf32, #tpu.memory_space<vmem>>, vector<1x512x64xf32>
    %get3A_12 = vector.shape_cast %get3A_11 : vector<1x512x64xf32> to vector<512x64xf32>
    %get3A_13 = arith.constant 1 : index
    %get3A_14 = arith.constant 0 : index
    %get3A_15 = arith.constant 0 : index
    %get3A_16 = vector.load %arg1[%get3A_13, %get3A_14, %get3A_15] : memref<2x512x64xf32, #tpu.memory_space<vmem>>, vector<1x512x64xf32>
    %get3A_17 = vector.shape_cast %get3A_16 : vector<1x512x64xf32> to vector<512x64xf32>
    %add3A = arith.addf %get3A_12, %get3A_17 : vector<512x64xf32>
    %dot_general3A = arith.constant dense<0.000000e+00> : vector<512x64xf32>
    %dot_general3A_18 = tpu.matmul %get3A_4, %get3A_7, %dot_general3A {dimension_numbers = #tpu.dot_dimension_numbers<[1], [0], [0], [1], [0, 0, 1, 1], [], []>, transpose_lhs_hint = false} : vector<512x8xf32>, vector<8x64xf32>, vector<512x64xf32> -> vector<512x64xf32>
    %mul3A = arith.mulf %get3A_1, %dot_general3A_18 : vector<512x64xf32>
    %add3A_19 = arith.addf %add3A, %mul3A : vector<512x64xf32>
    %get3A_20 = arith.constant 0 : index
    %get3A_21 = arith.constant 0 : index
    %get3A_22 = arith.constant 0 : index
    %get3A_23 = vector.load %arg2[%get3A_20, %get3A_21, %get3A_22] : memref<2x512x8xf32, #tpu.memory_space<vmem>>, vector<1x512x8xf32>
    %get3A_24 = vector.shape_cast %get3A_23 : vector<1x512x8xf32> to vector<512x8xf32>
    %get3A_25 = arith.constant 1 : index
    %get3A_26 = arith.constant 0 : index
    %get3A_27 = arith.constant 0 : index
    %get3A_28 = vector.load %arg2[%get3A_25, %get3A_26, %get3A_27] : memref<2x512x8xf32, #tpu.memory_space<vmem>>, vector<1x512x8xf32>
    %get3A_29 = vector.shape_cast %get3A_28 : vector<1x512x8xf32> to vector<512x8xf32>
    %add3A_30 = arith.addf %get3A_24, %get3A_29 : vector<512x8xf32>
    %add3A_31 = arith.addf %add3A_30, %get3A_4 : vector<512x8xf32>
    %dot_general3A_32 = arith.constant dense<0.000000e+00> : vector<512x64xf32>
    %dot_general3A_33 = tpu.matmul %add3A_31, %get3A_7, %dot_general3A_32 {dimension_numbers = #tpu.dot_dimension_numbers<[1], [0], [0], [1], [0, 0, 1, 1], [], []>, transpose_lhs_hint = false} : vector<512x8xf32>, vector<8x64xf32>, vector<512x64xf32> -> vector<512x64xf32>
    %add3A_34 = arith.constant 1.000000e-16 : f32
    %add3A_35 = vector.broadcast %add3A_34 : f32 to vector<512x64xf32>
    %add3A_36 = arith.addf %dot_general3A_33, %add3A_35 : vector<512x64xf32>
    %div3A = arith.divf %add3A_19, %add3A_36 : vector<512x64xf32>
    %get3A_37 = arith.constant 0 : index
    %get3A_38 = arith.constant 0 : index
    %get3A_39 = vector.load %arg9[%get3A_37, %get3A_38] : memref<1x64xf32, #tpu.memory_space<vmem>>, vector<1x64xf32>
    %add3A_40 = vector.broadcast %get3A_39 : vector<1x64xf32> to vector<512x64xf32>
    %add3A_41 = arith.addf %div3A, %add3A_40 : vector<512x64xf32>
    %gt3A = arith.constant 0.000000e+00 : f32
    %gt3A_42 = vector.broadcast %gt3A : f32 to vector<512x64xf32>
    %gt3A_43 = arith.cmpf ogt, %add3A_41, %gt3A_42 : vector<512x64xf32>
    %min3A = arith.constant 0.000000e+00 : f32
    %min3A_44 = vector.broadcast %min3A : f32 to vector<512x64xf32>
    %min3A_45 = arith.minimumf %add3A_41, %min3A_44 : vector<512x64xf32>
    %exp3A = math.exp %min3A_45 : vector<512x64xf32>
    %sub3A = arith.constant 1.000000e+00 : f32
    %sub3A_46 = vector.broadcast %sub3A : f32 to vector<512x64xf32>
    %sub3A_47 = arith.subf %exp3A, %sub3A_46 : vector<512x64xf32>
    %select_n3A = arith.select %gt3A_43, %add3A_41, %sub3A_47 : vector<512x64xi1>, vector<512x64xf32>
    %get3A_48 = arith.constant 0 : index
    %get3A_49 = arith.constant 0 : index
    %get3A_50 = vector.load %arg5[%get3A_48, %get3A_49] : memref<64x16xf32, #tpu.memory_space<vmem>>, vector<64x16xf32>
    %dot_general3A_51 = arith.constant dense<0.000000e+00> : vector<512x16xf32>
    %dot_general3A_52 = tpu.matmul %select_n3A, %get3A_50, %dot_general3A_51 {dimension_numbers = #tpu.dot_dimension_numbers<[1], [0], [0], [1], [0, 0, 1, 1], [], []>, transpose_lhs_hint = false} : vector<512x64xf32>, vector<64x16xf32>, vector<512x16xf32> -> vector<512x16xf32>
    %get3A_53 = arith.constant 0 : index
    %get3A_54 = arith.constant 0 : index
    %get3A_55 = vector.load %arg6[%get3A_53, %get3A_54] : memref<1x16xf32, #tpu.memory_space<vmem>>, vector<1x16xf32>
    %mul3A_56 = vector.broadcast %get3A_55 : vector<1x16xf32> to vector<512x16xf32>
    %mul3A_57 = arith.mulf %dot_general3A_52, %mul3A_56 : vector<512x16xf32>
    %reduce_sum3A = arith.constant dense<0.000000e+00> : vector<512xf32>
    %reduce_sum3A_58 = vector.multi_reduction <add>, %mul3A_57, %reduce_sum3A [1] : vector<512x16xf32> to vector<512xf32>
    %broadcast_in_dim3A = vector.shape_cast %reduce_sum3A_58 : vector<512xf32> to vector<512x1xf32>
    %get3A_59 = arith.constant 0 : index
    %get3A_60 = arith.constant 0 : index
    %get3A_61 = vector.load %arg7[%get3A_59, %get3A_60] : memref<1x16xf32, #tpu.memory_space<vmem>>, vector<1x16xf32>
    %mul3A_62 = vector.broadcast %get3A_61 : vector<1x16xf32> to vector<512x16xf32>
    %mul3A_63 = arith.mulf %dot_general3A_52, %mul3A_62 : vector<512x16xf32>
    %reduce_sum3A_64 = arith.constant dense<0.000000e+00> : vector<512xf32>
    %reduce_sum3A_65 = vector.multi_reduction <add>, %mul3A_63, %reduce_sum3A_64 [1] : vector<512x16xf32> to vector<512xf32>
    %broadcast_in_dim3A_66 = vector.shape_cast %reduce_sum3A_65 : vector<512xf32> to vector<512x1xf32>
    %broadcast_in_dim3A_67 = arith.constant 0.000000e+00 : f32
    %broadcast_in_dim3A_68 = vector.broadcast %broadcast_in_dim3A_67 : f32 to vector<512x15xf32>
    %concatenate3A = tpu.concatenate %dot_general3A_52, %broadcast_in_dim3A, %broadcast_in_dim3A_68 in 1 : vector<512x16xf32>, vector<512x1xf32>, vector<512x15xf32> -> vector<512x32xf32>
    %swap3A = arith.constant 0 : index
    %swap3A_69 = arith.constant 0 : index
    %swap3A_70 = vector.load %arg10[%swap3A, %swap3A_69] : memref<512x32xf32, #tpu.memory_space<vmem>>, vector<512x32xf32>
    tpu.vector_store %arg10[%swap3A, %swap3A_69], %concatenate3A {strides = array<i32>} : memref<512x32xf32, #tpu.memory_space<vmem>>, vector<512x32xf32>,
    %slice3A = vector.extract_strided_slice %broadcast_in_dim3A_68 {offsets = [0, 0], sizes = [512, 7], strides = [1, 1]} : vector<512x15xf32> to vector<512x7xf32>
    %concatenate3A_71 = tpu.concatenate %broadcast_in_dim3A_66, %slice3A in 1 : vector<512x1xf32>, vector<512x7xf32> -> vector<512x8xf32>
    %swap3A_72 = arith.constant 0 : index
    %swap3A_73 = arith.constant 0 : index
    %swap3A_74 = vector.load %arg11[%swap3A_72, %swap3A_73] : memref<512x8xf32, #tpu.memory_space<vmem>>, vector<512x8xf32>
    tpu.vector_store %arg11[%swap3A_72, %swap3A_73], %concatenate3A_71 {strides = array<i32>} : memref<512x8xf32, #tpu.memory_space<vmem>>, vector<512x8xf32>,
    %add3A_75 = arith.addf %broadcast_in_dim3A, %broadcast_in_dim3A_66 : vector<512x1xf32>
    %ge3A = arith.constant 0.000000e+00 : f32
    %ge3A_76 = vector.broadcast %ge3A : f32 to vector<512x1xf32>
    %ge3A_77 = arith.cmpf oge, %add3A_75, %ge3A_76 : vector<512x1xf32>
    %mul3A_78 = arith.constant 2.000000e-01 : f32
    %mul3A_79 = vector.broadcast %mul3A_78 : f32 to vector<512x1xf32>
    %mul3A_80 = arith.mulf %mul3A_79, %add3A_75 : vector<512x1xf32>
    %select_n3A_81 = arith.select %ge3A_77, %add3A_75, %mul3A_80 : vector<512x1xi1>, vector<512x1xf32>
    %exp3A_82 = math.exp %select_n3A_81 : vector<512x1xf32>
    %broadcast_in_dim3A_83 = vector.shape_cast %exp3A_82 : vector<512x1xf32> to vector<512x1xf32>
    %broadcast_in_dim3A_84 = vector.broadcast %broadcast_in_dim3A_83 : vector<512x1xf32> to vector<512x8xf32>
    %swap3A_85 = arith.constant 0 : index
    %swap3A_86 = arith.constant 0 : index
    %swap3A_87 = vector.load %arg12[%swap3A_85, %swap3A_86] : memref<512x8xf32, #tpu.memory_space<vmem>>, vector<512x8xf32>
    tpu.vector_store %arg12[%swap3A_85, %swap3A_86], %broadcast_in_dim3A_84 {strides = array<i32>} : memref<512x8xf32, #tpu.memory_space<vmem>>, vector<512x8xf32>,
    return
  }
  func.func @transform_0(%arg0: i32) -> (i32, i32, i32) {
    %c0_i32 = arith.constant 0 : i32
    %c0_i32_0 = arith.constant 0 : i32
    %c0_i32_1 = arith.constant 0 : i32
    return %c0_i32, %arg0, %c0_i32_0 : i32, i32, i32
  }
  func.func @transform_1(%arg0: i32) -> (i32, i32, i32) {
    %c0_i32 = arith.constant 0 : i32
    %c0_i32_0 = arith.constant 0 : i32
    %c0_i32_1 = arith.constant 0 : i32
    return %c0_i32, %arg0, %c0_i32_0 : i32, i32, i32
  }
  func.func @transform_2(%arg0: i32) -> (i32, i32) {
    %c0_i32 = arith.constant 0 : i32
    %c0_i32_0 = arith.constant 0 : i32
    return %arg0, %c0_i32 : i32, i32
  }
  func.func @transform_3(%arg0: i32) -> (i32, i32) {
    %c0_i32 = arith.constant 0 : i32
    %c0_i32_0 = arith.constant 0 : i32
    return %arg0, %c0_i32 : i32, i32
  }
  func.func @transform_4(%arg0: i32) -> (i32, i32) {
    %c0_i32 = arith.constant 0 : i32
    %c0_i32_0 = arith.constant 0 : i32
    %c0_i32_1 = arith.constant 0 : i32
    return %c0_i32, %c0_i32_0 : i32, i32
  }
  func.func @transform_5(%arg0: i32) -> (i32, i32) {
    %c0_i32 = arith.constant 0 : i32
    %c0_i32_0 = arith.constant 0 : i32
    %c0_i32_1 = arith.constant 0 : i32
    return %c0_i32, %c0_i32_0 : i32, i32
  }
  func.func @transform_6(%arg0: i32) -> (i32, i32) {
    %c0_i32 = arith.constant 0 : i32
    %c0_i32_0 = arith.constant 0 : i32
    %c0_i32_1 = arith.constant 0 : i32
    return %c0_i32, %c0_i32_0 : i32, i32
  }
  func.func @transform_7(%arg0: i32) -> (i32, i32) {
    %c0_i32 = arith.constant 0 : i32
    %c0_i32_0 = arith.constant 0 : i32
    %c0_i32_1 = arith.constant 0 : i32
    return %c0_i32, %c0_i32_0 : i32, i32
  }
  func.func @transform_8(%arg0: i32) -> (i32, i32) {
    %c0_i32 = arith.constant 0 : i32
    %c0_i32_0 = arith.constant 0 : i32
    %c0_i32_1 = arith.constant 0 : i32
    return %c0_i32, %c0_i32_0 : i32, i32
  }
  func.func @transform_9(%arg0: i32) -> (i32, i32) {
    %c0_i32 = arith.constant 0 : i32
    %c0_i32_0 = arith.constant 0 : i32
    return %arg0, %c0_i32 : i32, i32
  }
  func.func @transform_10(%arg0: i32) -> (i32, i32) {
    %c0_i32 = arith.constant 0 : i32
    %c0_i32_0 = arith.constant 0 : i32
    return %arg0, %c0_i32 : i32, i32
  }
  func.func @transform_11(%arg0: i32) -> (i32, i32) {
    %c0_i32 = arith.constant 0 : i32
    %c0_i32_0 = arith.constant 0 : i32
    return %arg0, %c0_i32 : i32, i32
  }
}

module attributes {stable_mosaic.version = 14 : i64} {
  func.func @_final_body(%arg0: i32, %arg1: memref<2x512x16xf32, #tpu.memory_space<vmem>>, %arg2: memref<2x512x8xf32, #tpu.memory_space<vmem>>, %arg3: memref<512x32xf32, #tpu.memory_space<vmem>>, %arg4: memref<512x8xf32, #tpu.memory_space<vmem>>, %arg5: memref<1x16xf32, #tpu.memory_space<vmem>>, %arg6: memref<512x16xf32, #tpu.memory_space<vmem>>) attributes {dimension_semantics = [#tpu.dimension_semantics<arbitrary>], iteration_bounds = array<i64: 20>, scalar_prefetch = 0 : i64, scratch_operands = 0 : i64, tpu.core_type = #tpu.core_type<tc>, window_params = [{transform_indices = @transform_0, window_bounds = array<i64: 2, 512, 16>}, {transform_indices = @transform_1, window_bounds = array<i64: 2, 512, 8>}, {transform_indices = @transform_2, window_bounds = array<i64: 512, 32>}, {transform_indices = @transform_3, window_bounds = array<i64: 512, 8>}, {pipeline_mode = #tpu.pipeline_mode<synchronous>, transform_indices = @transform_4, window_bounds = array<i64: 1, 16>}, {transform_indices = @transform_5, window_bounds = array<i64: 512, 16>}]} {
    %get3A = arith.constant 0 : index
    %get3A_0 = arith.constant 0 : index
    %get3A_1 = vector.load %arg3[%get3A, %get3A_0] : memref<512x32xf32, #tpu.memory_space<vmem>>, vector<512x16xf32>
    %get3A_2 = arith.constant 0 : index
    %get3A_3 = arith.constant 0 : index
    %get3A_4 = vector.load %arg4[%get3A_2, %get3A_3] : memref<512x8xf32, #tpu.memory_space<vmem>>, vector<512x1xf32>
    %get3A_5 = arith.constant 0 : index
    %get3A_6 = arith.constant 0 : index
    %get3A_7 = arith.constant 0 : index
    %get3A_8 = vector.load %arg1[%get3A_5, %get3A_6, %get3A_7] : memref<2x512x16xf32, #tpu.memory_space<vmem>>, vector<1x512x16xf32>
    %get3A_9 = vector.shape_cast %get3A_8 : vector<1x512x16xf32> to vector<512x16xf32>
    %get3A_10 = arith.constant 1 : index
    %get3A_11 = arith.constant 0 : index
    %get3A_12 = arith.constant 0 : index
    %get3A_13 = vector.load %arg1[%get3A_10, %get3A_11, %get3A_12] : memref<2x512x16xf32, #tpu.memory_space<vmem>>, vector<1x512x16xf32>
    %get3A_14 = vector.shape_cast %get3A_13 : vector<1x512x16xf32> to vector<512x16xf32>
    %add3A = arith.addf %get3A_9, %get3A_14 : vector<512x16xf32>
    %mul3A = vector.broadcast %get3A_4 : vector<512x1xf32> to vector<512x16xf32>
    %mul3A_15 = arith.mulf %get3A_1, %mul3A : vector<512x16xf32>
    %add3A_16 = arith.addf %add3A, %mul3A_15 : vector<512x16xf32>
    %get3A_17 = arith.constant 0 : index
    %get3A_18 = arith.constant 0 : index
    %get3A_19 = arith.constant 0 : index
    %get3A_20 = vector.load %arg2[%get3A_17, %get3A_18, %get3A_19] : memref<2x512x8xf32, #tpu.memory_space<vmem>>, vector<1x512x1xf32>
    %get3A_21 = vector.shape_cast %get3A_20 : vector<1x512x1xf32> to vector<512x1xf32>
    %get3A_22 = arith.constant 1 : index
    %get3A_23 = arith.constant 0 : index
    %get3A_24 = arith.constant 0 : index
    %get3A_25 = vector.load %arg2[%get3A_22, %get3A_23, %get3A_24] : memref<2x512x8xf32, #tpu.memory_space<vmem>>, vector<1x512x1xf32>
    %get3A_26 = vector.shape_cast %get3A_25 : vector<1x512x1xf32> to vector<512x1xf32>
    %add3A_27 = arith.addf %get3A_21, %get3A_26 : vector<512x1xf32>
    %add3A_28 = arith.addf %add3A_27, %get3A_4 : vector<512x1xf32>
    %add3A_29 = arith.constant 1.000000e-16 : f32
    %add3A_30 = vector.broadcast %add3A_29 : f32 to vector<512x1xf32>
    %add3A_31 = arith.addf %add3A_28, %add3A_30 : vector<512x1xf32>
    %div3A = vector.broadcast %add3A_31 : vector<512x1xf32> to vector<512x16xf32>
    %div3A_32 = arith.divf %add3A_16, %div3A : vector<512x16xf32>
    %get3A_33 = arith.constant 0 : index
    %get3A_34 = arith.constant 0 : index
    %get3A_35 = vector.load %arg5[%get3A_33, %get3A_34] : memref<1x16xf32, #tpu.memory_space<vmem>>, vector<1x16xf32>
    %add3A_36 = vector.broadcast %get3A_35 : vector<1x16xf32> to vector<512x16xf32>
    %add3A_37 = arith.addf %div3A_32, %add3A_36 : vector<512x16xf32>
    %reduce_max3A = arith.constant dense<0xFF800000> : vector<512xf32>
    %reduce_max3A_38 = vector.multi_reduction <maximumf>, %add3A_37, %reduce_max3A [1] : vector<512x16xf32> to vector<512xf32>
    %broadcast_in_dim3A = vector.shape_cast %reduce_max3A_38 : vector<512xf32> to vector<512x1xf32>
    %sub3A = vector.broadcast %broadcast_in_dim3A : vector<512x1xf32> to vector<512x16xf32>
    %sub3A_39 = arith.subf %add3A_37, %sub3A : vector<512x16xf32>
    %exp3A = math.exp %sub3A_39 : vector<512x16xf32>
    %reduce_sum3A = arith.constant dense<0.000000e+00> : vector<512xf32>
    %reduce_sum3A_40 = vector.multi_reduction <add>, %exp3A, %reduce_sum3A [1] : vector<512x16xf32> to vector<512xf32>
    %broadcast_in_dim3A_41 = vector.shape_cast %reduce_sum3A_40 : vector<512xf32> to vector<512x1xf32>
    %log3A = math.log %broadcast_in_dim3A_41 : vector<512x1xf32>
    %sub3A_42 = vector.broadcast %log3A : vector<512x1xf32> to vector<512x16xf32>
    %sub3A_43 = arith.subf %sub3A_39, %sub3A_42 : vector<512x16xf32>
    %swap3A = arith.constant 0 : index
    %swap3A_44 = arith.constant 0 : index
    %swap3A_45 = vector.load %arg6[%swap3A, %swap3A_44] : memref<512x16xf32, #tpu.memory_space<vmem>>, vector<512x16xf32>
    tpu.vector_store %arg6[%swap3A, %swap3A_44], %sub3A_43 {strides = array<i32>} : memref<512x16xf32, #tpu.memory_space<vmem>>, vector<512x16xf32>,
    return
  }
  func.func @transform_0(%arg0: i32) -> (i32, i32, i32) {
    %c0_i32 = arith.constant 0 : i32
    %c0_i32_0 = arith.constant 0 : i32
    %c0_i32_1 = arith.constant 0 : i32
    return %c0_i32, %arg0, %c0_i32_0 : i32, i32, i32
  }
  func.func @transform_1(%arg0: i32) -> (i32, i32, i32) {
    %c0_i32 = arith.constant 0 : i32
    %c0_i32_0 = arith.constant 0 : i32
    %c0_i32_1 = arith.constant 0 : i32
    return %c0_i32, %arg0, %c0_i32_0 : i32, i32, i32
  }
  func.func @transform_2(%arg0: i32) -> (i32, i32) {
    %c0_i32 = arith.constant 0 : i32
    %c0_i32_0 = arith.constant 0 : i32
    return %arg0, %c0_i32 : i32, i32
  }
  func.func @transform_3(%arg0: i32) -> (i32, i32) {
    %c0_i32 = arith.constant 0 : i32
    %c0_i32_0 = arith.constant 0 : i32
    return %arg0, %c0_i32 : i32, i32
  }
  func.func @transform_4(%arg0: i32) -> (i32, i32) {
    %c0_i32 = arith.constant 0 : i32
    %c0_i32_0 = arith.constant 0 : i32
    %c0_i32_1 = arith.constant 0 : i32
    return %c0_i32, %c0_i32_0 : i32, i32
  }
  func.func @transform_5(%arg0: i32) -> (i32, i32) {
    %c0_i32 = arith.constant 0 : i32
    %c0_i32_0 = arith.constant 0 : i32
    return %arg0, %c0_i32 : i32, i32
  }
}

</mosaic_0001>

<sc_bundles>
// kernel: kernel.10.cloned.1.call-start
scs
__scs_entry_jumppad:
0x0: {  	(pc) =	sbr.rel $0x88, $3  }
0x1: {  	(tag) =	ssettag $0x0;
	lr =	simm.s32 $0x1  }
0x2: {  	[smem:$0x3F97] =	sst lr;
	_ =	strace $0xD0000000  }
0x3: {  	_ = 	snop  }
0x4: {  	_ = 	snop  }
0x5: {  	_ = 	snop  }
0x6: {  	_ = 	snop  }
0x7: {  	_ = 	snop  }
__scs_overlays_trampoline_lowered:
0x8: {  	[smem:$0x3FA6] =	sst s0  }
0x9: {  	[smem:$0x3FA7] =	sst s1  }
0xa: {  	[smem:$0x3FA8] =	sst s2  }
0xb: {  	[smem:$0x3FA9] =	sst s3  }
0xc: {  	[smem:$0x3FAA] =	sst s4  }
0xd: {  	[smem:$0x3FAB] =	sst s5  }
0xe: {  	[smem:$0x3FAC] =	sst s6  }
0xf: {  	[smem:$0x3FAD] =	sst s7  }
0x10: {  	[smem:$0x3FAE] =	sst s8  }
0x11: {  	[smem:$0x3FAF] =	sst s9;
	s0 =	simm.s32 @!p0 $0x0  }
0x12: {  	s1 =	sld [smem:$0x3F95];
	s0 =	simm.s32 @p0 $0x1  }
0x13: {  	[smem:$0x3FB0] =	sst s0;
	s0 =	simm.s32 @!p1 $0x0  }
0x14: {  	s2 =	sld [smem:$0x3F94];
	s0 =	simm.s32 @p1 $0x1  }
0x15: {  	[smem:$0x3FB1] =	sst s0;
	s0 =	simm.s32 @!p2 $0x0  }
0x16: {  	s3 =	sld [smem:$0x3FDB];
	s0 =	simm.s32 @p2 $0x1  }
0x17: {  	s4 =	simm.s32 $0x1BF5;
	[smem:$0x3FB3] =	sst s0  }
0x18: {  	s0 =	sld [smem:$0x3F96];
	_ =	swait.ge [sflag:s4], $0x0  }
0x19: {  	s7 =	sld [smem:$0x3F97]  }
0x1a: {  	s8 =	sadd.s32 $0xFFFFE003, lr  }
0x1b: {  	s9 =	sadd.s32 $0xFFFFFEF7, lr;
	s5 =	simm.s32 $0xFFFFFFFF;
	p2 =	slt.u32 s8, $0xFFFFF086  }
0x1c: {  	p1 =	slt.u32 s9, $0xF7A;
	s5 =	simm.s32 @!p2 $0x0  }
0x1d: {  	s5 =	simm.s32 @p1 $0x1;
	p0 =	seq.s32 s7, s2  }
0x1e: {  	s7 =	smul.u32 @!p0 $0xF7A, s2;
	p2 =	seq.s32 @!p0 s5, $0x0  }
0x1f: {  	s9 =	smul.u32 $0xF7A, s1;
	s8 =	simm.s32 @!p0 $0x1BF5;
	p2 =	por !p2, p0  }
0x20: {  	[sflag:s8] =	ssyncset.s32 @!p0 $0xFFFFF086;
	s6 =	sadd.s32 @!p0 s3, s7;
	s7 =	simm.s32 @!p0 $0x108  }
0x21: {  	s3 =	sadd.s32 s3, s9;
	s6 =	sadd.s32 @!p0 $0x88, s6;
	s7 =	simm.s32 @p2 $0x1082  }
0x22: {  	[simem:s7], [sflag:s8] =	dma.local @!p0 [hbm:s6], $0xF7A  }
0x23: {  	s9 =	sor.u32 $0xD0000000, s2;
	s6 =	simm.s32 $0x108;
	_ =	swait.ge @!p0 [sflag:s8], $0x0  }
0x24: {  	s3 =	sadd.s32 $0x88, s3;
	s6 =	simm.s32 @!p1 $0x1082;
	[sflag:s4] =	ssyncset.s32 $0xFFFFF086  }
0x25: {  	[simem:s6], [sflag:s4] =	dma.local [hbm:s3], $0xF7A  }
0x26: {  	[smem:$0x3F97] =	sst s1;
	(tag) =	ssettag s2;
	_ =	strace s9  }
0x27: {  	s1 =	sld [smem:$0x3FA7]  }
0x28: {  	s2 =	sld [smem:$0x3FA8]  }
0x29: {  	s4 =	sld [smem:$0x3FAA]  }
0x2a: {  	p0 =	seq.s32 s5, $0x0;
	s5 =	sld [smem:$0x3FAB]  }
0x2b: {  	s6 =	sld [smem:$0x3FAC]  }
0x2c: {  	s7 =	sld [smem:$0x3FAD]  }
0x2d: {  	s3 =	simm.s32 $0x108;
	s8 =	sld [smem:$0x3FAE]  }
0x2e: {  	s3 =	simm.s32 @!p0 $0x1082;
	s9 =	sld [smem:$0x3FAF]  }
0x2f: {  	lr =	sadd.s32 s0, s3;
	s0 =	sld [smem:$0x3FA6]  }
0x30: {  	s3 =	sld [smem:$0x3FA9]  }
0x31: {  	[smem:$0x3FB2] =	sst s10  }
0x32: {  	s10 =	sld [smem:$0x3FB0];
	_ =	sdelay $0x3  }
0x33: {  	p0 =	seq.s32 s10, $0x1;
	s10 =	sld [smem:$0x3FB2];
	_ =	sdelay $0x3  }
0x34: {  	[smem:$0x3FB2] =	sst s10  }
0x35: {  	s10 =	sld [smem:$0x3FB1];
	_ =	sdelay $0x3  }
0x36: {  	p1 =	seq.s32 s10, $0x1;
	s10 =	sld [smem:$0x3FB2];
	_ =	sdelay $0x3  }
0x37: {  	[smem:$0x3FB2] =	sst s10  }
0x38: {  	s10 =	sld [smem:$0x3FB3]  }
0x39: {  	_ = 	snop;
	(pc) =	sbr.ind lr, $3  }
0x3a: {  	_ = 	snop  }
0x3b: {  	_ = 	snop  }
0x3c: {  	p2 =	seq.s32 s10, $0x1;
	s10 =	sld [smem:$0x3FB2]  }
0x3d: {  	_ =	shalt  }
0x3e: {  	_ =	shalt  }
0x3f: {  	_ =	shalt  }
0x40: {  	_ =	shalt  }
0x41: {  	_ =	shalt  }
0x42: {  	_ =	shalt  }
0x43: {  	_ =	shalt  }
0x44: {  	_ =	shalt  }
0x45: {  	_ =	shalt  }
0x46: {  	_ =	shalt  }
0x47: {  	_ =	shalt  }
0x48: {  	_ =	shalt  }
0x49: {  	_ =	shalt  }
0x4a: {  	_ =	shalt  }
0x4b: {  	_ =	shalt  }
0x4c: {  	_ =	shalt  }
0x4d: {  	_ =	shalt  }
0x4e: {  	_ =	shalt  }
0x4f: {  	_ =	shalt  }
0x50: {  	_ =	shalt  }
0x51: {  	_ =	shalt  }
0x52: {  	_ =	shalt  }
0x53: {  	_ =	shalt  }
0x54: {  	_ =	shalt  }
0x55: {  	_ =	shalt  }
0x56: {  	_ =	shalt  }
0x57: {  	_ =	shalt  }
0x58: {  	_ =	shalt  }
0x59: {  	_ =	shalt  }
0x5a: {  	_ =	shalt  }
0x5b: {  	_ =	shalt  }
0x5c: {  	_ =	shalt  }
0x5d: {  	_ =	shalt  }
0x5e: {  	_ =	shalt  }
0x5f: {  	_ =	shalt  }
0x60: {  	_ =	shalt  }
0x61: {  	_ =	shalt  }
0x62: {  	_ =	shalt  }
0x63: {  	_ =	shalt  }
0x64: {  	_ =	shalt  }
0x65: {  	_ =	shalt  }
0x66: {  	_ =	shalt  }
0x67: {  	_ =	shalt  }
0x68: {  	_ =	shalt  }
0x69: {  	_ =	shalt  }
0x6a: {  	_ =	shalt  }
0x6b: {  	_ =	shalt  }
0x6c: {  	_ =	shalt  }
0x6d: {  	_ =	shalt  }
0x6e: {  	_ =	shalt  }
0x6f: {  	_ =	shalt  }
0x70: {  	_ =	shalt  }
0x71: {  	_ =	shalt  }
0x72: {  	_ =	shalt  }
0x73: {  	_ =	shalt  }
0x74: {  	_ =	shalt  }
0x75: {  	_ =	shalt  }
0x76: {  	_ =	shalt  }
0x77: {  	_ =	shalt  }
0x78: {  	_ =	shalt  }
0x79: {  	_ =	shalt  }
0x7a: {  	_ =	shalt  }
0x7b: {  	_ =	shalt  }
0x7c: {  	_ =	shalt  }
0x7d: {  	_ =	shalt  }
0x7e: {  	_ =	shalt  }
0x7f: {  	_ =	shalt  }
0x80: {  	_ =	shalt  }
0x81: {  	_ =	shalt  }
0x82: {  	_ =	shalt  }
0x83: {  	_ =	shalt  }
0x84: {  	_ =	shalt  }
0x85: {  	_ =	shalt  }
0x86: {  	_ =	shalt  }
0x87: {  	_ =	shalt  }
.Lfunc_end0:
.L_simem_size_0:
called_computation.1_lowered:
.L_overlay_start_0:
0x88: {  	s2 =	sld [smem:$0x3FD9]  }
0x89: {  	s3 =	sld [smem:$0x3FFE];
	_ =	sdelay $0x1  }
0x8a: {  	s1 =	srdreg.scid  }
0x8b: {  	s0 =	sand.u32 $0x1, s1  }
0x8c: {  	s17 =	sshll.u32 s0, $0xA;
	s2 =	sadd.s32 s3, s2  }
0x8d: {  	s2 =	sadd.s32 s2, s17  }
0x8e: {  	[smem:$0x3FBE] =	sst s2  }
0x8f: {  	_ = 	snop  }
0x90: {  	s2 =	sld [smem:$0x3FD0];
	(tm) =	ssettm $0x1  }
0x91: {  	s18 =	sld [smem:$0x3FFB];
	_ =	sdelay $0x3  }
0x92: {  	_ =	strace s18  }
0x93: {  	s3 =	sld [smem:$0x3FFC];
	_ =	sdelay $0x3  }
0x94: {  	_ =	strace s3  }
0x95: {  	s3 =	sld [smem:$0x3FFD];
	_ =	sdelay $0x3  }
0x96: {  	_ =	strace s3  }
0x97: {  	_ =	strace $0x8FFFFFFF  }
0x98: {  	s19 =	sld [smem:$0x3FDB];
	_ =	sdelay $0x1  }
0x99: {  	s4 =	simm.s32 $_scs_section_size  }
0x9a: {  	s5 =	simm.s32 $_size__tile_overlayer_lowered;
	s6 =	simm.s32 $_tile_overlayer_lowered  }
0x9b: {  	s22 =	simm.s32 $0x1BFF;
	s21 =	sshll.u32 s6, $0x1;
	s3 =	sadd.s32 s4, s19  }
0x9c: {  	s7 =	simm.s32 $0x0;
	s20 =	sshll.u32 s5, $0x1;
	s5 =	sadd.s32 s21, s3  }
0x9d: {  	[timem:s7], [sflag:s22] =	dma.local [hbm:s5], s20  }
0x9e: {  	_ =	swait.ge [sflag:s22], s20  }
0x9f: {  	s4 =	ssub.s32 $0x0, s20;
	[sflag:s22] =	ssyncset.done $0x0  }
0xa0: {  	[sflag:s22] =	ssyncadd.s32 s4;
	_ =	sdelay $0x1  }
0xa1: {  	s23 =	simm.s32 $0x1B8B  }
0xa2: {  	_ =	swait.ge [sflag:s23], $0x1  }
0xa3: {  	[sflag:s23] =	ssyncset.done $0x0  }
0xa4: {  	s25 =	simm.s32 $0x1B8E;
	s24 =	sld [smem:$0x3FFE];
	[sflag:s23] =	ssyncadd.s32 $0xFFFFFFFF  }
0xa5: {  	s26 =	simm.s32 $execute0_lowered;
	[smem:$0x3FD2] =	sst s25  }
0xa6: {  	s5 =	sshll.u32 s26, $0x1;
	_ =	strace $0x80000049;
	[dreg:$0x1] =	wrdreg $0xFFFFFFFF  }
0xa7: {  	s28 =	simm.s32 $_size_execute0_lowered;
	s3 =	sadd.s32 s3, s5;
	[dreg:$0x0] =	wrdreg $0x0  }
0xa8: {  	s5 =	sshll.u32 s28, $0x1;
	[dreg:$0x2] =	wrdreg s3  }
0xa9: {  	[dreg:$0x3] =	wrdreg s5  }
0xaa: {  	[dreg:$0x4] =	wrdreg $0xC0  }
0xab: {  	_ =	task [dreg:s7], $0x5FFFF  }
0xac: {  	[dreg:$0x1] =	wrdreg $0xFFFFFFFF  }
0xad: {  	[dreg:$0x0] =	wrdreg $0x60  }
0xae: {  	[dreg:$0x2] =	wrdreg s24  }
0xaf: {  	[dreg:$0x3] =	wrdreg s2  }
0xb0: {  	[dreg:$0x4] =	wrdreg $0x84000  }
0xb1: {  	[dreg:$0x5] =	wrdreg $0xAC000  }
0xb2: {  	[dreg:$0x6] =	wrdreg $0x9  }
0xb3: {  	_ =	task.clear_ibuf [dreg:s7], $0x7FFFF;
	_ =	strace $0x90000049  }
0xb4: {  	s29 =	simm.s32 $0x9;
	_ =	strace $0x8000004B  }
0xb5: {  	_ =	swait.ge [sflag:s29], $0x1  }
0xb6: {  	[sflag:s29] =	ssyncadd.s32 $0xFFFFFFFF  }
0xb7: {  	_ =	strace $0x9000004B  }
0xb8: {  	_ =	sfence  }
0xb9: {  	s30 =	sld [smem:$0x0];
	_ =	sdelay $0x2  }
0xba: {  	s31 =	sshll.u32 s1, $0xD;
	s1 =	sshrl.u32 s1, $0x2  }
0xbb: {  	s3 =	sand.u32 $0x4000, s31;
	s1 =	sadd.s32 s1, s30  }
0xbc: {  	s0 =	sor.u32 s3, s0;
	s1 =	sshll.u32 s1, $0x11  }
0xbd: {  	s0 =	sor.u32 s1, s0  }
0xbe: {  	s0 =	sadd.s32 $0x8F2B, s0  }
0xbf: {  	[sflag:s0] =	ssyncadd.remote.s32 $0x1  }
0xc0: {  	_ =	sfence.sel $0xFFFF  }
0xc1: {  	[dreg:$0x0] =	wrdreg $0xFFFFFFFF;
	(pc) =	sbr.abs _section_cstart, $3  }
0xc2: {  	[dreg:$0x1] =	wrdreg $0xFFFFFFFF  }
0xc3: {  	_ =	task.clear_ibuf [dreg:s7], $0x2FFFF;
	_ =	strace $0x9FFFFFFF  }
0xc4: {  	(tm) =	ssettm $0x7FFFFFFF  }
0xc5: {  	_ =	shalt  }
tec
execute0_lowered:
.L_overlay_start_1:
0x0: {  	(tag) =	ssettag $0x1  }
0x1: {  	s0 =	rddreg [dreg:$0x0]  }
0x2: {  	s3 =	rddreg [dreg:$0x2]  }
0x3: {  	s4 =	rddreg [dreg:$0x3]  }
0x4: {  	s2 =	stileid.u32;
	s5 =	simm.s32 $0x0;
	s6 =	srdreg.scid  }
0x5: {  	s28 =	simm.s32 $0x5700;
	s29 =	simm.s32 $0x7800;
	s30 =	simm.s32 $0x11  }
0x6: {  	s31 =	simm.s32 $0x80;
	s1 =	smul.u32 $0x2800, s2;
	[smem:$0x7FF] =	sst s5  }
0x7: {  	s9 =	smul.u32 $0x1400, s2;
	s10 =	sand.u32 $0x1, s6;
	s6 =	sadd.s32 $0x2000, s0  }
0x8: {  	s7 =	sadd.s32 $0x4A800, s0;
	s8 =	sadd.s32 $0x40800, s0;
	s11 =	smul.u32 $0x28000, s10  }
0x9: {  	s15 =	sshll.u32 s2, $0x1;
	_ =	strace $0x8000004A;
	s14 =	smul.u32 $0x14000, s10  }
0xa: {  	s16 =	ssub.s32 $0x2, s10;
	s10 =	sor.u32 s10, s15;
	s12 =	sshrl.u32 s1, $0x3  }
0xb: {  	s13 =	sshrl.u32 s9, $0x3;
	s24 =	sshrl.u32 s16, $0x1;
	s25 =	smul.u32 $0x500, s10  }
0xc: {  	s10 =	simm.s32 $0x0;
	s11 =	sadd.s32 s1, s11;
	s12 =	sadd.s32 s12, s0  }
0xd: {  	s13 =	sadd.s32 s13, s0;
	s14 =	sadd.s32 s9, s14;
	s26 =	ssub.s32 s16, s24  }
0xe: {  	s1 =	sadd.s32 s1, s3;
	s11 =	sshrl.u32 s11, $0x3;
	s14 =	sshrl.u32 s14, $0x3  }
0xf: {  	[dreg:$0x6] =	wrdreg s1;
	s12 =	sadd.s32 $0xC000, s12;
	s15 =	sadd.s32 $0x54800, s13  }
0x10: {  	s16 =	sor.u32 $0x10, s25;
	s17 =	sadd.s32 s7, s25;
	[dreg:$0x5] =	wrdreg s25  }
0x11: {  	s18 =	sadd.s32 s8, s25;
	s20 =	sor.u32 $0x20, s25;
	[dreg:$0x7] =	wrdreg s12  }
0x12: {  	s21 =	sor.u32 $0x30, s25;
	s26 =	smax.u32 s26, $0x1;
	[dreg:$0x9] =	wrdreg s15  }
0x13: {  	s13 =	simm.s32 $0x3200;
	s11 =	sadd.s32 s11, s0;
	[dreg:$0xa] =	wrdreg s17  }
0x14: {  	s0 =	sadd.s32 s14, s0;
	s14 =	sadd.s32 s9, s4;
	[dreg:$0xb] =	wrdreg s18  }
0x15: {  	s19 =	sadd.s32 s7, s16;
	s1 =	sadd.s32 s8, s16;
	s22 =	sadd.s32 s7, s20  }
0x16: {  	s23 =	sadd.s32 s7, s21;
	s24 =	sadd.s32 s8, s21;
	[dreg:$0x14] =	wrdreg s26  }
0x17: {  	s26 =	simm.s32 $0x3600;
	s12 =	simm.s32 $0x2200;
	[dreg:$0x8] =	wrdreg s14  }
0x18: {  	s15 =	simm.s32 $0x4280;
	s16 =	simm.s32 $0x4300;
	[dreg:$0xc] =	wrdreg s19  }
0x19: {  	s17 =	simm.s32 $0x5300;
	s21 =	simm.s32 $0x7400;
	[dreg:$0xd] =	wrdreg s1  }
0x1a: {  	s4 =	simm.s32 $0x6;
	s18 =	simm.s32 $0x5B00;
	[dreg:$0xe] =	wrdreg s22  }
0x1b: {  	s9 =	simm.s32 $0x7C00;
	s1 =	sadd.s32 s8, s20;
	[dreg:$0x10] =	wrdreg s23  }
.Ltmp0:
0x1c: {  	[dreg:$0x11] =	wrdreg s24;
	s25 =	sadd.s32 $0x16000, s11;
	(pc) =	sbr.rel .LBB2_1-.Ltmp0, $4  }
0x1d: {  	s0 =	sadd.s32 $0x11000, s0;
	s11 =	simm.s32 $0x2180;
	[dreg:$0xf] =	wrdreg s1  }
0x1e: {  	v0 =	vlaneseq.u32;
	s19 =	simm.s32 $0x6380;
	s20 =	simm.s32 $0x6400;
	[dreg:$0x12] =	wrdreg s25  }
0x1f: {  	v1 =	vshrl.u32 v0, $0x3;
	s24 =	simm.s32 $0x1900;
	s14 =	simm.s32 $0x3A00;
	[dreg:$0x13] =	wrdreg s0  }
0x20: {  	v3 =	vimm.f32 $0.0e+00;
	v2 =	vand.u32 $0x7, v0;
	v1 =	vmul.u32 $0x8, v1;
	s25 =	simm.s32 $0x1500;
	s0 =	simm.s32 $0x100;
	s1 =	simm.s32 $0x1100  }
.LBB2_36:
0x21: {  	s2 =	simm.s32 $0x7  }
0x22: {  	_ =	swait.ge [sflag:s2], $0x800  }
0x23: {  	[sflag:s2] =	ssyncset.done $0x0  }
0x24: {  	s22 =	simm.s32 $0x8;
	[sflag:s2] =	ssyncadd.s32 $0xFFFFF800  }
0x25: {  	_ =	swait.ge [sflag:s22], $0x400  }
0x26: {  	[sflag:s22] =	ssyncset.done $0x0  }
0x27: {  	s23 =	simm.s32 $0xB;
	[sflag:s22] =	ssyncadd.s32 $0xFFFFFC00  }
0x28: {  	_ =	swait.ge [sflag:s23], $0x800  }
0x29: {  	[sflag:s23] =	ssyncset.done $0x0  }
0x2a: {  	s3 =	simm.s32 $0xC;
	[sflag:s23] =	ssyncadd.s32 $0xFFFFF800  }
0x2b: {  	_ =	swait.ge [sflag:s3], $0x400  }
0x2c: {  	[sflag:s3] =	ssyncset.done $0x0  }
0x2d: {  	s10 =	simm.s32 $0xF;
	[sflag:s3] =	ssyncadd.s32 $0xFFFFFC00  }
0x2e: {  	_ =	swait.ge [sflag:s10], $0x800  }
0x2f: {  	[sflag:s10] =	ssyncset.done $0x0  }
0x30: {  	s22 =	simm.s32 $0x10;
	[sflag:s10] =	ssyncadd.s32 $0xFFFFF800  }
0x31: {  	_ =	swait.ge [sflag:s22], $0x400  }
0x32: {  	[sflag:s22] =	ssyncset.done $0x0  }
0x33: {  	[sflag:s22] =	ssyncadd.s32 $0xFFFFFC00  }
0x34: {  	[bflag:$0x0] =	sbarrier.arrive $0xFFFF  }
0x35: {  	s10 =	rddreg [dreg:$0x16]  }
0x36: {  	s3 =	rddreg [dreg:$0x12]  }
0x37: {  	s22 =	rddreg [dreg:$0x17];
	s23 =	sor.u32 $0x1C01, s10  }
0x38: {  	[hbm:s3], [sflag:s23] =	dma.local [spmem:s22], $0x500  }
0x39: {  	s3 =	rddreg [dreg:$0x13]  }
0x3a: {  	s22 =	sor.u32 $0x1C02, s10;
	s10 =	simm.s32 $0x1;
	s23 =	rddreg [dreg:$0x18]  }
0x3b: {  	[hbm:s3], [sflag:s22] =	dma.local [spmem:s23], $0x280  }
0x3c: {  	_ =	swait.ge [sflag:s10], $0x500  }
0x3d: {  	[sflag:s10] =	ssyncset.done $0x0  }
0x3e: {  	s3 =	simm.s32 $0x2;
	[sflag:s10] =	ssyncadd.s32 $0xFFFFFB00  }
0x3f: {  	_ =	swait.ge [sflag:s3], $0x280  }
0x40: {  	s22 =	rddreg [dreg:$0x15]  }
0x41: {  	s23 =	rddreg [dreg:$0x14];
	s10 =	sadd.s32 $0x1, s22  }
0x42: {  	p0 =	sne.s32 s10, s23  }
.Ltmp1:
0x43: {  	_ = 	snop;
	(pc) =	sbr.rel @!p0 .LBB2_37-.Ltmp1, $3  }
0x44: {  	_ =	sdelay $0x1  }
0x45: {  	[sflag:s3] =	ssyncset.done $0x0  }
0x46: {  	[sflag:s3] =	ssyncadd.s32 $0xFFFFFD80  }
.LBB2_1:
0x47: {  	s23 =	simm.s32 $0x0;
	s22 =	simm.s32 $0x2;
	s2 =	simm.s32 $0x4;
	v5 =	vmov s4  }
0x48: {  	s3 =	simm.s32 $0xE;
	v4 =	vmov s23;
	v6 =	vmov s22;
	v7 =	vmov s2  }
0x49: {  	s4 =	simm.s32 $0x8;
	v5 =	vshll.u32 v5, $0x3;
	v10 =	vmov s3;
	v6 =	vshll.u32 v6, $0x3  }
0x4a: {  	s23 =	simm.s32 $0xA;
	v8 =	vmov s4;
	v4 =	vshll.u32 v4, $0x3;
	v6 =	vor.u32 v1, v6  }
0x4b: {  	v7 =	vshll.u32 v7, $0x3;
	v9 =	vmov s23;
	v6 =	vor.u32 v2, v6  }
0x4c: {  	v4 =	vor.u32 v1, v4;
	v11 =	vor.u32 v1, v7;
	v7 =	vor.u32 v1, v5  }
0x4d: {  	s23 =	simm.s32 $0xC;
	v5 =	vshll.u32 v8, $0x3;
	v8 =	vshll.u32 v9, $0x3;
	v4 =	vor.u32 v2, v4  }
0x4e: {  	v9 =	vmov s23;
	v5 =	vor.u32 v1, v5;
	v8 =	vor.u32 v1, v8  }
0x4f: {  	[dreg:$0x15] =	wrdreg s10;
	v12 =	vshll.u32 v9, $0x3;
	v9 =	vor.u32 v2, v5;
	v5 =	vor.u32 v2, v8  }
0x50: {  	s10 =	simm.s32 $0x4;
	s22 =	simm.s32 $0x16;
	v10 =	vshll.u32 v10, $0x3;
	v8 =	vor.u32 v1, v12;
	[tilespmem:v6+s25+$0x0] =	vst.idx.msk $0xffff, v3;
	v6 =	vor.u32 v2, v11  }
.LBB2_2:
0x51: {  	s23 =	sadd.s32 $0xFFFFFFFA, s22;
	s10 =	sadd.s32 $0x4, s10  }
0x52: {  	s2 =	sadd.s32 $0xFFFFFFFC, s22;
	s3 =	sadd.s32 $0xFFFFFFFE, s22;
	v11 =	vmov s22;
	[tilespmem:v4+s25+$0x0] =	vst.idx.msk $0xffff, v3;
	v12 =	vor.u32 v2, v7;
	v7 =	vor.u32 v1, v10;
	v4 =	vmovc v9;
	p0 =	slt.u32 s10, $0x3C  }
.Ltmp2:
0x53: {  	v9 =	vmov s23;
	v10 =	vmov s2;
	v13 =	vmov s3;
	(pc) =	sbr.rel @p0 .LBB2_2-.Ltmp2, $4  }
0x54: {  	v9 =	vshll.u32 v9, $0x3;
	v10 =	vshll.u32 v10, $0x3;
	v13 =	vshll.u32 v13, $0x3  }
0x55: {  	v9 =	vor.u32 v1, v9;
	v10 =	vor.u32 v1, v10;
	[tilespmem:v5+s25+$0x0] =	vst.idx.msk $0xffff, v3  }
0x56: {  	v9 =	vor.u32 v2, v9;
	v5 =	vor.u32 v2, v10;
	[tilespmem:v6+s25+$0x0] =	vst.idx.msk $0xffff, v3  }
0x57: {  	s22 =	sadd.s32 $0x8, s22;
	v10 =	vshll.u32 v11, $0x3;
	v6 =	vor.u32 v2, v8;
	v8 =	vor.u32 v1, v13;
	[tilespmem:v12+s25+$0x0] =	vst.idx.msk $0xffff, v3  }
0x58: {  	_ =	sdelay $0x1  }
0x59: {  	v10 =	vor.u32 v1, v10;
	v11 =	vor.u32 v2, v7;
	s2 =	simm.s32 $0x0  }
0x5a: {  	v13 =	vor.u32 v2, v8;
	s3 =	simm.s32 $0x6;
	s10 =	simm.s32 $0x2;
	s23 =	simm.s32 $0x4;
	v14 =	vor.u32 v2, v10;
	v7 =	vmov s2  }
0x5b: {  	[tilespmem:v4+s25+$0x0] =	vst.idx.msk $0xffff, v3;
	v8 =	vmov s3;
	v10 =	vmov s10;
	v4 =	vmov s23  }
0x5c: {  	[tilespmem:v5+s25+$0x0] =	vst.idx.msk $0xffff, v3;
	v7 =	vshll.u32 v7, $0x3;
	v10 =	vshll.u32 v10, $0x3;
	v12 =	vshll.u32 v4, $0x3  }
0x5d: {  	[tilespmem:v6+s25+$0x0] =	vst.idx.msk $0xffff, v3;
	s4 =	simm.s32 $0xE;
	v6 =	vshll.u32 v8, $0x3;
	v7 =	vor.u32 v1, v7;
	v5 =	vor.u32 v1, v10  }
0x5e: {  	[tilespmem:v9+s25+$0x0] =	vst.idx.msk $0xffff, v3;
	s10 =	simm.s32 $0x8;
	v8 =	vmov s4;
	v4 =	vor.u32 v2, v7;
	v5 =	vor.u32 v2, v5  }
0x5f: {  	s22 =	simm.s32 $0xA;
	s23 =	simm.s32 $0xC;
	v10 =	vmov s10;
	v7 =	vor.u32 v1, v12;
	v12 =	vor.u32 v1, v6;
	[tilespmem:v11+s25+$0x0] =	vst.idx.msk $0xffff, v3  }
0x60: {  	v9 =	vshll.u32 v10, $0x3;
	v11 =	vmov s22;
	[tilespmem:v13+s25+$0x0] =	vst.idx.msk $0xffff, v3;
	v13 =	vmov s23;
	v17 =	vmovc v4  }
0x61: {  	v10 =	vor.u32 v1, v9;
	v15 =	vor.u32 v2, v7;
	v11 =	vshll.u32 v11, $0x3  }
0x62: {  	[tilespmem:v14+s25+$0x0] =	vst.idx.msk $0xffff, v3;
	v9 =	vshll.u32 v13, $0x3;
	v16 =	vor.u32 v2, v10;
	v11 =	vor.u32 v1, v11  }
0x63: {  	s10 =	simm.s32 $0x4;
	v18 =	vshll.u32 v8, $0x3;
	s22 =	simm.s32 $0x16;
	v14 =	vor.u32 v1, v9;
	v13 =	vor.u32 v2, v11;
	[tilespmem:v5+s26+$0x0] =	vst.idx.msk $0xffff, v3  }
.LBB2_4:
0x64: {  	s2 =	sadd.s32 $0xFFFFFFFA, s22;
	s10 =	sadd.s32 $0x4, s10  }
0x65: {  	s3 =	sadd.s32 $0xFFFFFFFC, s22;
	s23 =	sadd.s32 $0xFFFFFFFE, s22;
	v19 =	vmov s22;
	[tilespmem:v17+s26+$0x0] =	vst.idx.msk $0xffff, v3;
	v20 =	vor.u32 v2, v12;
	v12 =	vor.u32 v1, v18;
	v17 =	vmovc v16;
	p0 =	slt.u32 s10, $0x3C  }
.Ltmp3:
0x66: {  	v16 =	vmov s2;
	v18 =	vmov s3;
	v21 =	vmov s23;
	(pc) =	sbr.rel @p0 .LBB2_4-.Ltmp3, $4  }
0x67: {  	v16 =	vshll.u32 v16, $0x3;
	v18 =	vshll.u32 v18, $0x3;
	v21 =	vshll.u32 v21, $0x3  }
0x68: {  	v16 =	vor.u32 v1, v16;
	v18 =	vor.u32 v1, v18;
	[tilespmem:v13+s26+$0x0] =	vst.idx.msk $0xffff, v3  }
0x69: {  	v16 =	vor.u32 v2, v16;
	v13 =	vor.u32 v2, v18;
	[tilespmem:v15+s26+$0x0] =	vst.idx.msk $0xffff, v3  }
0x6a: {  	s22 =	sadd.s32 $0x8, s22;
	v18 =	vshll.u32 v19, $0x3;
	v15 =	vor.u32 v2, v14;
	v14 =	vor.u32 v1, v21;
	[tilespmem:v20+s26+$0x0] =	vst.idx.msk $0xffff, v3  }
0x6b: {  	_ =	sdelay $0x2  }
0x6c: {  	v12 =	vor.u32 v2, v12  }
0x6d: {  	v18 =	vor.u32 v1, v18;
	[tilespmem:v17+s26+$0x0] =	vst.idx.msk $0xffff, v3;
	v14 =	vor.u32 v2, v14  }
0x6e: {  	[tilespmem:v13+s26+$0x0] =	vst.idx.msk $0xffff, v3;
	p1 =	por $0x1, $0x1;
	v63 =	vor.u32 v2, v18  }
.Ltmp4:
0x6f: {  	[tilespmem:v15+s26+$0x0] =	vst.idx.msk $0xffff, v3;
	(pc) =	sbr.rel @!p1 .LBB2_6-.Ltmp4, $4  }
0x70: {  	[tilespmem:v16+s26+$0x0] =	vst.idx.msk $0xffff, v3  }
0x71: {  	[tilespmem:v12+s26+$0x0] =	vst.idx.msk $0xffff, v3  }
0x72: {  	[tilespmem:v14+s26+$0x0] =	vst.idx.msk $0xffff, v3  }
0x73: {  	p0 =	por $0x0, $0x0;
	[tilespmem:v63+s26+$0x0] =	vst.idx.msk $0xffff, v3  }
0x74: {  	_ = 	snop  }
0x75: {  	p3 =	por $0x1, $0x1  }
.Ltmp5:
0x76: {  	_ = 	snop;
	(pc) =	sbr.rel @!p3 .LBB2_8-.Ltmp5, $4  }
0x77: {  	_ = 	snop  }
0x78: {  	[tilespmem:v5+s28+$0x0] =	vst.idx.msk $0xffff, v3  }
0x79: {  	v12 =	vor.u32 v1, v6;
	v10 =	vor.u32 v2, v10;
	v5 =	vor.u32 v2, v11  }
0x7a: {  	s10 =	simm.s32 $0x4;
	v9 =	vor.u32 v1, v9;
	v6 =	vshll.u32 v8, $0x3;
	s22 =	simm.s32 $0x16;
	v8 =	vor.u32 v2, v7;
	p2 =	por $0x1, $0x1  }
.LBB2_9:
0x7b: {  	s2 =	sadd.s32 $0xFFFFFFFA, s22;
	s10 =	sadd.s32 $0x4, s10  }
0x7c: {  	s3 =	sadd.s32 $0xFFFFFFFC, s22;
	s23 =	sadd.s32 $0xFFFFFFFE, s22;
	v7 =	vmov s22;
	[tilespmem:v4+s28+$0x0] =	vst.idx.msk $0xffff, v3;
	v11 =	vor.u32 v2, v12;
	v12 =	vor.u32 v1, v6;
	v4 =	vmovc v10;
	p3 =	slt.u32 s10, $0x3C  }
.Ltmp6:
0x7d: {  	v6 =	vmov s2;
	v10 =	vmov s3;
	v13 =	vmov s23;
	(pc) =	sbr.rel @p3 .LBB2_9-.Ltmp6, $4  }
0x7e: {  	v6 =	vshll.u32 v6, $0x3;
	v10 =	vshll.u32 v10, $0x3;
	v13 =	vshll.u32 v13, $0x3  }
0x7f: {  	v6 =	vor.u32 v1, v6;
	v14 =	vor.u32 v1, v10;
	[tilespmem:v5+s28+$0x0] =	vst.idx.msk $0xffff, v3  }
0x80: {  	v10 =	vor.u32 v2, v6;
	v5 =	vor.u32 v2, v14;
	[tilespmem:v8+s28+$0x0] =	vst.idx.msk $0xffff, v3  }
0x81: {  	s22 =	sadd.s32 $0x8, s22;
	v6 =	vshll.u32 v7, $0x3;
	v8 =	vor.u32 v2, v9;
	v9 =	vor.u32 v1, v13;
	[tilespmem:v11+s28+$0x0] =	vst.idx.msk $0xffff, v3  }
0x82: {  	v11 =	vmov v4;
	v4 =	vmov v10;
	v7 =	vmov v9  }
.LBB2_11:
0x83: {  	_ = 	snop  }
0x84: {  	v9 =	vor.u32 @p2 v2, v12  }
0x85: {  	v7 =	vor.u32 v2, v7  }
0x86: {  	v6 =	vor.u32 v1, v6;
	s2 =	simm.s32 $0x0  }
0x87: {  	[tilespmem:v5+s28+$0x0] =	vst.idx.msk $0xffff, v3;
	v5 =	vor.u32 v2, v6;
	v6 =	vmov s2  }
0x88: {  	s23 =	simm.s32 $0x4;
	[tilespmem:v4+s28+$0x0] =	vst.idx.msk $0xffff, v3;
	v6 =	vshll.u32 v6, $0x3  }
.Ltmp7:
0x89: {  	s10 =	simm.s32 $0x2;
	v4 =	vmov s23;
	v6 =	vor.u32 v1, v6;
	[tilespmem:v9+s28+$0x0] =	vst.idx.msk @p2 $0xffff, v3;
	(pc) =	sbr.rel @!p1 .LBB2_12-.Ltmp7, $4  }
0x8a: {  	v9 =	vmov s10;
	[tilespmem:v7+s28+$0x0] =	vst.idx.msk $0xffff, v3;
	v7 =	vshll.u32 v4, $0x3;
	v4 =	vor.u32 v2, v6  }
0x8b: {  	[tilespmem:v11+s28+$0x0] =	vst.idx.msk @p2 $0xffff, v3;
	s3 =	simm.s32 $0x6;
	v9 =	vshll.u32 v9, $0x3  }
0x8c: {  	[tilespmem:v8+s28+$0x0] =	vst.idx.msk @p2 $0xffff, v3;
	v8 =	vmov s3;
	v9 =	vor.u32 v1, v9  }
0x8d: {  	s10 =	simm.s32 $0xE;
	[tilespmem:v5+s28+$0x0] =	vst.idx.msk $0xffff, v3;
	v10 =	vor.u32 v1, v7;
	v5 =	vor.u32 v2, v9;
	v9 =	vshll.u32 v8, $0x3  }
0x8e: {  	s2 =	simm.s32 $0x8;
	s3 =	simm.s32 $0xA;
	p1 =	por $0x1, $0x1  }
.Ltmp8:
0x8f: {  	v7 =	vmov s10;
	v8 =	vmov s2;
	v11 =	vmov s3;
	(pc) =	sbr.rel @!p1 .LBB2_14-.Ltmp8, $4  }
0x90: {  	s23 =	simm.s32 $0xC;
	v6 =	vor.u32 v1, v9;
	v8 =	vshll.u32 v8, $0x3;
	v9 =	vshll.u32 v11, $0x3  }
0x91: {  	v11 =	vmov s23;
	v8 =	vor.u32 v1, v8;
	v9 =	vor.u32 v1, v9  }
0x92: {  	[tilespmem:v5+s29+$0x0] =	vst.idx.msk $0xffff, v3;
	v12 =	vshll.u32 v11, $0x3;
	v11 =	vor.u32 v2, v8;
	v5 =	vor.u32 v2, v9  }
0x93: {  	s10 =	simm.s32 $0x4;
	s22 =	simm.s32 $0x16;
	p0 =	por $0x1, $0x1;
	v8 =	vor.u32 v1, v12;
	v9 =	vshll.u32 v7, $0x3;
	v7 =	vor.u32 v2, v10  }
.LBB2_15:
0x94: {  	s2 =	sadd.s32 $0xFFFFFFFA, s22;
	s10 =	sadd.s32 $0x4, s10  }
0x95: {  	s3 =	sadd.s32 $0xFFFFFFFC, s22;
	s23 =	sadd.s32 $0xFFFFFFFE, s22;
	v10 =	vmov s22;
	[tilespmem:v4+s29+$0x0] =	vst.idx.msk $0xffff, v3;
	v12 =	vor.u32 v2, v6;
	v6 =	vor.u32 v1, v9;
	v4 =	vmovc v11;
	p1 =	slt.u32 s10, $0x3C  }
.Ltmp9:
0x96: {  	v9 =	vmov s2;
	v11 =	vmov s3;
	v13 =	vmov s23;
	(pc) =	sbr.rel @p1 .LBB2_15-.Ltmp9, $4  }
0x97: {  	v9 =	vshll.u32 v9, $0x3;
	v11 =	vshll.u32 v11, $0x3;
	v13 =	vshll.u32 v13, $0x3  }
0x98: {  	v9 =	vor.u32 v1, v9;
	v14 =	vor.u32 v1, v11;
	[tilespmem:v5+s29+$0x0] =	vst.idx.msk $0xffff, v3  }
0x99: {  	v11 =	vor.u32 v2, v9;
	v5 =	vor.u32 v2, v14;
	[tilespmem:v7+s29+$0x0] =	vst.idx.msk $0xffff, v3  }
0x9a: {  	s22 =	sadd.s32 $0x8, s22;
	v9 =	vshll.u32 v10, $0x3;
	v7 =	vor.u32 v2, v8;
	v8 =	vor.u32 v1, v13;
	[tilespmem:v12+s29+$0x0] =	vst.idx.msk $0xffff, v3  }
0x9b: {  	v12 =	vmov v4;
	v4 =	vmov v11;
	v10 =	vmov v8  }
.LBB2_17:
0x9c: {  	_ =	sdelay $0x2  }
0x9d: {  	v6 =	vor.u32 @p0 v2, v6  }
0x9e: {  	v8 =	vor.u32 v1, v9;
	[tilespmem:v12+s29+$0x0] =	vst.idx.msk @p0 $0xffff, v3;
	v63 =	vor.u32 v2, v10  }
0x9f: {  	[tilespmem:v5+s29+$0x0] =	vst.idx.msk $0xffff, v3;
	v5 =	vor.u32 v2, v8  }
0xa0: {  	[tilespmem:v7+s29+$0x0] =	vst.idx.msk @p0 $0xffff, v3  }
0xa1: {  	[tilespmem:v4+s29+$0x0] =	vst.idx.msk $0xffff, v3  }
0xa2: {  	[tilespmem:v6+s29+$0x0] =	vst.idx.msk @p0 $0xffff, v3  }
0xa3: {  	s2 =	stileid.u32;
	[tilespmem:v63+s29+$0x0] =	vst.idx.msk $0xffff, v3  }
0xa4: {  	s2 =	sshll.u32 s2, $0x6;
	[tilespmem:v5+s29+$0x0] =	vst.idx.msk $0xffff, v3  }
0xa5: {  	[dreg:$0x16] =	wrdreg s2  }
0xa6: {  	s3 =	rddreg [dreg:$0x6]  }
0xa7: {  	s23 =	rddreg [dreg:$0x7];
	s4 =	sshrl.u32 s3, $0x3  }
0xa8: {  	s2 =	sor.u32 $0x1C11, s2;
	[dreg:$0x17] =	wrdreg s4  }
0xa9: {  	[spmem:s4], [sflag:s2] =	dma.local [hbm:s23], $0x500  }
0xaa: {  	_ =	swait.ge [sflag:s30], $0x500  }
0xab: {  	s4 =	rddreg [dreg:$0x8]  }
0xac: {  	[sflag:s30] =	ssyncset.done $0x0;
	s22 =	rddreg [dreg:$0x9];
	s10 =	sshrl.u32 s4, $0x3  }
0xad: {  	[sflag:s30] =	ssyncadd.s32 $0xFFFFFB00;
	[dreg:$0x18] =	wrdreg s10  }
0xae: {  	[spmem:s10], [sflag:s2] =	dma.local [hbm:s22], $0x280  }
0xaf: {  	_ =	swait.ge [sflag:s30], $0x280  }
0xb0: {  	[sflag:s30] =	ssyncset.done $0x0  }
0xb1: {  	[sflag:s30] =	ssyncadd.s32 $0xFFFFFD80  }
0xb2: {  	[bflag:$0x0] =	sbarrier.arrive $0xFFFF  }
0xb3: {  	s10 =	simm.s32 $0x0;
	s23 =	rddreg [dreg:$0xa]  }
0xb4: {  	[tilespmem:s10], [sflag:$0x11] =	stream.linear.gather [hbm4b:s23+s10], $0x80, $0x38;
	[tilespmem:$0xC000] =	vst v63  }
0xb5: {  	_ =	swait.ge [sflag:s30], $0x80  }
0xb6: {  	[sflag:s30] =	ssyncset.done $0x0  }
0xb7: {  	s3 =	rddreg [dreg:$0xb];
	[sflag:s30] =	ssyncadd.s32 $0xFFFFFF80  }
0xb8: {  	[tilespmem:s31], [sflag:$0x11] =	stream.linear.gather [hbm4b:s3+s10], $0x80, $0x38;
	[tilespmem:$0xC000] =	vst v63  }
0xb9: {  	_ =	swait.ge [sflag:s30], $0x80  }
0xba: {  	[sflag:s30] =	ssyncset.done $0x0  }
0xbb: {  	[sflag:s30] =	ssyncadd.s32 $0xFFFFFF80  }
0xbc: {  	[tilespmem:s0], [sflag:$0x1] =	stream.indirect.gather [hbm4b:s6+s31], $0x20, s10, s31, $0xb8;
	[tilespmem:$0xC000] =	vst v63  }
0xbd: {  	s2 =	rddreg [dreg:$0x1]  }
0xbe: {  	[tilespmem:s1], [sflag:$0x2] =	stream.indirect.gather [hbm4b:s2+s31], $0x8, s31, s31, $0xb8;
	[tilespmem:$0xC000] =	vst v63  }
0xbf: {  	s22 =	simm.s32 $0x2100;
	s4 =	rddreg [dreg:$0xc]  }
0xc0: {  	[tilespmem:s22], [sflag:$0x11] =	stream.linear.gather [hbm4b:s4+s10], $0x80, $0x38;
	[tilespmem:$0xC000] =	vst v63  }
0xc1: {  	_ =	swait.ge [sflag:s30], $0x80  }
0xc2: {  	[sflag:s30] =	ssyncset.done $0x0  }
0xc3: {  	s23 =	rddreg [dreg:$0xd];
	[sflag:s30] =	ssyncadd.s32 $0xFFFFFF80  }
0xc4: {  	[tilespmem:s11], [sflag:$0x11] =	stream.linear.gather [hbm4b:s23+s10], $0x80, $0x38;
	[tilespmem:$0xC000] =	vst v63  }
0xc5: {  	_ =	swait.ge [sflag:s30], $0x80  }
0xc6: {  	[sflag:s30] =	ssyncset.done $0x0  }
0xc7: {  	[sflag:s30] =	ssyncadd.s32 $0xFFFFFF80  }
0xc8: {  	[tilespmem:s12], [sflag:$0x5] =	stream.indirect.gather [hbm4b:s6+s31], $0x20, s22, s31, $0xb8;
	[tilespmem:$0xC000] =	vst v63  }
0xc9: {  	_ = 	snop  }
0xca: {  	[tilespmem:s13], [sflag:$0x6] =	stream.indirect.gather [hbm4b:s2+s31], $0x8, s11, s31, $0xb8;
	[tilespmem:$0xC000] =	vst v63  }
0xcb: {  	s4 =	rddreg [dreg:$0xe];
	s22 =	simm.s32 $0x4200  }
0xcc: {  	[tilespmem:s22], [sflag:$0x11] =	stream.linear.gather [hbm4b:s4+s10], $0x80, $0x38;
	[tilespmem:$0xC000] =	vst v63  }
0xcd: {  	_ =	swait.ge [sflag:s30], $0x80  }
0xce: {  	[sflag:s30] =	ssyncset.done $0x0  }
0xcf: {  	s23 =	rddreg [dreg:$0xf];
	[sflag:s30] =	ssyncadd.s32 $0xFFFFFF80  }
0xd0: {  	[tilespmem:s15], [sflag:$0x11] =	stream.linear.gather [hbm4b:s23+s10], $0x80, $0x38;
	[tilespmem:$0xC000] =	vst v63  }
0xd1: {  	_ =	swait.ge [sflag:s30], $0x80  }
0xd2: {  	[sflag:s30] =	ssyncset.done $0x0  }
0xd3: {  	[sflag:s30] =	ssyncadd.s32 $0xFFFFFF80  }
0xd4: {  	[tilespmem:s16], [sflag:$0x9] =	stream.indirect.gather [hbm4b:s6+s31], $0x20, s22, s31, $0xb8;
	[tilespmem:$0xC000] =	vst v63  }
0xd5: {  	_ = 	snop  }
0xd6: {  	[tilespmem:s17], [sflag:$0xA] =	stream.indirect.gather [hbm4b:s2+s31], $0x8, s15, s31, $0xb8;
	[tilespmem:$0xC000] =	vst v63  }
0xd7: {  	s4 =	rddreg [dreg:$0x10];
	s22 =	simm.s32 $0x6300  }
0xd8: {  	[tilespmem:s22], [sflag:$0x11] =	stream.linear.gather [hbm4b:s4+s10], $0x80, $0x38;
	[tilespmem:$0xC000] =	vst v63  }
0xd9: {  	_ =	swait.ge [sflag:s30], $0x80  }
0xda: {  	[sflag:s30] =	ssyncset.done $0x0  }
0xdb: {  	s23 =	rddreg [dreg:$0x11];
	[sflag:s30] =	ssyncadd.s32 $0xFFFFFF80  }
0xdc: {  	[tilespmem:s19], [sflag:$0x11] =	stream.linear.gather [hbm4b:s23+s10], $0x80, $0x38;
	[tilespmem:$0xC000] =	vst v63  }
0xdd: {  	_ =	swait.ge [sflag:s30], $0x80  }
0xde: {  	[sflag:s30] =	ssyncset.done $0x0  }
0xdf: {  	[sflag:s30] =	ssyncadd.s32 $0xFFFFFF80  }
0xe0: {  	[tilespmem:s20], [sflag:$0xD] =	stream.indirect.gather [hbm4b:s6+s31], $0x20, s22, s31, $0xb8;
	[tilespmem:$0xC000] =	vst v63  }
0xe1: {  	_ = 	snop  }
0xe2: {  	[tilespmem:s21], [sflag:$0xE] =	stream.indirect.gather [hbm4b:s2+s31], $0x8, s19, s31, $0xb8;
	[tilespmem:$0xC000] =	vst v63  }
.LBB2_18:
0xe3: {  	s2 =	simm.s32 $0x0  }
0xe4: {  	s3 =	simm.s32 $0x1;
	v4 =	vor.u32 s2, v0  }
0xe5: {  	_ =	swait.ge [sflag:s3], $0x1000;
	v5 =	vshll.u32 v4, $0x5  }
0xe6: {  	[sflag:s3] =	ssyncset.done $0x0;
	v6 =	vor.u32 $0x10, v5  }
0xe7: {  	s23 =	simm.s32 $0x2;
	v4 =	vshll.u32 v4, $0x3;
	[sflag:s3] =	ssyncadd.s32 $0xFFFFF000  }
0xe8: {  	s22 =	simm.s32 $0x10;
	_ =	swait.ge [sflag:s23], $0x400  }
0xe9: {  	v5 =	vor.u32 s22, v0;
	[sflag:s23] =	ssyncset.done $0x0  }
0xea: {  	s3 =	simm.s32 $0x20;
	v7 =	vshll.u32 v5, $0x5;
	v5 =	vshll.u32 v5, $0x3;
	[sflag:s23] =	ssyncadd.s32 $0xFFFFFC00  }
0xeb: {  	v7 =	vor.u32 $0x10, v7;
	v9 =	vld.idx.msk [tilespmem:v6+s0+$0x0], $0xffff;
	v6 =	vor.u32 s3, v0  }
0xec: {  	v8 =	vld.idx.msk [tilespmem:v4+s1+$0x0], $0xffff;
	v10 =	vshll.u32 v6, $0x5;
	v6 =	vshll.u32 v6, $0x3  }
0xed: {  	v10 =	vor.u32 $0x10, v10;
	_ =	sdelay $0x1  }
0xee: {  	v13 =	vld.idx.msk [tilespmem:v5+s1+$0x0], $0xffff  }
0xef: {  	s4 =	simm.s32 $0x30;
	v12 =	vld.idx.msk [tilespmem:v7+s0+$0x0], $0xffff  }
0xf0: {  	v11 =	vor.u32 s4, v0;
	v8 =	vadd.f32 v8, v9;
	v9 =	vld.idx.msk [tilespmem:v6+s1+$0x0], $0xffff  }
0xf1: {  	v7 =	vshll.u32 v11, $0x5;
	v10 =	vld.idx.msk [tilespmem:v10+s0+$0x0], $0xffff  }
0xf2: {  	v14 =	vor.u32 $0x10, v7  }
0xf3: {  	v7 =	vshll.u32 v11, $0x3;
	v11 =	vmul.f32 $2.000000030e-01, v8  }
0xf4: {  	vm0 =	vge.f32 v8, $0.0e+00  }
0xf5: {  	v12 =	vadd.f32 v13, v12;
	v11 =	vsel vm0, v8, v11  }
0xf6: {  	s23 =	simm.s32 $0x50;
	v19 =	vadd.f32 v9, v10;
	v10 =	vmul.f32 $1.442695020e+00, v11  }
0xf7: {  	s22 =	simm.s32 $0x40;
	v13 =	vld.idx.msk [tilespmem:v14+s0+$0x0], $0xffff;
	v14 =	vor.u32 s23, v0;
	v17 =	vmul.f32 $2.000000030e-01, v12  }
0xf8: {  	v15 =	vld.idx.msk [tilespmem:v7+s1+$0x0], $0xffff;
	v8 =	vor.u32 s22, v0;
	vm0 =	vge.f32 v12, $0.0e+00;
	(erf) = vpow2.f32 v10  }
0xf9: {  	v16 =	vshll.u32 v8, $0x5;
	v8 =	vshll.u32 v8, $0x3;
	v9 =	vsel vm0, v12, v17  }
0xfa: {  	v18 =	vshll.u32 v14, $0x5;
	v16 =	vor.u32 $0x10, v16;
	v9 =	vmul.f32 $1.442695020e+00, v9  }
0xfb: {  	v18 =	vor.u32 $0x10, v18  }
0xfc: {  	(erf) = vpow2.f32 v9;
	v9 =	vshll.u32 v14, $0x3  }
0xfd: {  	v13 =	vadd.f32 v15, v13;
	v11 =	vmul.f32 $2.000000030e-01, v19  }
0xfe: {  	vm0 =	vge.f32 v19, $0.0e+00;
	v10 =	vld.idx.msk [tilespmem:v8+s1+$0x0], $0xffff  }
0xff: {  	v15 =	vmul.f32 $2.000000030e-01, v13;
	v12 =	vld.idx.msk [tilespmem:v16+s0+$0x0], $0xffff;
	v14 =	vsel vm0, v19, v11  }
0x100: {  	s23 =	simm.s32 $0x70;
	s22 =	simm.s32 $0x4;
	vm0 =	vge.f32 v13, $0.0e+00;
	v11 =	vld.idx.msk [tilespmem:v18+s0+$0x0], $0xffff;
	v14 =	vmul.f32 $1.442695020e+00, v14  }
.LBB2_19:
0x101: {  	s2 =	sadd.s32 $0xFFFFFFF0, s23;
	v16 =	vor.u32 s23, v0;
	s22 =	sadd.s32 $0x2, s22;
	v17 =	vld.idx.msk [tilespmem:v9+s1+$0x0], $0xffff;
	v13 =	vsel vm0, v13, v15;
	v15 =	vpop (erf)  }
0x102: {  	v18 =	vor.u32 s2, v0;
	v19 =	vshll.u32 v16, $0x5;
	p0 =	slt.u32 s22, $0x6;
	(erf) = vpow2.f32 v14;
	[tilespmem:v4+s25+$0x0] =	vst.idx.msk $0xffff, v15;
	v4 =	vmovc v6;
	v6 =	vmovc v8  }
0x103: {  	v14 =	vshll.u32 v18, $0x5;
	v8 =	vshll.u32 v18, $0x3;
	v18 =	vor.u32 $0x10, v19  }
0x104: {  	v15 =	vshll.u32 v16, $0x3;
	v13 =	vmul.f32 $1.442695020e+00, v13;
	v14 =	vor.u32 $0x10, v14  }
0x105: {  	v16 =	vadd.f32 v10, v12;
	v10 =	vpop (erf)  }
.Ltmp10:
0x106: {  	(erf) = vpow2.f32 v13;
	[tilespmem:v5+s25+$0x0] =	vst.idx.msk $0xffff, v10;
	v5 =	vmovc v7;
	v7 =	vmov v9;
	v9 =	vmov v15;
	(pc) =	sbr.rel @p0 .LBB2_19-.Ltmp10, $4  }
0x107: {  	v15 =	vmul.f32 $2.000000030e-01, v16;
	v13 =	vadd.f32 v17, v11  }
0x108: {  	vm0 =	vge.f32 v16, $0.0e+00;
	v10 =	vld.idx.msk [tilespmem:v8+s1+$0x0], $0xffff  }
0x109: {  	v12 =	vld.idx.msk [tilespmem:v14+s0+$0x0], $0xffff;
	v14 =	vsel vm0, v16, v15;
	vm0 =	vge.f32 v13, $0.0e+00;
	v15 =	vmul.f32 $2.000000030e-01, v13  }
0x10a: {  	s23 =	sadd.s32 $0x20, s23;
	v11 =	vld.idx.msk [tilespmem:v18+s0+$0x0], $0xffff;
	v14 =	vmul.f32 $1.442695020e+00, v14  }
0x10b: {  	_ =	sdelay $0x3  }
0x10c: {  	v16 =	vld.idx.msk [tilespmem:v9+s1+$0x0], $0xffff;
	_ =	sdelay $0x2  }
0x10d: {  	v10 =	vadd.f32 v10, v12;
	_ =	sdelay $0x1  }
0x10e: {  	v11 =	vadd.f32 v16, v11;
	v12 =	vmul.f32 $2.000000030e-01, v10  }
0x10f: {  	v13 =	vsel vm0, v13, v15;
	vm14 =	vge.f32 v10, $0.0e+00  }
0x110: {  	v13 =	vmul.f32 $1.442695020e+00, v13;
	v15 =	vmul.f32 $2.000000030e-01, v11;
	v10 =	vsel vm14, v10, v12  }
0x111: {  	(erf) = vpow2.f32 v14;
	vm15 =	vge.f32 v11, $0.0e+00;
	v10 =	vmul.f32 $1.442695020e+00, v10  }
0x112: {  	(erf) = vpow2.f32 v13;
	v11 =	vsel vm15, v11, v15  }
0x113: {  	v11 =	vmul.f32 $1.442695020e+00, v11;
	(erf) = vpow2.f32 v10;
	_ =	sdelay $0x1  }
0x114: {  	(erf) = vpow2.f32 v11;
	_ =	sdelay $0x1  }
0x115: {  	s2 =	simm.s32 $0x0;
	v10 =	vpop (erf)  }
0x116: {  	[tilespmem:v4+s25+$0x0] =	vst.idx.msk $0xffff, v10;
	v10 =	vmov s2;
	v11 =	vpop (erf)  }
0x117: {  	[tilespmem:v5+s25+$0x0] =	vst.idx.msk $0xffff, v11;
	v5 =	vshll.u32 v10, $0x5  }
0x118: {  	v4 =	vpop (erf)  }
0x119: {  	s22 =	simm.s32 $0x3;
	v11 =	vshll.u32 v10, $0x3;
	v12 =	vpop (erf);
	[tilespmem:v6+s25+$0x0] =	vst.idx.msk $0xffff, v4  }
0x11a: {  	v4 =	vor.u32 v0, v5;
	[tilespmem:v7+s25+$0x0] =	vst.idx.msk $0xffff, v12;
	v7 =	vmov s22;
	v5 =	vpop (erf)  }
0x11b: {  	s23 =	simm.s32 $0x2;
	v6 =	vshll.u32 v7, $0x3;
	[tilespmem:v8+s25+$0x0] =	vst.idx.msk $0xffff, v5;
	v8 =	vshll.u32 v7, $0x5  }
0x11c: {  	v20 =	vmov s23;
	v5 =	vpop (erf);
	v8 =	vor.u32 v0, v8  }
0x11d: {  	s3 =	simm.s32 $0x1;
	[tilespmem:v9+s25+$0x0] =	vst.idx.msk $0xffff, v5;
	v9 =	vshll.u32 v20, $0x3;
	v5 =	vshll.u32 v20, $0x5  }
0x11e: {  	v22 =	vmov s3;
	v11 =	vld.idx.msk [tilespmem:v11+s25+$0x0], $0xffff;
	v14 =	vor.u32 v0, v5  }
0x11f: {  	s4 =	simm.s32 $0x4;
	v16 =	vshll.u32 v22, $0x3;
	v13 =	vld.idx.msk [tilespmem:v4+s0+$0x0], $0xffff;
	v4 =	vshll.u32 v22, $0x5  }
0x120: {  	v5 =	vld.idx.msk [tilespmem:v6+s25+$0x0], $0xffff;
	v19 =	vor.u32 v0, v4;
	v4 =	vmov s4  }
0x121: {  	v10 =	vshll.u32 v10, $0x4;
	s22 =	simm.s32 $0x7;
	v6 =	vshll.u32 v4, $0x5;
	v23 =	vshll.u32 v4, $0x3;
	v8 =	vld.idx.msk [tilespmem:v8+s0+$0x0], $0xffff  }
0x122: {  	v12 =	vor.u32 v0, v10;
	v18 =	vor.u32 v0, v6;
	v6 =	vmov s22;
	v9 =	vld.idx.msk [tilespmem:v9+s25+$0x0], $0xffff  }
0x123: {  	v20 =	vshll.u32 v20, $0x4;
	v22 =	vshll.u32 v22, $0x4;
	v17 =	vshll.u32 v6, $0x3;
	v10 =	vld.idx.msk [tilespmem:v14+s0+$0x0], $0xffff  }
0x124: {  	s23 =	simm.s32 $0x6;
	v21 =	vshll.u32 v6, $0x5;
	v15 =	vmul.f32 v11, v13;
	v11 =	vshll.u32 v7, $0x4;
	v13 =	vld.idx.msk [tilespmem:v16+s25+$0x0], $0xffff  }
0x125: {  	v7 =	vmov s23;
	v21 =	vor.u32 v0, v21;
	v14 =	vor.u32 v0, v11;
	v16 =	vld.idx.msk [tilespmem:v19+s0+$0x0], $0xffff  }
0x126: {  	v20 =	vor.u32 v0, v20;
	s22 =	simm.s32 $0x8;
	s23 =	simm.s32 $0x5;
	v19 =	vshll.u32 v7, $0x3;
	v11 =	vld.idx.msk [tilespmem:v23+s25+$0x0], $0xffff;
	v23 =	vshll.u32 v7, $0x5  }
.LBB2_21:
0x127: {  	p0 =	slt.u32 s22, $0x7C;
	v24 =	vld.idx.msk [tilespmem:v18+s0+$0x0], $0xffff;
	v25 =	vmov s23;
	v23 =	vor.u32 v0, v23;
	v22 =	vor.u32 v0, v22  }
0x128: {  	v27 =	vmul.f32 v5, v8;
	v18 =	vshll.u32 v25, $0x5;
	v26 =	vshll.u32 v25, $0x3  }
0x129: {  	v10 =	vmul.f32 v9, v10;
	v28 =	vor.u32 v0, v18;
	v5 =	vld.idx.msk [tilespmem:v17+s25+$0x0], $0xffff;
	[tilespmem:v12+s24+$0x0] =	vst.idx.msk $0xffff, v15  }
0x12a: {  	v12 =	vmov s22;
	v13 =	vmul.f32 v13, v16;
	v8 =	vld.idx.msk [tilespmem:v21+s0+$0x0], $0xffff;
	[tilespmem:v14+s24+$0x0] =	vst.idx.msk $0xffff, v27  }
0x12b: {  	s2 =	sadd.s32 $0x3, s22;
	v15 =	vshll.u32 v4, $0x4;
	v14 =	vshll.u32 v12, $0x5;
	v27 =	vshll.u32 v12, $0x3;
	v4 =	vmovc v12;
	v9 =	vld.idx.msk [tilespmem:v19+s25+$0x0], $0xffff;
	[tilespmem:v20+s24+$0x0] =	vst.idx.msk $0xffff, v10  }
.Ltmp11:
0x12c: {  	v12 =	vor.u32 v0, v15;
	v18 =	vor.u32 v0, v14;
	v14 =	vmov s2;
	v10 =	vld.idx.msk [tilespmem:v23+s0+$0x0], $0xffff;
	[tilespmem:v22+s24+$0x0] =	vst.idx.msk $0xffff, v13;
	(pc) =	sbr.rel @p0 .LBB2_21-.Ltmp11, $4  }
0x12d: {  	s2 =	sadd.s32 $0x2, s22;
	v17 =	vshll.u32 v14, $0x3;
	v15 =	vmul.f32 v11, v24;
	v11 =	vshll.u32 v6, $0x4;
	v6 =	vmovc v14;
	v13 =	vld.idx.msk [tilespmem:v26+s25+$0x0], $0xffff  }
0x12e: {  	v20 =	vmov s2;
	v21 =	vshll.u32 v6, $0x5;
	v14 =	vor.u32 v0, v11;
	v16 =	vld.idx.msk [tilespmem:v28+s0+$0x0], $0xffff  }
0x12f: {  	v24 =	vshll.u32 v7, $0x4;
	v19 =	vshll.u32 v20, $0x3;
	v7 =	vmovc v20;
	v21 =	vor.u32 v0, v21  }
0x130: {  	s23 =	sadd.s32 $0x1, s22;
	s22 =	sadd.s32 $0x4, s22;
	v22 =	vshll.u32 v25, $0x4;
	v20 =	vor.u32 v0, v24;
	v23 =	vshll.u32 v7, $0x5;
	v11 =	vld.idx.msk [tilespmem:v27+s25+$0x0], $0xffff  }
0x131: {  	_ =	sdelay $0x2  }
0x132: {  	v24 =	vmov s23;
	v23 =	vor.u32 v0, v23  }
0x133: {  	v18 =	vld.idx.msk [tilespmem:v18+s0+$0x0], $0xffff;
	v25 =	vshll.u32 v24, $0x5;
	v26 =	vshll.u32 v24, $0x3  }
0x134: {  	v17 =	vld.idx.msk [tilespmem:v17+s25+$0x0], $0xffff;
	v25 =	vor.u32 v0, v25  }
0x135: {  	v21 =	vld.idx.msk [tilespmem:v21+s0+$0x0], $0xffff  }
0x136: {  	v19 =	vld.idx.msk [tilespmem:v19+s25+$0x0], $0xffff  }
0x137: {  	v22 =	vor.u32 v0, v22;
	v5 =	vmul.f32 v5, v8;
	v4 =	vshll.u32 v4, $0x4;
	v8 =	vld.idx.msk [tilespmem:v23+s0+$0x0], $0xffff  }
0x138: {  	[tilespmem:v12+s24+$0x0] =	vst.idx.msk $0xffff, v15;
	v6 =	vshll.u32 v6, $0x4;
	v4 =	vor.u32 v0, v4;
	v12 =	vld.idx.msk [tilespmem:v26+s25+$0x0], $0xffff  }
0x139: {  	v9 =	vmul.f32 v9, v10;
	v7 =	vshll.u32 v7, $0x4;
	v6 =	vor.u32 v0, v6;
	v10 =	vld.idx.msk [tilespmem:v25+s0+$0x0], $0xffff  }
0x13a: {  	v7 =	vor.u32 v0, v7;
	v13 =	vmul.f32 v13, v16;
	[tilespmem:v14+s24+$0x0] =	vst.idx.msk $0xffff, v5;
	v5 =	vshll.u32 v24, $0x4  }
0x13b: {  	[tilespmem:v20+s24+$0x0] =	vst.idx.msk $0xffff, v9;
	v5 =	vor.u32 v0, v5;
	v9 =	vmul.f32 v11, v18  }
0x13c: {  	[tilespmem:v22+s24+$0x0] =	vst.idx.msk $0xffff, v13;
	v11 =	vmul.f32 v17, v21  }
0x13d: {  	[tilespmem:v4+s24+$0x0] =	vst.idx.msk $0xffff, v9;
	v4 =	vmul.f32 v19, v8  }
0x13e: {  	[tilespmem:v6+s24+$0x0] =	vst.idx.msk $0xffff, v11;
	v8 =	vmul.f32 v12, v10  }
0x13f: {  	[tilespmem:v7+s24+$0x0] =	vst.idx.msk $0xffff, v4  }
0x140: {  	s2 =	rddreg [dreg:$0x2];
	[tilespmem:v5+s24+$0x0] =	vst.idx.msk $0xffff, v8  }
0x141: {  	[spmem:s2] =	stream.indirect.scatter.add.f32 [tilespmem:s24], [sflag:$0x3], $0x10, s31, s31, $0xb8;
	[tilespmem:$0xC000] =	vst v63  }
0x142: {  	s22 =	rddreg [dreg:$0x3];
	s23 =	simm.s32 $0x0;
	s3 =	simm.s32 $0x5  }
0x143: {  	v4 =	vor.u32 s23, v0;
	[spmem:s22] =	stream.indirect.scatter.add.f32 [tilespmem:s25], [sflag:$0x4], $0x8, s31, s31, $0xb8;
	[tilespmem:$0xC000] =	vst v63  }
0x144: {  	v5 =	vshll.u32 v4, $0x5;
	_ =	swait.ge [sflag:s3], $0x1000  }
0x145: {  	v6 =	vor.u32 $0x10, v5;
	[sflag:s3] =	ssyncset.done $0x0  }
0x146: {  	s4 =	simm.s32 $0x10;
	v4 =	vshll.u32 v4, $0x3;
	s22 =	simm.s32 $0x6;
	[sflag:s3] =	ssyncadd.s32 $0xFFFFF000  }
0x147: {  	v5 =	vor.u32 s4, v0;
	_ =	swait.ge [sflag:s22], $0x400  }
0x148: {  	v7 =	vshll.u32 v5, $0x5;
	[sflag:s22] =	ssyncset.done $0x0  }
0x149: {  	s23 =	simm.s32 $0x20;
	v7 =	vor.u32 $0x10, v7;
	[sflag:s22] =	ssyncadd.s32 $0xFFFFFC00  }
0x14a: {  	v5 =	vshll.u32 v5, $0x3;
	v9 =	vld.idx.msk [tilespmem:v6+s12+$0x0], $0xffff;
	v6 =	vor.u32 s23, v0  }
0x14b: {  	v8 =	vld.idx.msk [tilespmem:v4+s13+$0x0], $0xffff;
	v10 =	vshll.u32 v6, $0x5;
	v6 =	vshll.u32 v6, $0x3  }
0x14c: {  	v10 =	vor.u32 $0x10, v10;
	_ =	sdelay $0x1  }
0x14d: {  	s3 =	simm.s32 $0x30;
	v12 =	vld.idx.msk [tilespmem:v7+s12+$0x0], $0xffff  }
0x14e: {  	v11 =	vor.u32 s3, v0;
	v13 =	vld.idx.msk [tilespmem:v5+s13+$0x0], $0xffff  }
0x14f: {  	v7 =	vshll.u32 v11, $0x5;
	v8 =	vadd.f32 v8, v9;
	v9 =	vld.idx.msk [tilespmem:v6+s13+$0x0], $0xffff  }
0x150: {  	v14 =	vor.u32 $0x10, v7;
	v10 =	vld.idx.msk [tilespmem:v10+s12+$0x0], $0xffff;
	_ =	sdelay $0x1  }
0x151: {  	v7 =	vshll.u32 v11, $0x3;
	v11 =	vmul.f32 $2.000000030e-01, v8  }
0x152: {  	vm0 =	vge.f32 v8, $0.0e+00  }
0x153: {  	s23 =	simm.s32 $0x50;
	v12 =	vadd.f32 v13, v12;
	v11 =	vsel vm0, v8, v11  }
0x154: {  	v13 =	vld.idx.msk [tilespmem:v14+s12+$0x0], $0xffff;
	v14 =	vor.u32 s23, v0;
	v63 =	vadd.f32 v9, v10;
	v9 =	vmul.f32 $1.442695020e+00, v11  }
0x155: {  	s22 =	simm.s32 $0x40;
	v17 =	vmul.f32 $2.000000030e-01, v12;
	v62 =	vshll.u32 v14, $0x5  }
0x156: {  	v15 =	vld.idx.msk [tilespmem:v7+s13+$0x0], $0xffff;
	v8 =	vor.u32 s22, v0;
	vm0 =	vge.f32 v12, $0.0e+00;
	(erf) = vpow2.f32 v9  }
0x157: {  	v16 =	vshll.u32 v8, $0x5;
	v8 =	vshll.u32 v8, $0x3;
	v10 =	vsel vm0, v12, v17  }
0x158: {  	v18 =	vor.u32 $0x10, v62;
	v11 =	vmul.f32 $1.442695020e+00, v10  }
0x159: {  	v16 =	vor.u32 $0x10, v16  }
0x15a: {  	v9 =	vshll.u32 v14, $0x3;
	(erf) = vpow2.f32 v11  }
0x15b: {  	v13 =	vadd.f32 v15, v13;
	v17 =	vmul.f32 $2.000000030e-01, v63  }
0x15c: {  	vm0 =	vge.f32 v63, $0.0e+00;
	v10 =	vld.idx.msk [tilespmem:v8+s13+$0x0], $0xffff  }
0x15d: {  	v15 =	vmul.f32 $2.000000030e-01, v13;
	v11 =	vld.idx.msk [tilespmem:v18+s12+$0x0], $0xffff;
	v14 =	vsel vm0, v63, v17  }
0x15e: {  	s4 =	simm.s32 $0x6;
	s23 =	simm.s32 $0x70;
	s22 =	simm.s32 $0x4;
	v12 =	vld.idx.msk [tilespmem:v16+s12+$0x0], $0xffff;
	vm0 =	vge.f32 v13, $0.0e+00;
	v14 =	vmul.f32 $1.442695020e+00, v14  }
.LBB2_23:
0x15f: {  	s2 =	sadd.s32 $0xFFFFFFF0, s23;
	v16 =	vor.u32 s23, v0;
	s22 =	sadd.s32 $0x2, s22;
	v17 =	vld.idx.msk [tilespmem:v9+s13+$0x0], $0xffff;
	v13 =	vsel vm0, v13, v15;
	v15 =	vpop (erf)  }
0x160: {  	v18 =	vor.u32 s2, v0;
	v19 =	vshll.u32 v16, $0x5;
	p0 =	slt.u32 s22, $0x6;
	(erf) = vpow2.f32 v14;
	[tilespmem:v4+s26+$0x0] =	vst.idx.msk $0xffff, v15;
	v4 =	vmovc v6;
	v6 =	vmovc v8  }
0x161: {  	v14 =	vshll.u32 v18, $0x5;
	v8 =	vshll.u32 v18, $0x3;
	v18 =	vor.u32 $0x10, v19  }
0x162: {  	v15 =	vshll.u32 v16, $0x3;
	v13 =	vmul.f32 $1.442695020e+00, v13;
	v14 =	vor.u32 $0x10, v14  }
0x163: {  	v16 =	vadd.f32 v10, v12;
	v10 =	vpop (erf)  }
.Ltmp12:
0x164: {  	(erf) = vpow2.f32 v13;
	[tilespmem:v5+s26+$0x0] =	vst.idx.msk $0xffff, v10;
	v5 =	vmovc v7;
	v7 =	vmov v9;
	v9 =	vmov v15;
	(pc) =	sbr.rel @p0 .LBB2_23-.Ltmp12, $4  }
0x165: {  	v15 =	vmul.f32 $2.000000030e-01, v16;
	v13 =	vadd.f32 v17, v11  }
0x166: {  	vm0 =	vge.f32 v16, $0.0e+00;
	v10 =	vld.idx.msk [tilespmem:v8+s13+$0x0], $0xffff  }
0x167: {  	v12 =	vld.idx.msk [tilespmem:v14+s12+$0x0], $0xffff;
	v14 =	vsel vm0, v16, v15;
	vm0 =	vge.f32 v13, $0.0e+00;
	v15 =	vmul.f32 $2.000000030e-01, v13  }
0x168: {  	s23 =	sadd.s32 $0x20, s23;
	v11 =	vld.idx.msk [tilespmem:v18+s12+$0x0], $0xffff;
	v14 =	vmul.f32 $1.442695020e+00, v14  }
0x169: {  	_ =	sdelay $0x3  }
0x16a: {  	v16 =	vld.idx.msk [tilespmem:v9+s13+$0x0], $0xffff;
	_ =	sdelay $0x2  }
0x16b: {  	v10 =	vadd.f32 v10, v12;
	_ =	sdelay $0x1  }
0x16c: {  	v11 =	vadd.f32 v16, v11;
	v12 =	vmul.f32 $2.000000030e-01, v10  }
0x16d: {  	v13 =	vsel vm0, v13, v15;
	vm14 =	vge.f32 v10, $0.0e+00  }
0x16e: {  	v13 =	vmul.f32 $1.442695020e+00, v13;
	v15 =	vmul.f32 $2.000000030e-01, v11;
	v10 =	vsel vm14, v10, v12  }
0x16f: {  	(erf) = vpow2.f32 v14;
	vm15 =	vge.f32 v11, $0.0e+00;
	v10 =	vmul.f32 $1.442695020e+00, v10  }
0x170: {  	(erf) = vpow2.f32 v13;
	v11 =	vsel vm15, v11, v15  }
0x171: {  	v11 =	vmul.f32 $1.442695020e+00, v11;
	(erf) = vpow2.f32 v10;
	_ =	sdelay $0x1  }
0x172: {  	(erf) = vpow2.f32 v11;
	_ =	sdelay $0x1  }
0x173: {  	s2 =	simm.s32 $0x0;
	v10 =	vpop (erf)  }
0x174: {  	[tilespmem:v4+s26+$0x0] =	vst.idx.msk $0xffff, v10;
	v10 =	vmov s2;
	v11 =	vpop (erf)  }
0x175: {  	[tilespmem:v5+s26+$0x0] =	vst.idx.msk $0xffff, v11;
	v5 =	vshll.u32 v10, $0x5  }
0x176: {  	v4 =	vpop (erf)  }
0x177: {  	s3 =	simm.s32 $0x3;
	v11 =	vshll.u32 v10, $0x3;
	v12 =	vpop (erf);
	[tilespmem:v6+s26+$0x0] =	vst.idx.msk $0xffff, v4  }
0x178: {  	v4 =	vor.u32 v0, v5;
	[tilespmem:v7+s26+$0x0] =	vst.idx.msk $0xffff, v12;
	v7 =	vmov s3;
	v5 =	vpop (erf)  }
0x179: {  	s22 =	simm.s32 $0x2;
	v6 =	vshll.u32 v7, $0x3;
	[tilespmem:v8+s26+$0x0] =	vst.idx.msk $0xffff, v5;
	v8 =	vshll.u32 v7, $0x5  }
0x17a: {  	v20 =	vmov s22;
	v5 =	vpop (erf);
	v8 =	vor.u32 v0, v8  }
0x17b: {  	s23 =	simm.s32 $0x1;
	[tilespmem:v9+s26+$0x0] =	vst.idx.msk $0xffff, v5;
	v9 =	vshll.u32 v20, $0x3;
	v5 =	vshll.u32 v20, $0x5  }
0x17c: {  	v22 =	vmov s23;
	v11 =	vld.idx.msk [tilespmem:v11+s26+$0x0], $0xffff;
	v14 =	vor.u32 v0, v5  }
0x17d: {  	v16 =	vshll.u32 v22, $0x3;
	s3 =	simm.s32 $0x4;
	v13 =	vld.idx.msk [tilespmem:v4+s12+$0x0], $0xffff;
	v4 =	vshll.u32 v22, $0x5  }
0x17e: {  	v5 =	vld.idx.msk [tilespmem:v6+s26+$0x0], $0xffff;
	v19 =	vor.u32 v0, v4;
	v4 =	vmov s3  }
0x17f: {  	s22 =	simm.s32 $0x7;
	v10 =	vshll.u32 v10, $0x4;
	v6 =	vshll.u32 v4, $0x5;
	v23 =	vshll.u32 v4, $0x3;
	v8 =	vld.idx.msk [tilespmem:v8+s12+$0x0], $0xffff  }
0x180: {  	v12 =	vor.u32 v0, v10;
	v18 =	vor.u32 v0, v6;
	v6 =	vmov s22;
	v9 =	vld.idx.msk [tilespmem:v9+s26+$0x0], $0xffff  }
0x181: {  	v20 =	vshll.u32 v20, $0x4;
	v22 =	vshll.u32 v22, $0x4;
	v17 =	vshll.u32 v6, $0x3;
	v10 =	vld.idx.msk [tilespmem:v14+s12+$0x0], $0xffff  }
0x182: {  	s23 =	simm.s32 $0x6;
	v21 =	vshll.u32 v6, $0x5;
	v15 =	vmul.f32 v11, v13;
	v11 =	vshll.u32 v7, $0x4;
	v13 =	vld.idx.msk [tilespmem:v16+s26+$0x0], $0xffff  }
0x183: {  	v7 =	vmov s23;
	v21 =	vor.u32 v0, v21;
	v14 =	vor.u32 v0, v11;
	v16 =	vld.idx.msk [tilespmem:v19+s12+$0x0], $0xffff  }
0x184: {  	v20 =	vor.u32 v0, v20;
	s22 =	simm.s32 $0x8;
	s23 =	simm.s32 $0x5;
	v19 =	vshll.u32 v7, $0x3;
	v11 =	vld.idx.msk [tilespmem:v23+s26+$0x0], $0xffff;
	v23 =	vshll.u32 v7, $0x5  }
.LBB2_25:
0x185: {  	p0 =	slt.u32 s22, $0x7C;
	v24 =	vld.idx.msk [tilespmem:v18+s12+$0x0], $0xffff;
	v25 =	vmov s23;
	v23 =	vor.u32 v0, v23;
	v22 =	vor.u32 v0, v22  }
0x186: {  	v27 =	vmul.f32 v5, v8;
	v18 =	vshll.u32 v25, $0x5;
	v26 =	vshll.u32 v25, $0x3  }
0x187: {  	v10 =	vmul.f32 v9, v10;
	v28 =	vor.u32 v0, v18;
	v5 =	vld.idx.msk [tilespmem:v17+s26+$0x0], $0xffff;
	[tilespmem:v12+s14+$0x0] =	vst.idx.msk $0xffff, v15  }
0x188: {  	v12 =	vmov s22;
	v13 =	vmul.f32 v13, v16;
	v8 =	vld.idx.msk [tilespmem:v21+s12+$0x0], $0xffff;
	[tilespmem:v14+s14+$0x0] =	vst.idx.msk $0xffff, v27  }
0x189: {  	s2 =	sadd.s32 $0x3, s22;
	v15 =	vshll.u32 v4, $0x4;
	v14 =	vshll.u32 v12, $0x5;
	v27 =	vshll.u32 v12, $0x3;
	v4 =	vmovc v12;
	v9 =	vld.idx.msk [tilespmem:v19+s26+$0x0], $0xffff;
	[tilespmem:v20+s14+$0x0] =	vst.idx.msk $0xffff, v10  }
.Ltmp13:
0x18a: {  	v12 =	vor.u32 v0, v15;
	v18 =	vor.u32 v0, v14;
	v14 =	vmov s2;
	v10 =	vld.idx.msk [tilespmem:v23+s12+$0x0], $0xffff;
	[tilespmem:v22+s14+$0x0] =	vst.idx.msk $0xffff, v13;
	(pc) =	sbr.rel @p0 .LBB2_25-.Ltmp13, $4  }
0x18b: {  	s2 =	sadd.s32 $0x2, s22;
	v17 =	vshll.u32 v14, $0x3;
	v15 =	vmul.f32 v11, v24;
	v11 =	vshll.u32 v6, $0x4;
	v6 =	vmovc v14;
	v13 =	vld.idx.msk [tilespmem:v26+s26+$0x0], $0xffff  }
0x18c: {  	v20 =	vmov s2;
	v21 =	vshll.u32 v6, $0x5;
	v14 =	vor.u32 v0, v11;
	v16 =	vld.idx.msk [tilespmem:v28+s12+$0x0], $0xffff  }
0x18d: {  	v24 =	vshll.u32 v7, $0x4;
	v19 =	vshll.u32 v20, $0x3;
	v7 =	vmovc v20;
	v21 =	vor.u32 v0, v21  }
0x18e: {  	s23 =	sadd.s32 $0x1, s22;
	s22 =	sadd.s32 $0x4, s22;
	v22 =	vshll.u32 v25, $0x4;
	v20 =	vor.u32 v0, v24;
	v23 =	vshll.u32 v7, $0x5;
	v11 =	vld.idx.msk [tilespmem:v27+s26+$0x0], $0xffff  }
0x18f: {  	_ =	sdelay $0x2  }
0x190: {  	v24 =	vmov s23;
	v23 =	vor.u32 v0, v23  }
0x191: {  	v18 =	vld.idx.msk [tilespmem:v18+s12+$0x0], $0xffff;
	v25 =	vshll.u32 v24, $0x5;
	v26 =	vshll.u32 v24, $0x3  }
0x192: {  	v17 =	vld.idx.msk [tilespmem:v17+s26+$0x0], $0xffff;
	v25 =	vor.u32 v0, v25  }
0x193: {  	v21 =	vld.idx.msk [tilespmem:v21+s12+$0x0], $0xffff  }
0x194: {  	v19 =	vld.idx.msk [tilespmem:v19+s26+$0x0], $0xffff  }
0x195: {  	v22 =	vor.u32 v0, v22;
	v5 =	vmul.f32 v5, v8;
	v4 =	vshll.u32 v4, $0x4;
	v8 =	vld.idx.msk [tilespmem:v23+s12+$0x0], $0xffff  }
0x196: {  	[tilespmem:v12+s14+$0x0] =	vst.idx.msk $0xffff, v15;
	v6 =	vshll.u32 v6, $0x4;
	v4 =	vor.u32 v0, v4;
	v12 =	vld.idx.msk [tilespmem:v26+s26+$0x0], $0xffff  }
0x197: {  	v9 =	vmul.f32 v9, v10;
	v7 =	vshll.u32 v7, $0x4;
	v6 =	vor.u32 v0, v6;
	v10 =	vld.idx.msk [tilespmem:v25+s12+$0x0], $0xffff  }
0x198: {  	v7 =	vor.u32 v0, v7;
	v13 =	vmul.f32 v13, v16;
	[tilespmem:v14+s14+$0x0] =	vst.idx.msk $0xffff, v5;
	v5 =	vshll.u32 v24, $0x4  }
0x199: {  	[tilespmem:v20+s14+$0x0] =	vst.idx.msk $0xffff, v9;
	v5 =	vor.u32 v0, v5;
	v9 =	vmul.f32 v11, v18  }
0x19a: {  	[tilespmem:v22+s14+$0x0] =	vst.idx.msk $0xffff, v13;
	v11 =	vmul.f32 v17, v21  }
0x19b: {  	[tilespmem:v4+s14+$0x0] =	vst.idx.msk $0xffff, v9;
	v4 =	vmul.f32 v19, v8  }
0x19c: {  	[tilespmem:v6+s14+$0x0] =	vst.idx.msk $0xffff, v11;
	v8 =	vmul.f32 v12, v10  }
0x19d: {  	[tilespmem:v7+s14+$0x0] =	vst.idx.msk $0xffff, v4  }
0x19e: {  	s2 =	rddreg [dreg:$0x2];
	[tilespmem:v5+s14+$0x0] =	vst.idx.msk $0xffff, v8  }
0x19f: {  	[spmem:s2] =	stream.indirect.scatter.add.f32 [tilespmem:s14], [sflag:$0x7], $0x10, s11, s31, $0xb8;
	[tilespmem:$0xC000] =	vst v63  }
0x1a0: {  	s22 =	rddreg [dreg:$0x3];
	s23 =	simm.s32 $0x0;
	s3 =	simm.s32 $0x9  }
0x1a1: {  	v4 =	vor.u32 s23, v0;
	[spmem:s22] =	stream.indirect.scatter.add.f32 [tilespmem:s26], [sflag:$0x8], $0x8, s11, s31, $0xb8;
	[tilespmem:$0xC000] =	vst v63  }
0x1a2: {  	v5 =	vshll.u32 v4, $0x5;
	_ =	swait.ge [sflag:s3], $0x1000  }
0x1a3: {  	v6 =	vor.u32 $0x10, v5;
	[sflag:s3] =	ssyncset.done $0x0  }
0x1a4: {  	v4 =	vshll.u32 v4, $0x3;
	s22 =	simm.s32 $0xA;
	[sflag:s3] =	ssyncadd.s32 $0xFFFFF000  }
0x1a5: {  	s3 =	simm.s32 $0x10;
	_ =	swait.ge [sflag:s22], $0x400  }
0x1a6: {  	v5 =	vor.u32 s3, v0;
	[sflag:s22] =	ssyncset.done $0x0  }
0x1a7: {  	s23 =	simm.s32 $0x20;
	v7 =	vshll.u32 v5, $0x5;
	v5 =	vshll.u32 v5, $0x3;
	[sflag:s22] =	ssyncadd.s32 $0xFFFFFC00  }
0x1a8: {  	v7 =	vor.u32 $0x10, v7;
	v9 =	vld.idx.msk [tilespmem:v6+s16+$0x0], $0xffff;
	v6 =	vor.u32 s23, v0  }
0x1a9: {  	v8 =	vld.idx.msk [tilespmem:v4+s17+$0x0], $0xffff;
	v10 =	vshll.u32 v6, $0x5;
	v6 =	vshll.u32 v6, $0x3  }
0x1aa: {  	v10 =	vor.u32 $0x10, v10;
	_ =	sdelay $0x1  }
0x1ab: {  	v13 =	vld.idx.msk [tilespmem:v5+s17+$0x0], $0xffff  }
0x1ac: {  	s3 =	simm.s32 $0x30;
	v12 =	vld.idx.msk [tilespmem:v7+s16+$0x0], $0xffff  }
0x1ad: {  	v11 =	vor.u32 s3, v0;
	v8 =	vadd.f32 v8, v9;
	v9 =	vld.idx.msk [tilespmem:v6+s17+$0x0], $0xffff  }
0x1ae: {  	v7 =	vshll.u32 v11, $0x5;
	v10 =	vld.idx.msk [tilespmem:v10+s16+$0x0], $0xffff  }
0x1af: {  	v14 =	vor.u32 $0x10, v7  }
0x1b0: {  	v7 =	vshll.u32 v11, $0x3;
	v11 =	vmul.f32 $2.000000030e-01, v8  }
0x1b1: {  	vm0 =	vge.f32 v8, $0.0e+00  }
0x1b2: {  	v12 =	vadd.f32 v13, v12;
	v11 =	vsel vm0, v8, v11  }
0x1b3: {  	s22 =	simm.s32 $0x40;
	v63 =	vadd.f32 v9, v10;
	v9 =	vmul.f32 $1.442695020e+00, v11  }
0x1b4: {  	s23 =	simm.s32 $0x50;
	v8 =	vor.u32 s22, v0;
	v13 =	vld.idx.msk [tilespmem:v14+s16+$0x0], $0xffff;
	v17 =	vmul.f32 $2.000000030e-01, v12  }
0x1b5: {  	v14 =	vor.u32 s23, v0;
	v15 =	vld.idx.msk [tilespmem:v7+s17+$0x0], $0xffff;
	vm0 =	vge.f32 v12, $0.0e+00;
	(erf) = vpow2.f32 v9  }
0x1b6: {  	v16 =	vshll.u32 v8, $0x5;
	v8 =	vshll.u32 v8, $0x3;
	v10 =	vsel vm0, v12, v17  }
0x1b7: {  	v62 =	vshll.u32 v14, $0x5;
	v16 =	vor.u32 $0x10, v16;
	v11 =	vmul.f32 $1.442695020e+00, v10  }
0x1b8: {  	v18 =	vor.u32 $0x10, v62  }
0x1b9: {  	v9 =	vshll.u32 v14, $0x3;
	(erf) = vpow2.f32 v11  }
0x1ba: {  	v17 =	vmul.f32 $2.000000030e-01, v63;
	v13 =	vadd.f32 v15, v13  }
0x1bb: {  	vm0 =	vge.f32 v63, $0.0e+00;
	v10 =	vld.idx.msk [tilespmem:v8+s17+$0x0], $0xffff  }
0x1bc: {  	v12 =	vld.idx.msk [tilespmem:v16+s16+$0x0], $0xffff;
	v14 =	vsel vm0, v63, v17;
	v15 =	vmul.f32 $2.000000030e-01, v13  }
0x1bd: {  	s22 =	simm.s32 $0x4;
	s23 =	simm.s32 $0x70;
	vm0 =	vge.f32 v13, $0.0e+00;
	v11 =	vld.idx.msk [tilespmem:v18+s16+$0x0], $0xffff;
	v14 =	vmul.f32 $1.442695020e+00, v14  }
.LBB2_27:
0x1be: {  	s2 =	sadd.s32 $0xFFFFFFF0, s23;
	v16 =	vor.u32 s23, v0;
	s22 =	sadd.s32 $0x2, s22;
	v17 =	vld.idx.msk [tilespmem:v9+s17+$0x0], $0xffff;
	v13 =	vsel vm0, v13, v15;
	v15 =	vpop (erf)  }
0x1bf: {  	v18 =	vor.u32 s2, v0;
	v19 =	vshll.u32 v16, $0x5;
	p0 =	slt.u32 s22, $0x6;
	(erf) = vpow2.f32 v14;
	[tilespmem:v4+s28+$0x0] =	vst.idx.msk $0xffff, v15;
	v4 =	vmovc v6;
	v6 =	vmovc v8  }
0x1c0: {  	v14 =	vshll.u32 v18, $0x5;
	v8 =	vshll.u32 v18, $0x3;
	v18 =	vor.u32 $0x10, v19  }
0x1c1: {  	v15 =	vshll.u32 v16, $0x3;
	v13 =	vmul.f32 $1.442695020e+00, v13;
	v14 =	vor.u32 $0x10, v14  }
0x1c2: {  	v16 =	vadd.f32 v10, v12;
	v10 =	vpop (erf)  }
.Ltmp14:
0x1c3: {  	(erf) = vpow2.f32 v13;
	[tilespmem:v5+s28+$0x0] =	vst.idx.msk $0xffff, v10;
	v5 =	vmovc v7;
	v7 =	vmov v9;
	v9 =	vmov v15;
	(pc) =	sbr.rel @p0 .LBB2_27-.Ltmp14, $4  }
0x1c4: {  	v15 =	vmul.f32 $2.000000030e-01, v16;
	v13 =	vadd.f32 v17, v11  }
0x1c5: {  	vm0 =	vge.f32 v16, $0.0e+00;
	v10 =	vld.idx.msk [tilespmem:v8+s17+$0x0], $0xffff  }
0x1c6: {  	v12 =	vld.idx.msk [tilespmem:v14+s16+$0x0], $0xffff;
	v14 =	vsel vm0, v16, v15;
	vm0 =	vge.f32 v13, $0.0e+00;
	v15 =	vmul.f32 $2.000000030e-01, v13  }
0x1c7: {  	s23 =	sadd.s32 $0x20, s23;
	v11 =	vld.idx.msk [tilespmem:v18+s16+$0x0], $0xffff;
	v14 =	vmul.f32 $1.442695020e+00, v14  }
0x1c8: {  	_ =	sdelay $0x3  }
0x1c9: {  	v16 =	vld.idx.msk [tilespmem:v9+s17+$0x0], $0xffff;
	_ =	sdelay $0x2  }
0x1ca: {  	v10 =	vadd.f32 v10, v12;
	_ =	sdelay $0x1  }
0x1cb: {  	v11 =	vadd.f32 v16, v11;
	v12 =	vmul.f32 $2.000000030e-01, v10  }
0x1cc: {  	v13 =	vsel vm0, v13, v15;
	vm14 =	vge.f32 v10, $0.0e+00  }
0x1cd: {  	v13 =	vmul.f32 $1.442695020e+00, v13;
	v15 =	vmul.f32 $2.000000030e-01, v11;
	v10 =	vsel vm14, v10, v12  }
0x1ce: {  	(erf) = vpow2.f32 v14;
	vm15 =	vge.f32 v11, $0.0e+00;
	v10 =	vmul.f32 $1.442695020e+00, v10  }
0x1cf: {  	(erf) = vpow2.f32 v13;
	v11 =	vsel vm15, v11, v15  }
0x1d0: {  	v11 =	vmul.f32 $1.442695020e+00, v11;
	(erf) = vpow2.f32 v10;
	_ =	sdelay $0x1  }
0x1d1: {  	(erf) = vpow2.f32 v11;
	_ =	sdelay $0x1  }
0x1d2: {  	s2 =	simm.s32 $0x0;
	v10 =	vpop (erf)  }
0x1d3: {  	[tilespmem:v4+s28+$0x0] =	vst.idx.msk $0xffff, v10;
	v10 =	vmov s2;
	v11 =	vpop (erf)  }
0x1d4: {  	[tilespmem:v5+s28+$0x0] =	vst.idx.msk $0xffff, v11;
	v5 =	vshll.u32 v10, $0x5  }
0x1d5: {  	v4 =	vpop (erf)  }
0x1d6: {  	s3 =	simm.s32 $0x3;
	v11 =	vshll.u32 v10, $0x3;
	v12 =	vpop (erf);
	[tilespmem:v6+s28+$0x0] =	vst.idx.msk $0xffff, v4  }
0x1d7: {  	v4 =	vor.u32 v0, v5;
	[tilespmem:v7+s28+$0x0] =	vst.idx.msk $0xffff, v12;
	v7 =	vmov s3;
	v5 =	vpop (erf)  }
0x1d8: {  	s22 =	simm.s32 $0x2;
	v6 =	vshll.u32 v7, $0x3;
	[tilespmem:v8+s28+$0x0] =	vst.idx.msk $0xffff, v5;
	v8 =	vshll.u32 v7, $0x5  }
0x1d9: {  	v20 =	vmov s22;
	v5 =	vpop (erf);
	v8 =	vor.u32 v0, v8  }
0x1da: {  	s23 =	simm.s32 $0x1;
	[tilespmem:v9+s28+$0x0] =	vst.idx.msk $0xffff, v5;
	v9 =	vshll.u32 v20, $0x3;
	v5 =	vshll.u32 v20, $0x5  }
0x1db: {  	v22 =	vmov s23;
	v11 =	vld.idx.msk [tilespmem:v11+s28+$0x0], $0xffff;
	v14 =	vor.u32 v0, v5  }
0x1dc: {  	v16 =	vshll.u32 v22, $0x3;
	s3 =	simm.s32 $0x4;
	v13 =	vld.idx.msk [tilespmem:v4+s16+$0x0], $0xffff;
	v4 =	vshll.u32 v22, $0x5  }
0x1dd: {  	v5 =	vld.idx.msk [tilespmem:v6+s28+$0x0], $0xffff;
	v19 =	vor.u32 v0, v4;
	v4 =	vmov s3  }
0x1de: {  	s22 =	simm.s32 $0x7;
	v10 =	vshll.u32 v10, $0x4;
	v6 =	vshll.u32 v4, $0x5;
	v23 =	vshll.u32 v4, $0x3;
	v8 =	vld.idx.msk [tilespmem:v8+s16+$0x0], $0xffff  }
0x1df: {  	v12 =	vor.u32 v0, v10;
	v18 =	vor.u32 v0, v6;
	v6 =	vmov s22;
	v9 =	vld.idx.msk [tilespmem:v9+s28+$0x0], $0xffff  }
0x1e0: {  	v20 =	vshll.u32 v20, $0x4;
	v22 =	vshll.u32 v22, $0x4;
	v17 =	vshll.u32 v6, $0x3;
	v10 =	vld.idx.msk [tilespmem:v14+s16+$0x0], $0xffff  }
0x1e1: {  	s23 =	simm.s32 $0x6;
	v21 =	vshll.u32 v6, $0x5;
	v15 =	vmul.f32 v11, v13;
	v11 =	vshll.u32 v7, $0x4;
	v13 =	vld.idx.msk [tilespmem:v16+s28+$0x0], $0xffff  }
0x1e2: {  	v7 =	vmov s23;
	v21 =	vor.u32 v0, v21;
	v14 =	vor.u32 v0, v11;
	v16 =	vld.idx.msk [tilespmem:v19+s16+$0x0], $0xffff  }
0x1e3: {  	v20 =	vor.u32 v0, v20;
	s22 =	simm.s32 $0x8;
	s23 =	simm.s32 $0x5;
	v19 =	vshll.u32 v7, $0x3;
	v11 =	vld.idx.msk [tilespmem:v23+s28+$0x0], $0xffff;
	v23 =	vshll.u32 v7, $0x5  }
.LBB2_29:
0x1e4: {  	p0 =	slt.u32 s22, $0x7C;
	v24 =	vld.idx.msk [tilespmem:v18+s16+$0x0], $0xffff;
	v25 =	vmov s23;
	v23 =	vor.u32 v0, v23;
	v22 =	vor.u32 v0, v22  }
0x1e5: {  	v27 =	vmul.f32 v5, v8;
	v18 =	vshll.u32 v25, $0x5;
	v26 =	vshll.u32 v25, $0x3  }
0x1e6: {  	v10 =	vmul.f32 v9, v10;
	v28 =	vor.u32 v0, v18;
	v5 =	vld.idx.msk [tilespmem:v17+s28+$0x0], $0xffff;
	[tilespmem:v12+s18+$0x0] =	vst.idx.msk $0xffff, v15  }
0x1e7: {  	v12 =	vmov s22;
	v13 =	vmul.f32 v13, v16;
	v8 =	vld.idx.msk [tilespmem:v21+s16+$0x0], $0xffff;
	[tilespmem:v14+s18+$0x0] =	vst.idx.msk $0xffff, v27  }
0x1e8: {  	s2 =	sadd.s32 $0x3, s22;
	v15 =	vshll.u32 v4, $0x4;
	v14 =	vshll.u32 v12, $0x5;
	v27 =	vshll.u32 v12, $0x3;
	v4 =	vmovc v12;
	v9 =	vld.idx.msk [tilespmem:v19+s28+$0x0], $0xffff;
	[tilespmem:v20+s18+$0x0] =	vst.idx.msk $0xffff, v10  }
.Ltmp15:
0x1e9: {  	v12 =	vor.u32 v0, v15;
	v18 =	vor.u32 v0, v14;
	v14 =	vmov s2;
	v10 =	vld.idx.msk [tilespmem:v23+s16+$0x0], $0xffff;
	[tilespmem:v22+s18+$0x0] =	vst.idx.msk $0xffff, v13;
	(pc) =	sbr.rel @p0 .LBB2_29-.Ltmp15, $4  }
0x1ea: {  	s2 =	sadd.s32 $0x2, s22;
	v17 =	vshll.u32 v14, $0x3;
	v15 =	vmul.f32 v11, v24;
	v11 =	vshll.u32 v6, $0x4;
	v6 =	vmovc v14;
	v13 =	vld.idx.msk [tilespmem:v26+s28+$0x0], $0xffff  }
0x1eb: {  	v20 =	vmov s2;
	v21 =	vshll.u32 v6, $0x5;
	v14 =	vor.u32 v0, v11;
	v16 =	vld.idx.msk [tilespmem:v28+s16+$0x0], $0xffff  }
0x1ec: {  	v24 =	vshll.u32 v7, $0x4;
	v19 =	vshll.u32 v20, $0x3;
	v7 =	vmovc v20;
	v21 =	vor.u32 v0, v21  }
0x1ed: {  	s23 =	sadd.s32 $0x1, s22;
	s22 =	sadd.s32 $0x4, s22;
	v22 =	vshll.u32 v25, $0x4;
	v20 =	vor.u32 v0, v24;
	v23 =	vshll.u32 v7, $0x5;
	v11 =	vld.idx.msk [tilespmem:v27+s28+$0x0], $0xffff  }
0x1ee: {  	_ =	sdelay $0x2  }
0x1ef: {  	v24 =	vmov s23;
	v23 =	vor.u32 v0, v23  }
0x1f0: {  	v18 =	vld.idx.msk [tilespmem:v18+s16+$0x0], $0xffff;
	v25 =	vshll.u32 v24, $0x5;
	v26 =	vshll.u32 v24, $0x3  }
0x1f1: {  	v17 =	vld.idx.msk [tilespmem:v17+s28+$0x0], $0xffff;
	v25 =	vor.u32 v0, v25  }
0x1f2: {  	v21 =	vld.idx.msk [tilespmem:v21+s16+$0x0], $0xffff  }
0x1f3: {  	v19 =	vld.idx.msk [tilespmem:v19+s28+$0x0], $0xffff  }
0x1f4: {  	v22 =	vor.u32 v0, v22;
	v5 =	vmul.f32 v5, v8;
	v4 =	vshll.u32 v4, $0x4;
	v8 =	vld.idx.msk [tilespmem:v23+s16+$0x0], $0xffff  }
0x1f5: {  	[tilespmem:v12+s18+$0x0] =	vst.idx.msk $0xffff, v15;
	v6 =	vshll.u32 v6, $0x4;
	v4 =	vor.u32 v0, v4;
	v12 =	vld.idx.msk [tilespmem:v26+s28+$0x0], $0xffff  }
0x1f6: {  	v9 =	vmul.f32 v9, v10;
	v7 =	vshll.u32 v7, $0x4;
	v6 =	vor.u32 v0, v6;
	v10 =	vld.idx.msk [tilespmem:v25+s16+$0x0], $0xffff  }
0x1f7: {  	v7 =	vor.u32 v0, v7;
	v13 =	vmul.f32 v13, v16;
	[tilespmem:v14+s18+$0x0] =	vst.idx.msk $0xffff, v5;
	v5 =	vshll.u32 v24, $0x4  }
0x1f8: {  	[tilespmem:v20+s18+$0x0] =	vst.idx.msk $0xffff, v9;
	v5 =	vor.u32 v0, v5;
	v9 =	vmul.f32 v11, v18  }
0x1f9: {  	[tilespmem:v22+s18+$0x0] =	vst.idx.msk $0xffff, v13;
	v11 =	vmul.f32 v17, v21  }
0x1fa: {  	[tilespmem:v4+s18+$0x0] =	vst.idx.msk $0xffff, v9;
	v4 =	vmul.f32 v19, v8  }
0x1fb: {  	[tilespmem:v6+s18+$0x0] =	vst.idx.msk $0xffff, v11;
	v8 =	vmul.f32 v12, v10  }
0x1fc: {  	[tilespmem:v7+s18+$0x0] =	vst.idx.msk $0xffff, v4  }
0x1fd: {  	s2 =	rddreg [dreg:$0x2];
	[tilespmem:v5+s18+$0x0] =	vst.idx.msk $0xffff, v8  }
0x1fe: {  	[spmem:s2] =	stream.indirect.scatter.add.f32 [tilespmem:s18], [sflag:$0xB], $0x10, s15, s31, $0xb8;
	[tilespmem:$0xC000] =	vst v63  }
0x1ff: {  	s22 =	rddreg [dreg:$0x3];
	s23 =	simm.s32 $0x0;
	s3 =	simm.s32 $0xD  }
0x200: {  	v4 =	vor.u32 s23, v0;
	[spmem:s22] =	stream.indirect.scatter.add.f32 [tilespmem:s28], [sflag:$0xC], $0x8, s15, s31, $0xb8;
	[tilespmem:$0xC000] =	vst v63  }
0x201: {  	v5 =	vshll.u32 v4, $0x5;
	_ =	swait.ge [sflag:s3], $0x1000  }
0x202: {  	v6 =	vor.u32 $0x10, v5;
	[sflag:s3] =	ssyncset.done $0x0  }
0x203: {  	v4 =	vshll.u32 v4, $0x3;
	s22 =	simm.s32 $0xE;
	[sflag:s3] =	ssyncadd.s32 $0xFFFFF000  }
0x204: {  	s3 =	simm.s32 $0x10;
	_ =	swait.ge [sflag:s22], $0x400  }
0x205: {  	v5 =	vor.u32 s3, v0;
	[sflag:s22] =	ssyncset.done $0x0  }
0x206: {  	s23 =	simm.s32 $0x20;
	v7 =	vshll.u32 v5, $0x5;
	v5 =	vshll.u32 v5, $0x3;
	[sflag:s22] =	ssyncadd.s32 $0xFFFFFC00  }
0x207: {  	v7 =	vor.u32 $0x10, v7;
	v9 =	vld.idx.msk [tilespmem:v6+s20+$0x0], $0xffff;
	v6 =	vor.u32 s23, v0  }
0x208: {  	v8 =	vld.idx.msk [tilespmem:v4+s21+$0x0], $0xffff;
	v10 =	vshll.u32 v6, $0x5;
	v6 =	vshll.u32 v6, $0x3  }
0x209: {  	v10 =	vor.u32 $0x10, v10;
	_ =	sdelay $0x1  }
0x20a: {  	v13 =	vld.idx.msk [tilespmem:v5+s21+$0x0], $0xffff  }
0x20b: {  	s3 =	simm.s32 $0x30;
	v12 =	vld.idx.msk [tilespmem:v7+s20+$0x0], $0xffff  }
0x20c: {  	v11 =	vor.u32 s3, v0;
	v8 =	vadd.f32 v8, v9;
	v9 =	vld.idx.msk [tilespmem:v6+s21+$0x0], $0xffff  }
0x20d: {  	v7 =	vshll.u32 v11, $0x5;
	v10 =	vld.idx.msk [tilespmem:v10+s20+$0x0], $0xffff  }
0x20e: {  	v14 =	vor.u32 $0x10, v7  }
0x20f: {  	v7 =	vshll.u32 v11, $0x3;
	v11 =	vmul.f32 $2.000000030e-01, v8  }
0x210: {  	vm0 =	vge.f32 v8, $0.0e+00  }
0x211: {  	v12 =	vadd.f32 v13, v12;
	v11 =	vsel vm0, v8, v11  }
0x212: {  	s22 =	simm.s32 $0x40;
	v63 =	vadd.f32 v9, v10;
	v9 =	vmul.f32 $1.442695020e+00, v11  }
0x213: {  	s23 =	simm.s32 $0x50;
	v8 =	vor.u32 s22, v0;
	v13 =	vld.idx.msk [tilespmem:v14+s20+$0x0], $0xffff;
	v17 =	vmul.f32 $2.000000030e-01, v12  }
0x214: {  	v14 =	vor.u32 s23, v0;
	v15 =	vld.idx.msk [tilespmem:v7+s21+$0x0], $0xffff;
	vm0 =	vge.f32 v12, $0.0e+00;
	(erf) = vpow2.f32 v9  }
0x215: {  	v16 =	vshll.u32 v8, $0x5;
	v8 =	vshll.u32 v8, $0x3;
	v10 =	vsel vm0, v12, v17  }
0x216: {  	v62 =	vshll.u32 v14, $0x5;
	v16 =	vor.u32 $0x10, v16;
	v11 =	vmul.f32 $1.442695020e+00, v10  }
0x217: {  	v18 =	vor.u32 $0x10, v62  }
0x218: {  	v9 =	vshll.u32 v14, $0x3;
	(erf) = vpow2.f32 v11  }
0x219: {  	v17 =	vmul.f32 $2.000000030e-01, v63;
	v13 =	vadd.f32 v15, v13  }
0x21a: {  	vm0 =	vge.f32 v63, $0.0e+00;
	v10 =	vld.idx.msk [tilespmem:v8+s21+$0x0], $0xffff  }
0x21b: {  	v12 =	vld.idx.msk [tilespmem:v16+s20+$0x0], $0xffff;
	v14 =	vsel vm0, v63, v17;
	v15 =	vmul.f32 $2.000000030e-01, v13  }
0x21c: {  	s22 =	simm.s32 $0x4;
	s23 =	simm.s32 $0x70;
	vm0 =	vge.f32 v13, $0.0e+00;
	v11 =	vld.idx.msk [tilespmem:v18+s20+$0x0], $0xffff;
	v14 =	vmul.f32 $1.442695020e+00, v14  }
.LBB2_31:
0x21d: {  	s2 =	sadd.s32 $0xFFFFFFF0, s23;
	v16 =	vor.u32 s23, v0;
	s22 =	sadd.s32 $0x2, s22;
	v17 =	vld.idx.msk [tilespmem:v9+s21+$0x0], $0xffff;
	v13 =	vsel vm0, v13, v15;
	v15 =	vpop (erf)  }
0x21e: {  	v18 =	vor.u32 s2, v0;
	v19 =	vshll.u32 v16, $0x5;
	p0 =	slt.u32 s22, $0x6;
	(erf) = vpow2.f32 v14;
	[tilespmem:v4+s29+$0x0] =	vst.idx.msk $0xffff, v15;
	v4 =	vmovc v6;
	v6 =	vmovc v8  }
0x21f: {  	v14 =	vshll.u32 v18, $0x5;
	v8 =	vshll.u32 v18, $0x3;
	v18 =	vor.u32 $0x10, v19  }
0x220: {  	v15 =	vshll.u32 v16, $0x3;
	v13 =	vmul.f32 $1.442695020e+00, v13;
	v14 =	vor.u32 $0x10, v14  }
0x221: {  	v16 =	vadd.f32 v10, v12;
	v10 =	vpop (erf)  }
.Ltmp16:
0x222: {  	(erf) = vpow2.f32 v13;
	[tilespmem:v5+s29+$0x0] =	vst.idx.msk $0xffff, v10;
	v5 =	vmovc v7;
	v7 =	vmov v9;
	v9 =	vmov v15;
	(pc) =	sbr.rel @p0 .LBB2_31-.Ltmp16, $4  }
0x223: {  	v15 =	vmul.f32 $2.000000030e-01, v16;
	v13 =	vadd.f32 v17, v11  }
0x224: {  	vm0 =	vge.f32 v16, $0.0e+00;
	v10 =	vld.idx.msk [tilespmem:v8+s21+$0x0], $0xffff  }
0x225: {  	v12 =	vld.idx.msk [tilespmem:v14+s20+$0x0], $0xffff;
	v14 =	vsel vm0, v16, v15;
	vm0 =	vge.f32 v13, $0.0e+00;
	v15 =	vmul.f32 $2.000000030e-01, v13  }
0x226: {  	s23 =	sadd.s32 $0x20, s23;
	v11 =	vld.idx.msk [tilespmem:v18+s20+$0x0], $0xffff;
	v14 =	vmul.f32 $1.442695020e+00, v14  }
0x227: {  	_ =	sdelay $0x3  }
0x228: {  	v16 =	vld.idx.msk [tilespmem:v9+s21+$0x0], $0xffff;
	_ =	sdelay $0x2  }
0x229: {  	v10 =	vadd.f32 v10, v12;
	_ =	sdelay $0x1  }
0x22a: {  	v11 =	vadd.f32 v16, v11;
	v12 =	vmul.f32 $2.000000030e-01, v10  }
0x22b: {  	v13 =	vsel vm0, v13, v15;
	vm14 =	vge.f32 v10, $0.0e+00  }
0x22c: {  	v13 =	vmul.f32 $1.442695020e+00, v13;
	v15 =	vmul.f32 $2.000000030e-01, v11;
	v10 =	vsel vm14, v10, v12  }
0x22d: {  	(erf) = vpow2.f32 v14;
	vm15 =	vge.f32 v11, $0.0e+00;
	v10 =	vmul.f32 $1.442695020e+00, v10  }
0x22e: {  	(erf) = vpow2.f32 v13;
	v11 =	vsel vm15, v11, v15  }
0x22f: {  	v11 =	vmul.f32 $1.442695020e+00, v11;
	(erf) = vpow2.f32 v10;
	_ =	sdelay $0x1  }
0x230: {  	(erf) = vpow2.f32 v11;
	_ =	sdelay $0x1  }
0x231: {  	s2 =	simm.s32 $0x0;
	v10 =	vpop (erf)  }
0x232: {  	[tilespmem:v4+s29+$0x0] =	vst.idx.msk $0xffff, v10;
	v10 =	vmov s2;
	v11 =	vpop (erf)  }
0x233: {  	[tilespmem:v5+s29+$0x0] =	vst.idx.msk $0xffff, v11;
	v5 =	vshll.u32 v10, $0x5  }
0x234: {  	v4 =	vpop (erf)  }
0x235: {  	s3 =	simm.s32 $0x3;
	v11 =	vshll.u32 v10, $0x3;
	v12 =	vpop (erf);
	[tilespmem:v6+s29+$0x0] =	vst.idx.msk $0xffff, v4  }
0x236: {  	v4 =	vor.u32 v0, v5;
	[tilespmem:v7+s29+$0x0] =	vst.idx.msk $0xffff, v12;
	v7 =	vmov s3;
	v5 =	vpop (erf)  }
0x237: {  	s22 =	simm.s32 $0x2;
	v6 =	vshll.u32 v7, $0x3;
	[tilespmem:v8+s29+$0x0] =	vst.idx.msk $0xffff, v5;
	v8 =	vshll.u32 v7, $0x5  }
0x238: {  	v20 =	vmov s22;
	v5 =	vpop (erf);
	v8 =	vor.u32 v0, v8  }
0x239: {  	s23 =	simm.s32 $0x1;
	[tilespmem:v9+s29+$0x0] =	vst.idx.msk $0xffff, v5;
	v9 =	vshll.u32 v20, $0x3;
	v5 =	vshll.u32 v20, $0x5  }
0x23a: {  	v22 =	vmov s23;
	v11 =	vld.idx.msk [tilespmem:v11+s29+$0x0], $0xffff;
	v14 =	vor.u32 v0, v5  }
0x23b: {  	v16 =	vshll.u32 v22, $0x3;
	s3 =	simm.s32 $0x4;
	v13 =	vld.idx.msk [tilespmem:v4+s20+$0x0], $0xffff;
	v4 =	vshll.u32 v22, $0x5  }
0x23c: {  	v5 =	vld.idx.msk [tilespmem:v6+s29+$0x0], $0xffff;
	v19 =	vor.u32 v0, v4;
	v4 =	vmov s3  }
0x23d: {  	s22 =	simm.s32 $0x7;
	v10 =	vshll.u32 v10, $0x4;
	v6 =	vshll.u32 v4, $0x5;
	v23 =	vshll.u32 v4, $0x3;
	v8 =	vld.idx.msk [tilespmem:v8+s20+$0x0], $0xffff  }
0x23e: {  	v12 =	vor.u32 v0, v10;
	v18 =	vor.u32 v0, v6;
	v6 =	vmov s22;
	v9 =	vld.idx.msk [tilespmem:v9+s29+$0x0], $0xffff  }
0x23f: {  	v20 =	vshll.u32 v20, $0x4;
	v22 =	vshll.u32 v22, $0x4;
	v17 =	vshll.u32 v6, $0x3;
	v10 =	vld.idx.msk [tilespmem:v14+s20+$0x0], $0xffff  }
0x240: {  	s23 =	simm.s32 $0x6;
	v21 =	vshll.u32 v6, $0x5;
	v15 =	vmul.f32 v11, v13;
	v11 =	vshll.u32 v7, $0x4;
	v13 =	vld.idx.msk [tilespmem:v16+s29+$0x0], $0xffff  }
0x241: {  	v7 =	vmov s23;
	v21 =	vor.u32 v0, v21;
	v14 =	vor.u32 v0, v11;
	v16 =	vld.idx.msk [tilespmem:v19+s20+$0x0], $0xffff  }
0x242: {  	v20 =	vor.u32 v0, v20;
	s22 =	simm.s32 $0x8;
	s23 =	simm.s32 $0x5;
	v19 =	vshll.u32 v7, $0x3;
	v11 =	vld.idx.msk [tilespmem:v23+s29+$0x0], $0xffff;
	v23 =	vshll.u32 v7, $0x5  }
.LBB2_33:
0x243: {  	p0 =	slt.u32 s22, $0x7C;
	v24 =	vld.idx.msk [tilespmem:v18+s20+$0x0], $0xffff;
	v25 =	vmov s23;
	v23 =	vor.u32 v0, v23;
	v22 =	vor.u32 v0, v22  }
0x244: {  	v27 =	vmul.f32 v5, v8;
	v18 =	vshll.u32 v25, $0x5;
	v26 =	vshll.u32 v25, $0x3  }
0x245: {  	v10 =	vmul.f32 v9, v10;
	v28 =	vor.u32 v0, v18;
	v5 =	vld.idx.msk [tilespmem:v17+s29+$0x0], $0xffff;
	[tilespmem:v12+s9+$0x0] =	vst.idx.msk $0xffff, v15  }
0x246: {  	v12 =	vmov s22;
	v13 =	vmul.f32 v13, v16;
	v8 =	vld.idx.msk [tilespmem:v21+s20+$0x0], $0xffff;
	[tilespmem:v14+s9+$0x0] =	vst.idx.msk $0xffff, v27  }
0x247: {  	s2 =	sadd.s32 $0x3, s22;
	v15 =	vshll.u32 v4, $0x4;
	v14 =	vshll.u32 v12, $0x5;
	v27 =	vshll.u32 v12, $0x3;
	v4 =	vmovc v12;
	v9 =	vld.idx.msk [tilespmem:v19+s29+$0x0], $0xffff;
	[tilespmem:v20+s9+$0x0] =	vst.idx.msk $0xffff, v10  }
.Ltmp17:
0x248: {  	v12 =	vor.u32 v0, v15;
	v18 =	vor.u32 v0, v14;
	v14 =	vmov s2;
	v10 =	vld.idx.msk [tilespmem:v23+s20+$0x0], $0xffff;
	[tilespmem:v22+s9+$0x0] =	vst.idx.msk $0xffff, v13;
	(pc) =	sbr.rel @p0 .LBB2_33-.Ltmp17, $4  }
0x249: {  	s2 =	sadd.s32 $0x2, s22;
	v17 =	vshll.u32 v14, $0x3;
	v15 =	vmul.f32 v11, v24;
	v11 =	vshll.u32 v6, $0x4;
	v6 =	vmovc v14;
	v13 =	vld.idx.msk [tilespmem:v26+s29+$0x0], $0xffff  }
0x24a: {  	v20 =	vmov s2;
	v21 =	vshll.u32 v6, $0x5;
	v14 =	vor.u32 v0, v11;
	v16 =	vld.idx.msk [tilespmem:v28+s20+$0x0], $0xffff  }
0x24b: {  	v24 =	vshll.u32 v7, $0x4;
	v19 =	vshll.u32 v20, $0x3;
	v7 =	vmovc v20;
	v21 =	vor.u32 v0, v21  }
0x24c: {  	s23 =	sadd.s32 $0x1, s22;
	s22 =	sadd.s32 $0x4, s22;
	v22 =	vshll.u32 v25, $0x4;
	v20 =	vor.u32 v0, v24;
	v23 =	vshll.u32 v7, $0x5;
	v11 =	vld.idx.msk [tilespmem:v27+s29+$0x0], $0xffff  }
0x24d: {  	_ =	sdelay $0x2  }
0x24e: {  	v24 =	vmov s23;
	v23 =	vor.u32 v0, v23  }
0x24f: {  	v18 =	vld.idx.msk [tilespmem:v18+s20+$0x0], $0xffff;
	v25 =	vshll.u32 v24, $0x5;
	v26 =	vshll.u32 v24, $0x3  }
0x250: {  	v17 =	vld.idx.msk [tilespmem:v17+s29+$0x0], $0xffff;
	v25 =	vor.u32 v0, v25  }
0x251: {  	v21 =	vld.idx.msk [tilespmem:v21+s20+$0x0], $0xffff  }
0x252: {  	v19 =	vld.idx.msk [tilespmem:v19+s29+$0x0], $0xffff  }
0x253: {  	v22 =	vor.u32 v0, v22;
	v5 =	vmul.f32 v5, v8;
	v4 =	vshll.u32 v4, $0x4;
	v58 =	vld.idx.msk [tilespmem:v23+s20+$0x0], $0xffff  }
0x254: {  	[tilespmem:v12+s9+$0x0] =	vst.idx.msk $0xffff, v15;
	v6 =	vshll.u32 v6, $0x4;
	v4 =	vor.u32 v0, v4;
	v59 =	vld.idx.msk [tilespmem:v26+s29+$0x0], $0xffff  }
0x255: {  	v9 =	vmul.f32 v9, v10;
	v7 =	vshll.u32 v7, $0x4;
	v6 =	vor.u32 v0, v6;
	v60 =	vld.idx.msk [tilespmem:v25+s20+$0x0], $0xffff  }
0x256: {  	v7 =	vor.u32 v0, v7;
	v13 =	vmul.f32 v13, v16;
	[tilespmem:v14+s9+$0x0] =	vst.idx.msk $0xffff, v5;
	v5 =	vshll.u32 v24, $0x4  }
0x257: {  	[tilespmem:v20+s9+$0x0] =	vst.idx.msk $0xffff, v9;
	v5 =	vor.u32 v0, v5;
	v61 =	vmul.f32 v11, v18  }
0x258: {  	[tilespmem:v22+s9+$0x0] =	vst.idx.msk $0xffff, v13;
	v62 =	vmul.f32 v17, v21  }
0x259: {  	[tilespmem:v4+s9+$0x0] =	vst.idx.msk $0xffff, v61;
	v4 =	vmul.f32 v19, v58  }
0x25a: {  	[tilespmem:v6+s9+$0x0] =	vst.idx.msk $0xffff, v62;
	v63 =	vmul.f32 v59, v60  }
0x25b: {  	[tilespmem:v7+s9+$0x0] =	vst.idx.msk $0xffff, v4  }
0x25c: {  	s2 =	rddreg [dreg:$0x2];
	[tilespmem:v5+s9+$0x0] =	vst.idx.msk $0xffff, v63  }
0x25d: {  	[spmem:s2] =	stream.indirect.scatter.add.f32 [tilespmem:s9], [sflag:$0xF], $0x10, s19, s31, $0xb8;
	[tilespmem:$0xC000] =	vst v63  }
0x25e: {  	s3 =	rddreg [dreg:$0x3];
	s22 =	simm.s32 $0x3  }
0x25f: {  	[spmem:s3] =	stream.indirect.scatter.add.f32 [tilespmem:s29], [sflag:$0x10], $0x8, s19, s31, $0xb8;
	[tilespmem:$0xC000] =	vst v63  }
0x260: {  	p0 =	seq.s32 s10, $0x13;
	_ =	swait.ge [sflag:s22], $0x800  }
.Ltmp18:
0x261: {  	[sflag:s22] =	ssyncset.done $0x0;
	(pc) =	sbr.rel @p0 .LBB2_36-.Ltmp18, $4  }
0x262: {  	s23 =	simm.s32 $0x4;
	[sflag:s22] =	ssyncadd.s32 $0xFFFFF800  }
0x263: {  	_ =	swait.ge [sflag:s23], $0x400  }
0x264: {  	[sflag:s23] =	ssyncset.done $0x0  }
0x265: {  	[sflag:s23] =	ssyncadd.s32 $0xFFFFFC00  }
0x266: {  	s2 =	sshll.u32 s10, $0x6;
	s3 =	rddreg [dreg:$0x5]  }
0x267: {  	s2 =	sadd.s32 s3, s2  }
0x268: {  	s3 =	sadd.s32 $0x40, s2  }
0x269: {  	s22 =	sadd.s32 s7, s3  }
0x26a: {  	[tilespmem:s5], [sflag:$0x11] =	stream.linear.gather [hbm4b:s22+s5], $0x80, $0x38;
	[tilespmem:$0xC000] =	vst v63  }
0x26b: {  	_ =	swait.ge [sflag:s30], $0x80  }
0x26c: {  	[sflag:s30] =	ssyncset.done $0x0  }
0x26d: {  	s3 =	sadd.s32 s8, s3;
	[sflag:s30] =	ssyncadd.s32 $0xFFFFFF80  }
0x26e: {  	[tilespmem:s31], [sflag:$0x11] =	stream.linear.gather [hbm4b:s3+s5], $0x80, $0x38;
	[tilespmem:$0xC000] =	vst v63  }
0x26f: {  	_ =	swait.ge [sflag:s30], $0x80  }
0x270: {  	[sflag:s30] =	ssyncset.done $0x0  }
0x271: {  	[sflag:s30] =	ssyncadd.s32 $0xFFFFFF80  }
0x272: {  	[tilespmem:s0], [sflag:$0x1] =	stream.indirect.gather [hbm4b:s6+s31], $0x20, s5, s31, $0xb8;
	[tilespmem:$0xC000] =	vst v63  }
0x273: {  	s22 =	simm.s32 $0x7;
	s23 =	rddreg [dreg:$0x1]  }
0x274: {  	[tilespmem:s1], [sflag:$0x2] =	stream.indirect.gather [hbm4b:s23+s31], $0x8, s31, s31, $0xb8;
	[tilespmem:$0xC000] =	vst v63  }
0x275: {  	_ =	swait.ge [sflag:s22], $0x800  }
0x276: {  	[sflag:s22] =	ssyncset.done $0x0  }
0x277: {  	s4 =	simm.s32 $0x8;
	[sflag:s22] =	ssyncadd.s32 $0xFFFFF800  }
0x278: {  	_ =	swait.ge [sflag:s4], $0x400  }
0x279: {  	s3 =	sadd.s32 $0x50, s2;
	[sflag:s4] =	ssyncset.done $0x0  }
0x27a: {  	s22 =	sadd.s32 s7, s3;
	[sflag:s4] =	ssyncadd.s32 $0xFFFFFC00;
	s4 =	simm.s32 $0x2100  }
0x27b: {  	[tilespmem:s4], [sflag:$0x11] =	stream.linear.gather [hbm4b:s22+s5], $0x80, $0x38;
	[tilespmem:$0xC000] =	vst v63  }
0x27c: {  	_ =	swait.ge [sflag:s30], $0x80  }
0x27d: {  	[sflag:s30] =	ssyncset.done $0x0  }
0x27e: {  	s3 =	sadd.s32 s8, s3;
	[sflag:s30] =	ssyncadd.s32 $0xFFFFFF80  }
0x27f: {  	[tilespmem:s11], [sflag:$0x11] =	stream.linear.gather [hbm4b:s3+s5], $0x80, $0x38;
	[tilespmem:$0xC000] =	vst v63  }
0x280: {  	_ =	swait.ge [sflag:s30], $0x80  }
0x281: {  	[sflag:s30] =	ssyncset.done $0x0  }
0x282: {  	[sflag:s30] =	ssyncadd.s32 $0xFFFFFF80  }
0x283: {  	[tilespmem:s12], [sflag:$0x5] =	stream.indirect.gather [hbm4b:s6+s31], $0x20, s4, s31, $0xb8;
	[tilespmem:$0xC000] =	vst v63  }
0x284: {  	s4 =	simm.s32 $0xB  }
0x285: {  	[tilespmem:s13], [sflag:$0x6] =	stream.indirect.gather [hbm4b:s23+s31], $0x8, s11, s31, $0xb8;
	[tilespmem:$0xC000] =	vst v63  }
0x286: {  	_ =	swait.ge [sflag:s4], $0x800  }
0x287: {  	[sflag:s4] =	ssyncset.done $0x0  }
0x288: {  	s22 =	simm.s32 $0xC;
	[sflag:s4] =	ssyncadd.s32 $0xFFFFF800  }
0x289: {  	_ =	swait.ge [sflag:s22], $0x400  }
0x28a: {  	s3 =	sadd.s32 $0x60, s2;
	[sflag:s22] =	ssyncset.done $0x0  }
0x28b: {  	s4 =	simm.s32 $0x4200;
	[sflag:s22] =	ssyncadd.s32 $0xFFFFFC00;
	s22 =	sadd.s32 s7, s3  }
0x28c: {  	[tilespmem:s4], [sflag:$0x11] =	stream.linear.gather [hbm4b:s22+s5], $0x80, $0x38;
	[tilespmem:$0xC000] =	vst v63  }
0x28d: {  	_ =	swait.ge [sflag:s30], $0x80  }
0x28e: {  	[sflag:s30] =	ssyncset.done $0x0  }
0x28f: {  	s3 =	sadd.s32 s8, s3;
	[sflag:s30] =	ssyncadd.s32 $0xFFFFFF80  }
0x290: {  	[tilespmem:s15], [sflag:$0x11] =	stream.linear.gather [hbm4b:s3+s5], $0x80, $0x38;
	[tilespmem:$0xC000] =	vst v63  }
0x291: {  	_ =	swait.ge [sflag:s30], $0x80  }
0x292: {  	[sflag:s30] =	ssyncset.done $0x0  }
0x293: {  	[sflag:s30] =	ssyncadd.s32 $0xFFFFFF80  }
0x294: {  	[tilespmem:s16], [sflag:$0x9] =	stream.indirect.gather [hbm4b:s6+s31], $0x20, s4, s31, $0xb8;
	[tilespmem:$0xC000] =	vst v63  }
0x295: {  	s4 =	simm.s32 $0xF  }
0x296: {  	[tilespmem:s17], [sflag:$0xA] =	stream.indirect.gather [hbm4b:s23+s31], $0x8, s15, s31, $0xb8;
	[tilespmem:$0xC000] =	vst v63  }
0x297: {  	_ =	swait.ge [sflag:s4], $0x800  }
0x298: {  	[sflag:s4] =	ssyncset.done $0x0  }
0x299: {  	s22 =	simm.s32 $0x10;
	[sflag:s4] =	ssyncadd.s32 $0xFFFFF800  }
0x29a: {  	_ =	swait.ge [sflag:s22], $0x400  }
0x29b: {  	s2 =	sadd.s32 $0x70, s2;
	[sflag:s22] =	ssyncset.done $0x0  }
0x29c: {  	s4 =	sadd.s32 s7, s2;
	[sflag:s22] =	ssyncadd.s32 $0xFFFFFC00;
	s22 =	simm.s32 $0x6300  }
0x29d: {  	[tilespmem:s22], [sflag:$0x11] =	stream.linear.gather [hbm4b:s4+s5], $0x80, $0x38;
	[tilespmem:$0xC000] =	vst v63  }
0x29e: {  	_ =	swait.ge [sflag:s30], $0x80  }
0x29f: {  	[sflag:s30] =	ssyncset.done $0x0  }
0x2a0: {  	s2 =	sadd.s32 s8, s2;
	[sflag:s30] =	ssyncadd.s32 $0xFFFFFF80  }
0x2a1: {  	[tilespmem:s19], [sflag:$0x11] =	stream.linear.gather [hbm4b:s2+s5], $0x80, $0x38;
	[tilespmem:$0xC000] =	vst v63  }
0x2a2: {  	_ =	swait.ge [sflag:s30], $0x80  }
.Ltmp19:
0x2a3: {  	[sflag:s30] =	ssyncset.done $0x0;
	(pc) =	sbr.rel .LBB2_18-.Ltmp19, $4  }
0x2a4: {  	[sflag:s30] =	ssyncadd.s32 $0xFFFFFF80  }
0x2a5: {  	[tilespmem:s20], [sflag:$0xD] =	stream.indirect.gather [hbm4b:s6+s31], $0x20, s22, s31, $0xb8;
	[tilespmem:$0xC000] =	vst v63  }
0x2a6: {  	s10 =	sadd.s32 $0x1, s10  }
0x2a7: {  	[tilespmem:s21], [sflag:$0xE] =	stream.indirect.gather [hbm4b:s23+s31], $0x8, s19, s31, $0xb8;
	[tilespmem:$0xC000] =	vst v63  }
.LBB2_6:
.Ltmp20:
0x2a8: {  	(pc) =	sbr.rel .LBB2_11-.Ltmp20, $2  }
0x2a9: {  	_ =	sdelay $0x2  }
0x2aa: {  	p2 =	por $0x0, $0x0  }
.LBB2_12:
.Ltmp21:
0x2ab: {  	(pc) =	sbr.rel .LBB2_17-.Ltmp21, $2  }
0x2ac: {  	_ =	sdelay $0x2  }
0x2ad: {  	_ = 	snop  }
.LBB2_8:
.Ltmp22:
0x2ae: {  	(pc) =	sbr.rel .LBB2_11-.Ltmp22, $2  }
0x2af: {  	_ =	sdelay $0x2  }
0x2b0: {  	v11 =	vmov v4;
	v4 =	vmov v10;
	v7 =	vmov v9  }
.LBB2_14:
.Ltmp23:
0x2b1: {  	(pc) =	sbr.rel .LBB2_17-.Ltmp23, $2  }
0x2b2: {  	_ =	sdelay $0x2  }
0x2b3: {  	v12 =	vmov v4;
	v4 =	vmov v11;
	v10 =	vmov v8  }
.LBB2_37:
0x2b4: {  	_ =	sfence.sel $0x180000  }
0x2b5: {  	[bflag:$0x0] =	sbarrier.arrive $0xFFFF  }
0x2b6: {  	_ =	strace $0x9000004A  }
0x2b7: {  	s0 =	stileid.u32;
	[bflag:$0x2] =	sbarrier.arrive $0xFFFF  }
0x2b8: {  	p0 =	sne.s32 s0, $0x0;
	s0 =	rddreg [dreg:$0x4]  }
0x2b9: {  	s0 =	sadd.s32 @!p0 $0x100000, s0  }
0x2ba: {  	[sflag:s0] =	ssyncadd.tile.s32 @!p0 $0x1;
	_ =	shalt  }
.Lfunc_end2:
_tile_overlayer_lowered:
.L_overlay_start_2:
0x2bb: {  	(tag) =	ssettag $0x2  }
0x2bc: {  	s0 =	rddreg [dreg:$0x0];
	s2 =	stileid.u32  }
0x2bd: {  	s1 =	rddreg [dreg:$0x1];
	p0 =	sne.s32 s2, $0x0  }
0x2be: {  	s3 =	rddreg [dreg:$0x2];
	[bflag:$0x3] =	sbarrier.arrive $0xFFFF;
	s2 =	simm.s32 @!p0 $0x1C11  }
0x2bf: {  	[timem:s3], [sflag:s2] =	dma.local @!p0 [hbm:s0], s1  }
0x2c0: {  	s0 =	simm.s32 @!p0 $0x11  }
0x2c1: {  	_ =	swait.ge @!p0 [sflag:s0], s1  }
0x2c2: {  	s1 =	ssub.s32 @!p0 $0x0, s1;
	[sflag:s0] =	ssyncset.done @!p0 $0x0  }
0x2c3: {  	[sflag:s0] =	ssyncadd.s32 @!p0 s1  }
0x2c4: {  	[bflag:$0x3] =	sbarrier.arrive $0xFFFF  }
0x2c5: {  	_ =	shalt  }

// kernel: kernel.7.cloned.1.call-start
scs
__scs_entry_jumppad:
0x0: {  	(pc) =	sbr.rel $0x88, $3  }
0x1: {  	(tag) =	ssettag $0x0;
	lr =	simm.s32 $0x1  }
0x2: {  	[smem:$0x3F97] =	sst lr;
	_ =	strace $0xD0000000  }
0x3: {  	_ = 	snop  }
0x4: {  	_ = 	snop  }
0x5: {  	_ = 	snop  }
0x6: {  	_ = 	snop  }
0x7: {  	_ = 	snop  }
__scs_overlays_trampoline_lowered:
0x8: {  	[smem:$0x3FA6] =	sst s0  }
0x9: {  	[smem:$0x3FA7] =	sst s1  }
0xa: {  	[smem:$0x3FA8] =	sst s2  }
0xb: {  	[smem:$0x3FA9] =	sst s3  }
0xc: {  	[smem:$0x3FAA] =	sst s4  }
0xd: {  	[smem:$0x3FAB] =	sst s5  }
0xe: {  	[smem:$0x3FAC] =	sst s6  }
0xf: {  	[smem:$0x3FAD] =	sst s7  }
0x10: {  	[smem:$0x3FAE] =	sst s8  }
0x11: {  	[smem:$0x3FAF] =	sst s9;
	s0 =	simm.s32 @!p0 $0x0  }
0x12: {  	s1 =	sld [smem:$0x3F95];
	s0 =	simm.s32 @p0 $0x1  }
0x13: {  	[smem:$0x3FB0] =	sst s0;
	s0 =	simm.s32 @!p1 $0x0  }
0x14: {  	s2 =	sld [smem:$0x3F94];
	s0 =	simm.s32 @p1 $0x1  }
0x15: {  	[smem:$0x3FB1] =	sst s0;
	s0 =	simm.s32 @!p2 $0x0  }
0x16: {  	s3 =	sld [smem:$0x3FDB];
	s0 =	simm.s32 @p2 $0x1  }
0x17: {  	s4 =	simm.s32 $0x1BF5;
	[smem:$0x3FB3] =	sst s0  }
0x18: {  	s0 =	sld [smem:$0x3F96];
	_ =	swait.ge [sflag:s4], $0x0  }
0x19: {  	s7 =	sld [smem:$0x3F97]  }
0x1a: {  	s8 =	sadd.s32 $0xFFFFE003, lr  }
0x1b: {  	s9 =	sadd.s32 $0xFFFFFEF7, lr;
	s5 =	simm.s32 $0xFFFFFFFF;
	p2 =	slt.u32 s8, $0xFFFFF086  }
0x1c: {  	p1 =	slt.u32 s9, $0xF7A;
	s5 =	simm.s32 @!p2 $0x0  }
0x1d: {  	s5 =	simm.s32 @p1 $0x1;
	p0 =	seq.s32 s7, s2  }
0x1e: {  	s7 =	smul.u32 @!p0 $0xF7A, s2;
	p2 =	seq.s32 @!p0 s5, $0x0  }
0x1f: {  	s9 =	smul.u32 $0xF7A, s1;
	s8 =	simm.s32 @!p0 $0x1BF5;
	p2 =	por !p2, p0  }
0x20: {  	[sflag:s8] =	ssyncset.s32 @!p0 $0xFFFFF086;
	s6 =	sadd.s32 @!p0 s3, s7;
	s7 =	simm.s32 @!p0 $0x108  }
0x21: {  	s3 =	sadd.s32 s3, s9;
	s6 =	sadd.s32 @!p0 $0x88, s6;
	s7 =	simm.s32 @p2 $0x1082  }
0x22: {  	[simem:s7], [sflag:s8] =	dma.local @!p0 [hbm:s6], $0xF7A  }
0x23: {  	s9 =	sor.u32 $0xD0000000, s2;
	s6 =	simm.s32 $0x108;
	_ =	swait.ge @!p0 [sflag:s8], $0x0  }
0x24: {  	s3 =	sadd.s32 $0x88, s3;
	s6 =	simm.s32 @!p1 $0x1082;
	[sflag:s4] =	ssyncset.s32 $0xFFFFF086  }
0x25: {  	[simem:s6], [sflag:s4] =	dma.local [hbm:s3], $0xF7A  }
0x26: {  	[smem:$0x3F97] =	sst s1;
	(tag) =	ssettag s2;
	_ =	strace s9  }
0x27: {  	s1 =	sld [smem:$0x3FA7]  }
0x28: {  	s2 =	sld [smem:$0x3FA8]  }
0x29: {  	s4 =	sld [smem:$0x3FAA]  }
0x2a: {  	p0 =	seq.s32 s5, $0x0;
	s5 =	sld [smem:$0x3FAB]  }
0x2b: {  	s6 =	sld [smem:$0x3FAC]  }
0x2c: {  	s7 =	sld [smem:$0x3FAD]  }
0x2d: {  	s3 =	simm.s32 $0x108;
	s8 =	sld [smem:$0x3FAE]  }
0x2e: {  	s3 =	simm.s32 @!p0 $0x1082;
	s9 =	sld [smem:$0x3FAF]  }
0x2f: {  	lr =	sadd.s32 s0, s3;
	s0 =	sld [smem:$0x3FA6]  }
0x30: {  	s3 =	sld [smem:$0x3FA9]  }
0x31: {  	[smem:$0x3FB2] =	sst s10  }
0x32: {  	s10 =	sld [smem:$0x3FB0];
	_ =	sdelay $0x3  }
0x33: {  	p0 =	seq.s32 s10, $0x1;
	s10 =	sld [smem:$0x3FB2];
	_ =	sdelay $0x3  }
0x34: {  	[smem:$0x3FB2] =	sst s10  }
0x35: {  	s10 =	sld [smem:$0x3FB1];
	_ =	sdelay $0x3  }
0x36: {  	p1 =	seq.s32 s10, $0x1;
	s10 =	sld [smem:$0x3FB2];
	_ =	sdelay $0x3  }
0x37: {  	[smem:$0x3FB2] =	sst s10  }
0x38: {  	s10 =	sld [smem:$0x3FB3]  }
0x39: {  	_ = 	snop;
	(pc) =	sbr.ind lr, $3  }
0x3a: {  	_ = 	snop  }
0x3b: {  	_ = 	snop  }
0x3c: {  	p2 =	seq.s32 s10, $0x1;
	s10 =	sld [smem:$0x3FB2]  }
0x3d: {  	_ =	shalt  }
0x3e: {  	_ =	shalt  }
0x3f: {  	_ =	shalt  }
0x40: {  	_ =	shalt  }
0x41: {  	_ =	shalt  }
0x42: {  	_ =	shalt  }
0x43: {  	_ =	shalt  }
0x44: {  	_ =	shalt  }
0x45: {  	_ =	shalt  }
0x46: {  	_ =	shalt  }
0x47: {  	_ =	shalt  }
0x48: {  	_ =	shalt  }
0x49: {  	_ =	shalt  }
0x4a: {  	_ =	shalt  }
0x4b: {  	_ =	shalt  }
0x4c: {  	_ =	shalt  }
0x4d: {  	_ =	shalt  }
0x4e: {  	_ =	shalt  }
0x4f: {  	_ =	shalt  }
0x50: {  	_ =	shalt  }
0x51: {  	_ =	shalt  }
0x52: {  	_ =	shalt  }
0x53: {  	_ =	shalt  }
0x54: {  	_ =	shalt  }
0x55: {  	_ =	shalt  }
0x56: {  	_ =	shalt  }
0x57: {  	_ =	shalt  }
0x58: {  	_ =	shalt  }
0x59: {  	_ =	shalt  }
0x5a: {  	_ =	shalt  }
0x5b: {  	_ =	shalt  }
0x5c: {  	_ =	shalt  }
0x5d: {  	_ =	shalt  }
0x5e: {  	_ =	shalt  }
0x5f: {  	_ =	shalt  }
0x60: {  	_ =	shalt  }
0x61: {  	_ =	shalt  }
0x62: {  	_ =	shalt  }
0x63: {  	_ =	shalt  }
0x64: {  	_ =	shalt  }
0x65: {  	_ =	shalt  }
0x66: {  	_ =	shalt  }
0x67: {  	_ =	shalt  }
0x68: {  	_ =	shalt  }
0x69: {  	_ =	shalt  }
0x6a: {  	_ =	shalt  }
0x6b: {  	_ =	shalt  }
0x6c: {  	_ =	shalt  }
0x6d: {  	_ =	shalt  }
0x6e: {  	_ =	shalt  }
0x6f: {  	_ =	shalt  }
0x70: {  	_ =	shalt  }
0x71: {  	_ =	shalt  }
0x72: {  	_ =	shalt  }
0x73: {  	_ =	shalt  }
0x74: {  	_ =	shalt  }
0x75: {  	_ =	shalt  }
0x76: {  	_ =	shalt  }
0x77: {  	_ =	shalt  }
0x78: {  	_ =	shalt  }
0x79: {  	_ =	shalt  }
0x7a: {  	_ =	shalt  }
0x7b: {  	_ =	shalt  }
0x7c: {  	_ =	shalt  }
0x7d: {  	_ =	shalt  }
0x7e: {  	_ =	shalt  }
0x7f: {  	_ =	shalt  }
0x80: {  	_ =	shalt  }
0x81: {  	_ =	shalt  }
0x82: {  	_ =	shalt  }
0x83: {  	_ =	shalt  }
0x84: {  	_ =	shalt  }
0x85: {  	_ =	shalt  }
0x86: {  	_ =	shalt  }
0x87: {  	_ =	shalt  }
.Lfunc_end0:
.L_simem_size_0:
called_computation_lowered:
.L_overlay_start_0:
0x88: {  	s2 =	sld [smem:$0x3FD9]  }
0x89: {  	s3 =	sld [smem:$0x3FFE];
	_ =	sdelay $0x1  }
0x8a: {  	s1 =	srdreg.scid  }
0x8b: {  	s0 =	sand.u32 $0x1, s1  }
0x8c: {  	s17 =	sshll.u32 s0, $0xA;
	s2 =	sadd.s32 s3, s2  }
0x8d: {  	s2 =	sadd.s32 s2, s17  }
0x8e: {  	[smem:$0x3FBE] =	sst s2  }
0x8f: {  	_ = 	snop  }
0x90: {  	s2 =	sld [smem:$0x3FD0];
	(tm) =	ssettm $0x1  }
0x91: {  	s18 =	sld [smem:$0x3FFB];
	_ =	sdelay $0x3  }
0x92: {  	_ =	strace s18  }
0x93: {  	s3 =	sld [smem:$0x3FFC];
	_ =	sdelay $0x3  }
0x94: {  	_ =	strace s3  }
0x95: {  	s3 =	sld [smem:$0x3FFD];
	_ =	sdelay $0x3  }
0x96: {  	_ =	strace s3  }
0x97: {  	_ =	strace $0x8FFFFFFF  }
0x98: {  	s19 =	sld [smem:$0x3FDB];
	_ =	sdelay $0x1  }
0x99: {  	s4 =	simm.s32 $_scs_section_size  }
0x9a: {  	s5 =	simm.s32 $_size__tile_overlayer_lowered;
	s6 =	simm.s32 $_tile_overlayer_lowered  }
0x9b: {  	s22 =	simm.s32 $0x1BFF;
	s21 =	sshll.u32 s6, $0x1;
	s3 =	sadd.s32 s4, s19  }
0x9c: {  	s7 =	simm.s32 $0x0;
	s20 =	sshll.u32 s5, $0x1;
	s5 =	sadd.s32 s21, s3  }
0x9d: {  	[timem:s7], [sflag:s22] =	dma.local [hbm:s5], s20  }
0x9e: {  	_ =	swait.ge [sflag:s22], s20  }
0x9f: {  	s4 =	ssub.s32 $0x0, s20;
	[sflag:s22] =	ssyncset.done $0x0  }
0xa0: {  	[sflag:s22] =	ssyncadd.s32 s4;
	_ =	sdelay $0x1  }
0xa1: {  	s23 =	simm.s32 $0x1B8B  }
0xa2: {  	_ =	swait.ge [sflag:s23], $0x1  }
0xa3: {  	[sflag:s23] =	ssyncset.done $0x0  }
0xa4: {  	s25 =	simm.s32 $0x1B8E;
	s24 =	sld [smem:$0x3FFE];
	[sflag:s23] =	ssyncadd.s32 $0xFFFFFFFF  }
0xa5: {  	s26 =	simm.s32 $execute0_lowered;
	[smem:$0x3FD2] =	sst s25  }
0xa6: {  	s5 =	sshll.u32 s26, $0x1;
	_ =	strace $0x80000046;
	[dreg:$0x1] =	wrdreg $0xFFFFFFFF  }
0xa7: {  	s28 =	simm.s32 $_size_execute0_lowered;
	s3 =	sadd.s32 s3, s5;
	[dreg:$0x0] =	wrdreg $0x0  }
0xa8: {  	s5 =	sshll.u32 s28, $0x1;
	[dreg:$0x2] =	wrdreg s3  }
0xa9: {  	[dreg:$0x3] =	wrdreg s5  }
0xaa: {  	[dreg:$0x4] =	wrdreg $0xC0  }
0xab: {  	_ =	task [dreg:s7], $0x5FFFF  }
0xac: {  	[dreg:$0x1] =	wrdreg $0xFFFFFFFF  }
0xad: {  	[dreg:$0x0] =	wrdreg $0x60  }
0xae: {  	[dreg:$0x2] =	wrdreg s24  }
0xaf: {  	[dreg:$0x3] =	wrdreg s2  }
0xb0: {  	[dreg:$0x4] =	wrdreg $0x134000  }
0xb1: {  	[dreg:$0x5] =	wrdreg $0x1D4000  }
0xb2: {  	[dreg:$0x6] =	wrdreg $0x9  }
0xb3: {  	_ =	task.clear_ibuf [dreg:s7], $0x7FFFF;
	_ =	strace $0x90000046  }
0xb4: {  	s29 =	simm.s32 $0x9;
	_ =	strace $0x80000048  }
0xb5: {  	_ =	swait.ge [sflag:s29], $0x1  }
0xb6: {  	[sflag:s29] =	ssyncadd.s32 $0xFFFFFFFF  }
0xb7: {  	_ =	strace $0x90000048  }
0xb8: {  	_ =	sfence  }
0xb9: {  	s30 =	sld [smem:$0x0];
	_ =	sdelay $0x2  }
0xba: {  	s31 =	sshll.u32 s1, $0xD;
	s1 =	sshrl.u32 s1, $0x2  }
0xbb: {  	s3 =	sand.u32 $0x4000, s31;
	s1 =	sadd.s32 s1, s30  }
0xbc: {  	s0 =	sor.u32 s3, s0;
	s1 =	sshll.u32 s1, $0x11  }
0xbd: {  	s0 =	sor.u32 s1, s0  }
0xbe: {  	s0 =	sadd.s32 $0x8F2B, s0  }
0xbf: {  	[sflag:s0] =	ssyncadd.remote.s32 $0x1  }
0xc0: {  	_ =	sfence.sel $0xFFFF  }
0xc1: {  	[dreg:$0x0] =	wrdreg $0xFFFFFFFF;
	(pc) =	sbr.abs _section_cstart, $3  }
0xc2: {  	[dreg:$0x1] =	wrdreg $0xFFFFFFFF  }
0xc3: {  	_ =	task.clear_ibuf [dreg:s7], $0x2FFFF;
	_ =	strace $0x9FFFFFFF  }
0xc4: {  	(tm) =	ssettm $0x7FFFFFFF  }
0xc5: {  	_ =	shalt  }
tec
execute0_lowered:
.L_overlay_start_1:
0x0: {  	(tag) =	ssettag $0x1  }
0x1: {  	s0 =	rddreg [dreg:$0x0]  }
0x2: {  	s3 =	rddreg [dreg:$0x2]  }
0x3: {  	s4 =	rddreg [dreg:$0x3]  }
0x4: {  	s5 =	simm.s32 $0x0;
	s1 =	stileid.u32;
	s2 =	srdreg.scid  }
0x5: {  	s28 =	simm.s32 $0x11;
	s29 =	simm.s32 $0x80;
	s30 =	simm.s32 $0x100  }
0x6: {  	s31 =	simm.s32 $0x2500;
	[smem:$0x7FF] =	sst s5;
	s9 =	smul.u32 $0xA000, s1  }
0x7: {  	s2 =	sand.u32 $0x1, s2;
	s6 =	sadd.s32 $0x2A000, s0;
	s7 =	sadd.s32 $0x4A800, s0  }
0x8: {  	s11 =	smul.u32 $0x1400, s1;
	s8 =	sadd.s32 $0x40800, s0;
	s16 =	sshll.u32 s1, $0x1  }
0x9: {  	s1 =	sshll.u32 s1, $0x6;
	_ =	strace $0x80000047;
	s10 =	smul.u32 $0xA0000, s2  }
0xa: {  	s14 =	smul.u32 $0x14000, s2;
	s15 =	ssub.s32 $0x2, s2;
	s2 =	sor.u32 s2, s16  }
0xb: {  	[dreg:$0x8] =	wrdreg s1;
	s1 =	sor.u32 $0x1C11, s1;
	s12 =	sshrl.u32 s9, $0x3  }
0xc: {  	s13 =	sshrl.u32 s11, $0x3;
	s17 =	sshrl.u32 s15, $0x1;
	s26 =	smul.u32 $0x500, s2  }
0xd: {  	s3 =	sadd.s32 s9, s3;
	[dreg:$0x9] =	wrdreg s1;
	s2 =	smov.u32 s4  }
0xe: {  	s10 =	sadd.s32 s9, s10;
	s12 =	sadd.s32 s12, s0;
	s13 =	sadd.s32 s13, s0  }
0xf: {  	s14 =	sadd.s32 s11, s14;
	s25 =	ssub.s32 s15, s17;
	[dreg:$0x6] =	wrdreg s3  }
0x10: {  	s11 =	sadd.s32 s11, s4;
	s15 =	simm.s32 $0x9A80;
	s4 =	simm.s32 $0x0  }
0x11: {  	s10 =	sshrl.u32 s10, $0x3;
	s14 =	sshrl.u32 s14, $0x3;
	s9 =	sadd.s32 $0x57000, s12  }
0x12: {  	[dreg:$0xa] =	wrdreg s11;
	s12 =	sor.u32 $0x10, s26;
	s16 =	sadd.s32 $0x54800, s13  }
0x13: {  	s17 =	sadd.s32 s7, s26;
	s19 =	sor.u32 $0x20, s26;
	s20 =	sor.u32 $0x30, s26  }
0x14: {  	s25 =	smax.u32 s25, $0x1;
	[dreg:$0x5] =	wrdreg s26;
	s26 =	sadd.s32 s8, s26  }
0x15: {  	s11 =	simm.s32 $0x7200;
	s13 =	simm.s32 $0x7600;
	[dreg:$0x7] =	wrdreg s9  }
0x16: {  	s10 =	sadd.s32 s10, s0;
	s0 =	sadd.s32 s14, s0;
	[dreg:$0xb] =	wrdreg s16  }
0x17: {  	[dreg:$0xc] =	wrdreg s17;
	s18 =	sadd.s32 s7, s12;
	s1 =	sadd.s32 s8, s12  }
0x18: {  	s21 =	sadd.s32 s7, s19;
	s22 =	sadd.s32 s7, s20;
	[dreg:$0x15] =	wrdreg s25  }
0x19: {  	s23 =	sadd.s32 s8, s20;
	[dreg:$0x16] =	wrdreg s26;
	s16 =	simm.s32 $0x9B00  }
0x1a: {  	s17 =	simm.s32 $0xBF00;
	s20 =	simm.s32 $0xE800;
	[dreg:$0xd] =	wrdreg s18  }
0x1b: {  	s25 =	simm.s32 $0x2D00;
	s12 =	simm.s32 $0x7A00;
	[dreg:$0xe] =	wrdreg s1  }
0x1c: {  	s14 =	simm.s32 $0xC300;
	s26 =	simm.s32 $0x11400;
	[dreg:$0xf] =	wrdreg s21  }
.Ltmp0:
0x1d: {  	s1 =	sadd.s32 s8, s19;
	[dreg:$0x11] =	wrdreg s22;
	(pc) =	sbr.rel .LBB2_1-.Ltmp0, $4  }
0x1e: {  	v0 =	vlaneseq.u32;
	[dreg:$0x12] =	wrdreg s23;
	s24 =	sadd.s32 $0x70000, s10;
	s0 =	sadd.s32 $0x6B000, s0  }
0x1f: {  	v1 =	vand.u32 $0x7, v0;
	v2 =	vshrl.u32 v0, $0x3;
	v4 =	vor.u32 $0x10, v0;
	s10 =	simm.s32 $0x4E00;
	s19 =	simm.s32 $0xE780;
	[dreg:$0x10] =	wrdreg s1  }
0x20: {  	v6 =	vor.u32 $0x20, v0;
	v8 =	vor.u32 $0x30, v0;
	v3 =	vor.u32 $0x40, v1;
	s21 =	simm.s32 $0x10C00;
	s18 =	simm.s32 $0xC700;
	[dreg:$0x13] =	wrdreg s24  }
0x21: {  	v5 =	vor.u32 $0x2, v2;
	v7 =	vor.u32 $0x4, v2;
	v9 =	vor.u32 $0x6, v2;
	[dreg:$0x14] =	wrdreg s0;
	s24 =	simm.s32 $0x2900;
	s0 =	simm.s32 $0x11000  }
.LBB2_44:
0x22: {  	s1 =	simm.s32 $0x7  }
0x23: {  	_ =	swait.ge [sflag:s1], $0x2000  }
0x24: {  	[sflag:s1] =	ssyncset.done $0x0  }
0x25: {  	s23 =	simm.s32 $0x8;
	[sflag:s1] =	ssyncadd.s32 $0xFFFFE000  }
0x26: {  	_ =	swait.ge [sflag:s23], $0x400  }
0x27: {  	[sflag:s23] =	ssyncset.done $0x0  }
0x28: {  	s3 =	simm.s32 $0xB;
	[sflag:s23] =	ssyncadd.s32 $0xFFFFFC00  }
0x29: {  	_ =	swait.ge [sflag:s3], $0x2000  }
0x2a: {  	[sflag:s3] =	ssyncset.done $0x0  }
0x2b: {  	s4 =	simm.s32 $0xC;
	[sflag:s3] =	ssyncadd.s32 $0xFFFFE000  }
0x2c: {  	_ =	swait.ge [sflag:s4], $0x400  }
0x2d: {  	[sflag:s4] =	ssyncset.done $0x0  }
0x2e: {  	s9 =	simm.s32 $0xF;
	[sflag:s4] =	ssyncadd.s32 $0xFFFFFC00  }
0x2f: {  	_ =	swait.ge [sflag:s9], $0x2000  }
0x30: {  	[sflag:s9] =	ssyncset.done $0x0  }
0x31: {  	s22 =	simm.s32 $0x10;
	[sflag:s9] =	ssyncadd.s32 $0xFFFFE000  }
0x32: {  	_ =	swait.ge [sflag:s22], $0x400  }
0x33: {  	[sflag:s22] =	ssyncset.done $0x0  }
0x34: {  	[sflag:s22] =	ssyncadd.s32 $0xFFFFFC00  }
0x35: {  	[bflag:$0x0] =	sbarrier.arrive $0xFFFF  }
0x36: {  	s3 =	rddreg [dreg:$0x8]  }
0x37: {  	s4 =	rddreg [dreg:$0x13]  }
0x38: {  	s9 =	rddreg [dreg:$0x18];
	s23 =	sor.u32 $0x1C01, s3  }
0x39: {  	[hbm:s4], [sflag:s23] =	dma.local [spmem:s9], $0x1400  }
0x3a: {  	s23 =	rddreg [dreg:$0x14]  }
0x3b: {  	s22 =	sor.u32 $0x1C02, s3;
	s4 =	rddreg [dreg:$0x19]  }
0x3c: {  	[hbm:s23], [sflag:s22] =	dma.local [spmem:s4], $0x280  }
0x3d: {  	s4 =	simm.s32 $0x1  }
0x3e: {  	_ =	swait.ge [sflag:s4], $0x1400  }
0x3f: {  	[sflag:s4] =	ssyncset.done $0x0  }
0x40: {  	s9 =	simm.s32 $0x2;
	[sflag:s4] =	ssyncadd.s32 $0xFFFFEC00  }
0x41: {  	_ =	swait.ge [sflag:s9], $0x280  }
0x42: {  	s22 =	rddreg [dreg:$0x17]  }
0x43: {  	s23 =	rddreg [dreg:$0x15];
	s4 =	sadd.s32 $0x1, s22  }
0x44: {  	p0 =	sne.s32 s4, s23  }
.Ltmp1:
0x45: {  	_ = 	snop;
	(pc) =	sbr.rel @!p0 .LBB2_45-.Ltmp1, $3  }
0x46: {  	_ =	sdelay $0x1  }
0x47: {  	[sflag:s9] =	ssyncset.done $0x0  }
0x48: {  	[sflag:s9] =	ssyncadd.s32 $0xFFFFFD80  }
.LBB2_1:
0x49: {  	[dreg:$0x17] =	wrdreg s4  }
0x4a: {  	s1 =	rddreg [dreg:$0x6]  }
0x4b: {  	s23 =	rddreg [dreg:$0x7]  }
0x4c: {  	s3 =	rddreg [dreg:$0x9];
	s22 =	sshrl.u32 s1, $0x3  }
0x4d: {  	[dreg:$0x18] =	wrdreg s22  }
0x4e: {  	[spmem:s22], [sflag:s3] =	dma.local [hbm:s23], $0x1400  }
0x4f: {  	_ =	swait.ge [sflag:s28], $0x1400  }
0x50: {  	s9 =	rddreg [dreg:$0xa]  }
0x51: {  	[sflag:s28] =	ssyncset.done $0x0;
	s23 =	rddreg [dreg:$0xb];
	s22 =	sshrl.u32 s9, $0x3  }
0x52: {  	[sflag:s28] =	ssyncadd.s32 $0xFFFFEC00;
	[dreg:$0x19] =	wrdreg s22  }
0x53: {  	[spmem:s22], [sflag:s3] =	dma.local [hbm:s23], $0x280  }
0x54: {  	_ =	swait.ge [sflag:s28], $0x280  }
0x55: {  	[sflag:s28] =	ssyncset.done $0x0  }
0x56: {  	[sflag:s28] =	ssyncadd.s32 $0xFFFFFD80  }
0x57: {  	[bflag:$0x0] =	sbarrier.arrive $0xFFFF  }
0x58: {  	s3 =	rddreg [dreg:$0xc]  }
0x59: {  	[tilespmem:s5], [sflag:$0x11] =	stream.linear.gather [hbm4b:s3+s5], $0x80, $0x38;
	[tilespmem:$0x1E800] =	vst v63  }
0x5a: {  	_ =	swait.ge [sflag:s28], $0x80  }
0x5b: {  	[sflag:s28] =	ssyncset.done $0x0  }
0x5c: {  	s4 =	rddreg [dreg:$0x16];
	[sflag:s28] =	ssyncadd.s32 $0xFFFFFF80  }
0x5d: {  	[tilespmem:s29], [sflag:$0x11] =	stream.linear.gather [hbm4b:s4+s5], $0x80, $0x38;
	[tilespmem:$0x1E800] =	vst v63  }
0x5e: {  	_ =	swait.ge [sflag:s28], $0x80  }
0x5f: {  	[sflag:s28] =	ssyncset.done $0x0  }
0x60: {  	[sflag:s28] =	ssyncadd.s32 $0xFFFFFF80  }
0x61: {  	[tilespmem:s30], [sflag:$0x1] =	stream.indirect.gather [hbm4b:s6+s29], $0x48, s5, s29, $0xb8;
	[tilespmem:$0x1E800] =	vst v63  }
0x62: {  	s1 =	rddreg [dreg:$0x1]  }
0x63: {  	[tilespmem:s31], [sflag:$0x2] =	stream.indirect.gather [hbm4b:s1+s29], $0x8, s29, s29, $0xb8;
	[tilespmem:$0x1E800] =	vst v63  }
0x64: {  	s22 =	simm.s32 $0x4D00;
	s9 =	rddreg [dreg:$0xd]  }
0x65: {  	[tilespmem:s22], [sflag:$0x11] =	stream.linear.gather [hbm4b:s9+s5], $0x80, $0x38;
	[tilespmem:$0x1E800] =	vst v63  }
0x66: {  	_ =	swait.ge [sflag:s28], $0x80  }
0x67: {  	[sflag:s28] =	ssyncset.done $0x0  }
0x68: {  	s9 =	simm.s32 $0x4D80;
	s23 =	rddreg [dreg:$0xe];
	[sflag:s28] =	ssyncadd.s32 $0xFFFFFF80  }
0x69: {  	[tilespmem:s9], [sflag:$0x11] =	stream.linear.gather [hbm4b:s23+s5], $0x80, $0x38;
	[tilespmem:$0x1E800] =	vst v63  }
0x6a: {  	_ =	swait.ge [sflag:s28], $0x80  }
0x6b: {  	[sflag:s28] =	ssyncset.done $0x0  }
0x6c: {  	[sflag:s28] =	ssyncadd.s32 $0xFFFFFF80  }
0x6d: {  	[tilespmem:s10], [sflag:$0x5] =	stream.indirect.gather [hbm4b:s6+s29], $0x48, s22, s29, $0xb8;
	[tilespmem:$0x1E800] =	vst v63  }
0x6e: {  	_ = 	snop  }
0x6f: {  	[tilespmem:s11], [sflag:$0x6] =	stream.indirect.gather [hbm4b:s1+s29], $0x8, s9, s29, $0xb8;
	[tilespmem:$0x1E800] =	vst v63  }
0x70: {  	s22 =	simm.s32 $0x9A00;
	s9 =	rddreg [dreg:$0xf]  }
0x71: {  	[tilespmem:s22], [sflag:$0x11] =	stream.linear.gather [hbm4b:s9+s5], $0x80, $0x38;
	[tilespmem:$0x1E800] =	vst v63  }
0x72: {  	_ =	swait.ge [sflag:s28], $0x80  }
0x73: {  	[sflag:s28] =	ssyncset.done $0x0  }
0x74: {  	s23 =	rddreg [dreg:$0x10];
	[sflag:s28] =	ssyncadd.s32 $0xFFFFFF80  }
0x75: {  	[tilespmem:s15], [sflag:$0x11] =	stream.linear.gather [hbm4b:s23+s5], $0x80, $0x38;
	[tilespmem:$0x1E800] =	vst v63  }
0x76: {  	_ =	swait.ge [sflag:s28], $0x80  }
0x77: {  	[sflag:s28] =	ssyncset.done $0x0  }
0x78: {  	[sflag:s28] =	ssyncadd.s32 $0xFFFFFF80  }
0x79: {  	[tilespmem:s16], [sflag:$0x9] =	stream.indirect.gather [hbm4b:s6+s29], $0x48, s22, s29, $0xb8;
	[tilespmem:$0x1E800] =	vst v63  }
0x7a: {  	_ = 	snop  }
0x7b: {  	[tilespmem:s17], [sflag:$0xA] =	stream.indirect.gather [hbm4b:s1+s29], $0x8, s15, s29, $0xb8;
	[tilespmem:$0x1E800] =	vst v63  }
0x7c: {  	s9 =	rddreg [dreg:$0x11];
	s22 =	simm.s32 $0xE700  }
0x7d: {  	[tilespmem:s22], [sflag:$0x11] =	stream.linear.gather [hbm4b:s9+s5], $0x80, $0x38;
	[tilespmem:$0x1E800] =	vst v63  }
0x7e: {  	_ =	swait.ge [sflag:s28], $0x80  }
0x7f: {  	[sflag:s28] =	ssyncset.done $0x0  }
0x80: {  	s23 =	rddreg [dreg:$0x12];
	[sflag:s28] =	ssyncadd.s32 $0xFFFFFF80  }
0x81: {  	[tilespmem:s19], [sflag:$0x11] =	stream.linear.gather [hbm4b:s23+s5], $0x80, $0x38;
	[tilespmem:$0x1E800] =	vst v63  }
0x82: {  	_ =	swait.ge [sflag:s28], $0x80  }
0x83: {  	[sflag:s28] =	ssyncset.done $0x0  }
0x84: {  	[sflag:s28] =	ssyncadd.s32 $0xFFFFFF80  }
0x85: {  	[tilespmem:s20], [sflag:$0xD] =	stream.indirect.gather [hbm4b:s6+s29], $0x48, s22, s29, $0xb8;
	[tilespmem:$0x1E800] =	vst v63  }
0x86: {  	s9 =	simm.s32 $0x0  }
0x87: {  	[tilespmem:s21], [sflag:$0xE] =	stream.indirect.gather [hbm4b:s1+s29], $0x8, s19, s29, $0xb8;
	[tilespmem:$0x1E800] =	vst v63  }
.LBB2_2:
0x88: {  	s22 =	simm.s32 $0x4  }
0x89: {  	s1 =	simm.s32 $0x1;
	v10 =	vor.u32 s22, v2  }
0x8a: {  	_ =	swait.ge [sflag:s1], $0x2400;
	v11 =	vmul.u32 $0x48, v10;
	v10 =	vshll.u32 v10, $0x3  }
0x8b: {  	[sflag:s1] =	ssyncset.done $0x0;
	v19 =	vor.u32 v1, v10  }
0x8c: {  	s3 =	simm.s32 $0x2;
	s23 =	simm.s32 $0x2;
	[sflag:s1] =	ssyncadd.s32 $0xFFFFDC00;
	v10 =	vadd.s32 v3, v11  }
0x8d: {  	v12 =	vor.u32 s23, v2;
	s1 =	simm.s32 $0x0;
	_ =	swait.ge [sflag:s3], $0x400  }
0x8e: {  	v14 =	vmul.u32 $0x48, v12;
	v11 =	vor.u32 s1, v2;
	[sflag:s3] =	ssyncset.done $0x0  }
0x8f: {  	v13 =	vmul.u32 $0x48, v11;
	[sflag:s3] =	ssyncadd.s32 $0xFFFFFC00  }
0x90: {  	s4 =	simm.s32 $0x6;
	v14 =	vadd.s32 v3, v14;
	v15 =	vld.idx.msk [tilespmem:v19+s31+$0x0], $0xffff  }
0x91: {  	v16 =	vor.u32 s4, v2;
	v11 =	vshll.u32 v11, $0x3;
	v13 =	vadd.s32 v3, v13;
	v17 =	vld.idx.msk [tilespmem:v10+s30+$0x0], $0xffff  }
0x92: {  	s23 =	simm.s32 $0xC;
	v18 =	vshll.u32 v12, $0x3;
	v12 =	vor.u32 v1, v11;
	v10 =	vmul.u32 $0x48, v16  }
0x93: {  	v20 =	vor.u32 s23, v2;
	v11 =	vor.u32 v1, v18  }
0x94: {  	s4 =	simm.s32 $0xA;
	s23 =	simm.s32 $0x12;
	v21 =	vmul.u32 $0x48, v20;
	v16 =	vshll.u32 v16, $0x3;
	v18 =	vadd.s32 v3, v10  }
0x95: {  	v25 =	vor.u32 s4, v2;
	v32 =	vor.u32 s23, v2;
	v14 =	vld.idx.msk [tilespmem:v14+s30+$0x0], $0xffff;
	v10 =	vor.u32 v1, v16  }
0x96: {  	s1 =	simm.s32 $0xE;
	v16 =	vld.idx.msk [tilespmem:v13+s30+$0x0], $0xffff;
	v13 =	vshll.u32 v20, $0x3;
	v20 =	vadd.s32 v3, v21;
	v15 =	vadd.f32 v15, v17  }
0x97: {  	v34 =	vmul.u32 $0x48, v32;
	v22 =	vor.u32 s1, v2;
	s3 =	simm.s32 $0x8;
	v13 =	vor.u32 v1, v13;
	v17 =	vld.idx.msk [tilespmem:v12+s31+$0x0], $0xffff  }
0x98: {  	v27 =	vmul.u32 $0x48, v22;
	v24 =	vor.u32 s3, v2;
	v21 =	vld.idx.msk [tilespmem:v11+s31+$0x0], $0xffff;
	v23 =	vmul.f32 $2.000000030e-01, v15  }
0x99: {  	v22 =	vshll.u32 v22, $0x3;
	v26 =	vmul.u32 $0x48, v24;
	v18 =	vld.idx.msk [tilespmem:v18+s30+$0x0], $0xffff;
	vm0 =	vge.f32 v15, $0.0e+00  }
0x9a: {  	v28 =	vld.idx.msk [tilespmem:v10+s31+$0x0], $0xffff;
	v15 =	vsel vm0, v15, v23;
	v23 =	vshll.u32 v24, $0x3;
	v24 =	vmul.u32 $0x48, v25  }
0x9b: {  	v26 =	vadd.s32 v3, v26;
	v20 =	vld.idx.msk [tilespmem:v20+s30+$0x0], $0xffff;
	v25 =	vshll.u32 v25, $0x3;
	v29 =	vmul.f32 $1.442695020e+00, v15  }
0x9c: {  	v30 =	vld.idx.msk [tilespmem:v13+s31+$0x0], $0xffff;
	v15 =	vor.u32 v1, v23;
	v23 =	vadd.s32 v3, v24;
	v24 =	vadd.f32 v17, v16  }
0x9d: {  	v34 =	vadd.s32 v3, v34;
	v14 =	vadd.f32 v21, v14;
	v16 =	vor.u32 v1, v25  }
0x9e: {  	v25 =	vadd.s32 v3, v27;
	v17 =	vor.u32 v1, v22;
	v21 =	vmul.f32 $2.000000030e-01, v24  }
0x9f: {  	v22 =	vmul.f32 $2.000000030e-01, v14;
	v18 =	vadd.f32 v28, v18;
	vm10 =	vge.f32 v24, $0.0e+00  }
0xa0: {  	vm1 =	vge.f32 v14, $0.0e+00;
	(erf) = vpow2.f32 v29;
	v21 =	vsel vm10, v24, v21;
	v24 =	vld.idx.msk [tilespmem:v26+s30+$0x0], $0xffff  }
0xa1: {  	v14 =	vsel vm1, v14, v22;
	v27 =	vmul.f32 $2.000000030e-01, v18;
	v20 =	vadd.f32 v30, v20;
	v28 =	vld.idx.msk [tilespmem:v15+s31+$0x0], $0xffff  }
0xa2: {  	s3 =	simm.s32 $0x16;
	vm11 =	vge.f32 v18, $0.0e+00;
	v26 =	vmul.f32 $1.442695020e+00, v14;
	v22 =	vmul.f32 $1.442695020e+00, v21;
	v23 =	vld.idx.msk [tilespmem:v23+s30+$0x0], $0xffff  }
0xa3: {  	s4 =	simm.s32 $0x14;
	v14 =	vsel vm11, v18, v27;
	v18 =	vmul.f32 $2.000000030e-01, v20;
	v21 =	vor.u32 s3, v2;
	v31 =	vld.idx.msk [tilespmem:v16+s31+$0x0], $0xffff  }
0xa4: {  	v27 =	vor.u32 s4, v2;
	vm12 =	vge.f32 v20, $0.0e+00;
	v25 =	vld.idx.msk [tilespmem:v25+s30+$0x0], $0xffff;
	v30 =	vmul.f32 $1.442695020e+00, v14  }
0xa5: {  	s22 =	simm.s32 $0x10;
	v33 =	vld.idx.msk [tilespmem:v17+s31+$0x0], $0xffff;
	v29 =	vmul.u32 $0x48, v27;
	v14 =	vsel vm12, v20, v18;
	v18 =	vshll.u32 v27, $0x3  }
0xa6: {  	v20 =	vor.u32 s22, v2;
	v27 =	vmul.f32 $1.442695020e+00, v14;
	v14 =	vor.u32 v1, v18  }
0xa7: {  	v18 =	vmul.u32 $0x48, v20;
	v29 =	vadd.s32 v3, v29;
	v20 =	vshll.u32 v20, $0x3  }
0xa8: {  	v35 =	vmul.u32 $0x48, v21;
	v61 =	vshll.u32 v21, $0x3;
	v21 =	vor.u32 v1, v20  }
0xa9: {  	v24 =	vadd.f32 v28, v24;
	(erf) = vpow2.f32 v27;
	v36 =	vadd.s32 v3, v18  }
0xaa: {  	v18 =	vshll.u32 v32, $0x3;
	v31 =	vadd.f32 v31, v23;
	v62 =	vadd.f32 v33, v25  }
0xab: {  	v20 =	vor.u32 v1, v18;
	(erf) = vpow2.f32 v22;
	v25 =	vmul.f32 $2.000000030e-01, v24;
	v27 =	vld.idx.msk [tilespmem:v14+s31+$0x0], $0xffff  }
0xac: {  	v28 =	vadd.s32 v3, v35;
	(erf) = vpow2.f32 v26;
	v29 =	vld.idx.msk [tilespmem:v29+s30+$0x0], $0xffff  }
0xad: {  	v23 =	vld.idx.msk [tilespmem:v34+s30+$0x0], $0xffff;
	v18 =	vor.u32 v1, v61;
	vm13 =	vge.f32 v24, $0.0e+00;
	v26 =	vmul.f32 $2.000000030e-01, v31  }
0xae: {  	vm14 =	vge.f32 v31, $0.0e+00;
	v33 =	vmul.f32 $2.000000030e-01, v62;
	v63 =	vsel vm13, v24, v25;
	v24 =	vld.idx.msk [tilespmem:v21+s31+$0x0], $0xffff  }
0xaf: {  	vm15 =	vge.f32 v62, $0.0e+00;
	v31 =	vsel vm14, v31, v26;
	v22 =	vld.idx.msk [tilespmem:v36+s30+$0x0], $0xffff;
	v25 =	vpop (erf);
	(erf) = vpow2.f32 v30  }
0xb0: {  	s23 =	simm.s32 $0x1E;
	s22 =	simm.s32 $0x8;
	v26 =	vmul.f32 $1.442695020e+00, v63;
	v30 =	vsel vm15, v62, v33;
	[tilespmem:v19+s24+$0x0] =	vst.idx.msk $0xffff, v25;
	v25 =	vld.idx.msk [tilespmem:v20+s31+$0x0], $0xffff;
	v19 =	vmul.f32 $1.442695020e+00, v31  }
.LBB2_3:
0xb1: {  	s1 =	sadd.s32 $0xFFFFFFFC, s23;
	s3 =	sadd.s32 $0xFFFFFFFE, s23;
	v31 =	vor.u32 s23, v2;
	s22 =	sadd.s32 $0x4, s22;
	v27 =	vadd.f32 v27, v29;
	v32 =	vld.idx.msk [tilespmem:v28+s30+$0x0], $0xffff;
	v30 =	vmul.f32 $1.442695020e+00, v30  }
0xb2: {  	s4 =	sadd.s32 $0xFFFFFFFA, s23;
	v28 =	vor.u32 s1, v2;
	v39 =	vor.u32 s3, v2;
	v33 =	vmul.u32 $0x48, v31;
	p0 =	slt.u32 s22, $0x3C;
	v34 =	vld.idx.msk [tilespmem:v18+s31+$0x0], $0xffff;
	v35 =	vpop (erf)  }
0xb3: {  	v36 =	vmul.u32 $0x48, v39;
	v38 =	vshll.u32 v39, $0x3;
	v37 =	vmul.f32 $2.000000030e-01, v27;
	[tilespmem:v13+s24+$0x0] =	vst.idx.msk $0xffff, v35;
	v13 =	vmovc v14  }
0xb4: {  	v35 =	vor.u32 s4, v2;
	vm0 =	vge.f32 v27, $0.0e+00;
	v14 =	vor.u32 v1, v38;
	v29 =	vpop (erf)  }
0xb5: {  	v39 =	vmul.u32 $0x48, v35;
	v36 =	vadd.s32 v3, v36;
	v27 =	vsel vm0, v27, v37;
	[tilespmem:v12+s24+$0x0] =	vst.idx.msk $0xffff, v29;
	v12 =	vpop (erf)  }
0xb6: {  	v29 =	vshll.u32 v35, $0x3;
	v35 =	vmul.u32 $0x48, v28;
	v27 =	vmul.f32 $1.442695020e+00, v27;
	[tilespmem:v11+s24+$0x0] =	vst.idx.msk $0xffff, v12;
	v12 =	vmovc v15;
	v15 =	vmovc v21  }
0xb7: {  	v31 =	vshll.u32 v31, $0x3;
	v28 =	vshll.u32 v28, $0x3;
	v37 =	vadd.s32 v3, v39;
	v11 =	vmovc v16;
	v16 =	vmovc v20  }
0xb8: {  	v21 =	vor.u32 v1, v29;
	v35 =	vadd.s32 v3, v35;
	(erf) = vpow2.f32 v27;
	v38 =	vpop (erf)  }
0xb9: {  	v31 =	vor.u32 v1, v31;
	v20 =	vor.u32 v1, v28;
	v28 =	vadd.s32 v3, v33;
	v27 =	vld.idx.msk [tilespmem:v14+s31+$0x0], $0xffff  }
0xba: {  	v25 =	vadd.f32 v25, v23;
	v33 =	vadd.f32 v24, v22;
	v29 =	vld.idx.msk [tilespmem:v36+s30+$0x0], $0xffff;
	(erf) = vpow2.f32 v26  }
.Ltmp2:
0xbb: {  	v32 =	vadd.f32 v34, v32;
	(erf) = vpow2.f32 v19;
	[tilespmem:v10+s24+$0x0] =	vst.idx.msk $0xffff, v38;
	v10 =	vmovc v17;
	v17 =	vmov v18;
	(pc) =	sbr.rel @p0 .LBB2_3-.Ltmp2, $4  }
0xbc: {  	vm0 =	vge.f32 v33, $0.0e+00;
	v26 =	vmul.f32 $2.000000030e-01, v25;
	v19 =	vmul.f32 $2.000000030e-01, v33;
	v18 =	vmovc v31;
	v22 =	vld.idx.msk [tilespmem:v37+s30+$0x0], $0xffff  }
0xbd: {  	vm1 =	vge.f32 v25, $0.0e+00;
	vm2 =	vge.f32 v32, $0.0e+00;
	v31 =	vmul.f32 $2.000000030e-01, v32;
	v23 =	vld.idx.msk [tilespmem:v35+s30+$0x0], $0xffff  }
0xbe: {  	v19 =	vsel vm0, v33, v19;
	v33 =	vsel vm1, v25, v26;
	v24 =	vld.idx.msk [tilespmem:v21+s31+$0x0], $0xffff;
	(erf) = vpow2.f32 v30  }
0xbf: {  	s23 =	sadd.s32 $0x8, s23;
	v26 =	vmul.f32 $1.442695020e+00, v19;
	v19 =	vmul.f32 $1.442695020e+00, v33;
	v30 =	vsel vm2, v32, v31;
	v25 =	vld.idx.msk [tilespmem:v20+s31+$0x0], $0xffff  }
0xc0: {  	_ =	sdelay $0x1  }
0xc1: {  	v27 =	vadd.f32 v27, v29;
	_ =	sdelay $0x1  }
0xc2: {  	v28 =	vld.idx.msk [tilespmem:v28+s30+$0x0], $0xffff;
	v29 =	vmul.f32 $2.000000030e-01, v27  }
0xc3: {  	v31 =	vld.idx.msk [tilespmem:v18+s31+$0x0], $0xffff;
	vm0 =	vge.f32 v27, $0.0e+00  }
0xc4: {  	v27 =	vsel vm0, v27, v29  }
0xc5: {  	v22 =	vadd.f32 v24, v22;
	v27 =	vmul.f32 $1.442695020e+00, v27  }
0xc6: {  	v61 =	vmul.f32 $1.442695020e+00, v30  }
0xc7: {  	v23 =	vadd.f32 v25, v23;
	v63 =	vmul.f32 $2.000000030e-01, v22;
	(erf) = vpow2.f32 v27  }
0xc8: {  	v62 =	vadd.f32 v31, v28;
	vm14 =	vge.f32 v22, $0.0e+00;
	(erf) = vpow2.f32 v26  }
0xc9: {  	v22 =	vsel vm14, v22, v63;
	(erf) = vpow2.f32 v19;
	v19 =	vmul.f32 $2.000000030e-01, v23  }
0xca: {  	vm1 =	vge.f32 v23, $0.0e+00;
	v27 =	vmul.f32 $2.000000030e-01, v62;
	v22 =	vmul.f32 $1.442695020e+00, v22  }
0xcb: {  	vm15 =	vge.f32 v62, $0.0e+00;
	v19 =	vsel vm1, v23, v19  }
0xcc: {  	(erf) = vpow2.f32 v61;
	v23 =	vsel vm15, v62, v27;
	v19 =	vmul.f32 $1.442695020e+00, v19  }
0xcd: {  	(erf) = vpow2.f32 v22;
	v23 =	vmul.f32 $1.442695020e+00, v23  }
0xce: {  	v22 =	vpop (erf);
	(erf) = vpow2.f32 v19  }
0xcf: {  	[tilespmem:v13+s24+$0x0] =	vst.idx.msk $0xffff, v22;
	v13 =	vpop (erf);
	(erf) = vpow2.f32 v23  }
0xd0: {  	[tilespmem:v12+s24+$0x0] =	vst.idx.msk $0xffff, v13;
	v19 =	vpop (erf)  }
0xd1: {  	v12 =	vpop (erf);
	[tilespmem:v11+s24+$0x0] =	vst.idx.msk $0xffff, v19  }
0xd2: {  	s1 =	simm.s32 $0x0;
	v11 =	vpop (erf);
	[tilespmem:v10+s24+$0x0] =	vst.idx.msk $0xffff, v12  }
0xd3: {  	v10 =	vpop (erf);
	[tilespmem:v14+s24+$0x0] =	vst.idx.msk $0xffff, v11;
	v14 =	vmov s1  }
0xd4: {  	v11 =	vpop (erf);
	[tilespmem:v15+s24+$0x0] =	vst.idx.msk $0xffff, v10;
	v19 =	vshll.u32 v14, $0x3;
	v22 =	vmul.u32 $0x48, v14  }
0xd5: {  	[tilespmem:v16+s24+$0x0] =	vst.idx.msk $0xffff, v11;
	v10 =	vpop (erf);
	v11 =	vor.u32 v2, v19  }
0xd6: {  	p2 =	por $0x1, $0x1;
	[tilespmem:v17+s24+$0x0] =	vst.idx.msk $0xffff, v10;
	v10 =	vpop (erf);
	v13 =	vor.u32 v0, v22  }
.Ltmp3:
0xd7: {  	[tilespmem:v21+s24+$0x0] =	vst.idx.msk $0xffff, v10;
	v10 =	vpop (erf);
	(pc) =	sbr.rel @!p2 .LBB2_5-.Ltmp3, $4  }
0xd8: {  	s23 =	simm.s32 $0x1;
	[tilespmem:v20+s24+$0x0] =	vst.idx.msk $0xffff, v10;
	v10 =	vpop (erf)  }
0xd9: {  	v20 =	vmov s23;
	[tilespmem:v18+s24+$0x0] =	vst.idx.msk $0xffff, v10  }
0xda: {  	v16 =	vshll.u32 v20, $0x3;
	v12 =	vld.idx.msk [tilespmem:v11+s24+$0x0], $0xffff  }
0xdb: {  	s22 =	simm.s32 $0x2;
	p0 =	por $0x0, $0x0;
	p1 =	por $0x0, $0x0;
	v28 =	vmul.u32 $0x48, v20;
	v33 =	vor.u32 v2, v16;
	v15 =	vld.idx.msk [tilespmem:v13+s30+$0x0], $0xffff  }
0xdc: {  	_ = 	snop  }
0xdd: {  	v11 =	vadd.s32 v0, v28;
	_ =	sdelay $0x1  }
0xde: {  	v29 =	vmov s22  }
0xdf: {  	v10 =	vshll.u32 v14, $0x6;
	v18 =	vshll.u32 v29, $0x3  }
0xe0: {  	v14 =	vld.idx.msk [tilespmem:v33+s24+$0x0], $0xffff;
	v23 =	vor.u32 v0, v10;
	v17 =	vor.u32 v2, v18  }
0xe1: {  	v25 =	vadd.s32 v4, v22;
	v21 =	vmul.u32 $0x48, v29;
	v11 =	vld.idx.msk [tilespmem:v11+s30+$0x0], $0xffff  }
0xe2: {  	v13 =	vshll.u32 v20, $0x6;
	v27 =	vor.u32 v5, v19  }
0xe3: {  	v31 =	vor.u32 v0, v13;
	v24 =	vor.u32 v0, v21;
	v15 =	vmul.f32 v12, v15  }
0xe4: {  	v32 =	vadd.s32 v4, v28  }
0xe5: {  	p2 =	por $0x1, $0x1;
	[tilespmem:v23+s25+$0x0] =	vst.idx.msk $0xffff, v15;
	v12 =	vld.idx.msk [tilespmem:v17+s24+$0x0], $0xffff;
	v17 =	vor.u32 v5, v16  }
.Ltmp4:
0xe6: {  	v26 =	vld.idx.msk [tilespmem:v25+s30+$0x0], $0xffff;
	v11 =	vmul.f32 v14, v11;
	(pc) =	sbr.rel @!p2 .LBB2_7-.Ltmp4, $4  }
0xe7: {  	s1 =	simm.s32 $0x3;
	v30 =	vld.idx.msk [tilespmem:v27+s24+$0x0], $0xffff  }
0xe8: {  	v20 =	vmov s1;
	v15 =	vld.idx.msk [tilespmem:v24+s30+$0x0], $0xffff;
	[tilespmem:v31+s25+$0x0] =	vst.idx.msk $0xffff, v11  }
0xe9: {  	v23 =	vshll.u32 v20, $0x3;
	v27 =	vld.idx.msk [tilespmem:v32+s30+$0x0], $0xffff  }
0xea: {  	s22 =	simm.s32 $0x4;
	p0 =	por $0x1, $0x1;
	v33 =	vor.u32 v2, v23;
	v24 =	vmul.u32 $0x48, v20;
	v32 =	vld.idx.msk [tilespmem:v17+s24+$0x0], $0xffff  }
0xeb: {  	_ = 	snop  }
0xec: {  	v31 =	vor.u32 v4, v10;
	v25 =	vadd.s32 v0, v24  }
0xed: {  	v34 =	vadd.s32 v6, v22;
	v14 =	vmov s22  }
0xee: {  	v35 =	vor.u32 v7, v19;
	v17 =	vshll.u32 v29, $0x6;
	v29 =	vshll.u32 v14, $0x3  }
0xef: {  	v36 =	vor.u32 v4, v13;
	v26 =	vmul.f32 v30, v26;
	v38 =	vor.u32 v2, v29  }
0xf0: {  	v33 =	vld.idx.msk [tilespmem:v33+s24+$0x0], $0xffff;
	v30 =	vadd.s32 v6, v28;
	v11 =	vmul.u32 $0x48, v14  }
0xf1: {  	v37 =	vor.u32 v7, v16;
	[tilespmem:v31+s25+$0x0] =	vst.idx.msk $0xffff, v26;
	v25 =	vld.idx.msk [tilespmem:v25+s30+$0x0], $0xffff  }
0xf2: {  	v26 =	vmul.f32 v32, v27;
	v27 =	vor.u32 v0, v17;
	v31 =	vor.u32 v0, v11;
	v61 =	vld.idx.msk [tilespmem:v34+s30+$0x0], $0xffff  }
0xf3: {  	v62 =	vadd.s32 v4, v21;
	v39 =	vshll.u32 v20, $0x6;
	v63 =	vor.u32 v5, v18;
	v40 =	vld.idx.msk [tilespmem:v35+s24+$0x0], $0xffff  }
0xf4: {  	v41 =	vor.u32 v0, v39;
	v15 =	vmul.f32 v12, v15;
	[tilespmem:v36+s25+$0x0] =	vst.idx.msk $0xffff, v26;
	v12 =	vld.idx.msk [tilespmem:v38+s24+$0x0], $0xffff  }
0xf5: {  	v43 =	vadd.s32 v4, v24;
	v42 =	vld.idx.msk [tilespmem:v30+s30+$0x0], $0xffff  }
0xf6: {  	v45 =	vor.u32 v5, v23;
	v46 =	vor.u32 v6, v10;
	p2 =	por $0x1, $0x1;
	v44 =	vld.idx.msk [tilespmem:v37+s24+$0x0], $0xffff  }
.Ltmp5:
0xf7: {  	v37 =	vadd.s32 v8, v22;
	[tilespmem:v27+s25+$0x0] =	vst.idx.msk $0xffff, v15;
	v15 =	vld.idx.msk [tilespmem:v31+s30+$0x0], $0xffff;
	v25 =	vmul.f32 v33, v25;
	(pc) =	sbr.rel @!p2 .LBB2_9-.Ltmp5, $4  }
0xf8: {  	s1 =	simm.s32 $0x5;
	v35 =	vor.u32 v6, v13;
	v34 =	vadd.s32 v8, v28;
	v26 =	vld.idx.msk [tilespmem:v62+s30+$0x0], $0xffff  }
0xf9: {  	v20 =	vmov s1;
	v38 =	vor.u32 v9, v19;
	v30 =	vld.idx.msk [tilespmem:v63+s24+$0x0], $0xffff;
	v22 =	vmul.f32 v40, v61;
	[tilespmem:v41+s25+$0x0] =	vst.idx.msk $0xffff, v25  }
0xfa: {  	v19 =	vshll.u32 v20, $0x3;
	v31 =	vor.u32 v9, v16;
	v25 =	vmul.u32 $0x48, v20;
	v27 =	vld.idx.msk [tilespmem:v43+s30+$0x0], $0xffff  }
0xfb: {  	s22 =	simm.s32 $0x6;
	p1 =	por $0x1, $0x1;
	v33 =	vor.u32 v2, v19;
	[tilespmem:v46+s25+$0x0] =	vst.idx.msk $0xffff, v22;
	v40 =	vmul.f32 v44, v42;
	v32 =	vld.idx.msk [tilespmem:v45+s24+$0x0], $0xffff  }
.LBB2_10:
0xfc: {  	v16 =	vadd.s32 v0, v25;
	v22 =	vor.u32 v4, v17;
	v28 =	vld.idx.msk [tilespmem:v37+s30+$0x0], $0xffff;
	v36 =	vmovc v11;
	v37 =	vmov v13  }
0xfd: {  	p2 =	slt.u32 s22, $0x7E;
	v13 =	vmovc v39;
	v41 =	vmovc v24;
	v24 =	vmov v25;
	v42 =	vmov v23;
	v23 =	vmov v19  }
0xfe: {  	v19 =	vshll.u32 v14, $0x6;
	v14 =	vmov s22;
	v25 =	vadd.s32 v6, v21;
	v38 =	vld.idx.msk [tilespmem:v38+s24+$0x0], $0xffff;
	[tilespmem:v35+s25+$0x0] =	vst.idx.msk $0xffff, v40  }
0xff: {  	v40 =	vshll.u32 v14, $0x3;
	v35 =	vor.u32 v7, v18;
	v43 =	vor.u32 v4, v13;
	v34 =	vld.idx.msk [tilespmem:v34+s30+$0x0], $0xffff  }
0x100: {  	v11 =	vmul.u32 $0x48, v14;
	v26 =	vmul.f32 v30, v26;
	v30 =	vadd.s32 v6, v41;
	v31 =	vld.idx.msk [tilespmem:v31+s24+$0x0], $0xffff  }
0x101: {  	v46 =	vor.u32 v8, v10;
	v44 =	vor.u32 v0, v19;
	v45 =	vor.u32 v7, v42;
	v33 =	vld.idx.msk [tilespmem:v33+s24+$0x0], $0xffff  }
0x102: {  	v47 =	vor.u32 v2, v40;
	v48 =	vmul.f32 v32, v27;
	v16 =	vld.idx.msk [tilespmem:v16+s30+$0x0], $0xffff;
	[tilespmem:v22+s25+$0x0] =	vst.idx.msk $0xffff, v26  }
0x103: {  	v27 =	vor.u32 v8, v37;
	v22 =	vor.u32 v0, v11;
	v26 =	vadd.s32 v4, v36;
	v25 =	vld.idx.msk [tilespmem:v25+s30+$0x0], $0xffff  }
0x104: {  	v12 =	vmul.f32 v12, v15;
	v39 =	vshll.u32 v20, $0x6;
	v10 =	vmov v17;
	v32 =	vld.idx.msk [tilespmem:v35+s24+$0x0], $0xffff;
	[tilespmem:v43+s25+$0x0] =	vst.idx.msk $0xffff, v48  }
0x105: {  	v15 =	vmul.f32 v38, v28;
	v43 =	vor.u32 v5, v29;
	v48 =	vor.u32 v0, v39;
	v49 =	vld.idx.msk [tilespmem:v30+s30+$0x0], $0xffff  }
0x106: {  	v28 =	vadd.s32 v4, v24;
	v20 =	vmul.f32 v31, v34;
	[tilespmem:v44+s25+$0x0] =	vst.idx.msk $0xffff, v12;
	v44 =	vld.idx.msk [tilespmem:v45+s24+$0x0], $0xffff  }
0x107: {  	v45 =	vor.u32 v5, v23;
	v12 =	vld.idx.msk [tilespmem:v47+s24+$0x0], $0xffff;
	v47 =	vor.u32 v6, v10;
	[tilespmem:v46+s25+$0x0] =	vst.idx.msk $0xffff, v15  }
.Ltmp6:
0x108: {  	v37 =	vadd.s32 v8, v21;
	v16 =	vmul.f32 v33, v16;
	v15 =	vld.idx.msk [tilespmem:v22+s30+$0x0], $0xffff;
	[tilespmem:v27+s25+$0x0] =	vst.idx.msk $0xffff, v20;
	(pc) =	sbr.rel @p2 .LBB2_10-.Ltmp6, $4  }
0x109: {  	s1 =	sadd.s32 $0x1, s22;
	v17 =	vmovc v19;
	v38 =	vor.u32 v9, v18;
	v18 =	vmov v29;
	v35 =	vor.u32 v6, v13;
	v26 =	vld.idx.msk [tilespmem:v26+s30+$0x0], $0xffff  }
0x10a: {  	v34 =	vadd.s32 v8, v41;
	v20 =	vmov s1;
	v30 =	vld.idx.msk [tilespmem:v43+s24+$0x0], $0xffff;
	[tilespmem:v48+s25+$0x0] =	vst.idx.msk $0xffff, v16;
	v16 =	vmul.f32 v32, v25  }
0x10b: {  	v21 =	vmovc v36;
	v29 =	vmovc v40;
	v31 =	vor.u32 v9, v42;
	v19 =	vshll.u32 v20, $0x3;
	v25 =	vmul.u32 $0x48, v20;
	v27 =	vld.idx.msk [tilespmem:v28+s30+$0x0], $0xffff  }
0x10c: {  	s22 =	sadd.s32 $0x2, s22;
	v33 =	vor.u32 v2, v19;
	v40 =	vmul.f32 v44, v49;
	v32 =	vld.idx.msk [tilespmem:v45+s24+$0x0], $0xffff;
	[tilespmem:v47+s25+$0x0] =	vst.idx.msk $0xffff, v16  }
0x10d: {  	v36 =	vmov v13;
	v13 =	vmov v39;
	v28 =	vmov v24  }
0x10e: {  	v41 =	vmovc v23;
	v16 =	vmovc v19;
	v22 =	vmov v21;
	v39 =	vmov v18;
	v19 =	vmov v29  }
.LBB2_12:
0x10f: {  	v18 =	vadd.s32 v0, v25;
	_ =	sdelay $0x2  }
0x110: {  	v14 =	vshll.u32 v14, $0x6  }
0x111: {  	v23 =	vld.idx.msk [tilespmem:v33+s24+$0x0], $0xffff;
	v21 =	vor.u32 v0, v14  }
0x112: {  	v18 =	vld.idx.msk [tilespmem:v18+s30+$0x0], $0xffff  }
0x113: {  	v24 =	vadd.s32 v4, v11;
	v20 =	vshll.u32 v20, $0x6  }
0x114: {  	v12 =	vmul.f32 v12, v15;
	v15 =	vor.u32 v5, v19;
	v29 =	vor.u32 v0, v20  }
0x115: {  	v51 =	vadd.s32 v4, v25  }
0x116: {  	v42 =	vor.u32 @p0 v4, v17;
	[tilespmem:v21+s25+$0x0] =	vst.idx.msk $0xffff, v12;
	v12 =	vor.u32 v5, v16  }
0x117: {  	v37 =	vld.idx.msk @p1 [tilespmem:v37+s30+$0x0], $0xffff;
	v21 =	vmov @p0 v28;
	v28 =	vadd.s32 @p0 v6, v22;
	v18 =	vmul.f32 v23, v18  }
0x118: {  	v26 =	vmul.f32 @p0 v30, v26;
	v30 =	vor.u32 @p0 v4, v13;
	v24 =	vld.idx.msk [tilespmem:v24+s30+$0x0], $0xffff;
	v23 =	vor.u32 @p0 v7, v39  }
0x119: {  	v15 =	vld.idx.msk [tilespmem:v15+s24+$0x0], $0xffff;
	[tilespmem:v29+s25+$0x0] =	vst.idx.msk $0xffff, v18;
	v18 =	vadd.s32 @p0 v6, v21  }
0x11a: {  	v29 =	vor.u32 @p0 v7, v41;
	v33 =	vld.idx.msk [tilespmem:v51+s30+$0x0], $0xffff  }
0x11b: {  	[tilespmem:v42+s25+$0x0] =	vst.idx.msk @p0 $0xffff, v26;
	v26 =	vmul.f32 @p0 v32, v27;
	v27 =	vor.u32 v4, v14;
	v12 =	vld.idx.msk [tilespmem:v12+s24+$0x0], $0xffff  }
0x11c: {  	v52 =	vadd.s32 v6, v11;
	v28 =	vld.idx.msk @p0 [tilespmem:v28+s30+$0x0], $0xffff  }
0x11d: {  	[tilespmem:v30+s25+$0x0] =	vst.idx.msk @p0 $0xffff, v26;
	v26 =	vor.u32 v7, v19;
	v30 =	vor.u32 v4, v20;
	v23 =	vld.idx.msk @p0 [tilespmem:v23+s24+$0x0], $0xffff  }
0x11e: {  	v15 =	vmul.f32 v15, v24;
	v24 =	vadd.s32 v6, v25;
	v18 =	vld.idx.msk @p0 [tilespmem:v18+s30+$0x0], $0xffff  }
0x11f: {  	[tilespmem:v35+s25+$0x0] =	vst.idx.msk @p1 $0xffff, v40;
	v35 =	vor.u32 @p0 v6, v17;
	v53 =	vor.u32 v7, v16;
	v29 =	vld.idx.msk @p0 [tilespmem:v29+s24+$0x0], $0xffff  }
0x120: {  	v38 =	vld.idx.msk @p1 [tilespmem:v38+s24+$0x0], $0xffff;
	v22 =	vadd.s32 @p0 v8, v22;
	[tilespmem:v27+s25+$0x0] =	vst.idx.msk $0xffff, v15;
	v12 =	vmul.f32 v12, v33  }
0x121: {  	v22 =	vpsel p0, v22, v0;
	v39 =	vor.u32 @p0 v9, v39;
	v15 =	vor.u32 @p0 v6, v13;
	v27 =	vld.idx.msk [tilespmem:v52+s30+$0x0], $0xffff  }
0x122: {  	v21 =	vadd.s32 @p0 v8, v21;
	v15 =	vpsel p0, v15, v0;
	v26 =	vld.idx.msk [tilespmem:v26+s24+$0x0], $0xffff;
	[tilespmem:v30+s25+$0x0] =	vst.idx.msk $0xffff, v12  }
0x123: {  	v32 =	vpsel p0, v39, v0;
	v21 =	vpsel p0, v21, v0;
	v12 =	vmul.f32 @p0 v23, v28;
	v24 =	vld.idx.msk [tilespmem:v24+s30+$0x0], $0xffff  }
0x124: {  	v23 =	vor.u32 @p0 v9, v41;
	v28 =	vld.idx.msk [tilespmem:v53+s24+$0x0], $0xffff;
	v18 =	vmul.f32 @p0 v29, v18;
	v29 =	vor.u32 v6, v14  }
0x125: {  	v11 =	vadd.s32 v8, v11;
	v34 =	vld.idx.msk @p1 [tilespmem:v34+s30+$0x0], $0xffff;
	v23 =	vpsel p0, v23, v0  }
0x126: {  	v19 =	vor.u32 v9, v19;
	v30 =	vld.idx.msk @p1 [tilespmem:v31+s24+$0x0], $0xffff;
	[tilespmem:v35+s25+$0x0] =	vst.idx.msk @p0 $0xffff, v12;
	v12 =	vpsel p0, v18, v0  }
0x127: {  	v18 =	vld.idx.msk @p0 [tilespmem:v22+s30+$0x0], $0xffff;
	v22 =	vor.u32 v6, v20;
	[tilespmem:v15+s25+$0x0] =	vst.idx.msk @p0 $0xffff, v12;
	v12 =	vmul.f32 v26, v27  }
0x128: {  	v31 =	vld.idx.msk @p0 [tilespmem:v32+s24+$0x0], $0xffff;
	v15 =	vadd.s32 v8, v25  }
0x129: {  	v16 =	vor.u32 v9, v16;
	v21 =	vld.idx.msk @p0 [tilespmem:v21+s30+$0x0], $0xffff;
	[tilespmem:v29+s25+$0x0] =	vst.idx.msk $0xffff, v12;
	v12 =	vmul.f32 v28, v24  }
0x12a: {  	v23 =	vld.idx.msk @p0 [tilespmem:v23+s24+$0x0], $0xffff  }
0x12b: {  	v10 =	vor.u32 @p1 v8, v10;
	v17 =	vpsel p0, v17, v0;
	v25 =	vmov @p1 v36;
	v11 =	vld.idx.msk [tilespmem:v11+s30+$0x0], $0xffff  }
0x12c: {  	v13 =	vpsel p0, v13, v0;
	v24 =	vor.u32 @p1 v8, v25;
	v19 =	vld.idx.msk [tilespmem:v19+s24+$0x0], $0xffff;
	[tilespmem:v22+s25+$0x0] =	vst.idx.msk $0xffff, v12  }
0x12d: {  	v15 =	vld.idx.msk [tilespmem:v15+s30+$0x0], $0xffff;
	v12 =	vmov @p0 v13;
	v13 =	vor.u32 @p0 v8, v17  }
0x12e: {  	v16 =	vld.idx.msk [tilespmem:v16+s24+$0x0], $0xffff;
	v17 =	vmul.f32 @p1 v38, v37;
	v12 =	vor.u32 @p0 v8, v12  }
0x12f: {  	v14 =	vor.u32 v8, v14;
	v22 =	vmul.f32 @p1 v30, v34  }
0x130: {  	[tilespmem:v10+s25+$0x0] =	vst.idx.msk @p1 $0xffff, v17;
	v10 =	vmul.f32 @p0 v31, v18;
	v17 =	vor.u32 v8, v20  }
0x131: {  	[tilespmem:v24+s25+$0x0] =	vst.idx.msk @p1 $0xffff, v22;
	v18 =	vmul.f32 @p0 v23, v21  }
0x132: {  	[tilespmem:v13+s25+$0x0] =	vst.idx.msk @p0 $0xffff, v10;
	v10 =	vmul.f32 v19, v11  }
0x133: {  	v11 =	vmul.f32 v16, v15;
	[tilespmem:v12+s25+$0x0] =	vst.idx.msk @p0 $0xffff, v18  }
0x134: {  	[tilespmem:v14+s25+$0x0] =	vst.idx.msk $0xffff, v10  }
0x135: {  	s1 =	rddreg [dreg:$0x2];
	[tilespmem:v17+s25+$0x0] =	vst.idx.msk $0xffff, v11  }
0x136: {  	[spmem:s1] =	stream.indirect.scatter.add.f32 [tilespmem:s25], [sflag:$0x3], $0x40, s29, s29, $0xb8;
	[tilespmem:$0x1E800] =	vst v63  }
0x137: {  	s4 =	simm.s32 $0x4;
	s22 =	simm.s32 $0x5  }
0x138: {  	v10 =	vor.u32 s4, v2;
	[spmem:s2] =	stream.indirect.scatter.add.f32 [tilespmem:s24], [sflag:$0x4], $0x8, s29, s29, $0xb8;
	[tilespmem:$0x1E800] =	vst v63  }
0x139: {  	s4 =	simm.s32 $0x2;
	v11 =	vmul.u32 $0x48, v10;
	v10 =	vshll.u32 v10, $0x3;
	_ =	swait.ge [sflag:s22], $0x2400  }
0x13a: {  	s3 =	simm.s32 $0x0;
	v12 =	vor.u32 s4, v2;
	v19 =	vor.u32 v1, v10;
	[sflag:s22] =	ssyncset.done $0x0  }
0x13b: {  	s23 =	simm.s32 $0x6;
	v14 =	vmul.u32 $0x48, v12;
	v10 =	vadd.s32 v3, v11;
	v11 =	vor.u32 s3, v2;
	[sflag:s22] =	ssyncadd.s32 $0xFFFFDC00  }
0x13c: {  	v13 =	vmul.u32 $0x48, v11;
	_ =	swait.ge [sflag:s23], $0x400  }
0x13d: {  	v14 =	vadd.s32 v3, v14;
	[sflag:s23] =	ssyncset.done $0x0  }
0x13e: {  	v18 =	vshll.u32 v12, $0x3;
	v11 =	vshll.u32 v11, $0x3;
	v13 =	vadd.s32 v3, v13;
	[sflag:s23] =	ssyncadd.s32 $0xFFFFFC00  }
0x13f: {  	v16 =	vor.u32 s23, v2;
	v12 =	vor.u32 v1, v11;
	v11 =	vor.u32 v1, v18;
	v15 =	vld.idx.msk [tilespmem:v19+s11+$0x0], $0xffff  }
0x140: {  	v17 =	vld.idx.msk [tilespmem:v10+s10+$0x0], $0xffff;
	v10 =	vmul.u32 $0x48, v16;
	_ =	sdelay $0x1  }
0x141: {  	s4 =	simm.s32 $0xC;
	v16 =	vshll.u32 v16, $0x3;
	v14 =	vld.idx.msk [tilespmem:v14+s10+$0x0], $0xffff;
	v18 =	vadd.s32 v3, v10  }
0x142: {  	s3 =	simm.s32 $0xE;
	v10 =	vor.u32 v1, v16;
	v16 =	vld.idx.msk [tilespmem:v13+s10+$0x0], $0xffff;
	v13 =	vor.u32 s4, v2  }
0x143: {  	v20 =	vor.u32 s3, v2;
	v23 =	vld.idx.msk [tilespmem:v11+s11+$0x0], $0xffff;
	v22 =	vmul.u32 $0x48, v13  }
0x144: {  	v27 =	vmul.u32 $0x48, v20;
	v20 =	vshll.u32 v20, $0x3;
	s23 =	simm.s32 $0x8;
	v15 =	vadd.f32 v15, v17  }
0x145: {  	v25 =	vor.u32 s23, v2;
	v13 =	vshll.u32 v13, $0x3;
	v17 =	vld.idx.msk [tilespmem:v12+s11+$0x0], $0xffff;
	v22 =	vadd.s32 v3, v22  }
0x146: {  	s22 =	simm.s32 $0xA;
	s23 =	simm.s32 $0x10;
	v26 =	vmul.u32 $0x48, v25;
	v13 =	vor.u32 v1, v13;
	v24 =	vmul.f32 $2.000000030e-01, v15;
	v18 =	vld.idx.msk [tilespmem:v18+s10+$0x0], $0xffff  }
0x147: {  	v21 =	vor.u32 s22, v2;
	v55 =	vor.u32 s23, v2;
	vm0 =	vge.f32 v15, $0.0e+00;
	v28 =	vld.idx.msk [tilespmem:v10+s11+$0x0], $0xffff  }
0x148: {  	v26 =	vadd.s32 v3, v26;
	v14 =	vadd.f32 v23, v14;
	v15 =	vsel vm0, v15, v24  }
0x149: {  	v24 =	vshll.u32 v25, $0x3;
	v25 =	vmul.u32 $0x48, v21;
	v21 =	vshll.u32 v21, $0x3  }
0x14a: {  	v29 =	vmul.f32 $1.442695020e+00, v15;
	v15 =	vor.u32 v1, v24;
	v30 =	vadd.f32 v17, v16;
	v22 =	vld.idx.msk [tilespmem:v22+s10+$0x0], $0xffff  }
0x14b: {  	v16 =	vor.u32 v1, v21;
	v21 =	vadd.s32 v3, v27;
	v24 =	vadd.s32 v3, v25;
	v25 =	vld.idx.msk [tilespmem:v13+s11+$0x0], $0xffff  }
0x14c: {  	vm1 =	vge.f32 v14, $0.0e+00;
	v27 =	vmul.f32 $2.000000030e-01, v14;
	v18 =	vadd.f32 v28, v18  }
0x14d: {  	v17 =	vor.u32 v1, v20;
	(erf) = vpow2.f32 v29;
	v23 =	vmul.f32 $2.000000030e-01, v30  }
0x14e: {  	vm11 =	vge.f32 v30, $0.0e+00;
	v14 =	vsel vm1, v14, v27;
	v20 =	vmul.f32 $2.000000030e-01, v18  }
0x14f: {  	v23 =	vsel vm11, v30, v23;
	vm12 =	vge.f32 v18, $0.0e+00;
	v30 =	vmul.f32 $1.442695020e+00, v14  }
0x150: {  	s3 =	simm.s32 $0x16;
	s4 =	simm.s32 $0x12;
	v23 =	vmul.f32 $1.442695020e+00, v23;
	v56 =	vld.idx.msk [tilespmem:v21+s10+$0x0], $0xffff;
	v14 =	vsel vm12, v18, v20;
	v20 =	vadd.f32 v25, v22  }
0x151: {  	s22 =	simm.s32 $0x14;
	v21 =	vmul.u32 $0x48, v55;
	v18 =	vor.u32 s3, v2;
	v22 =	vld.idx.msk [tilespmem:v24+s10+$0x0], $0xffff;
	v24 =	vor.u32 s4, v2  }
0x152: {  	v26 =	vld.idx.msk [tilespmem:v26+s10+$0x0], $0xffff;
	v25 =	vmul.f32 $1.442695020e+00, v14;
	v14 =	vor.u32 s22, v2;
	v54 =	vmul.f32 $2.000000030e-01, v20  }
0x153: {  	v29 =	vld.idx.msk [tilespmem:v15+s11+$0x0], $0xffff;
	v28 =	vmul.u32 $0x48, v14;
	v14 =	vshll.u32 v14, $0x3;
	vm13 =	vge.f32 v20, $0.0e+00  }
0x154: {  	v31 =	vld.idx.msk [tilespmem:v16+s11+$0x0], $0xffff;
	v27 =	vmul.u32 $0x48, v18;
	v14 =	vor.u32 v1, v14;
	v20 =	vsel vm13, v20, v54  }
0x155: {  	v58 =	vld.idx.msk [tilespmem:v17+s11+$0x0], $0xffff;
	v59 =	vmul.u32 $0x48, v24;
	v57 =	vadd.s32 v3, v28;
	v20 =	vmul.f32 $1.442695020e+00, v20  }
0x156: {  	v60 =	vadd.s32 v3, v21;
	v21 =	vshll.u32 v24, $0x3;
	v24 =	vshll.u32 v18, $0x3  }
0x157: {  	v32 =	vadd.s32 v3, v59;
	v28 =	vshll.u32 v55, $0x3;
	(erf) = vpow2.f32 v20  }
0x158: {  	v27 =	vadd.s32 v3, v27;
	v26 =	vadd.f32 v29, v26;
	v18 =	vor.u32 v1, v28  }
0x159: {  	v31 =	vadd.f32 v31, v22;
	v20 =	vor.u32 v1, v21;
	v28 =	vld.idx.msk [tilespmem:v14+s11+$0x0], $0xffff;
	(erf) = vpow2.f32 v23  }
0x15a: {  	v34 =	vadd.f32 v58, v56;
	vm14 =	vge.f32 v26, $0.0e+00;
	v29 =	vld.idx.msk [tilespmem:v57+s10+$0x0], $0xffff;
	(erf) = vpow2.f32 v30  }
0x15b: {  	v22 =	vld.idx.msk [tilespmem:v60+s10+$0x0], $0xffff;
	v21 =	vor.u32 v1, v24;
	v61 =	vmul.f32 $2.000000030e-01, v31;
	v30 =	vmul.f32 $2.000000030e-01, v26  }
0x15c: {  	vm2 =	vge.f32 v34, $0.0e+00;
	v62 =	vmul.f32 $2.000000030e-01, v34;
	vm15 =	vge.f32 v31, $0.0e+00;
	v23 =	vld.idx.msk [tilespmem:v32+s10+$0x0], $0xffff  }
0x15d: {  	v63 =	vpop (erf);
	v24 =	vld.idx.msk [tilespmem:v18+s11+$0x0], $0xffff;
	(erf) = vpow2.f32 v25;
	v26 =	vsel vm14, v26, v30;
	v30 =	vsel vm15, v31, v61  }
0x15e: {  	s23 =	simm.s32 $0x1E;
	s22 =	simm.s32 $0x8;
	[tilespmem:v19+s13+$0x0] =	vst.idx.msk $0xffff, v63;
	v25 =	vld.idx.msk [tilespmem:v20+s11+$0x0], $0xffff;
	v26 =	vmul.f32 $1.442695020e+00, v26;
	v19 =	vmul.f32 $1.442695020e+00, v30;
	v30 =	vsel vm2, v34, v62  }
.LBB2_13:
0x15f: {  	s1 =	sadd.s32 $0xFFFFFFFC, s23;
	s3 =	sadd.s32 $0xFFFFFFFE, s23;
	v31 =	vor.u32 s23, v2;
	s22 =	sadd.s32 $0x4, s22;
	v28 =	vadd.f32 v28, v29;
	v32 =	vld.idx.msk [tilespmem:v27+s10+$0x0], $0xffff;
	v30 =	vmul.f32 $1.442695020e+00, v30  }
0x160: {  	s4 =	sadd.s32 $0xFFFFFFFA, s23;
	v27 =	vor.u32 s1, v2;
	v39 =	vor.u32 s3, v2;
	v33 =	vmul.u32 $0x48, v31;
	p0 =	slt.u32 s22, $0x3C;
	v34 =	vld.idx.msk [tilespmem:v21+s11+$0x0], $0xffff;
	v35 =	vpop (erf)  }
0x161: {  	v36 =	vmul.u32 $0x48, v39;
	v38 =	vshll.u32 v39, $0x3;
	v37 =	vmul.f32 $2.000000030e-01, v28;
	[tilespmem:v13+s13+$0x0] =	vst.idx.msk $0xffff, v35;
	v13 =	vmovc v14  }
0x162: {  	v35 =	vor.u32 s4, v2;
	vm0 =	vge.f32 v28, $0.0e+00;
	v14 =	vor.u32 v1, v38;
	v29 =	vpop (erf)  }
0x163: {  	v39 =	vmul.u32 $0x48, v35;
	v36 =	vadd.s32 v3, v36;
	v28 =	vsel vm0, v28, v37;
	[tilespmem:v12+s13+$0x0] =	vst.idx.msk $0xffff, v29;
	v12 =	vpop (erf)  }
0x164: {  	v29 =	vshll.u32 v35, $0x3;
	v35 =	vmul.u32 $0x48, v27;
	v28 =	vmul.f32 $1.442695020e+00, v28;
	[tilespmem:v11+s13+$0x0] =	vst.idx.msk $0xffff, v12;
	v12 =	vmovc v15;
	v15 =	vmovc v18  }
0x165: {  	v31 =	vshll.u32 v31, $0x3;
	v27 =	vshll.u32 v27, $0x3;
	v37 =	vadd.s32 v3, v39;
	v11 =	vmovc v16;
	v16 =	vmovc v20  }
0x166: {  	v18 =	vor.u32 v1, v29;
	v35 =	vadd.s32 v3, v35;
	(erf) = vpow2.f32 v28;
	v38 =	vpop (erf)  }
0x167: {  	v31 =	vor.u32 v1, v31;
	v20 =	vor.u32 v1, v27;
	v27 =	vadd.s32 v3, v33;
	v28 =	vld.idx.msk [tilespmem:v14+s11+$0x0], $0xffff  }
0x168: {  	v25 =	vadd.f32 v25, v23;
	v33 =	vadd.f32 v24, v22;
	v29 =	vld.idx.msk [tilespmem:v36+s10+$0x0], $0xffff;
	(erf) = vpow2.f32 v26  }
.Ltmp7:
0x169: {  	v32 =	vadd.f32 v34, v32;
	(erf) = vpow2.f32 v19;
	[tilespmem:v10+s13+$0x0] =	vst.idx.msk $0xffff, v38;
	v10 =	vmovc v17;
	v17 =	vmov v21;
	(pc) =	sbr.rel @p0 .LBB2_13-.Ltmp7, $4  }
0x16a: {  	vm0 =	vge.f32 v33, $0.0e+00;
	v26 =	vmul.f32 $2.000000030e-01, v25;
	v19 =	vmul.f32 $2.000000030e-01, v33;
	v21 =	vmovc v31;
	v22 =	vld.idx.msk [tilespmem:v37+s10+$0x0], $0xffff  }
0x16b: {  	vm1 =	vge.f32 v25, $0.0e+00;
	vm2 =	vge.f32 v32, $0.0e+00;
	v31 =	vmul.f32 $2.000000030e-01, v32;
	v23 =	vld.idx.msk [tilespmem:v35+s10+$0x0], $0xffff  }
0x16c: {  	v19 =	vsel vm0, v33, v19;
	v33 =	vsel vm1, v25, v26;
	v24 =	vld.idx.msk [tilespmem:v18+s11+$0x0], $0xffff;
	(erf) = vpow2.f32 v30  }
0x16d: {  	s23 =	sadd.s32 $0x8, s23;
	v26 =	vmul.f32 $1.442695020e+00, v19;
	v19 =	vmul.f32 $1.442695020e+00, v33;
	v30 =	vsel vm2, v32, v31;
	v25 =	vld.idx.msk [tilespmem:v20+s11+$0x0], $0xffff  }
0x16e: {  	_ =	sdelay $0x1  }
0x16f: {  	v28 =	vadd.f32 v28, v29;
	_ =	sdelay $0x1  }
0x170: {  	v27 =	vld.idx.msk [tilespmem:v27+s10+$0x0], $0xffff;
	v29 =	vmul.f32 $2.000000030e-01, v28  }
0x171: {  	v31 =	vld.idx.msk [tilespmem:v21+s11+$0x0], $0xffff;
	vm0 =	vge.f32 v28, $0.0e+00  }
0x172: {  	v28 =	vsel vm0, v28, v29  }
0x173: {  	v22 =	vadd.f32 v24, v22;
	v28 =	vmul.f32 $1.442695020e+00, v28  }
0x174: {  	v61 =	vmul.f32 $1.442695020e+00, v30  }
0x175: {  	v23 =	vadd.f32 v25, v23;
	v63 =	vmul.f32 $2.000000030e-01, v22;
	(erf) = vpow2.f32 v28  }
0x176: {  	v62 =	vadd.f32 v31, v27;
	vm14 =	vge.f32 v22, $0.0e+00;
	(erf) = vpow2.f32 v26  }
0x177: {  	v22 =	vsel vm14, v22, v63;
	(erf) = vpow2.f32 v19;
	v19 =	vmul.f32 $2.000000030e-01, v23  }
0x178: {  	vm1 =	vge.f32 v23, $0.0e+00;
	v27 =	vmul.f32 $2.000000030e-01, v62;
	v22 =	vmul.f32 $1.442695020e+00, v22  }
0x179: {  	vm15 =	vge.f32 v62, $0.0e+00;
	v19 =	vsel vm1, v23, v19  }
0x17a: {  	(erf) = vpow2.f32 v61;
	v23 =	vsel vm15, v62, v27;
	v19 =	vmul.f32 $1.442695020e+00, v19  }
0x17b: {  	(erf) = vpow2.f32 v22;
	v23 =	vmul.f32 $1.442695020e+00, v23  }
0x17c: {  	v22 =	vpop (erf);
	(erf) = vpow2.f32 v19  }
0x17d: {  	[tilespmem:v13+s13+$0x0] =	vst.idx.msk $0xffff, v22;
	v13 =	vpop (erf);
	(erf) = vpow2.f32 v23  }
0x17e: {  	[tilespmem:v12+s13+$0x0] =	vst.idx.msk $0xffff, v13;
	v19 =	vpop (erf)  }
0x17f: {  	v12 =	vpop (erf);
	[tilespmem:v11+s13+$0x0] =	vst.idx.msk $0xffff, v19  }
0x180: {  	s1 =	simm.s32 $0x0;
	v11 =	vpop (erf);
	[tilespmem:v10+s13+$0x0] =	vst.idx.msk $0xffff, v12  }
0x181: {  	v10 =	vpop (erf);
	[tilespmem:v14+s13+$0x0] =	vst.idx.msk $0xffff, v11;
	v14 =	vmov s1  }
0x182: {  	v11 =	vpop (erf);
	[tilespmem:v15+s13+$0x0] =	vst.idx.msk $0xffff, v10;
	v19 =	vshll.u32 v14, $0x3;
	v22 =	vmul.u32 $0x48, v14  }
0x183: {  	[tilespmem:v16+s13+$0x0] =	vst.idx.msk $0xffff, v11;
	v10 =	vpop (erf);
	v11 =	vor.u32 v2, v19  }
0x184: {  	p2 =	por $0x1, $0x1;
	[tilespmem:v17+s13+$0x0] =	vst.idx.msk $0xffff, v10;
	v10 =	vpop (erf);
	v13 =	vor.u32 v0, v22  }
.Ltmp8:
0x185: {  	[tilespmem:v18+s13+$0x0] =	vst.idx.msk $0xffff, v10;
	v10 =	vpop (erf);
	(pc) =	sbr.rel @!p2 .LBB2_15-.Ltmp8, $4  }
0x186: {  	s23 =	simm.s32 $0x1;
	[tilespmem:v20+s13+$0x0] =	vst.idx.msk $0xffff, v10;
	v10 =	vpop (erf)  }
0x187: {  	v20 =	vmov s23;
	[tilespmem:v21+s13+$0x0] =	vst.idx.msk $0xffff, v10  }
0x188: {  	v16 =	vshll.u32 v20, $0x3;
	v12 =	vld.idx.msk [tilespmem:v11+s13+$0x0], $0xffff  }
0x189: {  	s22 =	simm.s32 $0x2;
	p0 =	por $0x0, $0x0;
	p1 =	por $0x0, $0x0;
	v28 =	vmul.u32 $0x48, v20;
	v33 =	vor.u32 v2, v16;
	v15 =	vld.idx.msk [tilespmem:v13+s10+$0x0], $0xffff  }
0x18a: {  	_ = 	snop  }
0x18b: {  	v11 =	vadd.s32 v0, v28;
	_ =	sdelay $0x1  }
0x18c: {  	v29 =	vmov s22  }
0x18d: {  	v10 =	vshll.u32 v14, $0x6;
	v18 =	vshll.u32 v29, $0x3  }
0x18e: {  	v14 =	vld.idx.msk [tilespmem:v33+s13+$0x0], $0xffff;
	v23 =	vor.u32 v0, v10;
	v17 =	vor.u32 v2, v18  }
0x18f: {  	v25 =	vadd.s32 v4, v22;
	v21 =	vmul.u32 $0x48, v29;
	v11 =	vld.idx.msk [tilespmem:v11+s10+$0x0], $0xffff  }
0x190: {  	v13 =	vshll.u32 v20, $0x6;
	v27 =	vor.u32 v5, v19  }
0x191: {  	v31 =	vor.u32 v0, v13;
	v24 =	vor.u32 v0, v21;
	v15 =	vmul.f32 v12, v15  }
0x192: {  	v32 =	vadd.s32 v4, v28  }
0x193: {  	p2 =	por $0x1, $0x1;
	[tilespmem:v23+s12+$0x0] =	vst.idx.msk $0xffff, v15;
	v12 =	vld.idx.msk [tilespmem:v17+s13+$0x0], $0xffff;
	v17 =	vor.u32 v5, v16  }
.Ltmp9:
0x194: {  	v26 =	vld.idx.msk [tilespmem:v25+s10+$0x0], $0xffff;
	v11 =	vmul.f32 v14, v11;
	(pc) =	sbr.rel @!p2 .LBB2_17-.Ltmp9, $4  }
0x195: {  	s1 =	simm.s32 $0x3;
	v30 =	vld.idx.msk [tilespmem:v27+s13+$0x0], $0xffff  }
0x196: {  	v20 =	vmov s1;
	v15 =	vld.idx.msk [tilespmem:v24+s10+$0x0], $0xffff;
	[tilespmem:v31+s12+$0x0] =	vst.idx.msk $0xffff, v11  }
0x197: {  	v23 =	vshll.u32 v20, $0x3;
	v27 =	vld.idx.msk [tilespmem:v32+s10+$0x0], $0xffff  }
0x198: {  	s22 =	simm.s32 $0x4;
	p0 =	por $0x1, $0x1;
	v33 =	vor.u32 v2, v23;
	v24 =	vmul.u32 $0x48, v20;
	v32 =	vld.idx.msk [tilespmem:v17+s13+$0x0], $0xffff  }
0x199: {  	_ = 	snop  }
0x19a: {  	v31 =	vor.u32 v4, v10;
	v25 =	vadd.s32 v0, v24  }
0x19b: {  	v34 =	vadd.s32 v6, v22;
	v14 =	vmov s22  }
0x19c: {  	v35 =	vor.u32 v7, v19;
	v17 =	vshll.u32 v29, $0x6;
	v29 =	vshll.u32 v14, $0x3  }
0x19d: {  	v36 =	vor.u32 v4, v13;
	v26 =	vmul.f32 v30, v26;
	v38 =	vor.u32 v2, v29  }
0x19e: {  	v33 =	vld.idx.msk [tilespmem:v33+s13+$0x0], $0xffff;
	v30 =	vadd.s32 v6, v28;
	v11 =	vmul.u32 $0x48, v14  }
0x19f: {  	v37 =	vor.u32 v7, v16;
	[tilespmem:v31+s12+$0x0] =	vst.idx.msk $0xffff, v26;
	v25 =	vld.idx.msk [tilespmem:v25+s10+$0x0], $0xffff  }
0x1a0: {  	v26 =	vmul.f32 v32, v27;
	v27 =	vor.u32 v0, v17;
	v31 =	vor.u32 v0, v11;
	v61 =	vld.idx.msk [tilespmem:v34+s10+$0x0], $0xffff  }
0x1a1: {  	v62 =	vadd.s32 v4, v21;
	v39 =	vshll.u32 v20, $0x6;
	v63 =	vor.u32 v5, v18;
	v40 =	vld.idx.msk [tilespmem:v35+s13+$0x0], $0xffff  }
0x1a2: {  	v41 =	vor.u32 v0, v39;
	v15 =	vmul.f32 v12, v15;
	[tilespmem:v36+s12+$0x0] =	vst.idx.msk $0xffff, v26;
	v12 =	vld.idx.msk [tilespmem:v38+s13+$0x0], $0xffff  }
0x1a3: {  	v43 =	vadd.s32 v4, v24;
	v42 =	vld.idx.msk [tilespmem:v30+s10+$0x0], $0xffff  }
0x1a4: {  	v45 =	vor.u32 v5, v23;
	v46 =	vor.u32 v6, v10;
	p2 =	por $0x1, $0x1;
	v44 =	vld.idx.msk [tilespmem:v37+s13+$0x0], $0xffff  }
.Ltmp10:
0x1a5: {  	v37 =	vadd.s32 v8, v22;
	[tilespmem:v27+s12+$0x0] =	vst.idx.msk $0xffff, v15;
	v15 =	vld.idx.msk [tilespmem:v31+s10+$0x0], $0xffff;
	v25 =	vmul.f32 v33, v25;
	(pc) =	sbr.rel @!p2 .LBB2_19-.Ltmp10, $4  }
0x1a6: {  	s1 =	simm.s32 $0x5;
	v35 =	vor.u32 v6, v13;
	v34 =	vadd.s32 v8, v28;
	v26 =	vld.idx.msk [tilespmem:v62+s10+$0x0], $0xffff  }
0x1a7: {  	v20 =	vmov s1;
	v38 =	vor.u32 v9, v19;
	v30 =	vld.idx.msk [tilespmem:v63+s13+$0x0], $0xffff;
	v22 =	vmul.f32 v40, v61;
	[tilespmem:v41+s12+$0x0] =	vst.idx.msk $0xffff, v25  }
0x1a8: {  	v19 =	vshll.u32 v20, $0x3;
	v31 =	vor.u32 v9, v16;
	v25 =	vmul.u32 $0x48, v20;
	v27 =	vld.idx.msk [tilespmem:v43+s10+$0x0], $0xffff  }
0x1a9: {  	s22 =	simm.s32 $0x6;
	p1 =	por $0x1, $0x1;
	v33 =	vor.u32 v2, v19;
	[tilespmem:v46+s12+$0x0] =	vst.idx.msk $0xffff, v22;
	v40 =	vmul.f32 v44, v42;
	v32 =	vld.idx.msk [tilespmem:v45+s13+$0x0], $0xffff  }
.LBB2_20:
0x1aa: {  	v16 =	vadd.s32 v0, v25;
	v22 =	vor.u32 v4, v17;
	v28 =	vld.idx.msk [tilespmem:v37+s10+$0x0], $0xffff;
	v36 =	vmovc v11;
	v37 =	vmov v13  }
0x1ab: {  	p2 =	slt.u32 s22, $0x7E;
	v13 =	vmovc v39;
	v41 =	vmovc v24;
	v24 =	vmov v25;
	v42 =	vmov v23;
	v23 =	vmov v19  }
0x1ac: {  	v19 =	vshll.u32 v14, $0x6;
	v14 =	vmov s22;
	v25 =	vadd.s32 v6, v21;
	v38 =	vld.idx.msk [tilespmem:v38+s13+$0x0], $0xffff;
	[tilespmem:v35+s12+$0x0] =	vst.idx.msk $0xffff, v40  }
0x1ad: {  	v40 =	vshll.u32 v14, $0x3;
	v35 =	vor.u32 v7, v18;
	v43 =	vor.u32 v4, v13;
	v34 =	vld.idx.msk [tilespmem:v34+s10+$0x0], $0xffff  }
0x1ae: {  	v11 =	vmul.u32 $0x48, v14;
	v26 =	vmul.f32 v30, v26;
	v30 =	vadd.s32 v6, v41;
	v31 =	vld.idx.msk [tilespmem:v31+s13+$0x0], $0xffff  }
0x1af: {  	v46 =	vor.u32 v8, v10;
	v44 =	vor.u32 v0, v19;
	v45 =	vor.u32 v7, v42;
	v33 =	vld.idx.msk [tilespmem:v33+s13+$0x0], $0xffff  }
0x1b0: {  	v47 =	vor.u32 v2, v40;
	v48 =	vmul.f32 v32, v27;
	v16 =	vld.idx.msk [tilespmem:v16+s10+$0x0], $0xffff;
	[tilespmem:v22+s12+$0x0] =	vst.idx.msk $0xffff, v26  }
0x1b1: {  	v27 =	vor.u32 v8, v37;
	v22 =	vor.u32 v0, v11;
	v26 =	vadd.s32 v4, v36;
	v25 =	vld.idx.msk [tilespmem:v25+s10+$0x0], $0xffff  }
0x1b2: {  	v12 =	vmul.f32 v12, v15;
	v39 =	vshll.u32 v20, $0x6;
	v10 =	vmov v17;
	v32 =	vld.idx.msk [tilespmem:v35+s13+$0x0], $0xffff;
	[tilespmem:v43+s12+$0x0] =	vst.idx.msk $0xffff, v48  }
0x1b3: {  	v15 =	vmul.f32 v38, v28;
	v43 =	vor.u32 v5, v29;
	v48 =	vor.u32 v0, v39;
	v49 =	vld.idx.msk [tilespmem:v30+s10+$0x0], $0xffff  }
0x1b4: {  	v28 =	vadd.s32 v4, v24;
	v20 =	vmul.f32 v31, v34;
	[tilespmem:v44+s12+$0x0] =	vst.idx.msk $0xffff, v12;
	v44 =	vld.idx.msk [tilespmem:v45+s13+$0x0], $0xffff  }
0x1b5: {  	v45 =	vor.u32 v5, v23;
	v12 =	vld.idx.msk [tilespmem:v47+s13+$0x0], $0xffff;
	v47 =	vor.u32 v6, v10;
	[tilespmem:v46+s12+$0x0] =	vst.idx.msk $0xffff, v15  }
.Ltmp11:
0x1b6: {  	v37 =	vadd.s32 v8, v21;
	v16 =	vmul.f32 v33, v16;
	v15 =	vld.idx.msk [tilespmem:v22+s10+$0x0], $0xffff;
	[tilespmem:v27+s12+$0x0] =	vst.idx.msk $0xffff, v20;
	(pc) =	sbr.rel @p2 .LBB2_20-.Ltmp11, $4  }
0x1b7: {  	s1 =	sadd.s32 $0x1, s22;
	v17 =	vmovc v19;
	v38 =	vor.u32 v9, v18;
	v18 =	vmov v29;
	v35 =	vor.u32 v6, v13;
	v26 =	vld.idx.msk [tilespmem:v26+s10+$0x0], $0xffff  }
0x1b8: {  	v34 =	vadd.s32 v8, v41;
	v20 =	vmov s1;
	v30 =	vld.idx.msk [tilespmem:v43+s13+$0x0], $0xffff;
	[tilespmem:v48+s12+$0x0] =	vst.idx.msk $0xffff, v16;
	v16 =	vmul.f32 v32, v25  }
0x1b9: {  	v21 =	vmovc v36;
	v29 =	vmovc v40;
	v31 =	vor.u32 v9, v42;
	v19 =	vshll.u32 v20, $0x3;
	v25 =	vmul.u32 $0x48, v20;
	v27 =	vld.idx.msk [tilespmem:v28+s10+$0x0], $0xffff  }
0x1ba: {  	s22 =	sadd.s32 $0x2, s22;
	v33 =	vor.u32 v2, v19;
	v40 =	vmul.f32 v44, v49;
	v32 =	vld.idx.msk [tilespmem:v45+s13+$0x0], $0xffff;
	[tilespmem:v47+s12+$0x0] =	vst.idx.msk $0xffff, v16  }
0x1bb: {  	v36 =	vmov v13;
	v13 =	vmov v39;
	v28 =	vmov v24  }
0x1bc: {  	v41 =	vmovc v23;
	v16 =	vmovc v19;
	v22 =	vmov v21;
	v39 =	vmov v18;
	v19 =	vmov v29  }
.LBB2_22:
0x1bd: {  	v18 =	vadd.s32 v0, v25;
	_ =	sdelay $0x2  }
0x1be: {  	v14 =	vshll.u32 v14, $0x6  }
0x1bf: {  	v23 =	vld.idx.msk [tilespmem:v33+s13+$0x0], $0xffff;
	v21 =	vor.u32 v0, v14  }
0x1c0: {  	v18 =	vld.idx.msk [tilespmem:v18+s10+$0x0], $0xffff  }
0x1c1: {  	v24 =	vadd.s32 v4, v11;
	v20 =	vshll.u32 v20, $0x6  }
0x1c2: {  	v12 =	vmul.f32 v12, v15;
	v15 =	vor.u32 v5, v19;
	v29 =	vor.u32 v0, v20  }
0x1c3: {  	v51 =	vadd.s32 v4, v25  }
0x1c4: {  	v42 =	vor.u32 @p0 v4, v17;
	[tilespmem:v21+s12+$0x0] =	vst.idx.msk $0xffff, v12;
	v12 =	vor.u32 v5, v16  }
0x1c5: {  	v37 =	vld.idx.msk @p1 [tilespmem:v37+s10+$0x0], $0xffff;
	v21 =	vmov @p0 v28;
	v28 =	vadd.s32 @p0 v6, v22;
	v18 =	vmul.f32 v23, v18  }
0x1c6: {  	v26 =	vmul.f32 @p0 v30, v26;
	v30 =	vor.u32 @p0 v4, v13;
	v24 =	vld.idx.msk [tilespmem:v24+s10+$0x0], $0xffff;
	v23 =	vor.u32 @p0 v7, v39  }
0x1c7: {  	v15 =	vld.idx.msk [tilespmem:v15+s13+$0x0], $0xffff;
	[tilespmem:v29+s12+$0x0] =	vst.idx.msk $0xffff, v18;
	v18 =	vadd.s32 @p0 v6, v21  }
0x1c8: {  	v29 =	vor.u32 @p0 v7, v41;
	v33 =	vld.idx.msk [tilespmem:v51+s10+$0x0], $0xffff  }
0x1c9: {  	[tilespmem:v42+s12+$0x0] =	vst.idx.msk @p0 $0xffff, v26;
	v26 =	vmul.f32 @p0 v32, v27;
	v27 =	vor.u32 v4, v14;
	v12 =	vld.idx.msk [tilespmem:v12+s13+$0x0], $0xffff  }
0x1ca: {  	v52 =	vadd.s32 v6, v11;
	v28 =	vld.idx.msk @p0 [tilespmem:v28+s10+$0x0], $0xffff  }
0x1cb: {  	[tilespmem:v30+s12+$0x0] =	vst.idx.msk @p0 $0xffff, v26;
	v26 =	vor.u32 v7, v19;
	v30 =	vor.u32 v4, v20;
	v23 =	vld.idx.msk @p0 [tilespmem:v23+s13+$0x0], $0xffff  }
0x1cc: {  	v15 =	vmul.f32 v15, v24;
	v24 =	vadd.s32 v6, v25;
	v18 =	vld.idx.msk @p0 [tilespmem:v18+s10+$0x0], $0xffff  }
0x1cd: {  	[tilespmem:v35+s12+$0x0] =	vst.idx.msk @p1 $0xffff, v40;
	v35 =	vor.u32 @p0 v6, v17;
	v53 =	vor.u32 v7, v16;
	v29 =	vld.idx.msk @p0 [tilespmem:v29+s13+$0x0], $0xffff  }
0x1ce: {  	v38 =	vld.idx.msk @p1 [tilespmem:v38+s13+$0x0], $0xffff;
	v22 =	vadd.s32 @p0 v8, v22;
	[tilespmem:v27+s12+$0x0] =	vst.idx.msk $0xffff, v15;
	v12 =	vmul.f32 v12, v33  }
0x1cf: {  	v22 =	vpsel p0, v22, v0;
	v39 =	vor.u32 @p0 v9, v39;
	v15 =	vor.u32 @p0 v6, v13;
	v27 =	vld.idx.msk [tilespmem:v52+s10+$0x0], $0xffff  }
0x1d0: {  	v21 =	vadd.s32 @p0 v8, v21;
	v15 =	vpsel p0, v15, v0;
	v26 =	vld.idx.msk [tilespmem:v26+s13+$0x0], $0xffff;
	[tilespmem:v30+s12+$0x0] =	vst.idx.msk $0xffff, v12  }
0x1d1: {  	v32 =	vpsel p0, v39, v0;
	v21 =	vpsel p0, v21, v0;
	v12 =	vmul.f32 @p0 v23, v28;
	v24 =	vld.idx.msk [tilespmem:v24+s10+$0x0], $0xffff  }
0x1d2: {  	v23 =	vor.u32 @p0 v9, v41;
	v28 =	vld.idx.msk [tilespmem:v53+s13+$0x0], $0xffff;
	v18 =	vmul.f32 @p0 v29, v18;
	v29 =	vor.u32 v6, v14  }
0x1d3: {  	v11 =	vadd.s32 v8, v11;
	v34 =	vld.idx.msk @p1 [tilespmem:v34+s10+$0x0], $0xffff;
	v23 =	vpsel p0, v23, v0  }
0x1d4: {  	v19 =	vor.u32 v9, v19;
	v30 =	vld.idx.msk @p1 [tilespmem:v31+s13+$0x0], $0xffff;
	[tilespmem:v35+s12+$0x0] =	vst.idx.msk @p0 $0xffff, v12;
	v12 =	vpsel p0, v18, v0  }
0x1d5: {  	v18 =	vld.idx.msk @p0 [tilespmem:v22+s10+$0x0], $0xffff;
	v22 =	vor.u32 v6, v20;
	[tilespmem:v15+s12+$0x0] =	vst.idx.msk @p0 $0xffff, v12;
	v12 =	vmul.f32 v26, v27  }
0x1d6: {  	v31 =	vld.idx.msk @p0 [tilespmem:v32+s13+$0x0], $0xffff;
	v15 =	vadd.s32 v8, v25  }
0x1d7: {  	v16 =	vor.u32 v9, v16;
	v21 =	vld.idx.msk @p0 [tilespmem:v21+s10+$0x0], $0xffff;
	[tilespmem:v29+s12+$0x0] =	vst.idx.msk $0xffff, v12;
	v12 =	vmul.f32 v28, v24  }
0x1d8: {  	v23 =	vld.idx.msk @p0 [tilespmem:v23+s13+$0x0], $0xffff  }
0x1d9: {  	v10 =	vor.u32 @p1 v8, v10;
	v17 =	vpsel p0, v17, v0;
	v25 =	vmov @p1 v36;
	v11 =	vld.idx.msk [tilespmem:v11+s10+$0x0], $0xffff  }
0x1da: {  	v13 =	vpsel p0, v13, v0;
	v24 =	vor.u32 @p1 v8, v25;
	v19 =	vld.idx.msk [tilespmem:v19+s13+$0x0], $0xffff;
	[tilespmem:v22+s12+$0x0] =	vst.idx.msk $0xffff, v12  }
0x1db: {  	v15 =	vld.idx.msk [tilespmem:v15+s10+$0x0], $0xffff;
	v12 =	vmov @p0 v13;
	v13 =	vor.u32 @p0 v8, v17  }
0x1dc: {  	v16 =	vld.idx.msk [tilespmem:v16+s13+$0x0], $0xffff;
	v17 =	vmul.f32 @p1 v38, v37;
	v12 =	vor.u32 @p0 v8, v12  }
0x1dd: {  	v14 =	vor.u32 v8, v14;
	v22 =	vmul.f32 @p1 v30, v34  }
0x1de: {  	[tilespmem:v10+s12+$0x0] =	vst.idx.msk @p1 $0xffff, v17;
	v10 =	vmul.f32 @p0 v31, v18;
	v17 =	vor.u32 v8, v20  }
0x1df: {  	[tilespmem:v24+s12+$0x0] =	vst.idx.msk @p1 $0xffff, v22;
	v18 =	vmul.f32 @p0 v23, v21  }
0x1e0: {  	[tilespmem:v13+s12+$0x0] =	vst.idx.msk @p0 $0xffff, v10;
	v10 =	vmul.f32 v19, v11  }
0x1e1: {  	v11 =	vmul.f32 v16, v15;
	[tilespmem:v12+s12+$0x0] =	vst.idx.msk @p0 $0xffff, v18  }
0x1e2: {  	[tilespmem:v14+s12+$0x0] =	vst.idx.msk $0xffff, v10  }
0x1e3: {  	s1 =	rddreg [dreg:$0x2];
	s3 =	simm.s32 $0x4D80;
	[tilespmem:v17+s12+$0x0] =	vst.idx.msk $0xffff, v11  }
0x1e4: {  	[spmem:s1] =	stream.indirect.scatter.add.f32 [tilespmem:s12], [sflag:$0x7], $0x40, s3, s29, $0xb8;
	[tilespmem:$0x1E800] =	vst v63  }
0x1e5: {  	s22 =	simm.s32 $0x4;
	s23 =	simm.s32 $0x9  }
0x1e6: {  	v10 =	vor.u32 s22, v2;
	[spmem:s2] =	stream.indirect.scatter.add.f32 [tilespmem:s13], [sflag:$0x8], $0x8, s3, s29, $0xb8;
	[tilespmem:$0x1E800] =	vst v63  }
0x1e7: {  	s22 =	simm.s32 $0x2;
	v11 =	vmul.u32 $0x48, v10;
	v10 =	vshll.u32 v10, $0x3;
	_ =	swait.ge [sflag:s23], $0x2400  }
0x1e8: {  	v12 =	vor.u32 s22, v2;
	v19 =	vor.u32 v1, v10;
	s3 =	simm.s32 $0x0;
	[sflag:s23] =	ssyncset.done $0x0  }
0x1e9: {  	s4 =	simm.s32 $0xA;
	v14 =	vmul.u32 $0x48, v12;
	v10 =	vadd.s32 v3, v11;
	v11 =	vor.u32 s3, v2;
	[sflag:s23] =	ssyncadd.s32 $0xFFFFDC00  }
0x1ea: {  	v13 =	vmul.u32 $0x48, v11;
	_ =	swait.ge [sflag:s4], $0x400  }
0x1eb: {  	v14 =	vadd.s32 v3, v14;
	[sflag:s4] =	ssyncset.done $0x0  }
0x1ec: {  	v18 =	vshll.u32 v12, $0x3;
	v11 =	vshll.u32 v11, $0x3;
	s23 =	simm.s32 $0x6;
	v13 =	vadd.s32 v3, v13;
	[sflag:s4] =	ssyncadd.s32 $0xFFFFFC00  }
0x1ed: {  	v12 =	vor.u32 v1, v11;
	v11 =	vor.u32 v1, v18;
	v16 =	vor.u32 s23, v2;
	v15 =	vld.idx.msk [tilespmem:v19+s17+$0x0], $0xffff  }
0x1ee: {  	v17 =	vld.idx.msk [tilespmem:v10+s16+$0x0], $0xffff;
	v10 =	vmul.u32 $0x48, v16;
	_ =	sdelay $0x1  }
0x1ef: {  	s4 =	simm.s32 $0xC;
	v16 =	vshll.u32 v16, $0x3;
	v14 =	vld.idx.msk [tilespmem:v14+s16+$0x0], $0xffff;
	v18 =	vadd.s32 v3, v10  }
0x1f0: {  	s3 =	simm.s32 $0xE;
	v10 =	vor.u32 v1, v16;
	v16 =	vld.idx.msk [tilespmem:v13+s16+$0x0], $0xffff;
	v13 =	vor.u32 s4, v2  }
0x1f1: {  	s22 =	simm.s32 $0xA;
	v20 =	vor.u32 s3, v2;
	v23 =	vld.idx.msk [tilespmem:v11+s17+$0x0], $0xffff;
	v22 =	vmul.u32 $0x48, v13  }
0x1f2: {  	v21 =	vor.u32 s22, v2;
	v27 =	vmul.u32 $0x48, v20;
	s23 =	simm.s32 $0x8;
	v15 =	vadd.f32 v15, v17  }
0x1f3: {  	v25 =	vor.u32 s23, v2;
	v13 =	vshll.u32 v13, $0x3;
	v17 =	vld.idx.msk [tilespmem:v12+s17+$0x0], $0xffff;
	v22 =	vadd.s32 v3, v22  }
0x1f4: {  	s23 =	simm.s32 $0x10;
	v26 =	vmul.u32 $0x48, v25;
	v13 =	vor.u32 v1, v13;
	v24 =	vmul.f32 $2.000000030e-01, v15;
	v18 =	vld.idx.msk [tilespmem:v18+s16+$0x0], $0xffff  }
0x1f5: {  	v20 =	vshll.u32 v20, $0x3;
	v55 =	vor.u32 s23, v2;
	vm0 =	vge.f32 v15, $0.0e+00;
	v28 =	vld.idx.msk [tilespmem:v10+s17+$0x0], $0xffff  }
0x1f6: {  	v26 =	vadd.s32 v3, v26;
	v14 =	vadd.f32 v23, v14;
	v15 =	vsel vm0, v15, v24  }
0x1f7: {  	v24 =	vshll.u32 v25, $0x3;
	v25 =	vmul.u32 $0x48, v21;
	v21 =	vshll.u32 v21, $0x3  }
0x1f8: {  	v29 =	vmul.f32 $1.442695020e+00, v15;
	v15 =	vor.u32 v1, v24;
	v30 =	vadd.f32 v17, v16;
	v22 =	vld.idx.msk [tilespmem:v22+s16+$0x0], $0xffff  }
0x1f9: {  	v16 =	vor.u32 v1, v21;
	v21 =	vadd.s32 v3, v27;
	v24 =	vadd.s32 v3, v25;
	v25 =	vld.idx.msk [tilespmem:v13+s17+$0x0], $0xffff  }
0x1fa: {  	vm1 =	vge.f32 v14, $0.0e+00;
	v27 =	vmul.f32 $2.000000030e-01, v14;
	v18 =	vadd.f32 v28, v18  }
0x1fb: {  	v17 =	vor.u32 v1, v20;
	(erf) = vpow2.f32 v29;
	v23 =	vmul.f32 $2.000000030e-01, v30  }
0x1fc: {  	vm11 =	vge.f32 v30, $0.0e+00;
	v14 =	vsel vm1, v14, v27;
	v20 =	vmul.f32 $2.000000030e-01, v18  }
0x1fd: {  	v23 =	vsel vm11, v30, v23;
	vm12 =	vge.f32 v18, $0.0e+00;
	v30 =	vmul.f32 $1.442695020e+00, v14  }
0x1fe: {  	s3 =	simm.s32 $0x16;
	s4 =	simm.s32 $0x12;
	v23 =	vmul.f32 $1.442695020e+00, v23;
	v56 =	vld.idx.msk [tilespmem:v21+s16+$0x0], $0xffff;
	v14 =	vsel vm12, v18, v20;
	v20 =	vadd.f32 v25, v22  }
0x1ff: {  	s22 =	simm.s32 $0x14;
	v21 =	vmul.u32 $0x48, v55;
	v18 =	vor.u32 s3, v2;
	v22 =	vld.idx.msk [tilespmem:v24+s16+$0x0], $0xffff;
	v24 =	vor.u32 s4, v2  }
0x200: {  	v26 =	vld.idx.msk [tilespmem:v26+s16+$0x0], $0xffff;
	v25 =	vmul.f32 $1.442695020e+00, v14;
	v14 =	vor.u32 s22, v2;
	v54 =	vmul.f32 $2.000000030e-01, v20  }
0x201: {  	v29 =	vld.idx.msk [tilespmem:v15+s17+$0x0], $0xffff;
	v28 =	vmul.u32 $0x48, v14;
	v14 =	vshll.u32 v14, $0x3;
	vm13 =	vge.f32 v20, $0.0e+00  }
0x202: {  	v31 =	vld.idx.msk [tilespmem:v16+s17+$0x0], $0xffff;
	v27 =	vmul.u32 $0x48, v18;
	v14 =	vor.u32 v1, v14;
	v20 =	vsel vm13, v20, v54  }
0x203: {  	v58 =	vld.idx.msk [tilespmem:v17+s17+$0x0], $0xffff;
	v59 =	vmul.u32 $0x48, v24;
	v57 =	vadd.s32 v3, v28;
	v20 =	vmul.f32 $1.442695020e+00, v20  }
0x204: {  	v60 =	vadd.s32 v3, v21;
	v21 =	vshll.u32 v24, $0x3;
	v24 =	vshll.u32 v18, $0x3  }
0x205: {  	v32 =	vadd.s32 v3, v59;
	v28 =	vshll.u32 v55, $0x3;
	(erf) = vpow2.f32 v20  }
0x206: {  	v27 =	vadd.s32 v3, v27;
	v26 =	vadd.f32 v29, v26;
	v18 =	vor.u32 v1, v28  }
0x207: {  	v31 =	vadd.f32 v31, v22;
	v20 =	vor.u32 v1, v21;
	v28 =	vld.idx.msk [tilespmem:v14+s17+$0x0], $0xffff;
	(erf) = vpow2.f32 v23  }
0x208: {  	v34 =	vadd.f32 v58, v56;
	vm14 =	vge.f32 v26, $0.0e+00;
	v29 =	vld.idx.msk [tilespmem:v57+s16+$0x0], $0xffff;
	(erf) = vpow2.f32 v30  }
0x209: {  	v22 =	vld.idx.msk [tilespmem:v60+s16+$0x0], $0xffff;
	v21 =	vor.u32 v1, v24;
	v61 =	vmul.f32 $2.000000030e-01, v31;
	v30 =	vmul.f32 $2.000000030e-01, v26  }
0x20a: {  	vm2 =	vge.f32 v34, $0.0e+00;
	v62 =	vmul.f32 $2.000000030e-01, v34;
	vm15 =	vge.f32 v31, $0.0e+00;
	v23 =	vld.idx.msk [tilespmem:v32+s16+$0x0], $0xffff  }
0x20b: {  	v63 =	vpop (erf);
	v24 =	vld.idx.msk [tilespmem:v18+s17+$0x0], $0xffff;
	(erf) = vpow2.f32 v25;
	v26 =	vsel vm14, v26, v30;
	v30 =	vsel vm15, v31, v61  }
0x20c: {  	s23 =	simm.s32 $0x1E;
	s22 =	simm.s32 $0x8;
	[tilespmem:v19+s14+$0x0] =	vst.idx.msk $0xffff, v63;
	v25 =	vld.idx.msk [tilespmem:v20+s17+$0x0], $0xffff;
	v26 =	vmul.f32 $1.442695020e+00, v26;
	v19 =	vmul.f32 $1.442695020e+00, v30;
	v30 =	vsel vm2, v34, v62  }
.LBB2_23:
0x20d: {  	s1 =	sadd.s32 $0xFFFFFFFC, s23;
	s3 =	sadd.s32 $0xFFFFFFFE, s23;
	v31 =	vor.u32 s23, v2;
	s22 =	sadd.s32 $0x4, s22;
	v28 =	vadd.f32 v28, v29;
	v32 =	vld.idx.msk [tilespmem:v27+s16+$0x0], $0xffff;
	v30 =	vmul.f32 $1.442695020e+00, v30  }
0x20e: {  	s4 =	sadd.s32 $0xFFFFFFFA, s23;
	v27 =	vor.u32 s1, v2;
	v39 =	vor.u32 s3, v2;
	v33 =	vmul.u32 $0x48, v31;
	p0 =	slt.u32 s22, $0x3C;
	v34 =	vld.idx.msk [tilespmem:v21+s17+$0x0], $0xffff;
	v35 =	vpop (erf)  }
0x20f: {  	v36 =	vmul.u32 $0x48, v39;
	v38 =	vshll.u32 v39, $0x3;
	v37 =	vmul.f32 $2.000000030e-01, v28;
	[tilespmem:v13+s14+$0x0] =	vst.idx.msk $0xffff, v35;
	v13 =	vmovc v14  }
0x210: {  	v35 =	vor.u32 s4, v2;
	vm0 =	vge.f32 v28, $0.0e+00;
	v14 =	vor.u32 v1, v38;
	v29 =	vpop (erf)  }
0x211: {  	v39 =	vmul.u32 $0x48, v35;
	v36 =	vadd.s32 v3, v36;
	v28 =	vsel vm0, v28, v37;
	[tilespmem:v12+s14+$0x0] =	vst.idx.msk $0xffff, v29;
	v12 =	vpop (erf)  }
0x212: {  	v29 =	vshll.u32 v35, $0x3;
	v35 =	vmul.u32 $0x48, v27;
	v28 =	vmul.f32 $1.442695020e+00, v28;
	[tilespmem:v11+s14+$0x0] =	vst.idx.msk $0xffff, v12;
	v12 =	vmovc v15;
	v15 =	vmovc v18  }
0x213: {  	v31 =	vshll.u32 v31, $0x3;
	v27 =	vshll.u32 v27, $0x3;
	v37 =	vadd.s32 v3, v39;
	v11 =	vmovc v16;
	v16 =	vmovc v20  }
0x214: {  	v18 =	vor.u32 v1, v29;
	v35 =	vadd.s32 v3, v35;
	(erf) = vpow2.f32 v28;
	v38 =	vpop (erf)  }
0x215: {  	v31 =	vor.u32 v1, v31;
	v20 =	vor.u32 v1, v27;
	v27 =	vadd.s32 v3, v33;
	v28 =	vld.idx.msk [tilespmem:v14+s17+$0x0], $0xffff  }
0x216: {  	v25 =	vadd.f32 v25, v23;
	v33 =	vadd.f32 v24, v22;
	v29 =	vld.idx.msk [tilespmem:v36+s16+$0x0], $0xffff;
	(erf) = vpow2.f32 v26  }
.Ltmp12:
0x217: {  	v32 =	vadd.f32 v34, v32;
	(erf) = vpow2.f32 v19;
	[tilespmem:v10+s14+$0x0] =	vst.idx.msk $0xffff, v38;
	v10 =	vmovc v17;
	v17 =	vmov v21;
	(pc) =	sbr.rel @p0 .LBB2_23-.Ltmp12, $4  }
0x218: {  	vm0 =	vge.f32 v33, $0.0e+00;
	v26 =	vmul.f32 $2.000000030e-01, v25;
	v19 =	vmul.f32 $2.000000030e-01, v33;
	v21 =	vmovc v31;
	v22 =	vld.idx.msk [tilespmem:v37+s16+$0x0], $0xffff  }
0x219: {  	vm1 =	vge.f32 v25, $0.0e+00;
	vm2 =	vge.f32 v32, $0.0e+00;
	v31 =	vmul.f32 $2.000000030e-01, v32;
	v23 =	vld.idx.msk [tilespmem:v35+s16+$0x0], $0xffff  }
0x21a: {  	v19 =	vsel vm0, v33, v19;
	v33 =	vsel vm1, v25, v26;
	v24 =	vld.idx.msk [tilespmem:v18+s17+$0x0], $0xffff;
	(erf) = vpow2.f32 v30  }
0x21b: {  	s23 =	sadd.s32 $0x8, s23;
	v26 =	vmul.f32 $1.442695020e+00, v19;
	v19 =	vmul.f32 $1.442695020e+00, v33;
	v30 =	vsel vm2, v32, v31;
	v25 =	vld.idx.msk [tilespmem:v20+s17+$0x0], $0xffff  }
0x21c: {  	_ =	sdelay $0x1  }
0x21d: {  	v28 =	vadd.f32 v28, v29;
	_ =	sdelay $0x1  }
0x21e: {  	v27 =	vld.idx.msk [tilespmem:v27+s16+$0x0], $0xffff;
	v29 =	vmul.f32 $2.000000030e-01, v28  }
0x21f: {  	v31 =	vld.idx.msk [tilespmem:v21+s17+$0x0], $0xffff;
	vm0 =	vge.f32 v28, $0.0e+00  }
0x220: {  	v28 =	vsel vm0, v28, v29  }
0x221: {  	v22 =	vadd.f32 v24, v22;
	v28 =	vmul.f32 $1.442695020e+00, v28  }
0x222: {  	v61 =	vmul.f32 $1.442695020e+00, v30  }
0x223: {  	v23 =	vadd.f32 v25, v23;
	v63 =	vmul.f32 $2.000000030e-01, v22;
	(erf) = vpow2.f32 v28  }
0x224: {  	v62 =	vadd.f32 v31, v27;
	vm14 =	vge.f32 v22, $0.0e+00;
	(erf) = vpow2.f32 v26  }
0x225: {  	v22 =	vsel vm14, v22, v63;
	(erf) = vpow2.f32 v19;
	v19 =	vmul.f32 $2.000000030e-01, v23  }
0x226: {  	vm1 =	vge.f32 v23, $0.0e+00;
	v27 =	vmul.f32 $2.000000030e-01, v62;
	v22 =	vmul.f32 $1.442695020e+00, v22  }
0x227: {  	vm15 =	vge.f32 v62, $0.0e+00;
	v19 =	vsel vm1, v23, v19  }
0x228: {  	(erf) = vpow2.f32 v61;
	v23 =	vsel vm15, v62, v27;
	v19 =	vmul.f32 $1.442695020e+00, v19  }
0x229: {  	(erf) = vpow2.f32 v22;
	v23 =	vmul.f32 $1.442695020e+00, v23  }
0x22a: {  	v22 =	vpop (erf);
	(erf) = vpow2.f32 v19  }
0x22b: {  	[tilespmem:v13+s14+$0x0] =	vst.idx.msk $0xffff, v22;
	v13 =	vpop (erf);
	(erf) = vpow2.f32 v23  }
0x22c: {  	[tilespmem:v12+s14+$0x0] =	vst.idx.msk $0xffff, v13;
	v19 =	vpop (erf)  }
0x22d: {  	v12 =	vpop (erf);
	[tilespmem:v11+s14+$0x0] =	vst.idx.msk $0xffff, v19  }
0x22e: {  	s1 =	simm.s32 $0x0;
	v11 =	vpop (erf);
	[tilespmem:v10+s14+$0x0] =	vst.idx.msk $0xffff, v12  }
0x22f: {  	v10 =	vpop (erf);
	[tilespmem:v14+s14+$0x0] =	vst.idx.msk $0xffff, v11;
	v14 =	vmov s1  }
0x230: {  	v11 =	vpop (erf);
	[tilespmem:v15+s14+$0x0] =	vst.idx.msk $0xffff, v10;
	v19 =	vshll.u32 v14, $0x3;
	v22 =	vmul.u32 $0x48, v14  }
0x231: {  	[tilespmem:v16+s14+$0x0] =	vst.idx.msk $0xffff, v11;
	v10 =	vpop (erf);
	v11 =	vor.u32 v2, v19  }
0x232: {  	p2 =	por $0x1, $0x1;
	[tilespmem:v17+s14+$0x0] =	vst.idx.msk $0xffff, v10;
	v10 =	vpop (erf);
	v13 =	vor.u32 v0, v22  }
.Ltmp13:
0x233: {  	[tilespmem:v18+s14+$0x0] =	vst.idx.msk $0xffff, v10;
	v10 =	vpop (erf);
	(pc) =	sbr.rel @!p2 .LBB2_25-.Ltmp13, $4  }
0x234: {  	s23 =	simm.s32 $0x1;
	[tilespmem:v20+s14+$0x0] =	vst.idx.msk $0xffff, v10;
	v10 =	vpop (erf)  }
0x235: {  	v20 =	vmov s23;
	[tilespmem:v21+s14+$0x0] =	vst.idx.msk $0xffff, v10  }
0x236: {  	v16 =	vshll.u32 v20, $0x3;
	v12 =	vld.idx.msk [tilespmem:v11+s14+$0x0], $0xffff  }
0x237: {  	s22 =	simm.s32 $0x2;
	p0 =	por $0x0, $0x0;
	p1 =	por $0x0, $0x0;
	v28 =	vmul.u32 $0x48, v20;
	v33 =	vor.u32 v2, v16;
	v15 =	vld.idx.msk [tilespmem:v13+s16+$0x0], $0xffff  }
0x238: {  	_ = 	snop  }
0x239: {  	v11 =	vadd.s32 v0, v28;
	_ =	sdelay $0x1  }
0x23a: {  	v29 =	vmov s22  }
0x23b: {  	v10 =	vshll.u32 v14, $0x6;
	v18 =	vshll.u32 v29, $0x3  }
0x23c: {  	v14 =	vld.idx.msk [tilespmem:v33+s14+$0x0], $0xffff;
	v23 =	vor.u32 v0, v10;
	v17 =	vor.u32 v2, v18  }
0x23d: {  	v25 =	vadd.s32 v4, v22;
	v21 =	vmul.u32 $0x48, v29;
	v11 =	vld.idx.msk [tilespmem:v11+s16+$0x0], $0xffff  }
0x23e: {  	v13 =	vshll.u32 v20, $0x6;
	v27 =	vor.u32 v5, v19  }
0x23f: {  	v31 =	vor.u32 v0, v13;
	v24 =	vor.u32 v0, v21;
	v15 =	vmul.f32 v12, v15  }
0x240: {  	v32 =	vadd.s32 v4, v28  }
0x241: {  	p2 =	por $0x1, $0x1;
	[tilespmem:v23+s18+$0x0] =	vst.idx.msk $0xffff, v15;
	v12 =	vld.idx.msk [tilespmem:v17+s14+$0x0], $0xffff;
	v17 =	vor.u32 v5, v16  }
.Ltmp14:
0x242: {  	v26 =	vld.idx.msk [tilespmem:v25+s16+$0x0], $0xffff;
	v11 =	vmul.f32 v14, v11;
	(pc) =	sbr.rel @!p2 .LBB2_27-.Ltmp14, $4  }
0x243: {  	s1 =	simm.s32 $0x3;
	v30 =	vld.idx.msk [tilespmem:v27+s14+$0x0], $0xffff  }
0x244: {  	v20 =	vmov s1;
	v15 =	vld.idx.msk [tilespmem:v24+s16+$0x0], $0xffff;
	[tilespmem:v31+s18+$0x0] =	vst.idx.msk $0xffff, v11  }
0x245: {  	v23 =	vshll.u32 v20, $0x3;
	v27 =	vld.idx.msk [tilespmem:v32+s16+$0x0], $0xffff  }
0x246: {  	s22 =	simm.s32 $0x4;
	p0 =	por $0x1, $0x1;
	v33 =	vor.u32 v2, v23;
	v24 =	vmul.u32 $0x48, v20;
	v32 =	vld.idx.msk [tilespmem:v17+s14+$0x0], $0xffff  }
0x247: {  	_ = 	snop  }
0x248: {  	v31 =	vor.u32 v4, v10;
	v25 =	vadd.s32 v0, v24  }
0x249: {  	v34 =	vadd.s32 v6, v22;
	v14 =	vmov s22  }
0x24a: {  	v35 =	vor.u32 v7, v19;
	v17 =	vshll.u32 v29, $0x6;
	v29 =	vshll.u32 v14, $0x3  }
0x24b: {  	v36 =	vor.u32 v4, v13;
	v26 =	vmul.f32 v30, v26;
	v38 =	vor.u32 v2, v29  }
0x24c: {  	v33 =	vld.idx.msk [tilespmem:v33+s14+$0x0], $0xffff;
	v30 =	vadd.s32 v6, v28;
	v11 =	vmul.u32 $0x48, v14  }
0x24d: {  	v37 =	vor.u32 v7, v16;
	[tilespmem:v31+s18+$0x0] =	vst.idx.msk $0xffff, v26;
	v25 =	vld.idx.msk [tilespmem:v25+s16+$0x0], $0xffff  }
0x24e: {  	v26 =	vmul.f32 v32, v27;
	v27 =	vor.u32 v0, v17;
	v31 =	vor.u32 v0, v11;
	v61 =	vld.idx.msk [tilespmem:v34+s16+$0x0], $0xffff  }
0x24f: {  	v62 =	vadd.s32 v4, v21;
	v39 =	vshll.u32 v20, $0x6;
	v63 =	vor.u32 v5, v18;
	v40 =	vld.idx.msk [tilespmem:v35+s14+$0x0], $0xffff  }
0x250: {  	v41 =	vor.u32 v0, v39;
	v15 =	vmul.f32 v12, v15;
	[tilespmem:v36+s18+$0x0] =	vst.idx.msk $0xffff, v26;
	v12 =	vld.idx.msk [tilespmem:v38+s14+$0x0], $0xffff  }
0x251: {  	v43 =	vadd.s32 v4, v24;
	v42 =	vld.idx.msk [tilespmem:v30+s16+$0x0], $0xffff  }
0x252: {  	v45 =	vor.u32 v5, v23;
	v46 =	vor.u32 v6, v10;
	p2 =	por $0x1, $0x1;
	v44 =	vld.idx.msk [tilespmem:v37+s14+$0x0], $0xffff  }
.Ltmp15:
0x253: {  	v37 =	vadd.s32 v8, v22;
	[tilespmem:v27+s18+$0x0] =	vst.idx.msk $0xffff, v15;
	v15 =	vld.idx.msk [tilespmem:v31+s16+$0x0], $0xffff;
	v25 =	vmul.f32 v33, v25;
	(pc) =	sbr.rel @!p2 .LBB2_29-.Ltmp15, $4  }
0x254: {  	s1 =	simm.s32 $0x5;
	v35 =	vor.u32 v6, v13;
	v34 =	vadd.s32 v8, v28;
	v26 =	vld.idx.msk [tilespmem:v62+s16+$0x0], $0xffff  }
0x255: {  	v20 =	vmov s1;
	v38 =	vor.u32 v9, v19;
	v30 =	vld.idx.msk [tilespmem:v63+s14+$0x0], $0xffff;
	v22 =	vmul.f32 v40, v61;
	[tilespmem:v41+s18+$0x0] =	vst.idx.msk $0xffff, v25  }
0x256: {  	v19 =	vshll.u32 v20, $0x3;
	v31 =	vor.u32 v9, v16;
	v25 =	vmul.u32 $0x48, v20;
	v27 =	vld.idx.msk [tilespmem:v43+s16+$0x0], $0xffff  }
0x257: {  	s22 =	simm.s32 $0x6;
	p1 =	por $0x1, $0x1;
	v33 =	vor.u32 v2, v19;
	[tilespmem:v46+s18+$0x0] =	vst.idx.msk $0xffff, v22;
	v40 =	vmul.f32 v44, v42;
	v32 =	vld.idx.msk [tilespmem:v45+s14+$0x0], $0xffff  }
.LBB2_30:
0x258: {  	v16 =	vadd.s32 v0, v25;
	v22 =	vor.u32 v4, v17;
	v28 =	vld.idx.msk [tilespmem:v37+s16+$0x0], $0xffff;
	v36 =	vmovc v11;
	v37 =	vmov v13  }
0x259: {  	p2 =	slt.u32 s22, $0x7E;
	v13 =	vmovc v39;
	v41 =	vmovc v24;
	v24 =	vmov v25;
	v42 =	vmov v23;
	v23 =	vmov v19  }
0x25a: {  	v19 =	vshll.u32 v14, $0x6;
	v14 =	vmov s22;
	v25 =	vadd.s32 v6, v21;
	v38 =	vld.idx.msk [tilespmem:v38+s14+$0x0], $0xffff;
	[tilespmem:v35+s18+$0x0] =	vst.idx.msk $0xffff, v40  }
0x25b: {  	v40 =	vshll.u32 v14, $0x3;
	v35 =	vor.u32 v7, v18;
	v43 =	vor.u32 v4, v13;
	v34 =	vld.idx.msk [tilespmem:v34+s16+$0x0], $0xffff  }
0x25c: {  	v11 =	vmul.u32 $0x48, v14;
	v26 =	vmul.f32 v30, v26;
	v30 =	vadd.s32 v6, v41;
	v31 =	vld.idx.msk [tilespmem:v31+s14+$0x0], $0xffff  }
0x25d: {  	v46 =	vor.u32 v8, v10;
	v44 =	vor.u32 v0, v19;
	v45 =	vor.u32 v7, v42;
	v33 =	vld.idx.msk [tilespmem:v33+s14+$0x0], $0xffff  }
0x25e: {  	v47 =	vor.u32 v2, v40;
	v48 =	vmul.f32 v32, v27;
	v16 =	vld.idx.msk [tilespmem:v16+s16+$0x0], $0xffff;
	[tilespmem:v22+s18+$0x0] =	vst.idx.msk $0xffff, v26  }
0x25f: {  	v27 =	vor.u32 v8, v37;
	v22 =	vor.u32 v0, v11;
	v26 =	vadd.s32 v4, v36;
	v25 =	vld.idx.msk [tilespmem:v25+s16+$0x0], $0xffff  }
0x260: {  	v12 =	vmul.f32 v12, v15;
	v39 =	vshll.u32 v20, $0x6;
	v10 =	vmov v17;
	v32 =	vld.idx.msk [tilespmem:v35+s14+$0x0], $0xffff;
	[tilespmem:v43+s18+$0x0] =	vst.idx.msk $0xffff, v48  }
0x261: {  	v15 =	vmul.f32 v38, v28;
	v43 =	vor.u32 v5, v29;
	v48 =	vor.u32 v0, v39;
	v49 =	vld.idx.msk [tilespmem:v30+s16+$0x0], $0xffff  }
0x262: {  	v28 =	vadd.s32 v4, v24;
	v20 =	vmul.f32 v31, v34;
	[tilespmem:v44+s18+$0x0] =	vst.idx.msk $0xffff, v12;
	v44 =	vld.idx.msk [tilespmem:v45+s14+$0x0], $0xffff  }
0x263: {  	v45 =	vor.u32 v5, v23;
	v12 =	vld.idx.msk [tilespmem:v47+s14+$0x0], $0xffff;
	v47 =	vor.u32 v6, v10;
	[tilespmem:v46+s18+$0x0] =	vst.idx.msk $0xffff, v15  }
.Ltmp16:
0x264: {  	v37 =	vadd.s32 v8, v21;
	v16 =	vmul.f32 v33, v16;
	v15 =	vld.idx.msk [tilespmem:v22+s16+$0x0], $0xffff;
	[tilespmem:v27+s18+$0x0] =	vst.idx.msk $0xffff, v20;
	(pc) =	sbr.rel @p2 .LBB2_30-.Ltmp16, $4  }
0x265: {  	s1 =	sadd.s32 $0x1, s22;
	v17 =	vmovc v19;
	v38 =	vor.u32 v9, v18;
	v18 =	vmov v29;
	v35 =	vor.u32 v6, v13;
	v26 =	vld.idx.msk [tilespmem:v26+s16+$0x0], $0xffff  }
0x266: {  	v34 =	vadd.s32 v8, v41;
	v20 =	vmov s1;
	v30 =	vld.idx.msk [tilespmem:v43+s14+$0x0], $0xffff;
	[tilespmem:v48+s18+$0x0] =	vst.idx.msk $0xffff, v16;
	v16 =	vmul.f32 v32, v25  }
0x267: {  	v21 =	vmovc v36;
	v29 =	vmovc v40;
	v31 =	vor.u32 v9, v42;
	v19 =	vshll.u32 v20, $0x3;
	v25 =	vmul.u32 $0x48, v20;
	v27 =	vld.idx.msk [tilespmem:v28+s16+$0x0], $0xffff  }
0x268: {  	s22 =	sadd.s32 $0x2, s22;
	v33 =	vor.u32 v2, v19;
	v40 =	vmul.f32 v44, v49;
	v32 =	vld.idx.msk [tilespmem:v45+s14+$0x0], $0xffff;
	[tilespmem:v47+s18+$0x0] =	vst.idx.msk $0xffff, v16  }
0x269: {  	v36 =	vmov v13;
	v13 =	vmov v39;
	v28 =	vmov v24  }
0x26a: {  	v41 =	vmovc v23;
	v16 =	vmovc v19;
	v22 =	vmov v21;
	v39 =	vmov v18;
	v19 =	vmov v29  }
.LBB2_32:
0x26b: {  	v18 =	vadd.s32 v0, v25;
	_ =	sdelay $0x2  }
0x26c: {  	v14 =	vshll.u32 v14, $0x6  }
0x26d: {  	v23 =	vld.idx.msk [tilespmem:v33+s14+$0x0], $0xffff;
	v21 =	vor.u32 v0, v14  }
0x26e: {  	v18 =	vld.idx.msk [tilespmem:v18+s16+$0x0], $0xffff  }
0x26f: {  	v24 =	vadd.s32 v4, v11;
	v20 =	vshll.u32 v20, $0x6  }
0x270: {  	v12 =	vmul.f32 v12, v15;
	v15 =	vor.u32 v5, v19;
	v29 =	vor.u32 v0, v20  }
0x271: {  	v51 =	vadd.s32 v4, v25  }
0x272: {  	v42 =	vor.u32 @p0 v4, v17;
	[tilespmem:v21+s18+$0x0] =	vst.idx.msk $0xffff, v12;
	v12 =	vor.u32 v5, v16  }
0x273: {  	v37 =	vld.idx.msk @p1 [tilespmem:v37+s16+$0x0], $0xffff;
	v21 =	vmov @p0 v28;
	v28 =	vadd.s32 @p0 v6, v22;
	v18 =	vmul.f32 v23, v18  }
0x274: {  	v26 =	vmul.f32 @p0 v30, v26;
	v30 =	vor.u32 @p0 v4, v13;
	v24 =	vld.idx.msk [tilespmem:v24+s16+$0x0], $0xffff;
	v23 =	vor.u32 @p0 v7, v39  }
0x275: {  	v15 =	vld.idx.msk [tilespmem:v15+s14+$0x0], $0xffff;
	[tilespmem:v29+s18+$0x0] =	vst.idx.msk $0xffff, v18;
	v18 =	vadd.s32 @p0 v6, v21  }
0x276: {  	v29 =	vor.u32 @p0 v7, v41;
	v33 =	vld.idx.msk [tilespmem:v51+s16+$0x0], $0xffff  }
0x277: {  	[tilespmem:v42+s18+$0x0] =	vst.idx.msk @p0 $0xffff, v26;
	v26 =	vmul.f32 @p0 v32, v27;
	v27 =	vor.u32 v4, v14;
	v12 =	vld.idx.msk [tilespmem:v12+s14+$0x0], $0xffff  }
0x278: {  	v52 =	vadd.s32 v6, v11;
	v28 =	vld.idx.msk @p0 [tilespmem:v28+s16+$0x0], $0xffff  }
0x279: {  	[tilespmem:v30+s18+$0x0] =	vst.idx.msk @p0 $0xffff, v26;
	v26 =	vor.u32 v7, v19;
	v30 =	vor.u32 v4, v20;
	v23 =	vld.idx.msk @p0 [tilespmem:v23+s14+$0x0], $0xffff  }
0x27a: {  	v15 =	vmul.f32 v15, v24;
	v24 =	vadd.s32 v6, v25;
	v18 =	vld.idx.msk @p0 [tilespmem:v18+s16+$0x0], $0xffff  }
0x27b: {  	[tilespmem:v35+s18+$0x0] =	vst.idx.msk @p1 $0xffff, v40;
	v35 =	vor.u32 @p0 v6, v17;
	v53 =	vor.u32 v7, v16;
	v29 =	vld.idx.msk @p0 [tilespmem:v29+s14+$0x0], $0xffff  }
0x27c: {  	v38 =	vld.idx.msk @p1 [tilespmem:v38+s14+$0x0], $0xffff;
	v22 =	vadd.s32 @p0 v8, v22;
	[tilespmem:v27+s18+$0x0] =	vst.idx.msk $0xffff, v15;
	v12 =	vmul.f32 v12, v33  }
0x27d: {  	v22 =	vpsel p0, v22, v0;
	v39 =	vor.u32 @p0 v9, v39;
	v15 =	vor.u32 @p0 v6, v13;
	v27 =	vld.idx.msk [tilespmem:v52+s16+$0x0], $0xffff  }
0x27e: {  	v21 =	vadd.s32 @p0 v8, v21;
	v15 =	vpsel p0, v15, v0;
	v26 =	vld.idx.msk [tilespmem:v26+s14+$0x0], $0xffff;
	[tilespmem:v30+s18+$0x0] =	vst.idx.msk $0xffff, v12  }
0x27f: {  	v32 =	vpsel p0, v39, v0;
	v21 =	vpsel p0, v21, v0;
	v12 =	vmul.f32 @p0 v23, v28;
	v24 =	vld.idx.msk [tilespmem:v24+s16+$0x0], $0xffff  }
0x280: {  	v23 =	vor.u32 @p0 v9, v41;
	v28 =	vld.idx.msk [tilespmem:v53+s14+$0x0], $0xffff;
	v18 =	vmul.f32 @p0 v29, v18;
	v29 =	vor.u32 v6, v14  }
0x281: {  	v11 =	vadd.s32 v8, v11;
	v34 =	vld.idx.msk @p1 [tilespmem:v34+s16+$0x0], $0xffff;
	v23 =	vpsel p0, v23, v0  }
0x282: {  	v19 =	vor.u32 v9, v19;
	v30 =	vld.idx.msk @p1 [tilespmem:v31+s14+$0x0], $0xffff;
	[tilespmem:v35+s18+$0x0] =	vst.idx.msk @p0 $0xffff, v12;
	v12 =	vpsel p0, v18, v0  }
0x283: {  	v18 =	vld.idx.msk @p0 [tilespmem:v22+s16+$0x0], $0xffff;
	v22 =	vor.u32 v6, v20;
	[tilespmem:v15+s18+$0x0] =	vst.idx.msk @p0 $0xffff, v12;
	v12 =	vmul.f32 v26, v27  }
0x284: {  	v31 =	vld.idx.msk @p0 [tilespmem:v32+s14+$0x0], $0xffff;
	v15 =	vadd.s32 v8, v25  }
0x285: {  	v16 =	vor.u32 v9, v16;
	v21 =	vld.idx.msk @p0 [tilespmem:v21+s16+$0x0], $0xffff;
	[tilespmem:v29+s18+$0x0] =	vst.idx.msk $0xffff, v12;
	v12 =	vmul.f32 v28, v24  }
0x286: {  	v23 =	vld.idx.msk @p0 [tilespmem:v23+s14+$0x0], $0xffff  }
0x287: {  	v10 =	vor.u32 @p1 v8, v10;
	v17 =	vpsel p0, v17, v0;
	v25 =	vmov @p1 v36;
	v11 =	vld.idx.msk [tilespmem:v11+s16+$0x0], $0xffff  }
0x288: {  	v13 =	vpsel p0, v13, v0;
	v24 =	vor.u32 @p1 v8, v25;
	v19 =	vld.idx.msk [tilespmem:v19+s14+$0x0], $0xffff;
	[tilespmem:v22+s18+$0x0] =	vst.idx.msk $0xffff, v12  }
0x289: {  	v15 =	vld.idx.msk [tilespmem:v15+s16+$0x0], $0xffff;
	v12 =	vmov @p0 v13;
	v13 =	vor.u32 @p0 v8, v17  }
0x28a: {  	v16 =	vld.idx.msk [tilespmem:v16+s14+$0x0], $0xffff;
	v17 =	vmul.f32 @p1 v38, v37;
	v12 =	vor.u32 @p0 v8, v12  }
0x28b: {  	v14 =	vor.u32 v8, v14;
	v22 =	vmul.f32 @p1 v30, v34  }
0x28c: {  	[tilespmem:v10+s18+$0x0] =	vst.idx.msk @p1 $0xffff, v17;
	v10 =	vmul.f32 @p0 v31, v18;
	v17 =	vor.u32 v8, v20  }
0x28d: {  	[tilespmem:v24+s18+$0x0] =	vst.idx.msk @p1 $0xffff, v22;
	v18 =	vmul.f32 @p0 v23, v21  }
0x28e: {  	[tilespmem:v13+s18+$0x0] =	vst.idx.msk @p0 $0xffff, v10;
	v10 =	vmul.f32 v19, v11  }
0x28f: {  	v11 =	vmul.f32 v16, v15;
	[tilespmem:v12+s18+$0x0] =	vst.idx.msk @p0 $0xffff, v18  }
0x290: {  	[tilespmem:v14+s18+$0x0] =	vst.idx.msk $0xffff, v10  }
0x291: {  	s1 =	rddreg [dreg:$0x2];
	[tilespmem:v17+s18+$0x0] =	vst.idx.msk $0xffff, v11  }
0x292: {  	[spmem:s1] =	stream.indirect.scatter.add.f32 [tilespmem:s18], [sflag:$0xB], $0x40, s15, s29, $0xb8;
	[tilespmem:$0x1E800] =	vst v63  }
0x293: {  	s3 =	simm.s32 $0x4;
	s4 =	simm.s32 $0xD  }
0x294: {  	v10 =	vor.u32 s3, v2;
	[spmem:s2] =	stream.indirect.scatter.add.f32 [tilespmem:s14], [sflag:$0xC], $0x8, s15, s29, $0xb8;
	[tilespmem:$0x1E800] =	vst v63  }
0x295: {  	s3 =	simm.s32 $0x2;
	v11 =	vmul.u32 $0x48, v10;
	v10 =	vshll.u32 v10, $0x3;
	_ =	swait.ge [sflag:s4], $0x2400  }
0x296: {  	s22 =	simm.s32 $0x0;
	v12 =	vor.u32 s3, v2;
	v19 =	vor.u32 v1, v10;
	[sflag:s4] =	ssyncset.done $0x0  }
0x297: {  	v14 =	vmul.u32 $0x48, v12;
	v10 =	vadd.s32 v3, v11;
	v11 =	vor.u32 s22, v2;
	[sflag:s4] =	ssyncadd.s32 $0xFFFFDC00;
	s4 =	simm.s32 $0xE  }
0x298: {  	v13 =	vmul.u32 $0x48, v11;
	_ =	swait.ge [sflag:s4], $0x400  }
0x299: {  	v14 =	vadd.s32 v3, v14;
	[sflag:s4] =	ssyncset.done $0x0  }
0x29a: {  	s23 =	simm.s32 $0x6;
	v18 =	vshll.u32 v12, $0x3;
	v11 =	vshll.u32 v11, $0x3;
	v13 =	vadd.s32 v3, v13;
	[sflag:s4] =	ssyncadd.s32 $0xFFFFFC00  }
0x29b: {  	v16 =	vor.u32 s23, v2;
	v12 =	vor.u32 v1, v11;
	v11 =	vor.u32 v1, v18;
	v15 =	vld.idx.msk [tilespmem:v19+s21+$0x0], $0xffff  }
0x29c: {  	v17 =	vld.idx.msk [tilespmem:v10+s20+$0x0], $0xffff;
	v10 =	vmul.u32 $0x48, v16;
	_ =	sdelay $0x1  }
0x29d: {  	s4 =	simm.s32 $0xC;
	v16 =	vshll.u32 v16, $0x3;
	v14 =	vld.idx.msk [tilespmem:v14+s20+$0x0], $0xffff;
	v18 =	vadd.s32 v3, v10  }
0x29e: {  	s23 =	simm.s32 $0x8;
	v10 =	vor.u32 v1, v16;
	v16 =	vld.idx.msk [tilespmem:v13+s20+$0x0], $0xffff;
	v13 =	vor.u32 s4, v2  }
0x29f: {  	v25 =	vor.u32 s23, v2;
	s23 =	simm.s32 $0x10;
	v23 =	vld.idx.msk [tilespmem:v11+s21+$0x0], $0xffff;
	v22 =	vmul.u32 $0x48, v13  }
0x2a0: {  	v26 =	vmul.u32 $0x48, v25;
	v55 =	vor.u32 s23, v2;
	s3 =	simm.s32 $0xE;
	v15 =	vadd.f32 v15, v17  }
0x2a1: {  	v20 =	vor.u32 s3, v2;
	v13 =	vshll.u32 v13, $0x3;
	v17 =	vld.idx.msk [tilespmem:v12+s21+$0x0], $0xffff;
	v22 =	vadd.s32 v3, v22  }
0x2a2: {  	v26 =	vadd.s32 v3, v26;
	v13 =	vor.u32 v1, v13;
	v24 =	vmul.f32 $2.000000030e-01, v15;
	v18 =	vld.idx.msk [tilespmem:v18+s20+$0x0], $0xffff  }
0x2a3: {  	s22 =	simm.s32 $0xA;
	v27 =	vmul.u32 $0x48, v20;
	v20 =	vshll.u32 v20, $0x3;
	vm0 =	vge.f32 v15, $0.0e+00;
	v28 =	vld.idx.msk [tilespmem:v10+s21+$0x0], $0xffff  }
0x2a4: {  	v21 =	vor.u32 s22, v2;
	v14 =	vadd.f32 v23, v14;
	v15 =	vsel vm0, v15, v24  }
0x2a5: {  	v24 =	vshll.u32 v25, $0x3;
	v25 =	vmul.u32 $0x48, v21;
	v21 =	vshll.u32 v21, $0x3  }
0x2a6: {  	v29 =	vmul.f32 $1.442695020e+00, v15;
	v15 =	vor.u32 v1, v24;
	v30 =	vadd.f32 v17, v16;
	v22 =	vld.idx.msk [tilespmem:v22+s20+$0x0], $0xffff  }
0x2a7: {  	v16 =	vor.u32 v1, v21;
	v21 =	vadd.s32 v3, v27;
	v24 =	vadd.s32 v3, v25;
	v25 =	vld.idx.msk [tilespmem:v13+s21+$0x0], $0xffff  }
0x2a8: {  	vm1 =	vge.f32 v14, $0.0e+00;
	v27 =	vmul.f32 $2.000000030e-01, v14;
	v18 =	vadd.f32 v28, v18  }
0x2a9: {  	v17 =	vor.u32 v1, v20;
	(erf) = vpow2.f32 v29;
	v23 =	vmul.f32 $2.000000030e-01, v30  }
0x2aa: {  	vm11 =	vge.f32 v30, $0.0e+00;
	v14 =	vsel vm1, v14, v27;
	v20 =	vmul.f32 $2.000000030e-01, v18  }
0x2ab: {  	v23 =	vsel vm11, v30, v23;
	vm12 =	vge.f32 v18, $0.0e+00;
	v30 =	vmul.f32 $1.442695020e+00, v14  }
0x2ac: {  	s3 =	simm.s32 $0x16;
	s4 =	simm.s32 $0x12;
	v23 =	vmul.f32 $1.442695020e+00, v23;
	v56 =	vld.idx.msk [tilespmem:v21+s20+$0x0], $0xffff;
	v14 =	vsel vm12, v18, v20;
	v20 =	vadd.f32 v25, v22  }
0x2ad: {  	s22 =	simm.s32 $0x14;
	v21 =	vmul.u32 $0x48, v55;
	v18 =	vor.u32 s3, v2;
	v22 =	vld.idx.msk [tilespmem:v24+s20+$0x0], $0xffff;
	v24 =	vor.u32 s4, v2  }
0x2ae: {  	v26 =	vld.idx.msk [tilespmem:v26+s20+$0x0], $0xffff;
	v25 =	vmul.f32 $1.442695020e+00, v14;
	v14 =	vor.u32 s22, v2;
	v54 =	vmul.f32 $2.000000030e-01, v20  }
0x2af: {  	v29 =	vld.idx.msk [tilespmem:v15+s21+$0x0], $0xffff;
	v28 =	vmul.u32 $0x48, v14;
	v14 =	vshll.u32 v14, $0x3;
	vm13 =	vge.f32 v20, $0.0e+00  }
0x2b0: {  	v31 =	vld.idx.msk [tilespmem:v16+s21+$0x0], $0xffff;
	v27 =	vmul.u32 $0x48, v18;
	v14 =	vor.u32 v1, v14;
	v20 =	vsel vm13, v20, v54  }
0x2b1: {  	v58 =	vld.idx.msk [tilespmem:v17+s21+$0x0], $0xffff;
	v59 =	vmul.u32 $0x48, v24;
	v57 =	vadd.s32 v3, v28;
	v20 =	vmul.f32 $1.442695020e+00, v20  }
0x2b2: {  	v60 =	vadd.s32 v3, v21;
	v21 =	vshll.u32 v24, $0x3;
	v24 =	vshll.u32 v18, $0x3  }
0x2b3: {  	v32 =	vadd.s32 v3, v59;
	v28 =	vshll.u32 v55, $0x3;
	(erf) = vpow2.f32 v20  }
0x2b4: {  	v27 =	vadd.s32 v3, v27;
	v26 =	vadd.f32 v29, v26;
	v18 =	vor.u32 v1, v28  }
0x2b5: {  	v31 =	vadd.f32 v31, v22;
	v20 =	vor.u32 v1, v21;
	v28 =	vld.idx.msk [tilespmem:v14+s21+$0x0], $0xffff;
	(erf) = vpow2.f32 v23  }
0x2b6: {  	v34 =	vadd.f32 v58, v56;
	vm14 =	vge.f32 v26, $0.0e+00;
	v29 =	vld.idx.msk [tilespmem:v57+s20+$0x0], $0xffff;
	(erf) = vpow2.f32 v30  }
0x2b7: {  	v22 =	vld.idx.msk [tilespmem:v60+s20+$0x0], $0xffff;
	v21 =	vor.u32 v1, v24;
	v61 =	vmul.f32 $2.000000030e-01, v31;
	v30 =	vmul.f32 $2.000000030e-01, v26  }
0x2b8: {  	vm2 =	vge.f32 v34, $0.0e+00;
	v62 =	vmul.f32 $2.000000030e-01, v34;
	vm15 =	vge.f32 v31, $0.0e+00;
	v23 =	vld.idx.msk [tilespmem:v32+s20+$0x0], $0xffff  }
0x2b9: {  	v63 =	vpop (erf);
	v24 =	vld.idx.msk [tilespmem:v18+s21+$0x0], $0xffff;
	(erf) = vpow2.f32 v25;
	v26 =	vsel vm14, v26, v30;
	v30 =	vsel vm15, v31, v61  }
0x2ba: {  	s23 =	simm.s32 $0x1E;
	s22 =	simm.s32 $0x8;
	[tilespmem:v19+s0+$0x0] =	vst.idx.msk $0xffff, v63;
	v25 =	vld.idx.msk [tilespmem:v20+s21+$0x0], $0xffff;
	v26 =	vmul.f32 $1.442695020e+00, v26;
	v19 =	vmul.f32 $1.442695020e+00, v30;
	v30 =	vsel vm2, v34, v62  }
.LBB2_33:
0x2bb: {  	s1 =	sadd.s32 $0xFFFFFFFC, s23;
	s3 =	sadd.s32 $0xFFFFFFFE, s23;
	v31 =	vor.u32 s23, v2;
	s22 =	sadd.s32 $0x4, s22;
	v28 =	vadd.f32 v28, v29;
	v32 =	vld.idx.msk [tilespmem:v27+s20+$0x0], $0xffff;
	v30 =	vmul.f32 $1.442695020e+00, v30  }
0x2bc: {  	s4 =	sadd.s32 $0xFFFFFFFA, s23;
	v27 =	vor.u32 s1, v2;
	v39 =	vor.u32 s3, v2;
	v33 =	vmul.u32 $0x48, v31;
	p0 =	slt.u32 s22, $0x3C;
	v34 =	vld.idx.msk [tilespmem:v21+s21+$0x0], $0xffff;
	v35 =	vpop (erf)  }
0x2bd: {  	v36 =	vmul.u32 $0x48, v39;
	v38 =	vshll.u32 v39, $0x3;
	v37 =	vmul.f32 $2.000000030e-01, v28;
	[tilespmem:v13+s0+$0x0] =	vst.idx.msk $0xffff, v35;
	v13 =	vmovc v14  }
0x2be: {  	v35 =	vor.u32 s4, v2;
	vm0 =	vge.f32 v28, $0.0e+00;
	v14 =	vor.u32 v1, v38;
	v29 =	vpop (erf)  }
0x2bf: {  	v39 =	vmul.u32 $0x48, v35;
	v36 =	vadd.s32 v3, v36;
	v28 =	vsel vm0, v28, v37;
	[tilespmem:v12+s0+$0x0] =	vst.idx.msk $0xffff, v29;
	v12 =	vpop (erf)  }
0x2c0: {  	v29 =	vshll.u32 v35, $0x3;
	v35 =	vmul.u32 $0x48, v27;
	v28 =	vmul.f32 $1.442695020e+00, v28;
	[tilespmem:v11+s0+$0x0] =	vst.idx.msk $0xffff, v12;
	v12 =	vmovc v15;
	v15 =	vmovc v18  }
0x2c1: {  	v31 =	vshll.u32 v31, $0x3;
	v27 =	vshll.u32 v27, $0x3;
	v37 =	vadd.s32 v3, v39;
	v11 =	vmovc v16;
	v16 =	vmovc v20  }
0x2c2: {  	v18 =	vor.u32 v1, v29;
	v35 =	vadd.s32 v3, v35;
	(erf) = vpow2.f32 v28;
	v38 =	vpop (erf)  }
0x2c3: {  	v31 =	vor.u32 v1, v31;
	v20 =	vor.u32 v1, v27;
	v27 =	vadd.s32 v3, v33;
	v28 =	vld.idx.msk [tilespmem:v14+s21+$0x0], $0xffff  }
0x2c4: {  	v25 =	vadd.f32 v25, v23;
	v33 =	vadd.f32 v24, v22;
	v29 =	vld.idx.msk [tilespmem:v36+s20+$0x0], $0xffff;
	(erf) = vpow2.f32 v26  }
.Ltmp17:
0x2c5: {  	v32 =	vadd.f32 v34, v32;
	(erf) = vpow2.f32 v19;
	[tilespmem:v10+s0+$0x0] =	vst.idx.msk $0xffff, v38;
	v10 =	vmovc v17;
	v17 =	vmov v21;
	(pc) =	sbr.rel @p0 .LBB2_33-.Ltmp17, $4  }
0x2c6: {  	vm0 =	vge.f32 v33, $0.0e+00;
	v26 =	vmul.f32 $2.000000030e-01, v25;
	v19 =	vmul.f32 $2.000000030e-01, v33;
	v21 =	vmovc v31;
	v22 =	vld.idx.msk [tilespmem:v37+s20+$0x0], $0xffff  }
0x2c7: {  	vm1 =	vge.f32 v25, $0.0e+00;
	vm2 =	vge.f32 v32, $0.0e+00;
	v31 =	vmul.f32 $2.000000030e-01, v32;
	v23 =	vld.idx.msk [tilespmem:v35+s20+$0x0], $0xffff  }
0x2c8: {  	v19 =	vsel vm0, v33, v19;
	v33 =	vsel vm1, v25, v26;
	v24 =	vld.idx.msk [tilespmem:v18+s21+$0x0], $0xffff;
	(erf) = vpow2.f32 v30  }
0x2c9: {  	s23 =	sadd.s32 $0x8, s23;
	v26 =	vmul.f32 $1.442695020e+00, v19;
	v19 =	vmul.f32 $1.442695020e+00, v33;
	v30 =	vsel vm2, v32, v31;
	v25 =	vld.idx.msk [tilespmem:v20+s21+$0x0], $0xffff  }
0x2ca: {  	_ =	sdelay $0x1  }
0x2cb: {  	v28 =	vadd.f32 v28, v29;
	_ =	sdelay $0x1  }
0x2cc: {  	v27 =	vld.idx.msk [tilespmem:v27+s20+$0x0], $0xffff;
	v29 =	vmul.f32 $2.000000030e-01, v28  }
0x2cd: {  	v31 =	vld.idx.msk [tilespmem:v21+s21+$0x0], $0xffff;
	vm0 =	vge.f32 v28, $0.0e+00  }
0x2ce: {  	v28 =	vsel vm0, v28, v29  }
0x2cf: {  	v22 =	vadd.f32 v24, v22;
	v28 =	vmul.f32 $1.442695020e+00, v28  }
0x2d0: {  	v61 =	vmul.f32 $1.442695020e+00, v30  }
0x2d1: {  	v23 =	vadd.f32 v25, v23;
	v63 =	vmul.f32 $2.000000030e-01, v22;
	(erf) = vpow2.f32 v28  }
0x2d2: {  	v62 =	vadd.f32 v31, v27;
	vm14 =	vge.f32 v22, $0.0e+00;
	(erf) = vpow2.f32 v26  }
0x2d3: {  	v22 =	vsel vm14, v22, v63;
	(erf) = vpow2.f32 v19;
	v19 =	vmul.f32 $2.000000030e-01, v23  }
0x2d4: {  	vm1 =	vge.f32 v23, $0.0e+00;
	v27 =	vmul.f32 $2.000000030e-01, v62;
	v22 =	vmul.f32 $1.442695020e+00, v22  }
0x2d5: {  	vm15 =	vge.f32 v62, $0.0e+00;
	v19 =	vsel vm1, v23, v19  }
0x2d6: {  	(erf) = vpow2.f32 v61;
	v23 =	vsel vm15, v62, v27;
	v19 =	vmul.f32 $1.442695020e+00, v19  }
0x2d7: {  	(erf) = vpow2.f32 v22;
	v23 =	vmul.f32 $1.442695020e+00, v23  }
0x2d8: {  	v22 =	vpop (erf);
	(erf) = vpow2.f32 v19  }
0x2d9: {  	[tilespmem:v13+s0+$0x0] =	vst.idx.msk $0xffff, v22;
	v13 =	vpop (erf);
	(erf) = vpow2.f32 v23  }
0x2da: {  	[tilespmem:v12+s0+$0x0] =	vst.idx.msk $0xffff, v13;
	v19 =	vpop (erf)  }
0x2db: {  	v12 =	vpop (erf);
	[tilespmem:v11+s0+$0x0] =	vst.idx.msk $0xffff, v19  }
0x2dc: {  	s1 =	simm.s32 $0x0;
	v11 =	vpop (erf);
	[tilespmem:v10+s0+$0x0] =	vst.idx.msk $0xffff, v12  }
0x2dd: {  	v10 =	vpop (erf);
	[tilespmem:v14+s0+$0x0] =	vst.idx.msk $0xffff, v11;
	v14 =	vmov s1  }
0x2de: {  	v11 =	vpop (erf);
	[tilespmem:v15+s0+$0x0] =	vst.idx.msk $0xffff, v10;
	v19 =	vshll.u32 v14, $0x3;
	v22 =	vmul.u32 $0x48, v14  }
0x2df: {  	[tilespmem:v16+s0+$0x0] =	vst.idx.msk $0xffff, v11;
	v10 =	vpop (erf);
	v11 =	vor.u32 v2, v19  }
0x2e0: {  	p2 =	por $0x1, $0x1;
	[tilespmem:v17+s0+$0x0] =	vst.idx.msk $0xffff, v10;
	v10 =	vpop (erf);
	v13 =	vor.u32 v0, v22  }
.Ltmp18:
0x2e1: {  	[tilespmem:v18+s0+$0x0] =	vst.idx.msk $0xffff, v10;
	v10 =	vpop (erf);
	(pc) =	sbr.rel @!p2 .LBB2_35-.Ltmp18, $4  }
0x2e2: {  	s23 =	simm.s32 $0x1;
	[tilespmem:v20+s0+$0x0] =	vst.idx.msk $0xffff, v10;
	v10 =	vpop (erf)  }
0x2e3: {  	v20 =	vmov s23;
	[tilespmem:v21+s0+$0x0] =	vst.idx.msk $0xffff, v10  }
0x2e4: {  	v16 =	vshll.u32 v20, $0x3;
	v12 =	vld.idx.msk [tilespmem:v11+s0+$0x0], $0xffff  }
0x2e5: {  	s22 =	simm.s32 $0x2;
	p0 =	por $0x0, $0x0;
	p1 =	por $0x0, $0x0;
	v28 =	vmul.u32 $0x48, v20;
	v33 =	vor.u32 v2, v16;
	v15 =	vld.idx.msk [tilespmem:v13+s20+$0x0], $0xffff  }
0x2e6: {  	_ = 	snop  }
0x2e7: {  	v11 =	vadd.s32 v0, v28;
	_ =	sdelay $0x1  }
0x2e8: {  	v29 =	vmov s22  }
0x2e9: {  	v10 =	vshll.u32 v14, $0x6;
	v18 =	vshll.u32 v29, $0x3  }
0x2ea: {  	v14 =	vld.idx.msk [tilespmem:v33+s0+$0x0], $0xffff;
	v23 =	vor.u32 v0, v10;
	v17 =	vor.u32 v2, v18  }
0x2eb: {  	v25 =	vadd.s32 v4, v22;
	v21 =	vmul.u32 $0x48, v29;
	v11 =	vld.idx.msk [tilespmem:v11+s20+$0x0], $0xffff  }
0x2ec: {  	v13 =	vshll.u32 v20, $0x6;
	v27 =	vor.u32 v5, v19  }
0x2ed: {  	v31 =	vor.u32 v0, v13;
	v24 =	vor.u32 v0, v21;
	v15 =	vmul.f32 v12, v15  }
0x2ee: {  	v32 =	vadd.s32 v4, v28  }
0x2ef: {  	p2 =	por $0x1, $0x1;
	[tilespmem:v23+s26+$0x0] =	vst.idx.msk $0xffff, v15;
	v12 =	vld.idx.msk [tilespmem:v17+s0+$0x0], $0xffff;
	v17 =	vor.u32 v5, v16  }
.Ltmp19:
0x2f0: {  	v26 =	vld.idx.msk [tilespmem:v25+s20+$0x0], $0xffff;
	v11 =	vmul.f32 v14, v11;
	(pc) =	sbr.rel @!p2 .LBB2_37-.Ltmp19, $4  }
0x2f1: {  	s1 =	simm.s32 $0x3;
	v30 =	vld.idx.msk [tilespmem:v27+s0+$0x0], $0xffff  }
0x2f2: {  	v20 =	vmov s1;
	v15 =	vld.idx.msk [tilespmem:v24+s20+$0x0], $0xffff;
	[tilespmem:v31+s26+$0x0] =	vst.idx.msk $0xffff, v11  }
0x2f3: {  	v23 =	vshll.u32 v20, $0x3;
	v27 =	vld.idx.msk [tilespmem:v32+s20+$0x0], $0xffff  }
0x2f4: {  	s22 =	simm.s32 $0x4;
	p0 =	por $0x1, $0x1;
	v33 =	vor.u32 v2, v23;
	v24 =	vmul.u32 $0x48, v20;
	v32 =	vld.idx.msk [tilespmem:v17+s0+$0x0], $0xffff  }
0x2f5: {  	_ = 	snop  }
0x2f6: {  	v31 =	vor.u32 v4, v10;
	v25 =	vadd.s32 v0, v24  }
0x2f7: {  	v34 =	vadd.s32 v6, v22;
	v14 =	vmov s22  }
0x2f8: {  	v35 =	vor.u32 v7, v19;
	v17 =	vshll.u32 v29, $0x6;
	v29 =	vshll.u32 v14, $0x3  }
0x2f9: {  	v36 =	vor.u32 v4, v13;
	v26 =	vmul.f32 v30, v26;
	v38 =	vor.u32 v2, v29  }
0x2fa: {  	v33 =	vld.idx.msk [tilespmem:v33+s0+$0x0], $0xffff;
	v30 =	vadd.s32 v6, v28;
	v11 =	vmul.u32 $0x48, v14  }
0x2fb: {  	v37 =	vor.u32 v7, v16;
	[tilespmem:v31+s26+$0x0] =	vst.idx.msk $0xffff, v26;
	v25 =	vld.idx.msk [tilespmem:v25+s20+$0x0], $0xffff  }
0x2fc: {  	v26 =	vmul.f32 v32, v27;
	v27 =	vor.u32 v0, v17;
	v31 =	vor.u32 v0, v11;
	v61 =	vld.idx.msk [tilespmem:v34+s20+$0x0], $0xffff  }
0x2fd: {  	v62 =	vadd.s32 v4, v21;
	v39 =	vshll.u32 v20, $0x6;
	v63 =	vor.u32 v5, v18;
	v40 =	vld.idx.msk [tilespmem:v35+s0+$0x0], $0xffff  }
0x2fe: {  	v41 =	vor.u32 v0, v39;
	v15 =	vmul.f32 v12, v15;
	[tilespmem:v36+s26+$0x0] =	vst.idx.msk $0xffff, v26;
	v12 =	vld.idx.msk [tilespmem:v38+s0+$0x0], $0xffff  }
0x2ff: {  	v43 =	vadd.s32 v4, v24;
	v42 =	vld.idx.msk [tilespmem:v30+s20+$0x0], $0xffff  }
0x300: {  	v45 =	vor.u32 v5, v23;
	v46 =	vor.u32 v6, v10;
	p2 =	por $0x1, $0x1;
	v44 =	vld.idx.msk [tilespmem:v37+s0+$0x0], $0xffff  }
.Ltmp20:
0x301: {  	v37 =	vadd.s32 v8, v22;
	[tilespmem:v27+s26+$0x0] =	vst.idx.msk $0xffff, v15;
	v15 =	vld.idx.msk [tilespmem:v31+s20+$0x0], $0xffff;
	v25 =	vmul.f32 v33, v25;
	(pc) =	sbr.rel @!p2 .LBB2_39-.Ltmp20, $4  }
0x302: {  	s1 =	simm.s32 $0x5;
	v35 =	vor.u32 v6, v13;
	v34 =	vadd.s32 v8, v28;
	v26 =	vld.idx.msk [tilespmem:v62+s20+$0x0], $0xffff  }
0x303: {  	v20 =	vmov s1;
	v38 =	vor.u32 v9, v19;
	v30 =	vld.idx.msk [tilespmem:v63+s0+$0x0], $0xffff;
	v22 =	vmul.f32 v40, v61;
	[tilespmem:v41+s26+$0x0] =	vst.idx.msk $0xffff, v25  }
0x304: {  	v19 =	vshll.u32 v20, $0x3;
	v31 =	vor.u32 v9, v16;
	v25 =	vmul.u32 $0x48, v20;
	v27 =	vld.idx.msk [tilespmem:v43+s20+$0x0], $0xffff  }
0x305: {  	s22 =	simm.s32 $0x6;
	p1 =	por $0x1, $0x1;
	v33 =	vor.u32 v2, v19;
	[tilespmem:v46+s26+$0x0] =	vst.idx.msk $0xffff, v22;
	v40 =	vmul.f32 v44, v42;
	v32 =	vld.idx.msk [tilespmem:v45+s0+$0x0], $0xffff  }
.LBB2_40:
0x306: {  	v16 =	vadd.s32 v0, v25;
	v22 =	vor.u32 v4, v17;
	v28 =	vld.idx.msk [tilespmem:v37+s20+$0x0], $0xffff;
	v36 =	vmovc v11;
	v37 =	vmov v13  }
0x307: {  	p2 =	slt.u32 s22, $0x7E;
	v13 =	vmovc v39;
	v41 =	vmovc v24;
	v24 =	vmov v25;
	v42 =	vmov v23;
	v23 =	vmov v19  }
0x308: {  	v19 =	vshll.u32 v14, $0x6;
	v14 =	vmov s22;
	v25 =	vadd.s32 v6, v21;
	v38 =	vld.idx.msk [tilespmem:v38+s0+$0x0], $0xffff;
	[tilespmem:v35+s26+$0x0] =	vst.idx.msk $0xffff, v40  }
0x309: {  	v40 =	vshll.u32 v14, $0x3;
	v35 =	vor.u32 v7, v18;
	v43 =	vor.u32 v4, v13;
	v34 =	vld.idx.msk [tilespmem:v34+s20+$0x0], $0xffff  }
0x30a: {  	v11 =	vmul.u32 $0x48, v14;
	v26 =	vmul.f32 v30, v26;
	v30 =	vadd.s32 v6, v41;
	v31 =	vld.idx.msk [tilespmem:v31+s0+$0x0], $0xffff  }
0x30b: {  	v46 =	vor.u32 v8, v10;
	v44 =	vor.u32 v0, v19;
	v45 =	vor.u32 v7, v42;
	v33 =	vld.idx.msk [tilespmem:v33+s0+$0x0], $0xffff  }
0x30c: {  	v47 =	vor.u32 v2, v40;
	v48 =	vmul.f32 v32, v27;
	v16 =	vld.idx.msk [tilespmem:v16+s20+$0x0], $0xffff;
	[tilespmem:v22+s26+$0x0] =	vst.idx.msk $0xffff, v26  }
0x30d: {  	v27 =	vor.u32 v8, v37;
	v22 =	vor.u32 v0, v11;
	v26 =	vadd.s32 v4, v36;
	v25 =	vld.idx.msk [tilespmem:v25+s20+$0x0], $0xffff  }
0x30e: {  	v12 =	vmul.f32 v12, v15;
	v39 =	vshll.u32 v20, $0x6;
	v10 =	vmov v17;
	v32 =	vld.idx.msk [tilespmem:v35+s0+$0x0], $0xffff;
	[tilespmem:v43+s26+$0x0] =	vst.idx.msk $0xffff, v48  }
0x30f: {  	v15 =	vmul.f32 v38, v28;
	v43 =	vor.u32 v5, v29;
	v48 =	vor.u32 v0, v39;
	v49 =	vld.idx.msk [tilespmem:v30+s20+$0x0], $0xffff  }
0x310: {  	v28 =	vadd.s32 v4, v24;
	v20 =	vmul.f32 v31, v34;
	[tilespmem:v44+s26+$0x0] =	vst.idx.msk $0xffff, v12;
	v44 =	vld.idx.msk [tilespmem:v45+s0+$0x0], $0xffff  }
0x311: {  	v45 =	vor.u32 v5, v23;
	v12 =	vld.idx.msk [tilespmem:v47+s0+$0x0], $0xffff;
	v47 =	vor.u32 v6, v10;
	[tilespmem:v46+s26+$0x0] =	vst.idx.msk $0xffff, v15  }
.Ltmp21:
0x312: {  	v37 =	vadd.s32 v8, v21;
	v16 =	vmul.f32 v33, v16;
	v15 =	vld.idx.msk [tilespmem:v22+s20+$0x0], $0xffff;
	[tilespmem:v27+s26+$0x0] =	vst.idx.msk $0xffff, v20;
	(pc) =	sbr.rel @p2 .LBB2_40-.Ltmp21, $4  }
0x313: {  	s1 =	sadd.s32 $0x1, s22;
	v17 =	vmovc v19;
	v38 =	vor.u32 v9, v18;
	v18 =	vmov v29;
	v35 =	vor.u32 v6, v13;
	v26 =	vld.idx.msk [tilespmem:v26+s20+$0x0], $0xffff  }
0x314: {  	v34 =	vadd.s32 v8, v41;
	v20 =	vmov s1;
	v30 =	vld.idx.msk [tilespmem:v43+s0+$0x0], $0xffff;
	[tilespmem:v48+s26+$0x0] =	vst.idx.msk $0xffff, v16;
	v16 =	vmul.f32 v32, v25  }
0x315: {  	v21 =	vmovc v36;
	v29 =	vmovc v40;
	v31 =	vor.u32 v9, v42;
	v19 =	vshll.u32 v20, $0x3;
	v25 =	vmul.u32 $0x48, v20;
	v27 =	vld.idx.msk [tilespmem:v28+s20+$0x0], $0xffff  }
0x316: {  	s22 =	sadd.s32 $0x2, s22;
	v33 =	vor.u32 v2, v19;
	v40 =	vmul.f32 v44, v49;
	v32 =	vld.idx.msk [tilespmem:v45+s0+$0x0], $0xffff;
	[tilespmem:v47+s26+$0x0] =	vst.idx.msk $0xffff, v16  }
0x317: {  	v36 =	vmov v13;
	v13 =	vmov v39;
	v28 =	vmov v24  }
0x318: {  	v41 =	vmovc v23;
	v16 =	vmovc v19;
	v22 =	vmov v21;
	v39 =	vmov v18;
	v19 =	vmov v29  }
.LBB2_42:
0x319: {  	v18 =	vadd.s32 v0, v25  }
0x31a: {  	v14 =	vshll.u32 v14, $0x6  }
0x31b: {  	v21 =	vor.u32 v0, v14  }
0x31c: {  	v24 =	vadd.s32 v4, v11  }
0x31d: {  	v23 =	vld.idx.msk [tilespmem:v33+s0+$0x0], $0xffff;
	v46 =	vor.u32 v5, v19  }
0x31e: {  	v12 =	vmul.f32 v12, v15;
	v18 =	vld.idx.msk [tilespmem:v18+s20+$0x0], $0xffff  }
0x31f: {  	v20 =	vshll.u32 v20, $0x6  }
0x320: {  	v29 =	vor.u32 v0, v20;
	[tilespmem:v21+s26+$0x0] =	vst.idx.msk $0xffff, v12  }
0x321: {  	v47 =	vadd.s32 v4, v25;
	v24 =	vld.idx.msk [tilespmem:v24+s20+$0x0], $0xffff  }
0x322: {  	v42 =	vor.u32 @p0 v4, v17;
	v48 =	vor.u32 v5, v16;
	v15 =	vld.idx.msk [tilespmem:v46+s0+$0x0], $0xffff  }
0x323: {  	v21 =	vmov @p0 v28;
	v28 =	vadd.s32 @p0 v6, v22;
	v18 =	vmul.f32 v23, v18  }
0x324: {  	v37 =	vld.idx.msk @p1 [tilespmem:v37+s20+$0x0], $0xffff;
	v49 =	vor.u32 v4, v14;
	v23 =	vor.u32 @p0 v7, v39  }
0x325: {  	v38 =	vld.idx.msk @p1 [tilespmem:v38+s0+$0x0], $0xffff;
	v26 =	vmul.f32 @p0 v30, v26;
	v50 =	vadd.s32 v6, v11;
	[tilespmem:v29+s26+$0x0] =	vst.idx.msk $0xffff, v18  }
0x326: {  	v30 =	vor.u32 @p0 v4, v13;
	v51 =	vor.u32 v7, v19;
	v33 =	vld.idx.msk [tilespmem:v47+s20+$0x0], $0xffff  }
0x327: {  	[tilespmem:v42+s26+$0x0] =	vst.idx.msk @p0 $0xffff, v26;
	v18 =	vadd.s32 @p0 v6, v21;
	v15 =	vmul.f32 v15, v24;
	v12 =	vld.idx.msk [tilespmem:v48+s0+$0x0], $0xffff  }
0x328: {  	v28 =	vld.idx.msk @p0 [tilespmem:v28+s20+$0x0], $0xffff;
	v29 =	vor.u32 @p0 v7, v41  }
0x329: {  	v52 =	vor.u32 v4, v20;
	v26 =	vmul.f32 @p0 v32, v27;
	[tilespmem:v49+s26+$0x0] =	vst.idx.msk $0xffff, v15;
	v23 =	vld.idx.msk @p0 [tilespmem:v23+s0+$0x0], $0xffff  }
0x32a: {  	[tilespmem:v35+s26+$0x0] =	vst.idx.msk @p1 $0xffff, v40;
	v53 =	vadd.s32 v6, v25;
	v27 =	vld.idx.msk [tilespmem:v50+s20+$0x0], $0xffff  }
0x32b: {  	v35 =	vor.u32 @p0 v6, v17;
	v54 =	vor.u32 v7, v16;
	[tilespmem:v30+s26+$0x0] =	vst.idx.msk @p0 $0xffff, v26;
	v26 =	vld.idx.msk [tilespmem:v51+s0+$0x0], $0xffff  }
0x32c: {  	v11 =	vadd.s32 v8, v11;
	v39 =	vor.u32 @p0 v9, v39;
	v18 =	vld.idx.msk @p0 [tilespmem:v18+s20+$0x0], $0xffff;
	v12 =	vmul.f32 v12, v33  }
0x32d: {  	v57 =	vor.u32 v9, v19;
	v56 =	vor.u32 v6, v14;
	v32 =	vpsel p0, v39, v0;
	v29 =	vld.idx.msk @p0 [tilespmem:v29+s0+$0x0], $0xffff  }
0x32e: {  	v34 =	vld.idx.msk @p1 [tilespmem:v34+s20+$0x0], $0xffff;
	v58 =	vor.u32 v6, v20;
	v22 =	vadd.s32 @p0 v8, v22;
	[tilespmem:v52+s26+$0x0] =	vst.idx.msk $0xffff, v12  }
0x32f: {  	v22 =	vpsel p0, v22, v0;
	v15 =	vor.u32 @p0 v6, v13;
	v12 =	vmul.f32 @p0 v23, v28;
	v24 =	vld.idx.msk [tilespmem:v53+s20+$0x0], $0xffff  }
0x330: {  	v21 =	vadd.s32 @p0 v8, v21;
	v15 =	vpsel p0, v15, v0;
	v59 =	vmul.f32 v26, v27;
	v55 =	vld.idx.msk [tilespmem:v54+s0+$0x0], $0xffff  }
0x331: {  	v30 =	vld.idx.msk @p1 [tilespmem:v31+s0+$0x0], $0xffff;
	v21 =	vpsel p0, v21, v0;
	v23 =	vor.u32 @p0 v9, v41;
	[tilespmem:v35+s26+$0x0] =	vst.idx.msk @p0 $0xffff, v12  }
0x332: {  	v23 =	vpsel p0, v23, v0;
	v18 =	vmul.f32 @p0 v29, v18;
	[tilespmem:v56+s26+$0x0] =	vst.idx.msk $0xffff, v59;
	v31 =	vld.idx.msk @p0 [tilespmem:v32+s0+$0x0], $0xffff  }
0x333: {  	v60 =	vadd.s32 v8, v25;
	v11 =	vld.idx.msk [tilespmem:v11+s20+$0x0], $0xffff  }
0x334: {  	v61 =	vor.u32 v9, v16;
	v19 =	vld.idx.msk [tilespmem:v57+s0+$0x0], $0xffff;
	v12 =	vpsel p0, v18, v0  }
0x335: {  	v18 =	vld.idx.msk @p0 [tilespmem:v22+s20+$0x0], $0xffff;
	[tilespmem:v15+s26+$0x0] =	vst.idx.msk @p0 $0xffff, v12;
	v62 =	vmul.f32 v55, v24  }
0x336: {  	v25 =	vmov @p1 v36;
	v10 =	vor.u32 @p1 v8, v10;
	v17 =	vpsel p0, v17, v0;
	v21 =	vld.idx.msk @p0 [tilespmem:v21+s20+$0x0], $0xffff  }
0x337: {  	v13 =	vpsel p0, v13, v0;
	v23 =	vld.idx.msk @p0 [tilespmem:v23+s0+$0x0], $0xffff;
	v24 =	vor.u32 @p1 v8, v25;
	[tilespmem:v58+s26+$0x0] =	vst.idx.msk $0xffff, v62  }
0x338: {  	v12 =	vmov @p0 v13;
	v13 =	vor.u32 @p0 v8, v17;
	v15 =	vld.idx.msk [tilespmem:v60+s20+$0x0], $0xffff  }
0x339: {  	v17 =	vmul.f32 @p1 v38, v37;
	v12 =	vor.u32 @p0 v8, v12;
	v16 =	vld.idx.msk [tilespmem:v61+s0+$0x0], $0xffff  }
0x33a: {  	v14 =	vor.u32 v8, v14;
	v22 =	vmul.f32 @p1 v30, v34  }
0x33b: {  	v63 =	vor.u32 v8, v20;
	[tilespmem:v10+s26+$0x0] =	vst.idx.msk @p1 $0xffff, v17;
	v10 =	vmul.f32 @p0 v31, v18  }
0x33c: {  	[tilespmem:v24+s26+$0x0] =	vst.idx.msk @p1 $0xffff, v22;
	v18 =	vmul.f32 @p0 v23, v21  }
0x33d: {  	[tilespmem:v13+s26+$0x0] =	vst.idx.msk @p0 $0xffff, v10;
	v10 =	vmul.f32 v19, v11  }
0x33e: {  	[tilespmem:v12+s26+$0x0] =	vst.idx.msk @p0 $0xffff, v18;
	v11 =	vmul.f32 v16, v15  }
0x33f: {  	[tilespmem:v14+s26+$0x0] =	vst.idx.msk $0xffff, v10  }
0x340: {  	s1 =	rddreg [dreg:$0x2];
	[tilespmem:v63+s26+$0x0] =	vst.idx.msk $0xffff, v11  }
0x341: {  	[spmem:s1] =	stream.indirect.scatter.add.f32 [tilespmem:s26], [sflag:$0xF], $0x40, s19, s29, $0xb8;
	[tilespmem:$0x1E800] =	vst v63  }
0x342: {  	s22 =	simm.s32 $0x3  }
0x343: {  	[spmem:s2] =	stream.indirect.scatter.add.f32 [tilespmem:s0], [sflag:$0x10], $0x8, s19, s29, $0xb8;
	[tilespmem:$0x1E800] =	vst v63  }
0x344: {  	p0 =	seq.s32 s9, $0x13;
	_ =	swait.ge [sflag:s22], $0x2000  }
.Ltmp22:
0x345: {  	[sflag:s22] =	ssyncset.done $0x0;
	(pc) =	sbr.rel @p0 .LBB2_44-.Ltmp22, $4  }
0x346: {  	s23 =	simm.s32 $0x4;
	[sflag:s22] =	ssyncadd.s32 $0xFFFFE000  }
0x347: {  	_ =	swait.ge [sflag:s23], $0x400  }
0x348: {  	[sflag:s23] =	ssyncset.done $0x0  }
0x349: {  	[sflag:s23] =	ssyncadd.s32 $0xFFFFFC00  }
0x34a: {  	s1 =	sshll.u32 s9, $0x6;
	s3 =	rddreg [dreg:$0x5]  }
0x34b: {  	s1 =	sadd.s32 s3, s1  }
0x34c: {  	s3 =	sadd.s32 $0x40, s1  }
0x34d: {  	s4 =	sadd.s32 s7, s3  }
0x34e: {  	[tilespmem:s5], [sflag:$0x11] =	stream.linear.gather [hbm4b:s4+s5], $0x80, $0x38;
	[tilespmem:$0x1E800] =	vst v63  }
0x34f: {  	_ =	swait.ge [sflag:s28], $0x80  }
0x350: {  	[sflag:s28] =	ssyncset.done $0x0  }
0x351: {  	s3 =	sadd.s32 s8, s3;
	[sflag:s28] =	ssyncadd.s32 $0xFFFFFF80  }
0x352: {  	[tilespmem:s29], [sflag:$0x11] =	stream.linear.gather [hbm4b:s3+s5], $0x80, $0x38;
	[tilespmem:$0x1E800] =	vst v63  }
0x353: {  	_ =	swait.ge [sflag:s28], $0x80  }
0x354: {  	[sflag:s28] =	ssyncset.done $0x0  }
0x355: {  	[sflag:s28] =	ssyncadd.s32 $0xFFFFFF80  }
0x356: {  	[tilespmem:s30], [sflag:$0x1] =	stream.indirect.gather [hbm4b:s6+s29], $0x48, s5, s29, $0xb8;
	[tilespmem:$0x1E800] =	vst v63  }
0x357: {  	s4 =	simm.s32 $0x7;
	s22 =	rddreg [dreg:$0x1]  }
0x358: {  	[tilespmem:s31], [sflag:$0x2] =	stream.indirect.gather [hbm4b:s22+s29], $0x8, s29, s29, $0xb8;
	[tilespmem:$0x1E800] =	vst v63  }
0x359: {  	_ =	swait.ge [sflag:s4], $0x2000  }
0x35a: {  	[sflag:s4] =	ssyncset.done $0x0  }
0x35b: {  	s23 =	simm.s32 $0x8;
	[sflag:s4] =	ssyncadd.s32 $0xFFFFE000  }
0x35c: {  	_ =	swait.ge [sflag:s23], $0x400  }
0x35d: {  	s3 =	sadd.s32 $0x50, s1;
	[sflag:s23] =	ssyncset.done $0x0  }
0x35e: {  	s4 =	sadd.s32 s7, s3;
	[sflag:s23] =	ssyncadd.s32 $0xFFFFFC00;
	s23 =	simm.s32 $0x4D00  }
0x35f: {  	[tilespmem:s23], [sflag:$0x11] =	stream.linear.gather [hbm4b:s4+s5], $0x80, $0x38;
	[tilespmem:$0x1E800] =	vst v63  }
0x360: {  	_ =	swait.ge [sflag:s28], $0x80  }
0x361: {  	[sflag:s28] =	ssyncset.done $0x0  }
0x362: {  	s3 =	sadd.s32 s8, s3;
	s4 =	simm.s32 $0x4D80;
	[sflag:s28] =	ssyncadd.s32 $0xFFFFFF80  }
0x363: {  	[tilespmem:s4], [sflag:$0x11] =	stream.linear.gather [hbm4b:s3+s5], $0x80, $0x38;
	[tilespmem:$0x1E800] =	vst v63  }
0x364: {  	_ =	swait.ge [sflag:s28], $0x80  }
0x365: {  	[sflag:s28] =	ssyncset.done $0x0  }
0x366: {  	[sflag:s28] =	ssyncadd.s32 $0xFFFFFF80  }
0x367: {  	[tilespmem:s10], [sflag:$0x5] =	stream.indirect.gather [hbm4b:s6+s29], $0x48, s23, s29, $0xb8;
	[tilespmem:$0x1E800] =	vst v63  }
0x368: {  	_ = 	snop  }
0x369: {  	[tilespmem:s11], [sflag:$0x6] =	stream.indirect.gather [hbm4b:s22+s29], $0x8, s4, s29, $0xb8;
	[tilespmem:$0x1E800] =	vst v63  }
0x36a: {  	s4 =	simm.s32 $0xB  }
0x36b: {  	_ =	swait.ge [sflag:s4], $0x2000  }
0x36c: {  	[sflag:s4] =	ssyncset.done $0x0  }
0x36d: {  	s23 =	simm.s32 $0xC;
	[sflag:s4] =	ssyncadd.s32 $0xFFFFE000  }
0x36e: {  	_ =	swait.ge [sflag:s23], $0x400  }
0x36f: {  	s3 =	sadd.s32 $0x60, s1;
	[sflag:s23] =	ssyncset.done $0x0  }
0x370: {  	s4 =	sadd.s32 s7, s3;
	[sflag:s23] =	ssyncadd.s32 $0xFFFFFC00;
	s23 =	simm.s32 $0x9A00  }
0x371: {  	[tilespmem:s23], [sflag:$0x11] =	stream.linear.gather [hbm4b:s4+s5], $0x80, $0x38;
	[tilespmem:$0x1E800] =	vst v63  }
0x372: {  	_ =	swait.ge [sflag:s28], $0x80  }
0x373: {  	[sflag:s28] =	ssyncset.done $0x0  }
0x374: {  	s3 =	sadd.s32 s8, s3;
	[sflag:s28] =	ssyncadd.s32 $0xFFFFFF80  }
0x375: {  	[tilespmem:s15], [sflag:$0x11] =	stream.linear.gather [hbm4b:s3+s5], $0x80, $0x38;
	[tilespmem:$0x1E800] =	vst v63  }
0x376: {  	_ =	swait.ge [sflag:s28], $0x80  }
0x377: {  	[sflag:s28] =	ssyncset.done $0x0  }
0x378: {  	[sflag:s28] =	ssyncadd.s32 $0xFFFFFF80  }
0x379: {  	[tilespmem:s16], [sflag:$0x9] =	stream.indirect.gather [hbm4b:s6+s29], $0x48, s23, s29, $0xb8;
	[tilespmem:$0x1E800] =	vst v63  }
0x37a: {  	s4 =	simm.s32 $0xF  }
0x37b: {  	[tilespmem:s17], [sflag:$0xA] =	stream.indirect.gather [hbm4b:s22+s29], $0x8, s15, s29, $0xb8;
	[tilespmem:$0x1E800] =	vst v63  }
0x37c: {  	_ =	swait.ge [sflag:s4], $0x2000  }
0x37d: {  	[sflag:s4] =	ssyncset.done $0x0  }
0x37e: {  	s23 =	simm.s32 $0x10;
	[sflag:s4] =	ssyncadd.s32 $0xFFFFE000  }
0x37f: {  	_ =	swait.ge [sflag:s23], $0x400  }
0x380: {  	s1 =	sadd.s32 $0x70, s1;
	[sflag:s23] =	ssyncset.done $0x0  }
0x381: {  	s4 =	sadd.s32 s7, s1;
	[sflag:s23] =	ssyncadd.s32 $0xFFFFFC00;
	s23 =	simm.s32 $0xE700  }
0x382: {  	[tilespmem:s23], [sflag:$0x11] =	stream.linear.gather [hbm4b:s4+s5], $0x80, $0x38;
	[tilespmem:$0x1E800] =	vst v63  }
0x383: {  	_ =	swait.ge [sflag:s28], $0x80  }
0x384: {  	[sflag:s28] =	ssyncset.done $0x0  }
0x385: {  	s1 =	sadd.s32 s8, s1;
	[sflag:s28] =	ssyncadd.s32 $0xFFFFFF80  }
0x386: {  	[tilespmem:s19], [sflag:$0x11] =	stream.linear.gather [hbm4b:s1+s5], $0x80, $0x38;
	[tilespmem:$0x1E800] =	vst v63  }
0x387: {  	_ =	swait.ge [sflag:s28], $0x80  }
.Ltmp23:
0x388: {  	[sflag:s28] =	ssyncset.done $0x0;
	(pc) =	sbr.rel .LBB2_2-.Ltmp23, $4  }
0x389: {  	[sflag:s28] =	ssyncadd.s32 $0xFFFFFF80  }
0x38a: {  	[tilespmem:s20], [sflag:$0xD] =	stream.indirect.gather [hbm4b:s6+s29], $0x48, s23, s29, $0xb8;
	[tilespmem:$0x1E800] =	vst v63  }
0x38b: {  	s9 =	sadd.s32 $0x1, s9  }
0x38c: {  	[tilespmem:s21], [sflag:$0xE] =	stream.indirect.gather [hbm4b:s22+s29], $0x8, s19, s29, $0xb8;
	[tilespmem:$0x1E800] =	vst v63  }
.LBB2_5:
.Ltmp24:
0x38d: {  	(pc) =	sbr.rel .LBB2_12-.Ltmp24, $2  }
0x38e: {  	_ =	sdelay $0x2  }
0x38f: {  	v11 =	vmov v22;
	v25 =	vmov v28  }
.LBB2_15:
.Ltmp25:
0x390: {  	(pc) =	sbr.rel .LBB2_22-.Ltmp25, $2  }
0x391: {  	_ =	sdelay $0x2  }
0x392: {  	v11 =	vmov v22;
	v25 =	vmov v28  }
.LBB2_25:
.Ltmp26:
0x393: {  	(pc) =	sbr.rel .LBB2_32-.Ltmp26, $2  }
0x394: {  	_ =	sdelay $0x2  }
0x395: {  	v11 =	vmov v22;
	v25 =	vmov v28  }
.LBB2_35:
.Ltmp27:
0x396: {  	(pc) =	sbr.rel .LBB2_42-.Ltmp27, $2  }
0x397: {  	_ =	sdelay $0x2  }
0x398: {  	v11 =	vmov v22;
	v25 =	vmov v28  }
.LBB2_7:
.Ltmp28:
0x399: {  	(pc) =	sbr.rel .LBB2_12-.Ltmp28, $3  }
0x39a: {  	_ =	sdelay $0x1  }
0x39b: {  	v17 =	vmov v10;
	v41 =	vmov v16;
	v39 =	vmov v19  }
0x39c: {  	v11 =	vmovc v21;
	v16 =	vmovc v23;
	v14 =	vmov v29;
	v19 =	vmov v18;
	v25 =	vmov v24  }
.LBB2_17:
.Ltmp29:
0x39d: {  	(pc) =	sbr.rel .LBB2_22-.Ltmp29, $3  }
0x39e: {  	_ =	sdelay $0x1  }
0x39f: {  	v17 =	vmov v10;
	v41 =	vmov v16;
	v39 =	vmov v19  }
0x3a0: {  	v11 =	vmovc v21;
	v16 =	vmovc v23;
	v14 =	vmov v29;
	v19 =	vmov v18;
	v25 =	vmov v24  }
.LBB2_27:
.Ltmp30:
0x3a1: {  	(pc) =	sbr.rel .LBB2_32-.Ltmp30, $3  }
0x3a2: {  	_ =	sdelay $0x1  }
0x3a3: {  	v17 =	vmov v10;
	v41 =	vmov v16;
	v39 =	vmov v19  }
0x3a4: {  	v11 =	vmovc v21;
	v16 =	vmovc v23;
	v14 =	vmov v29;
	v19 =	vmov v18;
	v25 =	vmov v24  }
.LBB2_37:
.Ltmp31:
0x3a5: {  	(pc) =	sbr.rel .LBB2_42-.Ltmp31, $3  }
0x3a6: {  	_ =	sdelay $0x1  }
0x3a7: {  	v17 =	vmov v10;
	v41 =	vmov v16;
	v39 =	vmov v19  }
0x3a8: {  	v11 =	vmovc v21;
	v16 =	vmovc v23;
	v14 =	vmov v29;
	v19 =	vmov v18;
	v25 =	vmov v24  }
.LBB2_9:
.Ltmp32:
0x3a9: {  	(pc) =	sbr.rel .LBB2_12-.Ltmp32, $3  }
0x3aa: {  	_ =	sdelay $0x1  }
0x3ab: {  	v36 =	vmov v13;
	v13 =	vmov v39;
	v28 =	vmov v24  }
0x3ac: {  	v41 =	vmovc v23;
	v16 =	vmovc v19;
	v22 =	vmov v21;
	v39 =	vmov v18;
	v19 =	vmov v29  }
.LBB2_19:
.Ltmp33:
0x3ad: {  	(pc) =	sbr.rel .LBB2_22-.Ltmp33, $3  }
0x3ae: {  	_ =	sdelay $0x1  }
0x3af: {  	v36 =	vmov v13;
	v13 =	vmov v39;
	v28 =	vmov v24  }
0x3b0: {  	v41 =	vmovc v23;
	v16 =	vmovc v19;
	v22 =	vmov v21;
	v39 =	vmov v18;
	v19 =	vmov v29  }
.LBB2_29:
.Ltmp34:
0x3b1: {  	(pc) =	sbr.rel .LBB2_32-.Ltmp34, $3  }
0x3b2: {  	_ =	sdelay $0x1  }
0x3b3: {  	v36 =	vmov v13;
	v13 =	vmov v39;
	v28 =	vmov v24  }
0x3b4: {  	v41 =	vmovc v23;
	v16 =	vmovc v19;
	v22 =	vmov v21;
	v39 =	vmov v18;
	v19 =	vmov v29  }
.LBB2_39:
.Ltmp35:
0x3b5: {  	(pc) =	sbr.rel .LBB2_42-.Ltmp35, $3  }
0x3b6: {  	_ =	sdelay $0x1  }
0x3b7: {  	v36 =	vmov v13;
	v13 =	vmov v39;
	v28 =	vmov v24  }
0x3b8: {  	v41 =	vmovc v23;
	v16 =	vmovc v19;
	v22 =	vmov v21;
	v39 =	vmov v18;
	v19 =	vmov v29  }
.LBB2_45:
0x3b9: {  	_ =	sfence.sel $0x180000  }
0x3ba: {  	[bflag:$0x0] =	sbarrier.arrive $0xFFFF  }
0x3bb: {  	_ =	strace $0x90000047  }
0x3bc: {  	s0 =	stileid.u32;
	[bflag:$0x2] =	sbarrier.arrive $0xFFFF  }
0x3bd: {  	p0 =	sne.s32 s0, $0x0;
	s0 =	rddreg [dreg:$0x4]  }
0x3be: {  	s0 =	sadd.s32 @!p0 $0x100000, s0  }
0x3bf: {  	[sflag:s0] =	ssyncadd.tile.s32 @!p0 $0x1;
	_ =	shalt  }
.Lfunc_end2:
_tile_overlayer_lowered:
.L_overlay_start_2:
0x3c0: {  	(tag) =	ssettag $0x2  }
0x3c1: {  	s0 =	rddreg [dreg:$0x0];
	s2 =	stileid.u32  }
0x3c2: {  	s1 =	rddreg [dreg:$0x1];
	p0 =	sne.s32 s2, $0x0  }
0x3c3: {  	s3 =	rddreg [dreg:$0x2];
	[bflag:$0x3] =	sbarrier.arrive $0xFFFF;
	s2 =	simm.s32 @!p0 $0x1C11  }
0x3c4: {  	[timem:s3], [sflag:s2] =	dma.local @!p0 [hbm:s0], s1  }
0x3c5: {  	s0 =	simm.s32 @!p0 $0x11  }
0x3c6: {  	_ =	swait.ge @!p0 [sflag:s0], s1  }
0x3c7: {  	s1 =	ssub.s32 @!p0 $0x0, s1;
	[sflag:s0] =	ssyncset.done @!p0 $0x0  }
0x3c8: {  	[sflag:s0] =	ssyncadd.s32 @!p0 s1  }
0x3c9: {  	[bflag:$0x3] =	sbarrier.arrive $0xFFFF  }
0x3ca: {  	_ =	shalt  }

</sc_bundles>
